<compile_context>
chip_gen: v7x
topology: tpu7x:2x2x1
jax: 0.10.2.dev20260603
libtpu: 0.0.44.dev20260713+nightly
codegen_flags: <defaults>
</compile_context>

<pallas_src>
import functools

import jax
import jax.numpy as jnp
from jax import lax
from jax.experimental import pallas as pl
from jax.experimental.pallas import tpu as pltpu
from jax.experimental.pallas import tpu_sc as plsc

C = 19
K = 1024
NPIX = 4 * 512 * 512
NTILES = 32
PIX_PER_TILE = NPIX // NTILES
PIX_PER_IMG = 512 * 512
TILES_PER_IMG = PIX_PER_IMG // PIX_PER_TILE
SUB = 1024
NSUB = PIX_PER_TILE // SUB
NV = SUB // 16
HIST = 2 * C * K
MAGIC = float(2 ** 23)
FBITS = 0x4B000000
CLAMP = float(K) - 0.51


def _sc_histogram(inp, lab):
    mesh = plsc.VectorSubcoreMesh(core_axis_name="c", subcore_axis_name="s")

    @functools.partial(
        pl.kernel,
        out_type=jax.ShapeDtypeStruct((NTILES, HIST), jnp.int32),
        mesh=mesh,
        compiler_params=pltpu.CompilerParams(needs_layout_passes=False),
        scratch_types=[
            pltpu.VMEM((2, C, SUB // 512, 512), jnp.float32),
            pltpu.VMEM((2, SUB // 512, 512), jnp.int32),
            pltpu.VMEM((HIST + 64,), jnp.int32),
            pltpu.SemaphoreType.DMA,
        ],
    )
    def k(inp_hbm, lab_hbm, out_hbm, vbuf, lbuf, hist, sem):
        wid = lax.axis_index("s") * 2 + lax.axis_index("c")
        img = wid // TILES_PER_IMG
        row0 = (wid % TILES_PER_IMG) * (PIX_PER_TILE // 512)

        zeros16 = jnp.zeros((16,), jnp.int32)

        def zinit(i, _):
            for j in range(4):
                hist[pl.ds(i * 64 + j * 16, 16)] = zeros16
            return 0

        lax.fori_loop(0, (HIST + 64) // 64, zinit, 0)

        ones16 = jnp.full((16,), 1, jnp.int32)
        mones16 = jnp.full((16,), -1, jnp.int32)
        iota16 = lax.iota(jnp.int32, 16)

        def copies(s, b):
            h0 = row0 + s * (SUB // 512)
            return (
                (inp_hbm.at[img, :, pl.ds(h0, SUB // 512), :], vbuf.at[b]),
                (lab_hbm.at[img, 0, pl.ds(h0, SUB // 512), :], lbuf.at[b]),
            )

        def start_sub(s, b):
            for src, dst in copies(s, b):
                pltpu.async_copy(src, dst, sem)

        def wait_sub(s, b):
            for src, dst in copies(s, b):
                pltpu.make_async_copy(src, dst, sem).wait()

        bufsel = [jnp.full((16,), 0, jnp.int32), jnp.full((16,), 1, jnp.int32)]

        def one_vec(b, hh, w0):
            labv = lbuf[b, hh, pl.ds(w0, 16)]
            es = [jnp.exp(vbuf[b, c, hh, pl.ds(w0, 16)]) for c in range(C)]
            acc = es
            while len(acc) > 1:
                nxt = [acc[i] + acc[i + 1] for i in range(0, len(acc) - 1, 2)]
                if len(acc) % 2:
                    nxt.append(acc[-1])
                acc = nxt
            rk = jnp.float32(K) / acc[0]
            for c in range(C):
                u = es[c] * rk + jnp.float32(MAGIC + c * K)
                idx = plsc.bitcast(u, jnp.int32) - (FBITS - C * K)
                plsc.addupdate_scatter(hist, [idx], ones16)
            hhv = zeros16 + hh
            wv = iota16 + w0
            xl = plsc.load_gather(vbuf, [bufsel[b], labv, hhv, wv])
            tl = jnp.minimum(jnp.exp(xl) * rk, jnp.float32(CLAMP))
            b0l = plsc.bitcast(tl + jnp.float32(MAGIC), jnp.int32) - FBITS
            lkv = labv * K
            s0 = lkv - b0l
            idx_fg = s0 + (K - 1)
            plsc.addupdate_scatter(hist, [lkv + b0l + (C * K)], mones16)
            plsc.addupdate_scatter(hist, [idx_fg + (C * K)], ones16)
            plsc.addupdate_scatter(hist, [idx_fg], ones16)

        def compute(s, b):
            @plsc.parallel_loop(0, NV, unroll=2)
            def do_vec(v):
                one_vec(b, v // 32, (v % 32) * 16)

        start_sub(0, 0)

        def outer(i, _):
            s = 2 * i
            start_sub(s + 1, 1)
            wait_sub(s, 0)
            compute(s, 0)

            @pl.when(s + 2 < NSUB)
            def _():
                start_sub(s + 2, 0)

            wait_sub(s + 1, 1)
            compute(s + 1, 1)
            return 0

        lax.fori_loop(0, NSUB // 2, outer, 0)

        pltpu.sync_copy(hist.at[pl.ds(0, HIST)], out_hbm.at[wid])

    return k(inp, lab)


def _tc_reduce(hists):
    def body(h_ref, o_ref):
        h = h_ref[...].astype(jnp.float32)
        hsum = jnp.sum(h, axis=0)
        fgc = hsum[:C]
        cnt = hsum[C:]
        i = lax.broadcasted_iota(jnp.int32, (K, K), 0)
        j = lax.broadcasted_iota(jnp.int32, (K, K), 1)
        tri = (i > j).astype(jnp.float32)
        nab = jnp.dot(cnt, tri, preferred_element_type=jnp.float32)
        fab = jnp.dot(fgc, tri, preferred_element_type=jnp.float32)
        p_tot = jnp.sum(fgc, axis=1, keepdims=True)
        nmid = nab + 0.5 * cnt
        fmid = fab + 0.5 * fgc
        den = p_tot + nmid - fmid
        contrib = jnp.where(nmid > 0, nmid / jnp.maximum(den, 1e-30), 0.0)
        loss = jnp.sum(contrib, axis=1) * (1.0 / K)
        pres = (p_tot[:, 0] > 0).astype(jnp.float32)
        o_ref[...] = (jnp.sum(loss * pres)
                      / jnp.maximum(jnp.sum(pres), 1.0)).reshape(1, 1)

    return pl.pallas_call(
        body,
        out_shape=jax.ShapeDtypeStruct((1, 1), jnp.float32),
    )(hists)


def kernel(input, target):
    hists = _sc_histogram(input, target)
    hists = hists.reshape(NTILES, 2 * C, K)
    return _tc_reduce(hists).reshape(())

# --- scband reference (transcript-rebuilt; emitter-appended) ---
"""Pipeline reference for scband-lovasz-soft-max-27204322853620 (READ-ONLY COPY).

The authoritative reference and input builder live on the scoring server;
editing this copy changes nothing except your own understanding.
"""

import jax, jax.numpy as jnp
import numpy as np

IGNORE_LABEL = 255

def lovasz_grad(gt_sorted):
    gts = jnp.sum(gt_sorted)
    intersection = gts - jnp.cumsum(gt_sorted)
    union = gts + jnp.cumsum(1.0 - gt_sorted)
    jaccard = 1.0 - intersection / union
    jaccard = jnp.concatenate([jaccard[:1], jaccard[1:] - jaccard[:-1]])
    return jaccard

def lovasz_softmax_flat(probas, labels, valid):
    C = probas.shape[1]
    validf = valid.astype(jnp.float32)
    losses = []
    presents = []
    for c in range(C):
        fg = ((labels == c) & valid).astype(jnp.float32)
        class_pred = probas[:, c]
        errors = jnp.abs(fg - class_pred) * validf
        perm = jnp.argsort(-errors)
        errors_sorted = errors[perm]
        fg_sorted = fg[perm]
        loss_c = jnp.dot(errors_sorted, lovasz_grad(fg_sorted))
        losses.append(loss_c)
        presents.append(jnp.sum(fg) > 0)
    losses = jnp.stack(losses)
    presents = jnp.stack(presents).astype(jnp.float32)
    return jnp.sum(losses * presents) / jnp.maximum(jnp.sum(presents), 1.0)

def setup_inputs(seed: int = 0) -> dict:
    key = jax.random.key(seed)
    k1, k2 = jax.random.split(key)
    inp = jax.random.normal(k1, (4, 19, 512, 512), dtype=jnp.float32)
    target = jax.random.randint(k2, (4, 1, 512, 512), 0, 19, dtype=jnp.int32)
    return {"input": inp, "target": target}

def reference(input, target):
    probas = jax.nn.softmax(input, axis=1)
    labels = jnp.squeeze(target, axis=1)
    B, C, H, W = probas.shape
    probas_flat = jnp.transpose(probas, (0, 2, 3, 1)).reshape(-1, C)
    labels_flat = labels.reshape(-1)
    valid = labels_flat != IGNORE_LABEL
    return lovasz_softmax_flat(probas_flat, labels_flat, valid)

if __name__ == "__main__":
    import jax
    _d = setup_inputs()
    print(jax.jit(kernel)(*tuple(_d.values())))

</pallas_src>

<mosaic_0001>
#map = affine_map<(d0, d1) -> (0, 0, 0, 0)>
#map1 = affine_map<(d0, d1) -> (0, 0)>
module attributes {stable_mosaic.version = 14 : i64} {
  func.func @k(%arg0: i32, %arg1: i32, %arg2: memref<4x19x512x512xf32, #tpu.memory_space<hbm>>, %arg3: memref<4x1x512x512xi32, #tpu.memory_space<hbm>>, %arg4: memref<32x38912xi32, #tpu.memory_space<hbm>>, %arg5: memref<2x19x2x512xf32, #tpu.memory_space<vmem>>, %arg6: memref<2x2x512xi32, #tpu.memory_space<vmem>>, %arg7: memref<38976xi32, #tpu.memory_space<vmem>>, %arg8: memref<!tpu.dma_semaphore, #tpu.memory_space<semaphore_mem>>) attributes {dimension_semantics = [#tpu.dimension_semantics<core_parallel>, #tpu.dimension_semantics<subcore_parallel>], iteration_bounds = array<i64: 2, 16>, scalar_prefetch = 0 : i64, scratch_operands = 4 : i64, tpu.core_type = #tpu.core_type<sc_vector_subcore>, window_params = [{transform_indices = #map}, {transform_indices = #map}, {transform_indices = #map1}]} {
    %mul3A = arith.constant 2 : i32
    %mul3A_0 = arith.muli %arg1, %mul3A : i32
    %add3A = arith.addi %mul3A_0, %arg0 : i32
    %jit3A = arith.constant 8 : i32
    %div3A = arith.divsi %add3A, %jit3A : i32
    %sign3A = arith.constant 0 : i32
    %sign3A_1 = arith.cmpi sgt, %add3A, %sign3A : i32
    %sign3A_2 = arith.extui %sign3A_1 : i1 to i32
    %sign3A_3 = arith.constant 0 : i32
    %sign3A_4 = arith.cmpi slt, %add3A, %sign3A_3 : i32
    %sign3A_5 = arith.extui %sign3A_4 : i1 to i32
    %sign3A_6 = arith.subi %sign3A_2, %sign3A_5 : i32
    %sign3A_7 = arith.constant 0 : i32
    %sign3A_8 = arith.cmpi sgt, %jit3A, %sign3A_7 : i32
    %sign3A_9 = arith.extui %sign3A_8 : i1 to i32
    %sign3A_10 = arith.constant 0 : i32
    %sign3A_11 = arith.cmpi slt, %jit3A, %sign3A_10 : i32
    %sign3A_12 = arith.extui %sign3A_11 : i1 to i32
    %sign3A_13 = arith.subi %sign3A_9, %sign3A_12 : i32
    %ne3A = arith.cmpi ne, %sign3A_6, %sign3A_13 : i32
    %rem3A = arith.remsi %add3A, %jit3A : i32
    %ne3A_14 = arith.constant 0 : i32
    %ne3A_15 = arith.cmpi ne, %rem3A, %ne3A_14 : i32
    %and3A = arith.andi %ne3A, %ne3A_15 : i1
    %sub3A = arith.constant 1 : i32
    %sub3A_16 = arith.subi %div3A, %sub3A : i32
    %select_n3A = arith.select %and3A, %sub3A_16, %div3A : i32
    %jit3A_17 = arith.constant 8 : i32
    %eq3A = arith.constant 0 : i32
    %eq3A_18 = arith.cmpi eq, %jit3A_17, %eq3A : i32
    %jit3A_19 = arith.constant 1 : i32
    %select_n3A_20 = arith.select %eq3A_18, %jit3A_19, %jit3A_17 : i32
    %rem3A_21 = arith.remsi %add3A, %select_n3A_20 : i32
    %ne3A_22 = arith.constant 0 : i32
    %ne3A_23 = arith.cmpi ne, %rem3A_21, %ne3A_22 : i32
    %lt3A = arith.constant 0 : i32
    %lt3A_24 = arith.cmpi slt, %rem3A_21, %lt3A : i32
    %lt3A_25 = arith.constant 0 : i32
    %lt3A_26 = arith.cmpi slt, %select_n3A_20, %lt3A_25 : i32
    %ne3A_27 = arith.xori %lt3A_24, %lt3A_26 : i1
    %and3A_28 = arith.andi %ne3A_27, %ne3A_23 : i1
    %add3A_29 = arith.addi %rem3A_21, %select_n3A_20 : i32
    %select_n3A_30 = arith.select %and3A_28, %add3A_29, %rem3A_21 : i32
    %mul3A_31 = arith.constant 64 : i32
    %mul3A_32 = arith.muli %select_n3A_30, %mul3A_31 : i32
    %broadcast_in_dim3A = arith.constant 0 : i32
    %broadcast_in_dim3A_33 = vector.broadcast %broadcast_in_dim3A : i32 to vector<16xi32>
    %scan3A = arith.constant 0 : i32
    %scan3A_34 = arith.constant 0 : i32
    %scan3A_35 = arith.constant 609 : i32
    %scan3A_36 = arith.addi %scan3A_34, %scan3A_35 : i32
    %scan3A_37 = arith.constant 1 : i32
    %scan3A_38 = scf.for %scan3A_91 = %scan3A_34 to %scan3A_36 step %scan3A_37 iter_args(%scan3A_92 = %scan3A) -> (i32)  : i32 {
      %mul3A_93 = arith.constant 64 : i32
      %mul3A_94 = arith.muli %scan3A_91, %mul3A_93 : i32
      %add3A_95 = arith.constant 0 : i32
      %add3A_96 = arith.addi %mul3A_94, %add3A_95 : i32
      %swap3A = arith.index_cast %add3A_96 : i32 to index
      %swap3A_97 = tpu.vector_load %arg7[%swap3A] {strides = array<i32>} : memref<38976xi32, #tpu.memory_space<vmem>>, vector<16xi32>,
      tpu.vector_store %arg7[%swap3A], %broadcast_in_dim3A_33 {strides = array<i32>} : memref<38976xi32, #tpu.memory_space<vmem>>, vector<16xi32>,
      %mul3A_98 = arith.constant 64 : i32
      %mul3A_99 = arith.muli %scan3A_91, %mul3A_98 : i32
      %add3A_100 = arith.constant 16 : i32
      %add3A_101 = arith.addi %mul3A_99, %add3A_100 : i32
      %swap3A_102 = arith.index_cast %add3A_101 : i32 to index
      %swap3A_103 = tpu.vector_load %arg7[%swap3A_102] {strides = array<i32>} : memref<38976xi32, #tpu.memory_space<vmem>>, vector<16xi32>,
      tpu.vector_store %arg7[%swap3A_102], %broadcast_in_dim3A_33 {strides = array<i32>} : memref<38976xi32, #tpu.memory_space<vmem>>, vector<16xi32>,
      %mul3A_104 = arith.constant 64 : i32
      %mul3A_105 = arith.muli %scan3A_91, %mul3A_104 : i32
      %add3A_106 = arith.constant 32 : i32
      %add3A_107 = arith.addi %mul3A_105, %add3A_106 : i32
      %swap3A_108 = arith.index_cast %add3A_107 : i32 to index
      %swap3A_109 = tpu.vector_load %arg7[%swap3A_108] {strides = array<i32>} : memref<38976xi32, #tpu.memory_space<vmem>>, vector<16xi32>,
      tpu.vector_store %arg7[%swap3A_108], %broadcast_in_dim3A_33 {strides = array<i32>} : memref<38976xi32, #tpu.memory_space<vmem>>, vector<16xi32>,
      %mul3A_110 = arith.constant 64 : i32
      %mul3A_111 = arith.muli %scan3A_91, %mul3A_110 : i32
      %add3A_112 = arith.constant 48 : i32
      %add3A_113 = arith.addi %mul3A_111, %add3A_112 : i32
      %swap3A_114 = arith.index_cast %add3A_113 : i32 to index
      %swap3A_115 = tpu.vector_load %arg7[%swap3A_114] {strides = array<i32>} : memref<38976xi32, #tpu.memory_space<vmem>>, vector<16xi32>,
      tpu.vector_store %arg7[%swap3A_114], %broadcast_in_dim3A_33 {strides = array<i32>} : memref<38976xi32, #tpu.memory_space<vmem>>, vector<16xi32>,
      %scan3A_116 = arith.constant 0 : i32
      scf.yield %scan3A_116 : i32
    }
    %scan3A_39 = arith.constant 609 : i32
    %broadcast_in_dim3A_40 = arith.constant 1 : i32
    %broadcast_in_dim3A_41 = vector.broadcast %broadcast_in_dim3A_40 : i32 to vector<16xi32>
    %broadcast_in_dim3A_42 = arith.constant -1 : i32
    %broadcast_in_dim3A_43 = vector.broadcast %broadcast_in_dim3A_42 : i32 to vector<16xi32>
    %iota3A = tpu.iota {dimensions = array<i32: 0>} : vector<16xi32>
    %broadcast_in_dim3A_44 = arith.constant 0 : i32
    %broadcast_in_dim3A_45 = vector.broadcast %broadcast_in_dim3A_44 : i32 to vector<16xi32>
    %broadcast_in_dim3A_46 = arith.constant 1 : i32
    %broadcast_in_dim3A_47 = vector.broadcast %broadcast_in_dim3A_46 : i32 to vector<16xi32>
    %add3A_48 = arith.constant 0 : i32
    %add3A_49 = arith.addi %mul3A_32, %add3A_48 : i32
    %dma_start3A = arith.constant 0 : i32
    %dma_start3A_50 = arith.constant 0 : i32
    %dma_start3A_51 = arith.constant 0 : i32
    %dma_start3A_52 = arith.constant 0 : i32
    %dma_start3A_53 = tpu.memref_slice %arg5[%dma_start3A, %dma_start3A_50, %dma_start3A_51, %dma_start3A_52] : memref<2x19x2x512xf32, #tpu.memory_space<vmem>> -> memref<1x19x2x512xf32, #tpu.memory_space<vmem>>
    %dma_start3A_54 = tpu.memref_squeeze %dma_start3A_53 : memref<1x19x2x512xf32, #tpu.memory_space<vmem>> -> memref<19x2x512xf32, #tpu.memory_space<vmem>>
    %dma_start3A_55 = arith.constant 0 : i32
    %dma_start3A_56 = arith.constant 0 : i32
    %dma_start3A_57 = tpu.memref_slice %arg2[%select_n3A, %dma_start3A_55, %add3A_49, %dma_start3A_56] : memref<4x19x512x512xf32, #tpu.memory_space<hbm>> -> memref<1x19x2x512xf32, #tpu.memory_space<hbm>>
    %dma_start3A_58 = tpu.memref_squeeze %dma_start3A_57 : memref<1x19x2x512xf32, #tpu.memory_space<hbm>> -> memref<19x2x512xf32, #tpu.memory_space<hbm>>
    %dma_start3A_59 = arith.constant 0 : i32
    %dma_start3A_60 = arith.constant 0 : i32
    %dma_start3A_61 = arith.constant 0 : i32
    %dma_start3A_62 = tpu.memref_slice %arg5[%dma_start3A, %dma_start3A_59, %dma_start3A_60, %dma_start3A_61] : memref<2x19x2x512xf32, #tpu.memory_space<vmem>> -> memref<1x19x2x512xf32, #tpu.memory_space<vmem>>
    %dma_start3A_63 = tpu.memref_squeeze %dma_start3A_62 : memref<1x19x2x512xf32, #tpu.memory_space<vmem>> -> memref<19x2x512xf32, #tpu.memory_space<vmem>>
    %dma_start3A_64 = arith.constant 0 : i32
    %dma_start3A_65 = arith.constant 0 : i32
    %dma_start3A_66 = tpu.memref_slice %arg2[%select_n3A, %dma_start3A_64, %add3A_49, %dma_start3A_65] : memref<4x19x512x512xf32, #tpu.memory_space<hbm>> -> memref<1x19x2x512xf32, #tpu.memory_space<hbm>>
    %dma_start3A_67 = tpu.memref_squeeze %dma_start3A_66 : memref<1x19x2x512xf32, #tpu.memory_space<hbm>> -> memref<19x2x512xf32, #tpu.memory_space<hbm>>
    tpu.enqueue_dma source(%dma_start3A_67 : memref<19x2x512xf32, #tpu.memory_space<hbm>>) target(%dma_start3A_63 : memref<19x2x512xf32, #tpu.memory_space<vmem>>) target_semaphore(%arg8 : memref<!tpu.dma_semaphore, #tpu.memory_space<semaphore_mem>>)
    %dma_start3A_68 = arith.constant 0 : i32
    %dma_start3A_69 = arith.constant 0 : i32
    %dma_start3A_70 = arith.constant 0 : i32
    %dma_start3A_71 = arith.constant 0 : i32
    %dma_start3A_72 = tpu.memref_slice %arg6[%dma_start3A_69, %dma_start3A_70, %dma_start3A_71] : memref<2x2x512xi32, #tpu.memory_space<vmem>> -> memref<1x2x512xi32, #tpu.memory_space<vmem>>
    %dma_start3A_73 = tpu.memref_squeeze %dma_start3A_72 : memref<1x2x512xi32, #tpu.memory_space<vmem>> -> memref<2x512xi32, #tpu.memory_space<vmem>>
    %dma_start3A_74 = arith.constant 0 : i32
    %dma_start3A_75 = tpu.memref_slice %arg3[%select_n3A, %dma_start3A_68, %add3A_49, %dma_start3A_74] : memref<4x1x512x512xi32, #tpu.memory_space<hbm>> -> memref<1x1x2x512xi32, #tpu.memory_space<hbm>>
    %dma_start3A_76 = tpu.memref_squeeze %dma_start3A_75 : memref<1x1x2x512xi32, #tpu.memory_space<hbm>> -> memref<2x512xi32, #tpu.memory_space<hbm>>
    %dma_start3A_77 = arith.constant 0 : i32
    %dma_start3A_78 = arith.constant 0 : i32
    %dma_start3A_79 = tpu.memref_slice %arg6[%dma_start3A_69, %dma_start3A_77, %dma_start3A_78] : memref<2x2x512xi32, #tpu.memory_space<vmem>> -> memref<1x2x512xi32, #tpu.memory_space<vmem>>
    %dma_start3A_80 = tpu.memref_squeeze %dma_start3A_79 : memref<1x2x512xi32, #tpu.memory_space<vmem>> -> memref<2x512xi32, #tpu.memory_space<vmem>>
    %dma_start3A_81 = arith.constant 0 : i32
    %dma_start3A_82 = tpu.memref_slice %arg3[%select_n3A, %dma_start3A_68, %add3A_49, %dma_start3A_81] : memref<4x1x512x512xi32, #tpu.memory_space<hbm>> -> memref<1x1x2x512xi32, #tpu.memory_space<hbm>>
    %dma_start3A_83 = tpu.memref_squeeze %dma_start3A_82 : memref<1x1x2x512xi32, #tpu.memory_space<hbm>> -> memref<2x512xi32, #tpu.memory_space<hbm>>
    tpu.enqueue_dma source(%dma_start3A_83 : memref<2x512xi32, #tpu.memory_space<hbm>>) target(%dma_start3A_80 : memref<2x512xi32, #tpu.memory_space<vmem>>) target_semaphore(%arg8 : memref<!tpu.dma_semaphore, #tpu.memory_space<semaphore_mem>>)
    %scan3A_84 = arith.constant 0 : i32
    %scan3A_85 = arith.constant 0 : i32
    %scan3A_86 = arith.constant 16 : i32
    %scan3A_87 = arith.addi %scan3A_85, %scan3A_86 : i32
    %scan3A_88 = arith.constant 1 : i32
    %scan3A_89 = scf.for %scan3A_91 = %scan3A_85 to %scan3A_87 step %scan3A_88 iter_args(%scan3A_92 = %scan3A_84) -> (i32)  : i32 {
      %mul3A_93 = arith.constant 2 : i32
      %mul3A_94 = arith.muli %mul3A_93, %scan3A_91 : i32
      %add3A_95 = arith.constant 1 : i32
      %add3A_96 = arith.addi %mul3A_94, %add3A_95 : i32
      %mul3A_97 = arith.constant 2 : i32
      %mul3A_98 = arith.muli %add3A_96, %mul3A_97 : i32
      %add3A_99 = arith.addi %mul3A_32, %mul3A_98 : i32
      %dma_start3A_100 = arith.constant 1 : i32
      %dma_start3A_101 = arith.constant 0 : i32
      %dma_start3A_102 = arith.constant 0 : i32
      %dma_start3A_103 = arith.constant 0 : i32
      %dma_start3A_104 = tpu.memref_slice %arg5[%dma_start3A_100, %dma_start3A_101, %dma_start3A_102, %dma_start3A_103] : memref<2x19x2x512xf32, #tpu.memory_space<vmem>> -> memref<1x19x2x512xf32, #tpu.memory_space<vmem>>
      %dma_start3A_105 = tpu.memref_squeeze %dma_start3A_104 : memref<1x19x2x512xf32, #tpu.memory_space<vmem>> -> memref<19x2x512xf32, #tpu.memory_space<vmem>>
      %dma_start3A_106 = arith.constant 0 : i32
      %dma_start3A_107 = arith.constant 0 : i32
      %dma_start3A_108 = tpu.memref_slice %arg2[%select_n3A, %dma_start3A_106, %add3A_99, %dma_start3A_107] : memref<4x19x512x512xf32, #tpu.memory_space<hbm>> -> memref<1x19x2x512xf32, #tpu.memory_space<hbm>>
      %dma_start3A_109 = tpu.memref_squeeze %dma_start3A_108 : memref<1x19x2x512xf32, #tpu.memory_space<hbm>> -> memref<19x2x512xf32, #tpu.memory_space<hbm>>
      %dma_start3A_110 = arith.constant 0 : i32
      %dma_start3A_111 = arith.constant 0 : i32
      %dma_start3A_112 = arith.constant 0 : i32
      %dma_start3A_113 = tpu.memref_slice %arg5[%dma_start3A_100, %dma_start3A_110, %dma_start3A_111, %dma_start3A_112] : memref<2x19x2x512xf32, #tpu.memory_space<vmem>> -> memref<1x19x2x512xf32, #tpu.memory_space<vmem>>
      %dma_start3A_114 = tpu.memref_squeeze %dma_start3A_113 : memref<1x19x2x512xf32, #tpu.memory_space<vmem>> -> memref<19x2x512xf32, #tpu.memory_space<vmem>>
      %dma_start3A_115 = arith.constant 0 : i32
      %dma_start3A_116 = arith.constant 0 : i32
      %dma_start3A_117 = tpu.memref_slice %arg2[%select_n3A, %dma_start3A_115, %add3A_99, %dma_start3A_116] : memref<4x19x512x512xf32, #tpu.memory_space<hbm>> -> memref<1x19x2x512xf32, #tpu.memory_space<hbm>>
      %dma_start3A_118 = tpu.memref_squeeze %dma_start3A_117 : memref<1x19x2x512xf32, #tpu.memory_space<hbm>> -> memref<19x2x512xf32, #tpu.memory_space<hbm>>
      tpu.enqueue_dma source(%dma_start3A_118 : memref<19x2x512xf32, #tpu.memory_space<hbm>>) target(%dma_start3A_114 : memref<19x2x512xf32, #tpu.memory_space<vmem>>) target_semaphore(%arg8 : memref<!tpu.dma_semaphore, #tpu.memory_space<semaphore_mem>>)
      %dma_start3A_119 = arith.constant 0 : i32
      %dma_start3A_120 = arith.constant 1 : i32
      %dma_start3A_121 = arith.constant 0 : i32
      %dma_start3A_122 = arith.constant 0 : i32
      %dma_start3A_123 = tpu.memref_slice %arg6[%dma_start3A_120, %dma_start3A_121, %dma_start3A_122] : memref<2x2x512xi32, #tpu.memory_space<vmem>> -> memref<1x2x512xi32, #tpu.memory_space<vmem>>
      %dma_start3A_124 = tpu.memref_squeeze %dma_start3A_123 : memref<1x2x512xi32, #tpu.memory_space<vmem>> -> memref<2x512xi32, #tpu.memory_space<vmem>>
      %dma_start3A_125 = arith.constant 0 : i32
      %dma_start3A_126 = tpu.memref_slice %arg3[%select_n3A, %dma_start3A_119, %add3A_99, %dma_start3A_125] : memref<4x1x512x512xi32, #tpu.memory_space<hbm>> -> memref<1x1x2x512xi32, #tpu.memory_space<hbm>>
      %dma_start3A_127 = tpu.memref_squeeze %dma_start3A_126 : memref<1x1x2x512xi32, #tpu.memory_space<hbm>> -> memref<2x512xi32, #tpu.memory_space<hbm>>
      %dma_start3A_128 = arith.constant 0 : i32
      %dma_start3A_129 = arith.constant 0 : i32
      %dma_start3A_130 = tpu.memref_slice %arg6[%dma_start3A_120, %dma_start3A_128, %dma_start3A_129] : memref<2x2x512xi32, #tpu.memory_space<vmem>> -> memref<1x2x512xi32, #tpu.memory_space<vmem>>
      %dma_start3A_131 = tpu.memref_squeeze %dma_start3A_130 : memref<1x2x512xi32, #tpu.memory_space<vmem>> -> memref<2x512xi32, #tpu.memory_space<vmem>>
      %dma_start3A_132 = arith.constant 0 : i32
      %dma_start3A_133 = tpu.memref_slice %arg3[%select_n3A, %dma_start3A_119, %add3A_99, %dma_start3A_132] : memref<4x1x512x512xi32, #tpu.memory_space<hbm>> -> memref<1x1x2x512xi32, #tpu.memory_space<hbm>>
      %dma_start3A_134 = tpu.memref_squeeze %dma_start3A_133 : memref<1x1x2x512xi32, #tpu.memory_space<hbm>> -> memref<2x512xi32, #tpu.memory_space<hbm>>
      tpu.enqueue_dma source(%dma_start3A_134 : memref<2x512xi32, #tpu.memory_space<hbm>>) target(%dma_start3A_131 : memref<2x512xi32, #tpu.memory_space<vmem>>) target_semaphore(%arg8 : memref<!tpu.dma_semaphore, #tpu.memory_space<semaphore_mem>>)
      %mul3A_135 = arith.constant 2 : i32
      %mul3A_136 = arith.muli %mul3A_94, %mul3A_135 : i32
      %add3A_137 = arith.addi %mul3A_32, %mul3A_136 : i32
      %dma_wait3A = arith.constant 0 : i32
      %dma_wait3A_138 = arith.constant 0 : i32
      %dma_wait3A_139 = arith.constant 0 : i32
      %dma_wait3A_140 = arith.constant 0 : i32
      %dma_wait3A_141 = tpu.memref_slice %arg5[%dma_wait3A, %dma_wait3A_138, %dma_wait3A_139, %dma_wait3A_140] : memref<2x19x2x512xf32, #tpu.memory_space<vmem>> -> memref<1x19x2x512xf32, #tpu.memory_space<vmem>>
      %dma_wait3A_142 = tpu.memref_squeeze %dma_wait3A_141 : memref<1x19x2x512xf32, #tpu.memory_space<vmem>> -> memref<19x2x512xf32, #tpu.memory_space<vmem>>
      %dma_wait3A_143 = arith.constant 0 : i32
      %dma_wait3A_144 = arith.constant 0 : i32
      %dma_wait3A_145 = tpu.memref_slice %arg2[%select_n3A, %dma_wait3A_143, %add3A_137, %dma_wait3A_144] : memref<4x19x512x512xf32, #tpu.memory_space<hbm>> -> memref<1x19x2x512xf32, #tpu.memory_space<hbm>>
      %dma_wait3A_146 = tpu.memref_squeeze %dma_wait3A_145 : memref<1x19x2x512xf32, #tpu.memory_space<hbm>> -> memref<19x2x512xf32, #tpu.memory_space<hbm>>
      %dma_wait3A_147 = arith.constant 0 : i32
      %dma_wait3A_148 = arith.constant 0 : i32
      %dma_wait3A_149 = arith.constant 0 : i32
      %dma_wait3A_150 = tpu.memref_slice %arg5[%dma_wait3A, %dma_wait3A_147, %dma_wait3A_148, %dma_wait3A_149] : memref<2x19x2x512xf32, #tpu.memory_space<vmem>> -> memref<1x19x2x512xf32, #tpu.memory_space<vmem>>
      %dma_wait3A_151 = tpu.memref_squeeze %dma_wait3A_150 : memref<1x19x2x512xf32, #tpu.memory_space<vmem>> -> memref<19x2x512xf32, #tpu.memory_space<vmem>>
      %dma_wait3A_152 = arith.constant 0 : i32
      %dma_wait3A_153 = arith.constant 0 : i32
      %dma_wait3A_154 = tpu.memref_slice %arg2[%select_n3A, %dma_wait3A_152, %add3A_137, %dma_wait3A_153] : memref<4x19x512x512xf32, #tpu.memory_space<hbm>> -> memref<1x19x2x512xf32, #tpu.memory_space<hbm>>
      %dma_wait3A_155 = tpu.memref_squeeze %dma_wait3A_154 : memref<1x19x2x512xf32, #tpu.memory_space<hbm>> -> memref<19x2x512xf32, #tpu.memory_space<hbm>>
      tpu.wait_dma2 semaphore(%arg8 : memref<!tpu.dma_semaphore, #tpu.memory_space<semaphore_mem>>) src(%dma_wait3A_155 : memref<19x2x512xf32, #tpu.memory_space<hbm>>) dst(%dma_wait3A_151 : memref<19x2x512xf32, #tpu.memory_space<vmem>>)
      %dma_wait3A_156 = arith.constant 0 : i32
      %dma_wait3A_157 = arith.constant 0 : i32
      %dma_wait3A_158 = arith.constant 0 : i32
      %dma_wait3A_159 = arith.constant 0 : i32
      %dma_wait3A_160 = tpu.memref_slice %arg6[%dma_wait3A_157, %dma_wait3A_158, %dma_wait3A_159] : memref<2x2x512xi32, #tpu.memory_space<vmem>> -> memref<1x2x512xi32, #tpu.memory_space<vmem>>
      %dma_wait3A_161 = tpu.memref_squeeze %dma_wait3A_160 : memref<1x2x512xi32, #tpu.memory_space<vmem>> -> memref<2x512xi32, #tpu.memory_space<vmem>>
      %dma_wait3A_162 = arith.constant 0 : i32
      %dma_wait3A_163 = tpu.memref_slice %arg3[%select_n3A, %dma_wait3A_156, %add3A_137, %dma_wait3A_162] : memref<4x1x512x512xi32, #tpu.memory_space<hbm>> -> memref<1x1x2x512xi32, #tpu.memory_space<hbm>>
      %dma_wait3A_164 = tpu.memref_squeeze %dma_wait3A_163 : memref<1x1x2x512xi32, #tpu.memory_space<hbm>> -> memref<2x512xi32, #tpu.memory_space<hbm>>
      %dma_wait3A_165 = arith.constant 0 : i32
      %dma_wait3A_166 = arith.constant 0 : i32
      %dma_wait3A_167 = tpu.memref_slice %arg6[%dma_wait3A_157, %dma_wait3A_165, %dma_wait3A_166] : memref<2x2x512xi32, #tpu.memory_space<vmem>> -> memref<1x2x512xi32, #tpu.memory_space<vmem>>
      %dma_wait3A_168 = tpu.memref_squeeze %dma_wait3A_167 : memref<1x2x512xi32, #tpu.memory_space<vmem>> -> memref<2x512xi32, #tpu.memory_space<vmem>>
      %dma_wait3A_169 = arith.constant 0 : i32
      %dma_wait3A_170 = tpu.memref_slice %arg3[%select_n3A, %dma_wait3A_156, %add3A_137, %dma_wait3A_169] : memref<4x1x512x512xi32, #tpu.memory_space<hbm>> -> memref<1x1x2x512xi32, #tpu.memory_space<hbm>>
      %dma_wait3A_171 = tpu.memref_squeeze %dma_wait3A_170 : memref<1x1x2x512xi32, #tpu.memory_space<hbm>> -> memref<2x512xi32, #tpu.memory_space<hbm>>
      tpu.wait_dma2 semaphore(%arg8 : memref<!tpu.dma_semaphore, #tpu.memory_space<semaphore_mem>>) src(%dma_wait3A_171 : memref<2x512xi32, #tpu.memory_space<hbm>>) dst(%dma_wait3A_168 : memref<2x512xi32, #tpu.memory_space<vmem>>)
      %parallel_loop3A = arith.constant 0 : i32
      %parallel_loop3A_172 = arith.constant 64 : i32
      %parallel_loop3A_173 = arith.constant 1 : i32
      scf.for %parallel_loop3A_225 = %parallel_loop3A to %parallel_loop3A_172 step %parallel_loop3A_173  : i32 {
        %parallel_loop3A_226 = arith.constant 32 : i32
        %parallel_loop3A_227 = arith.divsi %parallel_loop3A_225, %parallel_loop3A_226 : i32
        %parallel_loop3A_228 = arith.constant 0 : i32
        %parallel_loop3A_229 = arith.cmpi sgt, %parallel_loop3A_225, %parallel_loop3A_228 : i32
        %parallel_loop3A_230 = arith.extui %parallel_loop3A_229 : i1 to i32
        %parallel_loop3A_231 = arith.constant 0 : i32
        %parallel_loop3A_232 = arith.cmpi slt, %parallel_loop3A_225, %parallel_loop3A_231 : i32
        %parallel_loop3A_233 = arith.extui %parallel_loop3A_232 : i1 to i32
        %parallel_loop3A_234 = arith.subi %parallel_loop3A_230, %parallel_loop3A_233 : i32
        %parallel_loop3A_235 = arith.constant 0 : i32
        %parallel_loop3A_236 = arith.cmpi sgt, %parallel_loop3A_226, %parallel_loop3A_235 : i32
        %parallel_loop3A_237 = arith.extui %parallel_loop3A_236 : i1 to i32
        %parallel_loop3A_238 = arith.constant 0 : i32
        %parallel_loop3A_239 = arith.cmpi slt, %parallel_loop3A_226, %parallel_loop3A_238 : i32
        %parallel_loop3A_240 = arith.extui %parallel_loop3A_239 : i1 to i32
        %parallel_loop3A_241 = arith.subi %parallel_loop3A_237, %parallel_loop3A_240 : i32
        %parallel_loop3A_242 = arith.cmpi ne, %parallel_loop3A_234, %parallel_loop3A_241 : i32
        %parallel_loop3A_243 = arith.remsi %parallel_loop3A_225, %parallel_loop3A_226 : i32
        %parallel_loop3A_244 = arith.constant 0 : i32
        %parallel_loop3A_245 = arith.cmpi ne, %parallel_loop3A_243, %parallel_loop3A_244 : i32
        %parallel_loop3A_246 = arith.andi %parallel_loop3A_242, %parallel_loop3A_245 : i1
        %parallel_loop3A_247 = arith.constant 1 : i32
        %parallel_loop3A_248 = arith.subi %parallel_loop3A_227, %parallel_loop3A_247 : i32
        %parallel_loop3A_249 = arith.select %parallel_loop3A_246, %parallel_loop3A_248, %parallel_loop3A_227 : i32
        %parallel_loop3A_250 = arith.constant 32 : i32
        %parallel_loop3A_251 = arith.constant 0 : i32
        %parallel_loop3A_252 = arith.cmpi eq, %parallel_loop3A_250, %parallel_loop3A_251 : i32
        %parallel_loop3A_253 = arith.constant 1 : i32
        %parallel_loop3A_254 = arith.select %parallel_loop3A_252, %parallel_loop3A_253, %parallel_loop3A_250 : i32
        %parallel_loop3A_255 = arith.remsi %parallel_loop3A_225, %parallel_loop3A_254 : i32
        %parallel_loop3A_256 = arith.constant 0 : i32
        %parallel_loop3A_257 = arith.cmpi ne, %parallel_loop3A_255, %parallel_loop3A_256 : i32
        %parallel_loop3A_258 = arith.constant 0 : i32
        %parallel_loop3A_259 = arith.cmpi slt, %parallel_loop3A_255, %parallel_loop3A_258 : i32
        %parallel_loop3A_260 = arith.constant 0 : i32
        %parallel_loop3A_261 = arith.cmpi slt, %parallel_loop3A_254, %parallel_loop3A_260 : i32
        %parallel_loop3A_262 = arith.xori %parallel_loop3A_259, %parallel_loop3A_261 : i1
        %parallel_loop3A_263 = arith.andi %parallel_loop3A_262, %parallel_loop3A_257 : i1
        %parallel_loop3A_264 = arith.addi %parallel_loop3A_255, %parallel_loop3A_254 : i32
        %parallel_loop3A_265 = arith.select %parallel_loop3A_263, %parallel_loop3A_264, %parallel_loop3A_255 : i32
        %parallel_loop3A_266 = arith.constant 16 : i32
        %parallel_loop3A_267 = arith.muli %parallel_loop3A_265, %parallel_loop3A_266 : i32
        %parallel_loop3A_268 = arith.constant 0 : i32
        %parallel_loop3A_269 = arith.index_cast %parallel_loop3A_268 : i32 to index
        %parallel_loop3A_270 = arith.index_cast %parallel_loop3A_249 : i32 to index
        %parallel_loop3A_271 = arith.index_cast %parallel_loop3A_267 : i32 to index
        %parallel_loop3A_272 = tpu.vector_load %arg6[%parallel_loop3A_269, %parallel_loop3A_270, %parallel_loop3A_271] {strides = array<i32>} : memref<2x2x512xi32, #tpu.memory_space<vmem>>, vector<16xi32>,
        %parallel_loop3A_273 = arith.constant 0 : i32
        %parallel_loop3A_274 = arith.constant 0 : i32
        %parallel_loop3A_275 = arith.index_cast %parallel_loop3A_273 : i32 to index
        %parallel_loop3A_276 = arith.index_cast %parallel_loop3A_274 : i32 to index
        %parallel_loop3A_277 = arith.index_cast %parallel_loop3A_249 : i32 to index
        %parallel_loop3A_278 = arith.index_cast %parallel_loop3A_267 : i32 to index
        %parallel_loop3A_279 = tpu.vector_load %arg5[%parallel_loop3A_275, %parallel_loop3A_276, %parallel_loop3A_277, %parallel_loop3A_278] {strides = array<i32>} : memref<2x19x2x512xf32, #tpu.memory_space<vmem>>, vector<16xf32>,
        %parallel_loop3A_280 = math.exp %parallel_loop3A_279 : vector<16xf32>
        %parallel_loop3A_281 = arith.constant 0 : i32
        %parallel_loop3A_282 = arith.constant 1 : i32
        %parallel_loop3A_283 = arith.index_cast %parallel_loop3A_281 : i32 to index
        %parallel_loop3A_284 = arith.index_cast %parallel_loop3A_282 : i32 to index
        %parallel_loop3A_285 = arith.index_cast %parallel_loop3A_249 : i32 to index
        %parallel_loop3A_286 = arith.index_cast %parallel_loop3A_267 : i32 to index
        %parallel_loop3A_287 = tpu.vector_load %arg5[%parallel_loop3A_283, %parallel_loop3A_284, %parallel_loop3A_285, %parallel_loop3A_286] {strides = array<i32>} : memref<2x19x2x512xf32, #tpu.memory_space<vmem>>, vector<16xf32>,
        %parallel_loop3A_288 = math.exp %parallel_loop3A_287 : vector<16xf32>
        %parallel_loop3A_289 = arith.constant 0 : i32
        %parallel_loop3A_290 = arith.constant 2 : i32
        %parallel_loop3A_291 = arith.index_cast %parallel_loop3A_289 : i32 to index
        %parallel_loop3A_292 = arith.index_cast %parallel_loop3A_290 : i32 to index
        %parallel_loop3A_293 = arith.index_cast %parallel_loop3A_249 : i32 to index
        %parallel_loop3A_294 = arith.index_cast %parallel_loop3A_267 : i32 to index
        %parallel_loop3A_295 = tpu.vector_load %arg5[%parallel_loop3A_291, %parallel_loop3A_292, %parallel_loop3A_293, %parallel_loop3A_294] {strides = array<i32>} : memref<2x19x2x512xf32, #tpu.memory_space<vmem>>, vector<16xf32>,
        %parallel_loop3A_296 = math.exp %parallel_loop3A_295 : vector<16xf32>
        %parallel_loop3A_297 = arith.constant 0 : i32
        %parallel_loop3A_298 = arith.constant 3 : i32
        %parallel_loop3A_299 = arith.index_cast %parallel_loop3A_297 : i32 to index
        %parallel_loop3A_300 = arith.index_cast %parallel_loop3A_298 : i32 to index
        %parallel_loop3A_301 = arith.index_cast %parallel_loop3A_249 : i32 to index
        %parallel_loop3A_302 = arith.index_cast %parallel_loop3A_267 : i32 to index
        %parallel_loop3A_303 = tpu.vector_load %arg5[%parallel_loop3A_299, %parallel_loop3A_300, %parallel_loop3A_301, %parallel_loop3A_302] {strides = array<i32>} : memref<2x19x2x512xf32, #tpu.memory_space<vmem>>, vector<16xf32>,
        %parallel_loop3A_304 = math.exp %parallel_loop3A_303 : vector<16xf32>
        %parallel_loop3A_305 = arith.constant 0 : i32
        %parallel_loop3A_306 = arith.constant 4 : i32
        %parallel_loop3A_307 = arith.index_cast %parallel_loop3A_305 : i32 to index
        %parallel_loop3A_308 = arith.index_cast %parallel_loop3A_306 : i32 to index
        %parallel_loop3A_309 = arith.index_cast %parallel_loop3A_249 : i32 to index
        %parallel_loop3A_310 = arith.index_cast %parallel_loop3A_267 : i32 to index
        %parallel_loop3A_311 = tpu.vector_load %arg5[%parallel_loop3A_307, %parallel_loop3A_308, %parallel_loop3A_309, %parallel_loop3A_310] {strides = array<i32>} : memref<2x19x2x512xf32, #tpu.memory_space<vmem>>, vector<16xf32>,
        %parallel_loop3A_312 = math.exp %parallel_loop3A_311 : vector<16xf32>
        %parallel_loop3A_313 = arith.constant 0 : i32
        %parallel_loop3A_314 = arith.constant 5 : i32
        %parallel_loop3A_315 = arith.index_cast %parallel_loop3A_313 : i32 to index
        %parallel_loop3A_316 = arith.index_cast %parallel_loop3A_314 : i32 to index
        %parallel_loop3A_317 = arith.index_cast %parallel_loop3A_249 : i32 to index
        %parallel_loop3A_318 = arith.index_cast %parallel_loop3A_267 : i32 to index
        %parallel_loop3A_319 = tpu.vector_load %arg5[%parallel_loop3A_315, %parallel_loop3A_316, %parallel_loop3A_317, %parallel_loop3A_318] {strides = array<i32>} : memref<2x19x2x512xf32, #tpu.memory_space<vmem>>, vector<16xf32>,
        %parallel_loop3A_320 = math.exp %parallel_loop3A_319 : vector<16xf32>
        %parallel_loop3A_321 = arith.constant 0 : i32
        %parallel_loop3A_322 = arith.constant 6 : i32
        %parallel_loop3A_323 = arith.index_cast %parallel_loop3A_321 : i32 to index
        %parallel_loop3A_324 = arith.index_cast %parallel_loop3A_322 : i32 to index
        %parallel_loop3A_325 = arith.index_cast %parallel_loop3A_249 : i32 to index
        %parallel_loop3A_326 = arith.index_cast %parallel_loop3A_267 : i32 to index
        %parallel_loop3A_327 = tpu.vector_load %arg5[%parallel_loop3A_323, %parallel_loop3A_324, %parallel_loop3A_325, %parallel_loop3A_326] {strides = array<i32>} : memref<2x19x2x512xf32, #tpu.memory_space<vmem>>, vector<16xf32>,
        %parallel_loop3A_328 = math.exp %parallel_loop3A_327 : vector<16xf32>
        %parallel_loop3A_329 = arith.constant 0 : i32
        %parallel_loop3A_330 = arith.constant 7 : i32
        %parallel_loop3A_331 = arith.index_cast %parallel_loop3A_329 : i32 to index
        %parallel_loop3A_332 = arith.index_cast %parallel_loop3A_330 : i32 to index
        %parallel_loop3A_333 = arith.index_cast %parallel_loop3A_249 : i32 to index
        %parallel_loop3A_334 = arith.index_cast %parallel_loop3A_267 : i32 to index
        %parallel_loop3A_335 = tpu.vector_load %arg5[%parallel_loop3A_331, %parallel_loop3A_332, %parallel_loop3A_333, %parallel_loop3A_334] {strides = array<i32>} : memref<2x19x2x512xf32, #tpu.memory_space<vmem>>, vector<16xf32>,
        %parallel_loop3A_336 = math.exp %parallel_loop3A_335 : vector<16xf32>
        %parallel_loop3A_337 = arith.constant 0 : i32
        %parallel_loop3A_338 = arith.constant 8 : i32
        %parallel_loop3A_339 = arith.index_cast %parallel_loop3A_337 : i32 to index
        %parallel_loop3A_340 = arith.index_cast %parallel_loop3A_338 : i32 to index
        %parallel_loop3A_341 = arith.index_cast %parallel_loop3A_249 : i32 to index
        %parallel_loop3A_342 = arith.index_cast %parallel_loop3A_267 : i32 to index
        %parallel_loop3A_343 = tpu.vector_load %arg5[%parallel_loop3A_339, %parallel_loop3A_340, %parallel_loop3A_341, %parallel_loop3A_342] {strides = array<i32>} : memref<2x19x2x512xf32, #tpu.memory_space<vmem>>, vector<16xf32>,
        %parallel_loop3A_344 = math.exp %parallel_loop3A_343 : vector<16xf32>
        %parallel_loop3A_345 = arith.constant 0 : i32
        %parallel_loop3A_346 = arith.constant 9 : i32
        %parallel_loop3A_347 = arith.index_cast %parallel_loop3A_345 : i32 to index
        %parallel_loop3A_348 = arith.index_cast %parallel_loop3A_346 : i32 to index
        %parallel_loop3A_349 = arith.index_cast %parallel_loop3A_249 : i32 to index
        %parallel_loop3A_350 = arith.index_cast %parallel_loop3A_267 : i32 to index
        %parallel_loop3A_351 = tpu.vector_load %arg5[%parallel_loop3A_347, %parallel_loop3A_348, %parallel_loop3A_349, %parallel_loop3A_350] {strides = array<i32>} : memref<2x19x2x512xf32, #tpu.memory_space<vmem>>, vector<16xf32>,
        %parallel_loop3A_352 = math.exp %parallel_loop3A_351 : vector<16xf32>
        %parallel_loop3A_353 = arith.constant 0 : i32
        %parallel_loop3A_354 = arith.constant 10 : i32
        %parallel_loop3A_355 = arith.index_cast %parallel_loop3A_353 : i32 to index
        %parallel_loop3A_356 = arith.index_cast %parallel_loop3A_354 : i32 to index
        %parallel_loop3A_357 = arith.index_cast %parallel_loop3A_249 : i32 to index
        %parallel_loop3A_358 = arith.index_cast %parallel_loop3A_267 : i32 to index
        %parallel_loop3A_359 = tpu.vector_load %arg5[%parallel_loop3A_355, %parallel_loop3A_356, %parallel_loop3A_357, %parallel_loop3A_358] {strides = array<i32>} : memref<2x19x2x512xf32, #tpu.memory_space<vmem>>, vector<16xf32>,
        %parallel_loop3A_360 = math.exp %parallel_loop3A_359 : vector<16xf32>
        %parallel_loop3A_361 = arith.constant 0 : i32
        %parallel_loop3A_362 = arith.constant 11 : i32
        %parallel_loop3A_363 = arith.index_cast %parallel_loop3A_361 : i32 to index
        %parallel_loop3A_364 = arith.index_cast %parallel_loop3A_362 : i32 to index
        %parallel_loop3A_365 = arith.index_cast %parallel_loop3A_249 : i32 to index
        %parallel_loop3A_366 = arith.index_cast %parallel_loop3A_267 : i32 to index
        %parallel_loop3A_367 = tpu.vector_load %arg5[%parallel_loop3A_363, %parallel_loop3A_364, %parallel_loop3A_365, %parallel_loop3A_366] {strides = array<i32>} : memref<2x19x2x512xf32, #tpu.memory_space<vmem>>, vector<16xf32>,
        %parallel_loop3A_368 = math.exp %parallel_loop3A_367 : vector<16xf32>
        %parallel_loop3A_369 = arith.constant 0 : i32
        %parallel_loop3A_370 = arith.constant 12 : i32
        %parallel_loop3A_371 = arith.index_cast %parallel_loop3A_369 : i32 to index
        %parallel_loop3A_372 = arith.index_cast %parallel_loop3A_370 : i32 to index
        %parallel_loop3A_373 = arith.index_cast %parallel_loop3A_249 : i32 to index
        %parallel_loop3A_374 = arith.index_cast %parallel_loop3A_267 : i32 to index
        %parallel_loop3A_375 = tpu.vector_load %arg5[%parallel_loop3A_371, %parallel_loop3A_372, %parallel_loop3A_373, %parallel_loop3A_374] {strides = array<i32>} : memref<2x19x2x512xf32, #tpu.memory_space<vmem>>, vector<16xf32>,
        %parallel_loop3A_376 = math.exp %parallel_loop3A_375 : vector<16xf32>
        %parallel_loop3A_377 = arith.constant 0 : i32
        %parallel_loop3A_378 = arith.constant 13 : i32
        %parallel_loop3A_379 = arith.index_cast %parallel_loop3A_377 : i32 to index
        %parallel_loop3A_380 = arith.index_cast %parallel_loop3A_378 : i32 to index
        %parallel_loop3A_381 = arith.index_cast %parallel_loop3A_249 : i32 to index
        %parallel_loop3A_382 = arith.index_cast %parallel_loop3A_267 : i32 to index
        %parallel_loop3A_383 = tpu.vector_load %arg5[%parallel_loop3A_379, %parallel_loop3A_380, %parallel_loop3A_381, %parallel_loop3A_382] {strides = array<i32>} : memref<2x19x2x512xf32, #tpu.memory_space<vmem>>, vector<16xf32>,
        %parallel_loop3A_384 = math.exp %parallel_loop3A_383 : vector<16xf32>
        %parallel_loop3A_385 = arith.constant 0 : i32
        %parallel_loop3A_386 = arith.constant 14 : i32
        %parallel_loop3A_387 = arith.index_cast %parallel_loop3A_385 : i32 to index
        %parallel_loop3A_388 = arith.index_cast %parallel_loop3A_386 : i32 to index
        %parallel_loop3A_389 = arith.index_cast %parallel_loop3A_249 : i32 to index
        %parallel_loop3A_390 = arith.index_cast %parallel_loop3A_267 : i32 to index
        %parallel_loop3A_391 = tpu.vector_load %arg5[%parallel_loop3A_387, %parallel_loop3A_388, %parallel_loop3A_389, %parallel_loop3A_390] {strides = array<i32>} : memref<2x19x2x512xf32, #tpu.memory_space<vmem>>, vector<16xf32>,
        %parallel_loop3A_392 = math.exp %parallel_loop3A_391 : vector<16xf32>
        %parallel_loop3A_393 = arith.constant 0 : i32
        %parallel_loop3A_394 = arith.constant 15 : i32
        %parallel_loop3A_395 = arith.index_cast %parallel_loop3A_393 : i32 to index
        %parallel_loop3A_396 = arith.index_cast %parallel_loop3A_394 : i32 to index
        %parallel_loop3A_397 = arith.index_cast %parallel_loop3A_249 : i32 to index
        %parallel_loop3A_398 = arith.index_cast %parallel_loop3A_267 : i32 to index
        %parallel_loop3A_399 = tpu.vector_load %arg5[%parallel_loop3A_395, %parallel_loop3A_396, %parallel_loop3A_397, %parallel_loop3A_398] {strides = array<i32>} : memref<2x19x2x512xf32, #tpu.memory_space<vmem>>, vector<16xf32>,
        %parallel_loop3A_400 = math.exp %parallel_loop3A_399 : vector<16xf32>
        %parallel_loop3A_401 = arith.constant 0 : i32
        %parallel_loop3A_402 = arith.constant 16 : i32
        %parallel_loop3A_403 = arith.index_cast %parallel_loop3A_401 : i32 to index
        %parallel_loop3A_404 = arith.index_cast %parallel_loop3A_402 : i32 to index
        %parallel_loop3A_405 = arith.index_cast %parallel_loop3A_249 : i32 to index
        %parallel_loop3A_406 = arith.index_cast %parallel_loop3A_267 : i32 to index
        %parallel_loop3A_407 = tpu.vector_load %arg5[%parallel_loop3A_403, %parallel_loop3A_404, %parallel_loop3A_405, %parallel_loop3A_406] {strides = array<i32>} : memref<2x19x2x512xf32, #tpu.memory_space<vmem>>, vector<16xf32>,
        %parallel_loop3A_408 = math.exp %parallel_loop3A_407 : vector<16xf32>
        %parallel_loop3A_409 = arith.constant 0 : i32
        %parallel_loop3A_410 = arith.constant 17 : i32
        %parallel_loop3A_411 = arith.index_cast %parallel_loop3A_409 : i32 to index
        %parallel_loop3A_412 = arith.index_cast %parallel_loop3A_410 : i32 to index
        %parallel_loop3A_413 = arith.index_cast %parallel_loop3A_249 : i32 to index
        %parallel_loop3A_414 = arith.index_cast %parallel_loop3A_267 : i32 to index
        %parallel_loop3A_415 = tpu.vector_load %arg5[%parallel_loop3A_411, %parallel_loop3A_412, %parallel_loop3A_413, %parallel_loop3A_414] {strides = array<i32>} : memref<2x19x2x512xf32, #tpu.memory_space<vmem>>, vector<16xf32>,
        %parallel_loop3A_416 = math.exp %parallel_loop3A_415 : vector<16xf32>
        %parallel_loop3A_417 = arith.constant 0 : i32
        %parallel_loop3A_418 = arith.constant 18 : i32
        %parallel_loop3A_419 = arith.index_cast %parallel_loop3A_417 : i32 to index
        %parallel_loop3A_420 = arith.index_cast %parallel_loop3A_418 : i32 to index
        %parallel_loop3A_421 = arith.index_cast %parallel_loop3A_249 : i32 to index
        %parallel_loop3A_422 = arith.index_cast %parallel_loop3A_267 : i32 to index
        %parallel_loop3A_423 = tpu.vector_load %arg5[%parallel_loop3A_419, %parallel_loop3A_420, %parallel_loop3A_421, %parallel_loop3A_422] {strides = array<i32>} : memref<2x19x2x512xf32, #tpu.memory_space<vmem>>, vector<16xf32>,
        %parallel_loop3A_424 = math.exp %parallel_loop3A_423 : vector<16xf32>
        %parallel_loop3A_425 = arith.addf %parallel_loop3A_280, %parallel_loop3A_288 : vector<16xf32>
        %parallel_loop3A_426 = arith.addf %parallel_loop3A_296, %parallel_loop3A_304 : vector<16xf32>
        %parallel_loop3A_427 = arith.addf %parallel_loop3A_312, %parallel_loop3A_320 : vector<16xf32>
        %parallel_loop3A_428 = arith.addf %parallel_loop3A_328, %parallel_loop3A_336 : vector<16xf32>
        %parallel_loop3A_429 = arith.addf %parallel_loop3A_344, %parallel_loop3A_352 : vector<16xf32>
        %parallel_loop3A_430 = arith.addf %parallel_loop3A_360, %parallel_loop3A_368 : vector<16xf32>
        %parallel_loop3A_431 = arith.addf %parallel_loop3A_376, %parallel_loop3A_384 : vector<16xf32>
        %parallel_loop3A_432 = arith.addf %parallel_loop3A_392, %parallel_loop3A_400 : vector<16xf32>
        %parallel_loop3A_433 = arith.addf %parallel_loop3A_408, %parallel_loop3A_416 : vector<16xf32>
        %parallel_loop3A_434 = arith.addf %parallel_loop3A_425, %parallel_loop3A_426 : vector<16xf32>
        %parallel_loop3A_435 = arith.addf %parallel_loop3A_427, %parallel_loop3A_428 : vector<16xf32>
        %parallel_loop3A_436 = arith.addf %parallel_loop3A_429, %parallel_loop3A_430 : vector<16xf32>
        %parallel_loop3A_437 = arith.addf %parallel_loop3A_431, %parallel_loop3A_432 : vector<16xf32>
        %parallel_loop3A_438 = arith.addf %parallel_loop3A_433, %parallel_loop3A_424 : vector<16xf32>
        %parallel_loop3A_439 = arith.addf %parallel_loop3A_434, %parallel_loop3A_435 : vector<16xf32>
        %parallel_loop3A_440 = arith.addf %parallel_loop3A_436, %parallel_loop3A_437 : vector<16xf32>
        %parallel_loop3A_441 = arith.addf %parallel_loop3A_439, %parallel_loop3A_440 : vector<16xf32>
        %parallel_loop3A_442 = arith.addf %parallel_loop3A_441, %parallel_loop3A_438 : vector<16xf32>
        %parallel_loop3A_443 = arith.constant 1.024000e+03 : f32
        %parallel_loop3A_444 = vector.broadcast %parallel_loop3A_443 : f32 to vector<16xf32>
        %parallel_loop3A_445 = arith.divf %parallel_loop3A_444, %parallel_loop3A_442 : vector<16xf32>
        %parallel_loop3A_446 = arith.mulf %parallel_loop3A_280, %parallel_loop3A_445 : vector<16xf32>
        %parallel_loop3A_447 = arith.constant 0x4B000000 : f32
        %parallel_loop3A_448 = vector.broadcast %parallel_loop3A_447 : f32 to vector<16xf32>
        %parallel_loop3A_449 = arith.addf %parallel_loop3A_446, %parallel_loop3A_448 : vector<16xf32>
        %parallel_loop3A_450 = vector.bitcast %parallel_loop3A_449 : vector<16xf32> to vector<16xi32>
        %parallel_loop3A_451 = arith.constant 1258271744 : i32
        %parallel_loop3A_452 = vector.broadcast %parallel_loop3A_451 : i32 to vector<16xi32>
        %parallel_loop3A_453 = arith.subi %parallel_loop3A_450, %parallel_loop3A_452 : vector<16xi32>
        tpu.vector_store_idx %arg7[%parallel_loop3A_453], %broadcast_in_dim3A_41 {add = true} : memref<38976xi32, #tpu.memory_space<vmem>>[vector<16xi32>], vector<16xi32>,
        %parallel_loop3A_454 = arith.mulf %parallel_loop3A_288, %parallel_loop3A_445 : vector<16xf32>
        %parallel_loop3A_455 = arith.constant 0x4B000400 : f32
        %parallel_loop3A_456 = vector.broadcast %parallel_loop3A_455 : f32 to vector<16xf32>
        %parallel_loop3A_457 = arith.addf %parallel_loop3A_454, %parallel_loop3A_456 : vector<16xf32>
        %parallel_loop3A_458 = vector.bitcast %parallel_loop3A_457 : vector<16xf32> to vector<16xi32>
        %parallel_loop3A_459 = arith.constant 1258271744 : i32
        %parallel_loop3A_460 = vector.broadcast %parallel_loop3A_459 : i32 to vector<16xi32>
        %parallel_loop3A_461 = arith.subi %parallel_loop3A_458, %parallel_loop3A_460 : vector<16xi32>
        tpu.vector_store_idx %arg7[%parallel_loop3A_461], %broadcast_in_dim3A_41 {add = true} : memref<38976xi32, #tpu.memory_space<vmem>>[vector<16xi32>], vector<16xi32>,
        %parallel_loop3A_462 = arith.mulf %parallel_loop3A_296, %parallel_loop3A_445 : vector<16xf32>
        %parallel_loop3A_463 = arith.constant 0x4B000800 : f32
        %parallel_loop3A_464 = vector.broadcast %parallel_loop3A_463 : f32 to vector<16xf32>
        %parallel_loop3A_465 = arith.addf %parallel_loop3A_462, %parallel_loop3A_464 : vector<16xf32>
        %parallel_loop3A_466 = vector.bitcast %parallel_loop3A_465 : vector<16xf32> to vector<16xi32>
        %parallel_loop3A_467 = arith.constant 1258271744 : i32
        %parallel_loop3A_468 = vector.broadcast %parallel_loop3A_467 : i32 to vector<16xi32>
        %parallel_loop3A_469 = arith.subi %parallel_loop3A_466, %parallel_loop3A_468 : vector<16xi32>
        tpu.vector_store_idx %arg7[%parallel_loop3A_469], %broadcast_in_dim3A_41 {add = true} : memref<38976xi32, #tpu.memory_space<vmem>>[vector<16xi32>], vector<16xi32>,
        %parallel_loop3A_470 = arith.mulf %parallel_loop3A_304, %parallel_loop3A_445 : vector<16xf32>
        %parallel_loop3A_471 = arith.constant 8.391680e+06 : f32
        %parallel_loop3A_472 = vector.broadcast %parallel_loop3A_471 : f32 to vector<16xf32>
        %parallel_loop3A_473 = arith.addf %parallel_loop3A_470, %parallel_loop3A_472 : vector<16xf32>
        %parallel_loop3A_474 = vector.bitcast %parallel_loop3A_473 : vector<16xf32> to vector<16xi32>
        %parallel_loop3A_475 = arith.constant 1258271744 : i32
        %parallel_loop3A_476 = vector.broadcast %parallel_loop3A_475 : i32 to vector<16xi32>
        %parallel_loop3A_477 = arith.subi %parallel_loop3A_474, %parallel_loop3A_476 : vector<16xi32>
        tpu.vector_store_idx %arg7[%parallel_loop3A_477], %broadcast_in_dim3A_41 {add = true} : memref<38976xi32, #tpu.memory_space<vmem>>[vector<16xi32>], vector<16xi32>,
        %parallel_loop3A_478 = arith.mulf %parallel_loop3A_312, %parallel_loop3A_445 : vector<16xf32>
        %parallel_loop3A_479 = arith.constant 0x4B001000 : f32
        %parallel_loop3A_480 = vector.broadcast %parallel_loop3A_479 : f32 to vector<16xf32>
        %parallel_loop3A_481 = arith.addf %parallel_loop3A_478, %parallel_loop3A_480 : vector<16xf32>
        %parallel_loop3A_482 = vector.bitcast %parallel_loop3A_481 : vector<16xf32> to vector<16xi32>
        %parallel_loop3A_483 = arith.constant 1258271744 : i32
        %parallel_loop3A_484 = vector.broadcast %parallel_loop3A_483 : i32 to vector<16xi32>
        %parallel_loop3A_485 = arith.subi %parallel_loop3A_482, %parallel_loop3A_484 : vector<16xi32>
        tpu.vector_store_idx %arg7[%parallel_loop3A_485], %broadcast_in_dim3A_41 {add = true} : memref<38976xi32, #tpu.memory_space<vmem>>[vector<16xi32>], vector<16xi32>,
        %parallel_loop3A_486 = arith.mulf %parallel_loop3A_320, %parallel_loop3A_445 : vector<16xf32>
        %parallel_loop3A_487 = arith.constant 0x4B001400 : f32
        %parallel_loop3A_488 = vector.broadcast %parallel_loop3A_487 : f32 to vector<16xf32>
        %parallel_loop3A_489 = arith.addf %parallel_loop3A_486, %parallel_loop3A_488 : vector<16xf32>
        %parallel_loop3A_490 = vector.bitcast %parallel_loop3A_489 : vector<16xf32> to vector<16xi32>
        %parallel_loop3A_491 = arith.constant 1258271744 : i32
        %parallel_loop3A_492 = vector.broadcast %parallel_loop3A_491 : i32 to vector<16xi32>
        %parallel_loop3A_493 = arith.subi %parallel_loop3A_490, %parallel_loop3A_492 : vector<16xi32>
        tpu.vector_store_idx %arg7[%parallel_loop3A_493], %broadcast_in_dim3A_41 {add = true} : memref<38976xi32, #tpu.memory_space<vmem>>[vector<16xi32>], vector<16xi32>,
        %parallel_loop3A_494 = arith.mulf %parallel_loop3A_328, %parallel_loop3A_445 : vector<16xf32>
        %parallel_loop3A_495 = arith.constant 0x4B001800 : f32
        %parallel_loop3A_496 = vector.broadcast %parallel_loop3A_495 : f32 to vector<16xf32>
        %parallel_loop3A_497 = arith.addf %parallel_loop3A_494, %parallel_loop3A_496 : vector<16xf32>
        %parallel_loop3A_498 = vector.bitcast %parallel_loop3A_497 : vector<16xf32> to vector<16xi32>
        %parallel_loop3A_499 = arith.constant 1258271744 : i32
        %parallel_loop3A_500 = vector.broadcast %parallel_loop3A_499 : i32 to vector<16xi32>
        %parallel_loop3A_501 = arith.subi %parallel_loop3A_498, %parallel_loop3A_500 : vector<16xi32>
        tpu.vector_store_idx %arg7[%parallel_loop3A_501], %broadcast_in_dim3A_41 {add = true} : memref<38976xi32, #tpu.memory_space<vmem>>[vector<16xi32>], vector<16xi32>,
        %parallel_loop3A_502 = arith.mulf %parallel_loop3A_336, %parallel_loop3A_445 : vector<16xf32>
        %parallel_loop3A_503 = arith.constant 0x4B001C00 : f32
        %parallel_loop3A_504 = vector.broadcast %parallel_loop3A_503 : f32 to vector<16xf32>
        %parallel_loop3A_505 = arith.addf %parallel_loop3A_502, %parallel_loop3A_504 : vector<16xf32>
        %parallel_loop3A_506 = vector.bitcast %parallel_loop3A_505 : vector<16xf32> to vector<16xi32>
        %parallel_loop3A_507 = arith.constant 1258271744 : i32
        %parallel_loop3A_508 = vector.broadcast %parallel_loop3A_507 : i32 to vector<16xi32>
        %parallel_loop3A_509 = arith.subi %parallel_loop3A_506, %parallel_loop3A_508 : vector<16xi32>
        tpu.vector_store_idx %arg7[%parallel_loop3A_509], %broadcast_in_dim3A_41 {add = true} : memref<38976xi32, #tpu.memory_space<vmem>>[vector<16xi32>], vector<16xi32>,
        %parallel_loop3A_510 = arith.mulf %parallel_loop3A_344, %parallel_loop3A_445 : vector<16xf32>
        %parallel_loop3A_511 = arith.constant 8.396800e+06 : f32
        %parallel_loop3A_512 = vector.broadcast %parallel_loop3A_511 : f32 to vector<16xf32>
        %parallel_loop3A_513 = arith.addf %parallel_loop3A_510, %parallel_loop3A_512 : vector<16xf32>
        %parallel_loop3A_514 = vector.bitcast %parallel_loop3A_513 : vector<16xf32> to vector<16xi32>
        %parallel_loop3A_515 = arith.constant 1258271744 : i32
        %parallel_loop3A_516 = vector.broadcast %parallel_loop3A_515 : i32 to vector<16xi32>
        %parallel_loop3A_517 = arith.subi %parallel_loop3A_514, %parallel_loop3A_516 : vector<16xi32>
        tpu.vector_store_idx %arg7[%parallel_loop3A_517], %broadcast_in_dim3A_41 {add = true} : memref<38976xi32, #tpu.memory_space<vmem>>[vector<16xi32>], vector<16xi32>,
        %parallel_loop3A_518 = arith.mulf %parallel_loop3A_352, %parallel_loop3A_445 : vector<16xf32>
        %parallel_loop3A_519 = arith.constant 0x4B002400 : f32
        %parallel_loop3A_520 = vector.broadcast %parallel_loop3A_519 : f32 to vector<16xf32>
        %parallel_loop3A_521 = arith.addf %parallel_loop3A_518, %parallel_loop3A_520 : vector<16xf32>
        %parallel_loop3A_522 = vector.bitcast %parallel_loop3A_521 : vector<16xf32> to vector<16xi32>
        %parallel_loop3A_523 = arith.constant 1258271744 : i32
        %parallel_loop3A_524 = vector.broadcast %parallel_loop3A_523 : i32 to vector<16xi32>
        %parallel_loop3A_525 = arith.subi %parallel_loop3A_522, %parallel_loop3A_524 : vector<16xi32>
        tpu.vector_store_idx %arg7[%parallel_loop3A_525], %broadcast_in_dim3A_41 {add = true} : memref<38976xi32, #tpu.memory_space<vmem>>[vector<16xi32>], vector<16xi32>,
        %parallel_loop3A_526 = arith.mulf %parallel_loop3A_360, %parallel_loop3A_445 : vector<16xf32>
        %parallel_loop3A_527 = arith.constant 0x4B002800 : f32
        %parallel_loop3A_528 = vector.broadcast %parallel_loop3A_527 : f32 to vector<16xf32>
        %parallel_loop3A_529 = arith.addf %parallel_loop3A_526, %parallel_loop3A_528 : vector<16xf32>
        %parallel_loop3A_530 = vector.bitcast %parallel_loop3A_529 : vector<16xf32> to vector<16xi32>
        %parallel_loop3A_531 = arith.constant 1258271744 : i32
        %parallel_loop3A_532 = vector.broadcast %parallel_loop3A_531 : i32 to vector<16xi32>
        %parallel_loop3A_533 = arith.subi %parallel_loop3A_530, %parallel_loop3A_532 : vector<16xi32>
        tpu.vector_store_idx %arg7[%parallel_loop3A_533], %broadcast_in_dim3A_41 {add = true} : memref<38976xi32, #tpu.memory_space<vmem>>[vector<16xi32>], vector<16xi32>,
        %parallel_loop3A_534 = arith.mulf %parallel_loop3A_368, %parallel_loop3A_445 : vector<16xf32>
        %parallel_loop3A_535 = arith.constant 0x4B002C00 : f32
        %parallel_loop3A_536 = vector.broadcast %parallel_loop3A_535 : f32 to vector<16xf32>
        %parallel_loop3A_537 = arith.addf %parallel_loop3A_534, %parallel_loop3A_536 : vector<16xf32>
        %parallel_loop3A_538 = vector.bitcast %parallel_loop3A_537 : vector<16xf32> to vector<16xi32>
        %parallel_loop3A_539 = arith.constant 1258271744 : i32
        %parallel_loop3A_540 = vector.broadcast %parallel_loop3A_539 : i32 to vector<16xi32>
        %parallel_loop3A_541 = arith.subi %parallel_loop3A_538, %parallel_loop3A_540 : vector<16xi32>
        tpu.vector_store_idx %arg7[%parallel_loop3A_541], %broadcast_in_dim3A_41 {add = true} : memref<38976xi32, #tpu.memory_space<vmem>>[vector<16xi32>], vector<16xi32>,
        %parallel_loop3A_542 = arith.mulf %parallel_loop3A_376, %parallel_loop3A_445 : vector<16xf32>
        %parallel_loop3A_543 = arith.constant 0x4B003000 : f32
        %parallel_loop3A_544 = vector.broadcast %parallel_loop3A_543 : f32 to vector<16xf32>
        %parallel_loop3A_545 = arith.addf %parallel_loop3A_542, %parallel_loop3A_544 : vector<16xf32>
        %parallel_loop3A_546 = vector.bitcast %parallel_loop3A_545 : vector<16xf32> to vector<16xi32>
        %parallel_loop3A_547 = arith.constant 1258271744 : i32
        %parallel_loop3A_548 = vector.broadcast %parallel_loop3A_547 : i32 to vector<16xi32>
        %parallel_loop3A_549 = arith.subi %parallel_loop3A_546, %parallel_loop3A_548 : vector<16xi32>
        tpu.vector_store_idx %arg7[%parallel_loop3A_549], %broadcast_in_dim3A_41 {add = true} : memref<38976xi32, #tpu.memory_space<vmem>>[vector<16xi32>], vector<16xi32>,
        %parallel_loop3A_550 = arith.mulf %parallel_loop3A_384, %parallel_loop3A_445 : vector<16xf32>
        %parallel_loop3A_551 = arith.constant 8.401920e+06 : f32
        %parallel_loop3A_552 = vector.broadcast %parallel_loop3A_551 : f32 to vector<16xf32>
        %parallel_loop3A_553 = arith.addf %parallel_loop3A_550, %parallel_loop3A_552 : vector<16xf32>
        %parallel_loop3A_554 = vector.bitcast %parallel_loop3A_553 : vector<16xf32> to vector<16xi32>
        %parallel_loop3A_555 = arith.constant 1258271744 : i32
        %parallel_loop3A_556 = vector.broadcast %parallel_loop3A_555 : i32 to vector<16xi32>
        %parallel_loop3A_557 = arith.subi %parallel_loop3A_554, %parallel_loop3A_556 : vector<16xi32>
        tpu.vector_store_idx %arg7[%parallel_loop3A_557], %broadcast_in_dim3A_41 {add = true} : memref<38976xi32, #tpu.memory_space<vmem>>[vector<16xi32>], vector<16xi32>,
        %parallel_loop3A_558 = arith.mulf %parallel_loop3A_392, %parallel_loop3A_445 : vector<16xf32>
        %parallel_loop3A_559 = arith.constant 0x4B003800 : f32
        %parallel_loop3A_560 = vector.broadcast %parallel_loop3A_559 : f32 to vector<16xf32>
        %parallel_loop3A_561 = arith.addf %parallel_loop3A_558, %parallel_loop3A_560 : vector<16xf32>
        %parallel_loop3A_562 = vector.bitcast %parallel_loop3A_561 : vector<16xf32> to vector<16xi32>
        %parallel_loop3A_563 = arith.constant 1258271744 : i32
        %parallel_loop3A_564 = vector.broadcast %parallel_loop3A_563 : i32 to vector<16xi32>
        %parallel_loop3A_565 = arith.subi %parallel_loop3A_562, %parallel_loop3A_564 : vector<16xi32>
        tpu.vector_store_idx %arg7[%parallel_loop3A_565], %broadcast_in_dim3A_41 {add = true} : memref<38976xi32, #tpu.memory_space<vmem>>[vector<16xi32>], vector<16xi32>,
        %parallel_loop3A_566 = arith.mulf %parallel_loop3A_400, %parallel_loop3A_445 : vector<16xf32>
        %parallel_loop3A_567 = arith.constant 0x4B003C00 : f32
        %parallel_loop3A_568 = vector.broadcast %parallel_loop3A_567 : f32 to vector<16xf32>
        %parallel_loop3A_569 = arith.addf %parallel_loop3A_566, %parallel_loop3A_568 : vector<16xf32>
        %parallel_loop3A_570 = vector.bitcast %parallel_loop3A_569 : vector<16xf32> to vector<16xi32>
        %parallel_loop3A_571 = arith.constant 1258271744 : i32
        %parallel_loop3A_572 = vector.broadcast %parallel_loop3A_571 : i32 to vector<16xi32>
        %parallel_loop3A_573 = arith.subi %parallel_loop3A_570, %parallel_loop3A_572 : vector<16xi32>
        tpu.vector_store_idx %arg7[%parallel_loop3A_573], %broadcast_in_dim3A_41 {add = true} : memref<38976xi32, #tpu.memory_space<vmem>>[vector<16xi32>], vector<16xi32>,
        %parallel_loop3A_574 = arith.mulf %parallel_loop3A_408, %parallel_loop3A_445 : vector<16xf32>
        %parallel_loop3A_575 = arith.constant 0x4B004000 : f32
        %parallel_loop3A_576 = vector.broadcast %parallel_loop3A_575 : f32 to vector<16xf32>
        %parallel_loop3A_577 = arith.addf %parallel_loop3A_574, %parallel_loop3A_576 : vector<16xf32>
        %parallel_loop3A_578 = vector.bitcast %parallel_loop3A_577 : vector<16xf32> to vector<16xi32>
        %parallel_loop3A_579 = arith.constant 1258271744 : i32
        %parallel_loop3A_580 = vector.broadcast %parallel_loop3A_579 : i32 to vector<16xi32>
        %parallel_loop3A_581 = arith.subi %parallel_loop3A_578, %parallel_loop3A_580 : vector<16xi32>
        tpu.vector_store_idx %arg7[%parallel_loop3A_581], %broadcast_in_dim3A_41 {add = true} : memref<38976xi32, #tpu.memory_space<vmem>>[vector<16xi32>], vector<16xi32>,
        %parallel_loop3A_582 = arith.mulf %parallel_loop3A_416, %parallel_loop3A_445 : vector<16xf32>
        %parallel_loop3A_583 = arith.constant 0x4B004400 : f32
        %parallel_loop3A_584 = vector.broadcast %parallel_loop3A_583 : f32 to vector<16xf32>
        %parallel_loop3A_585 = arith.addf %parallel_loop3A_582, %parallel_loop3A_584 : vector<16xf32>
        %parallel_loop3A_586 = vector.bitcast %parallel_loop3A_585 : vector<16xf32> to vector<16xi32>
        %parallel_loop3A_587 = arith.constant 1258271744 : i32
        %parallel_loop3A_588 = vector.broadcast %parallel_loop3A_587 : i32 to vector<16xi32>
        %parallel_loop3A_589 = arith.subi %parallel_loop3A_586, %parallel_loop3A_588 : vector<16xi32>
        tpu.vector_store_idx %arg7[%parallel_loop3A_589], %broadcast_in_dim3A_41 {add = true} : memref<38976xi32, #tpu.memory_space<vmem>>[vector<16xi32>], vector<16xi32>,
        %parallel_loop3A_590 = arith.mulf %parallel_loop3A_424, %parallel_loop3A_445 : vector<16xf32>
        %parallel_loop3A_591 = arith.constant 8.407040e+06 : f32
        %parallel_loop3A_592 = vector.broadcast %parallel_loop3A_591 : f32 to vector<16xf32>
        %parallel_loop3A_593 = arith.addf %parallel_loop3A_590, %parallel_loop3A_592 : vector<16xf32>
        %parallel_loop3A_594 = vector.bitcast %parallel_loop3A_593 : vector<16xf32> to vector<16xi32>
        %parallel_loop3A_595 = arith.constant 1258271744 : i32
        %parallel_loop3A_596 = vector.broadcast %parallel_loop3A_595 : i32 to vector<16xi32>
        %parallel_loop3A_597 = arith.subi %parallel_loop3A_594, %parallel_loop3A_596 : vector<16xi32>
        tpu.vector_store_idx %arg7[%parallel_loop3A_597], %broadcast_in_dim3A_41 {add = true} : memref<38976xi32, #tpu.memory_space<vmem>>[vector<16xi32>], vector<16xi32>,
        %parallel_loop3A_598 = vector.broadcast %parallel_loop3A_249 : i32 to vector<16xi32>
        %parallel_loop3A_599 = arith.addi %broadcast_in_dim3A_33, %parallel_loop3A_598 : vector<16xi32>
        %parallel_loop3A_600 = vector.broadcast %parallel_loop3A_267 : i32 to vector<16xi32>
        %parallel_loop3A_601 = arith.addi %iota3A, %parallel_loop3A_600 : vector<16xi32>
        %parallel_loop3A_602 = tpu.vector_load_idx %arg5[%broadcast_in_dim3A_45, %parallel_loop3A_272, %parallel_loop3A_599, %parallel_loop3A_601] : memref<2x19x2x512xf32, #tpu.memory_space<vmem>>[vector<16xi32>, vector<16xi32>, vector<16xi32>, vector<16xi32>], vector<16xf32>,
        %parallel_loop3A_603 = math.exp %parallel_loop3A_602 : vector<16xf32>
        %parallel_loop3A_604 = arith.mulf %parallel_loop3A_603, %parallel_loop3A_445 : vector<16xf32>
        %parallel_loop3A_605 = arith.constant 1.023490e+03 : f32
        %parallel_loop3A_606 = vector.broadcast %parallel_loop3A_605 : f32 to vector<16xf32>
        %parallel_loop3A_607 = arith.minimumf %parallel_loop3A_604, %parallel_loop3A_606 : vector<16xf32>
        %parallel_loop3A_608 = arith.constant 0x4B000000 : f32
        %parallel_loop3A_609 = vector.broadcast %parallel_loop3A_608 : f32 to vector<16xf32>
        %parallel_loop3A_610 = arith.addf %parallel_loop3A_607, %parallel_loop3A_609 : vector<16xf32>
        %parallel_loop3A_611 = vector.bitcast %parallel_loop3A_610 : vector<16xf32> to vector<16xi32>
        %parallel_loop3A_612 = arith.constant 1258291200 : i32
        %parallel_loop3A_613 = vector.broadcast %parallel_loop3A_612 : i32 to vector<16xi32>
        %parallel_loop3A_614 = arith.subi %parallel_loop3A_611, %parallel_loop3A_613 : vector<16xi32>
        %parallel_loop3A_615 = arith.constant 1024 : i32
        %parallel_loop3A_616 = vector.broadcast %parallel_loop3A_615 : i32 to vector<16xi32>
        %parallel_loop3A_617 = arith.muli %parallel_loop3A_272, %parallel_loop3A_616 : vector<16xi32>
        %parallel_loop3A_618 = arith.subi %parallel_loop3A_617, %parallel_loop3A_614 : vector<16xi32>
        %parallel_loop3A_619 = arith.constant 1023 : i32
        %parallel_loop3A_620 = vector.broadcast %parallel_loop3A_619 : i32 to vector<16xi32>
        %parallel_loop3A_621 = arith.addi %parallel_loop3A_618, %parallel_loop3A_620 : vector<16xi32>
        %parallel_loop3A_622 = arith.addi %parallel_loop3A_617, %parallel_loop3A_614 : vector<16xi32>
        %parallel_loop3A_623 = arith.constant 19456 : i32
        %parallel_loop3A_624 = vector.broadcast %parallel_loop3A_623 : i32 to vector<16xi32>
        %parallel_loop3A_625 = arith.addi %parallel_loop3A_622, %parallel_loop3A_624 : vector<16xi32>
        tpu.vector_store_idx %arg7[%parallel_loop3A_625], %broadcast_in_dim3A_43 {add = true} : memref<38976xi32, #tpu.memory_space<vmem>>[vector<16xi32>], vector<16xi32>,
        %parallel_loop3A_626 = arith.constant 19456 : i32
        %parallel_loop3A_627 = vector.broadcast %parallel_loop3A_626 : i32 to vector<16xi32>
        %parallel_loop3A_628 = arith.addi %parallel_loop3A_621, %parallel_loop3A_627 : vector<16xi32>
        tpu.vector_store_idx %arg7[%parallel_loop3A_628], %broadcast_in_dim3A_41 {add = true} : memref<38976xi32, #tpu.memory_space<vmem>>[vector<16xi32>], vector<16xi32>,
        tpu.vector_store_idx %arg7[%parallel_loop3A_621], %broadcast_in_dim3A_41 {add = true} : memref<38976xi32, #tpu.memory_space<vmem>>[vector<16xi32>], vector<16xi32>,
      } {sc.loop_unroll_factor = 2 : i64, sc.parallel_access}
      %add3A_174 = arith.constant 2 : i32
      %add3A_175 = arith.addi %mul3A_94, %add3A_174 : i32
      %lt3A_176 = arith.constant 32 : i32
      %lt3A_177 = arith.cmpi slt, %add3A_175, %lt3A_176 : i32
      %convert_element_type3A = arith.extui %lt3A_177 : i1 to i32
      %cond3A = arith.constant 0 : i32
      %cond3A_178 = arith.cmpi ne, %convert_element_type3A, %cond3A : i32
      scf.if %cond3A_178 {
        %add3A_225 = arith.constant 2 : i32
        %add3A_226 = arith.addi %mul3A_94, %add3A_225 : i32
        %mul3A_227 = arith.constant 2 : i32
        %mul3A_228 = arith.muli %add3A_226, %mul3A_227 : i32
        %add3A_229 = arith.addi %mul3A_32, %mul3A_228 : i32
        %dma_start3A_230 = arith.constant 0 : i32
        %dma_start3A_231 = arith.constant 0 : i32
        %dma_start3A_232 = arith.constant 0 : i32
        %dma_start3A_233 = arith.constant 0 : i32
        %dma_start3A_234 = tpu.memref_slice %arg5[%dma_start3A_230, %dma_start3A_231, %dma_start3A_232, %dma_start3A_233] : memref<2x19x2x512xf32, #tpu.memory_space<vmem>> -> memref<1x19x2x512xf32, #tpu.memory_space<vmem>>
        %dma_start3A_235 = tpu.memref_squeeze %dma_start3A_234 : memref<1x19x2x512xf32, #tpu.memory_space<vmem>> -> memref<19x2x512xf32, #tpu.memory_space<vmem>>
        %dma_start3A_236 = arith.constant 0 : i32
        %dma_start3A_237 = arith.constant 0 : i32
        %dma_start3A_238 = tpu.memref_slice %arg2[%select_n3A, %dma_start3A_236, %add3A_229, %dma_start3A_237] : memref<4x19x512x512xf32, #tpu.memory_space<hbm>> -> memref<1x19x2x512xf32, #tpu.memory_space<hbm>>
        %dma_start3A_239 = tpu.memref_squeeze %dma_start3A_238 : memref<1x19x2x512xf32, #tpu.memory_space<hbm>> -> memref<19x2x512xf32, #tpu.memory_space<hbm>>
        %dma_start3A_240 = arith.constant 0 : i32
        %dma_start3A_241 = arith.constant 0 : i32
        %dma_start3A_242 = arith.constant 0 : i32
        %dma_start3A_243 = tpu.memref_slice %arg5[%dma_start3A_230, %dma_start3A_240, %dma_start3A_241, %dma_start3A_242] : memref<2x19x2x512xf32, #tpu.memory_space<vmem>> -> memref<1x19x2x512xf32, #tpu.memory_space<vmem>>
        %dma_start3A_244 = tpu.memref_squeeze %dma_start3A_243 : memref<1x19x2x512xf32, #tpu.memory_space<vmem>> -> memref<19x2x512xf32, #tpu.memory_space<vmem>>
        %dma_start3A_245 = arith.constant 0 : i32
        %dma_start3A_246 = arith.constant 0 : i32
        %dma_start3A_247 = tpu.memref_slice %arg2[%select_n3A, %dma_start3A_245, %add3A_229, %dma_start3A_246] : memref<4x19x512x512xf32, #tpu.memory_space<hbm>> -> memref<1x19x2x512xf32, #tpu.memory_space<hbm>>
        %dma_start3A_248 = tpu.memref_squeeze %dma_start3A_247 : memref<1x19x2x512xf32, #tpu.memory_space<hbm>> -> memref<19x2x512xf32, #tpu.memory_space<hbm>>
        tpu.enqueue_dma source(%dma_start3A_248 : memref<19x2x512xf32, #tpu.memory_space<hbm>>) target(%dma_start3A_244 : memref<19x2x512xf32, #tpu.memory_space<vmem>>) target_semaphore(%arg8 : memref<!tpu.dma_semaphore, #tpu.memory_space<semaphore_mem>>)
        %dma_start3A_249 = arith.constant 0 : i32
        %dma_start3A_250 = arith.constant 0 : i32
        %dma_start3A_251 = arith.constant 0 : i32
        %dma_start3A_252 = arith.constant 0 : i32
        %dma_start3A_253 = tpu.memref_slice %arg6[%dma_start3A_250, %dma_start3A_251, %dma_start3A_252] : memref<2x2x512xi32, #tpu.memory_space<vmem>> -> memref<1x2x512xi32, #tpu.memory_space<vmem>>
        %dma_start3A_254 = tpu.memref_squeeze %dma_start3A_253 : memref<1x2x512xi32, #tpu.memory_space<vmem>> -> memref<2x512xi32, #tpu.memory_space<vmem>>
        %dma_start3A_255 = arith.constant 0 : i32
        %dma_start3A_256 = tpu.memref_slice %arg3[%select_n3A, %dma_start3A_249, %add3A_229, %dma_start3A_255] : memref<4x1x512x512xi32, #tpu.memory_space<hbm>> -> memref<1x1x2x512xi32, #tpu.memory_space<hbm>>
        %dma_start3A_257 = tpu.memref_squeeze %dma_start3A_256 : memref<1x1x2x512xi32, #tpu.memory_space<hbm>> -> memref<2x512xi32, #tpu.memory_space<hbm>>
        %dma_start3A_258 = arith.constant 0 : i32
        %dma_start3A_259 = arith.constant 0 : i32
        %dma_start3A_260 = tpu.memref_slice %arg6[%dma_start3A_250, %dma_start3A_258, %dma_start3A_259] : memref<2x2x512xi32, #tpu.memory_space<vmem>> -> memref<1x2x512xi32, #tpu.memory_space<vmem>>
        %dma_start3A_261 = tpu.memref_squeeze %dma_start3A_260 : memref<1x2x512xi32, #tpu.memory_space<vmem>> -> memref<2x512xi32, #tpu.memory_space<vmem>>
        %dma_start3A_262 = arith.constant 0 : i32
        %dma_start3A_263 = tpu.memref_slice %arg3[%select_n3A, %dma_start3A_249, %add3A_229, %dma_start3A_262] : memref<4x1x512x512xi32, #tpu.memory_space<hbm>> -> memref<1x1x2x512xi32, #tpu.memory_space<hbm>>
        %dma_start3A_264 = tpu.memref_squeeze %dma_start3A_263 : memref<1x1x2x512xi32, #tpu.memory_space<hbm>> -> memref<2x512xi32, #tpu.memory_space<hbm>>
        tpu.enqueue_dma source(%dma_start3A_264 : memref<2x512xi32, #tpu.memory_space<hbm>>) target(%dma_start3A_261 : memref<2x512xi32, #tpu.memory_space<vmem>>) target_semaphore(%arg8 : memref<!tpu.dma_semaphore, #tpu.memory_space<semaphore_mem>>)
      } else {
      }
      %add3A_179 = arith.constant 1 : i32
      %add3A_180 = arith.addi %mul3A_94, %add3A_179 : i32
      %mul3A_181 = arith.constant 2 : i32
      %mul3A_182 = arith.muli %add3A_180, %mul3A_181 : i32
      %add3A_183 = arith.addi %mul3A_32, %mul3A_182 : i32
      %dma_wait3A_184 = arith.constant 1 : i32
      %dma_wait3A_185 = arith.constant 0 : i32
      %dma_wait3A_186 = arith.constant 0 : i32
      %dma_wait3A_187 = arith.constant 0 : i32
      %dma_wait3A_188 = tpu.memref_slice %arg5[%dma_wait3A_184, %dma_wait3A_185, %dma_wait3A_186, %dma_wait3A_187] : memref<2x19x2x512xf32, #tpu.memory_space<vmem>> -> memref<1x19x2x512xf32, #tpu.memory_space<vmem>>
      %dma_wait3A_189 = tpu.memref_squeeze %dma_wait3A_188 : memref<1x19x2x512xf32, #tpu.memory_space<vmem>> -> memref<19x2x512xf32, #tpu.memory_space<vmem>>
      %dma_wait3A_190 = arith.constant 0 : i32
      %dma_wait3A_191 = arith.constant 0 : i32
      %dma_wait3A_192 = tpu.memref_slice %arg2[%select_n3A, %dma_wait3A_190, %add3A_183, %dma_wait3A_191] : memref<4x19x512x512xf32, #tpu.memory_space<hbm>> -> memref<1x19x2x512xf32, #tpu.memory_space<hbm>>
      %dma_wait3A_193 = tpu.memref_squeeze %dma_wait3A_192 : memref<1x19x2x512xf32, #tpu.memory_space<hbm>> -> memref<19x2x512xf32, #tpu.memory_space<hbm>>
      %dma_wait3A_194 = arith.constant 0 : i32
      %dma_wait3A_195 = arith.constant 0 : i32
      %dma_wait3A_196 = arith.constant 0 : i32
      %dma_wait3A_197 = tpu.memref_slice %arg5[%dma_wait3A_184, %dma_wait3A_194, %dma_wait3A_195, %dma_wait3A_196] : memref<2x19x2x512xf32, #tpu.memory_space<vmem>> -> memref<1x19x2x512xf32, #tpu.memory_space<vmem>>
      %dma_wait3A_198 = tpu.memref_squeeze %dma_wait3A_197 : memref<1x19x2x512xf32, #tpu.memory_space<vmem>> -> memref<19x2x512xf32, #tpu.memory_space<vmem>>
      %dma_wait3A_199 = arith.constant 0 : i32
      %dma_wait3A_200 = arith.constant 0 : i32
      %dma_wait3A_201 = tpu.memref_slice %arg2[%select_n3A, %dma_wait3A_199, %add3A_183, %dma_wait3A_200] : memref<4x19x512x512xf32, #tpu.memory_space<hbm>> -> memref<1x19x2x512xf32, #tpu.memory_space<hbm>>
      %dma_wait3A_202 = tpu.memref_squeeze %dma_wait3A_201 : memref<1x19x2x512xf32, #tpu.memory_space<hbm>> -> memref<19x2x512xf32, #tpu.memory_space<hbm>>
      tpu.wait_dma2 semaphore(%arg8 : memref<!tpu.dma_semaphore, #tpu.memory_space<semaphore_mem>>) src(%dma_wait3A_202 : memref<19x2x512xf32, #tpu.memory_space<hbm>>) dst(%dma_wait3A_198 : memref<19x2x512xf32, #tpu.memory_space<vmem>>)
      %dma_wait3A_203 = arith.constant 0 : i32
      %dma_wait3A_204 = arith.constant 1 : i32
      %dma_wait3A_205 = arith.constant 0 : i32
      %dma_wait3A_206 = arith.constant 0 : i32
      %dma_wait3A_207 = tpu.memref_slice %arg6[%dma_wait3A_204, %dma_wait3A_205, %dma_wait3A_206] : memref<2x2x512xi32, #tpu.memory_space<vmem>> -> memref<1x2x512xi32, #tpu.memory_space<vmem>>
      %dma_wait3A_208 = tpu.memref_squeeze %dma_wait3A_207 : memref<1x2x512xi32, #tpu.memory_space<vmem>> -> memref<2x512xi32, #tpu.memory_space<vmem>>
      %dma_wait3A_209 = arith.constant 0 : i32
      %dma_wait3A_210 = tpu.memref_slice %arg3[%select_n3A, %dma_wait3A_203, %add3A_183, %dma_wait3A_209] : memref<4x1x512x512xi32, #tpu.memory_space<hbm>> -> memref<1x1x2x512xi32, #tpu.memory_space<hbm>>
      %dma_wait3A_211 = tpu.memref_squeeze %dma_wait3A_210 : memref<1x1x2x512xi32, #tpu.memory_space<hbm>> -> memref<2x512xi32, #tpu.memory_space<hbm>>
      %dma_wait3A_212 = arith.constant 0 : i32
      %dma_wait3A_213 = arith.constant 0 : i32
      %dma_wait3A_214 = tpu.memref_slice %arg6[%dma_wait3A_204, %dma_wait3A_212, %dma_wait3A_213] : memref<2x2x512xi32, #tpu.memory_space<vmem>> -> memref<1x2x512xi32, #tpu.memory_space<vmem>>
      %dma_wait3A_215 = tpu.memref_squeeze %dma_wait3A_214 : memref<1x2x512xi32, #tpu.memory_space<vmem>> -> memref<2x512xi32, #tpu.memory_space<vmem>>
      %dma_wait3A_216 = arith.constant 0 : i32
      %dma_wait3A_217 = tpu.memref_slice %arg3[%select_n3A, %dma_wait3A_203, %add3A_183, %dma_wait3A_216] : memref<4x1x512x512xi32, #tpu.memory_space<hbm>> -> memref<1x1x2x512xi32, #tpu.memory_space<hbm>>
      %dma_wait3A_218 = tpu.memref_squeeze %dma_wait3A_217 : memref<1x1x2x512xi32, #tpu.memory_space<hbm>> -> memref<2x512xi32, #tpu.memory_space<hbm>>
      tpu.wait_dma2 semaphore(%arg8 : memref<!tpu.dma_semaphore, #tpu.memory_space<semaphore_mem>>) src(%dma_wait3A_218 : memref<2x512xi32, #tpu.memory_space<hbm>>) dst(%dma_wait3A_215 : memref<2x512xi32, #tpu.memory_space<vmem>>)
      %add3A_219 = arith.constant 1 : i32
      %add3A_220 = arith.addi %mul3A_94, %add3A_219 : i32
      %parallel_loop3A_221 = arith.constant 0 : i32
      %parallel_loop3A_222 = arith.constant 64 : i32
      %parallel_loop3A_223 = arith.constant 1 : i32
      scf.for %parallel_loop3A_225 = %parallel_loop3A_221 to %parallel_loop3A_222 step %parallel_loop3A_223  : i32 {
        %parallel_loop3A_226 = arith.constant 32 : i32
        %parallel_loop3A_227 = arith.divsi %parallel_loop3A_225, %parallel_loop3A_226 : i32
        %parallel_loop3A_228 = arith.constant 0 : i32
        %parallel_loop3A_229 = arith.cmpi sgt, %parallel_loop3A_225, %parallel_loop3A_228 : i32
        %parallel_loop3A_230 = arith.extui %parallel_loop3A_229 : i1 to i32
        %parallel_loop3A_231 = arith.constant 0 : i32
        %parallel_loop3A_232 = arith.cmpi slt, %parallel_loop3A_225, %parallel_loop3A_231 : i32
        %parallel_loop3A_233 = arith.extui %parallel_loop3A_232 : i1 to i32
        %parallel_loop3A_234 = arith.subi %parallel_loop3A_230, %parallel_loop3A_233 : i32
        %parallel_loop3A_235 = arith.constant 0 : i32
        %parallel_loop3A_236 = arith.cmpi sgt, %parallel_loop3A_226, %parallel_loop3A_235 : i32
        %parallel_loop3A_237 = arith.extui %parallel_loop3A_236 : i1 to i32
        %parallel_loop3A_238 = arith.constant 0 : i32
        %parallel_loop3A_239 = arith.cmpi slt, %parallel_loop3A_226, %parallel_loop3A_238 : i32
        %parallel_loop3A_240 = arith.extui %parallel_loop3A_239 : i1 to i32
        %parallel_loop3A_241 = arith.subi %parallel_loop3A_237, %parallel_loop3A_240 : i32
        %parallel_loop3A_242 = arith.cmpi ne, %parallel_loop3A_234, %parallel_loop3A_241 : i32
        %parallel_loop3A_243 = arith.remsi %parallel_loop3A_225, %parallel_loop3A_226 : i32
        %parallel_loop3A_244 = arith.constant 0 : i32
        %parallel_loop3A_245 = arith.cmpi ne, %parallel_loop3A_243, %parallel_loop3A_244 : i32
        %parallel_loop3A_246 = arith.andi %parallel_loop3A_242, %parallel_loop3A_245 : i1
        %parallel_loop3A_247 = arith.constant 1 : i32
        %parallel_loop3A_248 = arith.subi %parallel_loop3A_227, %parallel_loop3A_247 : i32
        %parallel_loop3A_249 = arith.select %parallel_loop3A_246, %parallel_loop3A_248, %parallel_loop3A_227 : i32
        %parallel_loop3A_250 = arith.constant 32 : i32
        %parallel_loop3A_251 = arith.constant 0 : i32
        %parallel_loop3A_252 = arith.cmpi eq, %parallel_loop3A_250, %parallel_loop3A_251 : i32
        %parallel_loop3A_253 = arith.constant 1 : i32
        %parallel_loop3A_254 = arith.select %parallel_loop3A_252, %parallel_loop3A_253, %parallel_loop3A_250 : i32
        %parallel_loop3A_255 = arith.remsi %parallel_loop3A_225, %parallel_loop3A_254 : i32
        %parallel_loop3A_256 = arith.constant 0 : i32
        %parallel_loop3A_257 = arith.cmpi ne, %parallel_loop3A_255, %parallel_loop3A_256 : i32
        %parallel_loop3A_258 = arith.constant 0 : i32
        %parallel_loop3A_259 = arith.cmpi slt, %parallel_loop3A_255, %parallel_loop3A_258 : i32
        %parallel_loop3A_260 = arith.constant 0 : i32
        %parallel_loop3A_261 = arith.cmpi slt, %parallel_loop3A_254, %parallel_loop3A_260 : i32
        %parallel_loop3A_262 = arith.xori %parallel_loop3A_259, %parallel_loop3A_261 : i1
        %parallel_loop3A_263 = arith.andi %parallel_loop3A_262, %parallel_loop3A_257 : i1
        %parallel_loop3A_264 = arith.addi %parallel_loop3A_255, %parallel_loop3A_254 : i32
        %parallel_loop3A_265 = arith.select %parallel_loop3A_263, %parallel_loop3A_264, %parallel_loop3A_255 : i32
        %parallel_loop3A_266 = arith.constant 16 : i32
        %parallel_loop3A_267 = arith.muli %parallel_loop3A_265, %parallel_loop3A_266 : i32
        %parallel_loop3A_268 = arith.constant 1 : i32
        %parallel_loop3A_269 = arith.index_cast %parallel_loop3A_268 : i32 to index
        %parallel_loop3A_270 = arith.index_cast %parallel_loop3A_249 : i32 to index
        %parallel_loop3A_271 = arith.index_cast %parallel_loop3A_267 : i32 to index
        %parallel_loop3A_272 = tpu.vector_load %arg6[%parallel_loop3A_269, %parallel_loop3A_270, %parallel_loop3A_271] {strides = array<i32>} : memref<2x2x512xi32, #tpu.memory_space<vmem>>, vector<16xi32>,
        %parallel_loop3A_273 = arith.constant 1 : i32
        %parallel_loop3A_274 = arith.constant 0 : i32
        %parallel_loop3A_275 = arith.index_cast %parallel_loop3A_273 : i32 to index
        %parallel_loop3A_276 = arith.index_cast %parallel_loop3A_274 : i32 to index
        %parallel_loop3A_277 = arith.index_cast %parallel_loop3A_249 : i32 to index
        %parallel_loop3A_278 = arith.index_cast %parallel_loop3A_267 : i32 to index
        %parallel_loop3A_279 = tpu.vector_load %arg5[%parallel_loop3A_275, %parallel_loop3A_276, %parallel_loop3A_277, %parallel_loop3A_278] {strides = array<i32>} : memref<2x19x2x512xf32, #tpu.memory_space<vmem>>, vector<16xf32>,
        %parallel_loop3A_280 = math.exp %parallel_loop3A_279 : vector<16xf32>
        %parallel_loop3A_281 = arith.constant 1 : i32
        %parallel_loop3A_282 = arith.constant 1 : i32
        %parallel_loop3A_283 = arith.index_cast %parallel_loop3A_281 : i32 to index
        %parallel_loop3A_284 = arith.index_cast %parallel_loop3A_282 : i32 to index
        %parallel_loop3A_285 = arith.index_cast %parallel_loop3A_249 : i32 to index
        %parallel_loop3A_286 = arith.index_cast %parallel_loop3A_267 : i32 to index
        %parallel_loop3A_287 = tpu.vector_load %arg5[%parallel_loop3A_283, %parallel_loop3A_284, %parallel_loop3A_285, %parallel_loop3A_286] {strides = array<i32>} : memref<2x19x2x512xf32, #tpu.memory_space<vmem>>, vector<16xf32>,
        %parallel_loop3A_288 = math.exp %parallel_loop3A_287 : vector<16xf32>
        %parallel_loop3A_289 = arith.constant 1 : i32
        %parallel_loop3A_290 = arith.constant 2 : i32
        %parallel_loop3A_291 = arith.index_cast %parallel_loop3A_289 : i32 to index
        %parallel_loop3A_292 = arith.index_cast %parallel_loop3A_290 : i32 to index
        %parallel_loop3A_293 = arith.index_cast %parallel_loop3A_249 : i32 to index
        %parallel_loop3A_294 = arith.index_cast %parallel_loop3A_267 : i32 to index
        %parallel_loop3A_295 = tpu.vector_load %arg5[%parallel_loop3A_291, %parallel_loop3A_292, %parallel_loop3A_293, %parallel_loop3A_294] {strides = array<i32>} : memref<2x19x2x512xf32, #tpu.memory_space<vmem>>, vector<16xf32>,
        %parallel_loop3A_296 = math.exp %parallel_loop3A_295 : vector<16xf32>
        %parallel_loop3A_297 = arith.constant 1 : i32
        %parallel_loop3A_298 = arith.constant 3 : i32
        %parallel_loop3A_299 = arith.index_cast %parallel_loop3A_297 : i32 to index
        %parallel_loop3A_300 = arith.index_cast %parallel_loop3A_298 : i32 to index
        %parallel_loop3A_301 = arith.index_cast %parallel_loop3A_249 : i32 to index
        %parallel_loop3A_302 = arith.index_cast %parallel_loop3A_267 : i32 to index
        %parallel_loop3A_303 = tpu.vector_load %arg5[%parallel_loop3A_299, %parallel_loop3A_300, %parallel_loop3A_301, %parallel_loop3A_302] {strides = array<i32>} : memref<2x19x2x512xf32, #tpu.memory_space<vmem>>, vector<16xf32>,
        %parallel_loop3A_304 = math.exp %parallel_loop3A_303 : vector<16xf32>
        %parallel_loop3A_305 = arith.constant 1 : i32
        %parallel_loop3A_306 = arith.constant 4 : i32
        %parallel_loop3A_307 = arith.index_cast %parallel_loop3A_305 : i32 to index
        %parallel_loop3A_308 = arith.index_cast %parallel_loop3A_306 : i32 to index
        %parallel_loop3A_309 = arith.index_cast %parallel_loop3A_249 : i32 to index
        %parallel_loop3A_310 = arith.index_cast %parallel_loop3A_267 : i32 to index
        %parallel_loop3A_311 = tpu.vector_load %arg5[%parallel_loop3A_307, %parallel_loop3A_308, %parallel_loop3A_309, %parallel_loop3A_310] {strides = array<i32>} : memref<2x19x2x512xf32, #tpu.memory_space<vmem>>, vector<16xf32>,
        %parallel_loop3A_312 = math.exp %parallel_loop3A_311 : vector<16xf32>
        %parallel_loop3A_313 = arith.constant 1 : i32
        %parallel_loop3A_314 = arith.constant 5 : i32
        %parallel_loop3A_315 = arith.index_cast %parallel_loop3A_313 : i32 to index
        %parallel_loop3A_316 = arith.index_cast %parallel_loop3A_314 : i32 to index
        %parallel_loop3A_317 = arith.index_cast %parallel_loop3A_249 : i32 to index
        %parallel_loop3A_318 = arith.index_cast %parallel_loop3A_267 : i32 to index
        %parallel_loop3A_319 = tpu.vector_load %arg5[%parallel_loop3A_315, %parallel_loop3A_316, %parallel_loop3A_317, %parallel_loop3A_318] {strides = array<i32>} : memref<2x19x2x512xf32, #tpu.memory_space<vmem>>, vector<16xf32>,
        %parallel_loop3A_320 = math.exp %parallel_loop3A_319 : vector<16xf32>
        %parallel_loop3A_321 = arith.constant 1 : i32
        %parallel_loop3A_322 = arith.constant 6 : i32
        %parallel_loop3A_323 = arith.index_cast %parallel_loop3A_321 : i32 to index
        %parallel_loop3A_324 = arith.index_cast %parallel_loop3A_322 : i32 to index
        %parallel_loop3A_325 = arith.index_cast %parallel_loop3A_249 : i32 to index
        %parallel_loop3A_326 = arith.index_cast %parallel_loop3A_267 : i32 to index
        %parallel_loop3A_327 = tpu.vector_load %arg5[%parallel_loop3A_323, %parallel_loop3A_324, %parallel_loop3A_325, %parallel_loop3A_326] {strides = array<i32>} : memref<2x19x2x512xf32, #tpu.memory_space<vmem>>, vector<16xf32>,
        %parallel_loop3A_328 = math.exp %parallel_loop3A_327 : vector<16xf32>
        %parallel_loop3A_329 = arith.constant 1 : i32
        %parallel_loop3A_330 = arith.constant 7 : i32
        %parallel_loop3A_331 = arith.index_cast %parallel_loop3A_329 : i32 to index
        %parallel_loop3A_332 = arith.index_cast %parallel_loop3A_330 : i32 to index
        %parallel_loop3A_333 = arith.index_cast %parallel_loop3A_249 : i32 to index
        %parallel_loop3A_334 = arith.index_cast %parallel_loop3A_267 : i32 to index
        %parallel_loop3A_335 = tpu.vector_load %arg5[%parallel_loop3A_331, %parallel_loop3A_332, %parallel_loop3A_333, %parallel_loop3A_334] {strides = array<i32>} : memref<2x19x2x512xf32, #tpu.memory_space<vmem>>, vector<16xf32>,
        %parallel_loop3A_336 = math.exp %parallel_loop3A_335 : vector<16xf32>
        %parallel_loop3A_337 = arith.constant 1 : i32
        %parallel_loop3A_338 = arith.constant 8 : i32
        %parallel_loop3A_339 = arith.index_cast %parallel_loop3A_337 : i32 to index
        %parallel_loop3A_340 = arith.index_cast %parallel_loop3A_338 : i32 to index
        %parallel_loop3A_341 = arith.index_cast %parallel_loop3A_249 : i32 to index
        %parallel_loop3A_342 = arith.index_cast %parallel_loop3A_267 : i32 to index
        %parallel_loop3A_343 = tpu.vector_load %arg5[%parallel_loop3A_339, %parallel_loop3A_340, %parallel_loop3A_341, %parallel_loop3A_342] {strides = array<i32>} : memref<2x19x2x512xf32, #tpu.memory_space<vmem>>, vector<16xf32>,
        %parallel_loop3A_344 = math.exp %parallel_loop3A_343 : vector<16xf32>
        %parallel_loop3A_345 = arith.constant 1 : i32
        %parallel_loop3A_346 = arith.constant 9 : i32
        %parallel_loop3A_347 = arith.index_cast %parallel_loop3A_345 : i32 to index
        %parallel_loop3A_348 = arith.index_cast %parallel_loop3A_346 : i32 to index
        %parallel_loop3A_349 = arith.index_cast %parallel_loop3A_249 : i32 to index
        %parallel_loop3A_350 = arith.index_cast %parallel_loop3A_267 : i32 to index
        %parallel_loop3A_351 = tpu.vector_load %arg5[%parallel_loop3A_347, %parallel_loop3A_348, %parallel_loop3A_349, %parallel_loop3A_350] {strides = array<i32>} : memref<2x19x2x512xf32, #tpu.memory_space<vmem>>, vector<16xf32>,
        %parallel_loop3A_352 = math.exp %parallel_loop3A_351 : vector<16xf32>
        %parallel_loop3A_353 = arith.constant 1 : i32
        %parallel_loop3A_354 = arith.constant 10 : i32
        %parallel_loop3A_355 = arith.index_cast %parallel_loop3A_353 : i32 to index
        %parallel_loop3A_356 = arith.index_cast %parallel_loop3A_354 : i32 to index
        %parallel_loop3A_357 = arith.index_cast %parallel_loop3A_249 : i32 to index
        %parallel_loop3A_358 = arith.index_cast %parallel_loop3A_267 : i32 to index
        %parallel_loop3A_359 = tpu.vector_load %arg5[%parallel_loop3A_355, %parallel_loop3A_356, %parallel_loop3A_357, %parallel_loop3A_358] {strides = array<i32>} : memref<2x19x2x512xf32, #tpu.memory_space<vmem>>, vector<16xf32>,
        %parallel_loop3A_360 = math.exp %parallel_loop3A_359 : vector<16xf32>
        %parallel_loop3A_361 = arith.constant 1 : i32
        %parallel_loop3A_362 = arith.constant 11 : i32
        %parallel_loop3A_363 = arith.index_cast %parallel_loop3A_361 : i32 to index
        %parallel_loop3A_364 = arith.index_cast %parallel_loop3A_362 : i32 to index
        %parallel_loop3A_365 = arith.index_cast %parallel_loop3A_249 : i32 to index
        %parallel_loop3A_366 = arith.index_cast %parallel_loop3A_267 : i32 to index
        %parallel_loop3A_367 = tpu.vector_load %arg5[%parallel_loop3A_363, %parallel_loop3A_364, %parallel_loop3A_365, %parallel_loop3A_366] {strides = array<i32>} : memref<2x19x2x512xf32, #tpu.memory_space<vmem>>, vector<16xf32>,
        %parallel_loop3A_368 = math.exp %parallel_loop3A_367 : vector<16xf32>
        %parallel_loop3A_369 = arith.constant 1 : i32
        %parallel_loop3A_370 = arith.constant 12 : i32
        %parallel_loop3A_371 = arith.index_cast %parallel_loop3A_369 : i32 to index
        %parallel_loop3A_372 = arith.index_cast %parallel_loop3A_370 : i32 to index
        %parallel_loop3A_373 = arith.index_cast %parallel_loop3A_249 : i32 to index
        %parallel_loop3A_374 = arith.index_cast %parallel_loop3A_267 : i32 to index
        %parallel_loop3A_375 = tpu.vector_load %arg5[%parallel_loop3A_371, %parallel_loop3A_372, %parallel_loop3A_373, %parallel_loop3A_374] {strides = array<i32>} : memref<2x19x2x512xf32, #tpu.memory_space<vmem>>, vector<16xf32>,
        %parallel_loop3A_376 = math.exp %parallel_loop3A_375 : vector<16xf32>
        %parallel_loop3A_377 = arith.constant 1 : i32
        %parallel_loop3A_378 = arith.constant 13 : i32
        %parallel_loop3A_379 = arith.index_cast %parallel_loop3A_377 : i32 to index
        %parallel_loop3A_380 = arith.index_cast %parallel_loop3A_378 : i32 to index
        %parallel_loop3A_381 = arith.index_cast %parallel_loop3A_249 : i32 to index
        %parallel_loop3A_382 = arith.index_cast %parallel_loop3A_267 : i32 to index
        %parallel_loop3A_383 = tpu.vector_load %arg5[%parallel_loop3A_379, %parallel_loop3A_380, %parallel_loop3A_381, %parallel_loop3A_382] {strides = array<i32>} : memref<2x19x2x512xf32, #tpu.memory_space<vmem>>, vector<16xf32>,
        %parallel_loop3A_384 = math.exp %parallel_loop3A_383 : vector<16xf32>
        %parallel_loop3A_385 = arith.constant 1 : i32
        %parallel_loop3A_386 = arith.constant 14 : i32
        %parallel_loop3A_387 = arith.index_cast %parallel_loop3A_385 : i32 to index
        %parallel_loop3A_388 = arith.index_cast %parallel_loop3A_386 : i32 to index
        %parallel_loop3A_389 = arith.index_cast %parallel_loop3A_249 : i32 to index
        %parallel_loop3A_390 = arith.index_cast %parallel_loop3A_267 : i32 to index
        %parallel_loop3A_391 = tpu.vector_load %arg5[%parallel_loop3A_387, %parallel_loop3A_388, %parallel_loop3A_389, %parallel_loop3A_390] {strides = array<i32>} : memref<2x19x2x512xf32, #tpu.memory_space<vmem>>, vector<16xf32>,
        %parallel_loop3A_392 = math.exp %parallel_loop3A_391 : vector<16xf32>
        %parallel_loop3A_393 = arith.constant 1 : i32
        %parallel_loop3A_394 = arith.constant 15 : i32
        %parallel_loop3A_395 = arith.index_cast %parallel_loop3A_393 : i32 to index
        %parallel_loop3A_396 = arith.index_cast %parallel_loop3A_394 : i32 to index
        %parallel_loop3A_397 = arith.index_cast %parallel_loop3A_249 : i32 to index
        %parallel_loop3A_398 = arith.index_cast %parallel_loop3A_267 : i32 to index
        %parallel_loop3A_399 = tpu.vector_load %arg5[%parallel_loop3A_395, %parallel_loop3A_396, %parallel_loop3A_397, %parallel_loop3A_398] {strides = array<i32>} : memref<2x19x2x512xf32, #tpu.memory_space<vmem>>, vector<16xf32>,
        %parallel_loop3A_400 = math.exp %parallel_loop3A_399 : vector<16xf32>
        %parallel_loop3A_401 = arith.constant 1 : i32
        %parallel_loop3A_402 = arith.constant 16 : i32
        %parallel_loop3A_403 = arith.index_cast %parallel_loop3A_401 : i32 to index
        %parallel_loop3A_404 = arith.index_cast %parallel_loop3A_402 : i32 to index
        %parallel_loop3A_405 = arith.index_cast %parallel_loop3A_249 : i32 to index
        %parallel_loop3A_406 = arith.index_cast %parallel_loop3A_267 : i32 to index
        %parallel_loop3A_407 = tpu.vector_load %arg5[%parallel_loop3A_403, %parallel_loop3A_404, %parallel_loop3A_405, %parallel_loop3A_406] {strides = array<i32>} : memref<2x19x2x512xf32, #tpu.memory_space<vmem>>, vector<16xf32>,
        %parallel_loop3A_408 = math.exp %parallel_loop3A_407 : vector<16xf32>
        %parallel_loop3A_409 = arith.constant 1 : i32
        %parallel_loop3A_410 = arith.constant 17 : i32
        %parallel_loop3A_411 = arith.index_cast %parallel_loop3A_409 : i32 to index
        %parallel_loop3A_412 = arith.index_cast %parallel_loop3A_410 : i32 to index
        %parallel_loop3A_413 = arith.index_cast %parallel_loop3A_249 : i32 to index
        %parallel_loop3A_414 = arith.index_cast %parallel_loop3A_267 : i32 to index
        %parallel_loop3A_415 = tpu.vector_load %arg5[%parallel_loop3A_411, %parallel_loop3A_412, %parallel_loop3A_413, %parallel_loop3A_414] {strides = array<i32>} : memref<2x19x2x512xf32, #tpu.memory_space<vmem>>, vector<16xf32>,
        %parallel_loop3A_416 = math.exp %parallel_loop3A_415 : vector<16xf32>
        %parallel_loop3A_417 = arith.constant 1 : i32
        %parallel_loop3A_418 = arith.constant 18 : i32
        %parallel_loop3A_419 = arith.index_cast %parallel_loop3A_417 : i32 to index
        %parallel_loop3A_420 = arith.index_cast %parallel_loop3A_418 : i32 to index
        %parallel_loop3A_421 = arith.index_cast %parallel_loop3A_249 : i32 to index
        %parallel_loop3A_422 = arith.index_cast %parallel_loop3A_267 : i32 to index
        %parallel_loop3A_423 = tpu.vector_load %arg5[%parallel_loop3A_419, %parallel_loop3A_420, %parallel_loop3A_421, %parallel_loop3A_422] {strides = array<i32>} : memref<2x19x2x512xf32, #tpu.memory_space<vmem>>, vector<16xf32>,
        %parallel_loop3A_424 = math.exp %parallel_loop3A_423 : vector<16xf32>
        %parallel_loop3A_425 = arith.addf %parallel_loop3A_280, %parallel_loop3A_288 : vector<16xf32>
        %parallel_loop3A_426 = arith.addf %parallel_loop3A_296, %parallel_loop3A_304 : vector<16xf32>
        %parallel_loop3A_427 = arith.addf %parallel_loop3A_312, %parallel_loop3A_320 : vector<16xf32>
        %parallel_loop3A_428 = arith.addf %parallel_loop3A_328, %parallel_loop3A_336 : vector<16xf32>
        %parallel_loop3A_429 = arith.addf %parallel_loop3A_344, %parallel_loop3A_352 : vector<16xf32>
        %parallel_loop3A_430 = arith.addf %parallel_loop3A_360, %parallel_loop3A_368 : vector<16xf32>
        %parallel_loop3A_431 = arith.addf %parallel_loop3A_376, %parallel_loop3A_384 : vector<16xf32>
        %parallel_loop3A_432 = arith.addf %parallel_loop3A_392, %parallel_loop3A_400 : vector<16xf32>
        %parallel_loop3A_433 = arith.addf %parallel_loop3A_408, %parallel_loop3A_416 : vector<16xf32>
        %parallel_loop3A_434 = arith.addf %parallel_loop3A_425, %parallel_loop3A_426 : vector<16xf32>
        %parallel_loop3A_435 = arith.addf %parallel_loop3A_427, %parallel_loop3A_428 : vector<16xf32>
        %parallel_loop3A_436 = arith.addf %parallel_loop3A_429, %parallel_loop3A_430 : vector<16xf32>
        %parallel_loop3A_437 = arith.addf %parallel_loop3A_431, %parallel_loop3A_432 : vector<16xf32>
        %parallel_loop3A_438 = arith.addf %parallel_loop3A_433, %parallel_loop3A_424 : vector<16xf32>
        %parallel_loop3A_439 = arith.addf %parallel_loop3A_434, %parallel_loop3A_435 : vector<16xf32>
        %parallel_loop3A_440 = arith.addf %parallel_loop3A_436, %parallel_loop3A_437 : vector<16xf32>
        %parallel_loop3A_441 = arith.addf %parallel_loop3A_439, %parallel_loop3A_440 : vector<16xf32>
        %parallel_loop3A_442 = arith.addf %parallel_loop3A_441, %parallel_loop3A_438 : vector<16xf32>
        %parallel_loop3A_443 = arith.constant 1.024000e+03 : f32
        %parallel_loop3A_444 = vector.broadcast %parallel_loop3A_443 : f32 to vector<16xf32>
        %parallel_loop3A_445 = arith.divf %parallel_loop3A_444, %parallel_loop3A_442 : vector<16xf32>
        %parallel_loop3A_446 = arith.mulf %parallel_loop3A_280, %parallel_loop3A_445 : vector<16xf32>
        %parallel_loop3A_447 = arith.constant 0x4B000000 : f32
        %parallel_loop3A_448 = vector.broadcast %parallel_loop3A_447 : f32 to vector<16xf32>
        %parallel_loop3A_449 = arith.addf %parallel_loop3A_446, %parallel_loop3A_448 : vector<16xf32>
        %parallel_loop3A_450 = vector.bitcast %parallel_loop3A_449 : vector<16xf32> to vector<16xi32>
        %parallel_loop3A_451 = arith.constant 1258271744 : i32
        %parallel_loop3A_452 = vector.broadcast %parallel_loop3A_451 : i32 to vector<16xi32>
        %parallel_loop3A_453 = arith.subi %parallel_loop3A_450, %parallel_loop3A_452 : vector<16xi32>
        tpu.vector_store_idx %arg7[%parallel_loop3A_453], %broadcast_in_dim3A_41 {add = true} : memref<38976xi32, #tpu.memory_space<vmem>>[vector<16xi32>], vector<16xi32>,
        %parallel_loop3A_454 = arith.mulf %parallel_loop3A_288, %parallel_loop3A_445 : vector<16xf32>
        %parallel_loop3A_455 = arith.constant 0x4B000400 : f32
        %parallel_loop3A_456 = vector.broadcast %parallel_loop3A_455 : f32 to vector<16xf32>
        %parallel_loop3A_457 = arith.addf %parallel_loop3A_454, %parallel_loop3A_456 : vector<16xf32>
        %parallel_loop3A_458 = vector.bitcast %parallel_loop3A_457 : vector<16xf32> to vector<16xi32>
        %parallel_loop3A_459 = arith.constant 1258271744 : i32
        %parallel_loop3A_460 = vector.broadcast %parallel_loop3A_459 : i32 to vector<16xi32>
        %parallel_loop3A_461 = arith.subi %parallel_loop3A_458, %parallel_loop3A_460 : vector<16xi32>
        tpu.vector_store_idx %arg7[%parallel_loop3A_461], %broadcast_in_dim3A_41 {add = true} : memref<38976xi32, #tpu.memory_space<vmem>>[vector<16xi32>], vector<16xi32>,
        %parallel_loop3A_462 = arith.mulf %parallel_loop3A_296, %parallel_loop3A_445 : vector<16xf32>
        %parallel_loop3A_463 = arith.constant 0x4B000800 : f32
        %parallel_loop3A_464 = vector.broadcast %parallel_loop3A_463 : f32 to vector<16xf32>
        %parallel_loop3A_465 = arith.addf %parallel_loop3A_462, %parallel_loop3A_464 : vector<16xf32>
        %parallel_loop3A_466 = vector.bitcast %parallel_loop3A_465 : vector<16xf32> to vector<16xi32>
        %parallel_loop3A_467 = arith.constant 1258271744 : i32
        %parallel_loop3A_468 = vector.broadcast %parallel_loop3A_467 : i32 to vector<16xi32>
        %parallel_loop3A_469 = arith.subi %parallel_loop3A_466, %parallel_loop3A_468 : vector<16xi32>
        tpu.vector_store_idx %arg7[%parallel_loop3A_469], %broadcast_in_dim3A_41 {add = true} : memref<38976xi32, #tpu.memory_space<vmem>>[vector<16xi32>], vector<16xi32>,
        %parallel_loop3A_470 = arith.mulf %parallel_loop3A_304, %parallel_loop3A_445 : vector<16xf32>
        %parallel_loop3A_471 = arith.constant 8.391680e+06 : f32
        %parallel_loop3A_472 = vector.broadcast %parallel_loop3A_471 : f32 to vector<16xf32>
        %parallel_loop3A_473 = arith.addf %parallel_loop3A_470, %parallel_loop3A_472 : vector<16xf32>
        %parallel_loop3A_474 = vector.bitcast %parallel_loop3A_473 : vector<16xf32> to vector<16xi32>
        %parallel_loop3A_475 = arith.constant 1258271744 : i32
        %parallel_loop3A_476 = vector.broadcast %parallel_loop3A_475 : i32 to vector<16xi32>
        %parallel_loop3A_477 = arith.subi %parallel_loop3A_474, %parallel_loop3A_476 : vector<16xi32>
        tpu.vector_store_idx %arg7[%parallel_loop3A_477], %broadcast_in_dim3A_41 {add = true} : memref<38976xi32, #tpu.memory_space<vmem>>[vector<16xi32>], vector<16xi32>,
        %parallel_loop3A_478 = arith.mulf %parallel_loop3A_312, %parallel_loop3A_445 : vector<16xf32>
        %parallel_loop3A_479 = arith.constant 0x4B001000 : f32
        %parallel_loop3A_480 = vector.broadcast %parallel_loop3A_479 : f32 to vector<16xf32>
        %parallel_loop3A_481 = arith.addf %parallel_loop3A_478, %parallel_loop3A_480 : vector<16xf32>
        %parallel_loop3A_482 = vector.bitcast %parallel_loop3A_481 : vector<16xf32> to vector<16xi32>
        %parallel_loop3A_483 = arith.constant 1258271744 : i32
        %parallel_loop3A_484 = vector.broadcast %parallel_loop3A_483 : i32 to vector<16xi32>
        %parallel_loop3A_485 = arith.subi %parallel_loop3A_482, %parallel_loop3A_484 : vector<16xi32>
        tpu.vector_store_idx %arg7[%parallel_loop3A_485], %broadcast_in_dim3A_41 {add = true} : memref<38976xi32, #tpu.memory_space<vmem>>[vector<16xi32>], vector<16xi32>,
        %parallel_loop3A_486 = arith.mulf %parallel_loop3A_320, %parallel_loop3A_445 : vector<16xf32>
        %parallel_loop3A_487 = arith.constant 0x4B001400 : f32
        %parallel_loop3A_488 = vector.broadcast %parallel_loop3A_487 : f32 to vector<16xf32>
        %parallel_loop3A_489 = arith.addf %parallel_loop3A_486, %parallel_loop3A_488 : vector<16xf32>
        %parallel_loop3A_490 = vector.bitcast %parallel_loop3A_489 : vector<16xf32> to vector<16xi32>
        %parallel_loop3A_491 = arith.constant 1258271744 : i32
        %parallel_loop3A_492 = vector.broadcast %parallel_loop3A_491 : i32 to vector<16xi32>
        %parallel_loop3A_493 = arith.subi %parallel_loop3A_490, %parallel_loop3A_492 : vector<16xi32>
        tpu.vector_store_idx %arg7[%parallel_loop3A_493], %broadcast_in_dim3A_41 {add = true} : memref<38976xi32, #tpu.memory_space<vmem>>[vector<16xi32>], vector<16xi32>,
        %parallel_loop3A_494 = arith.mulf %parallel_loop3A_328, %parallel_loop3A_445 : vector<16xf32>
        %parallel_loop3A_495 = arith.constant 0x4B001800 : f32
        %parallel_loop3A_496 = vector.broadcast %parallel_loop3A_495 : f32 to vector<16xf32>
        %parallel_loop3A_497 = arith.addf %parallel_loop3A_494, %parallel_loop3A_496 : vector<16xf32>
        %parallel_loop3A_498 = vector.bitcast %parallel_loop3A_497 : vector<16xf32> to vector<16xi32>
        %parallel_loop3A_499 = arith.constant 1258271744 : i32
        %parallel_loop3A_500 = vector.broadcast %parallel_loop3A_499 : i32 to vector<16xi32>
        %parallel_loop3A_501 = arith.subi %parallel_loop3A_498, %parallel_loop3A_500 : vector<16xi32>
        tpu.vector_store_idx %arg7[%parallel_loop3A_501], %broadcast_in_dim3A_41 {add = true} : memref<38976xi32, #tpu.memory_space<vmem>>[vector<16xi32>], vector<16xi32>,
        %parallel_loop3A_502 = arith.mulf %parallel_loop3A_336, %parallel_loop3A_445 : vector<16xf32>
        %parallel_loop3A_503 = arith.constant 0x4B001C00 : f32
        %parallel_loop3A_504 = vector.broadcast %parallel_loop3A_503 : f32 to vector<16xf32>
        %parallel_loop3A_505 = arith.addf %parallel_loop3A_502, %parallel_loop3A_504 : vector<16xf32>
        %parallel_loop3A_506 = vector.bitcast %parallel_loop3A_505 : vector<16xf32> to vector<16xi32>
        %parallel_loop3A_507 = arith.constant 1258271744 : i32
        %parallel_loop3A_508 = vector.broadcast %parallel_loop3A_507 : i32 to vector<16xi32>
        %parallel_loop3A_509 = arith.subi %parallel_loop3A_506, %parallel_loop3A_508 : vector<16xi32>
        tpu.vector_store_idx %arg7[%parallel_loop3A_509], %broadcast_in_dim3A_41 {add = true} : memref<38976xi32, #tpu.memory_space<vmem>>[vector<16xi32>], vector<16xi32>,
        %parallel_loop3A_510 = arith.mulf %parallel_loop3A_344, %parallel_loop3A_445 : vector<16xf32>
        %parallel_loop3A_511 = arith.constant 8.396800e+06 : f32
        %parallel_loop3A_512 = vector.broadcast %parallel_loop3A_511 : f32 to vector<16xf32>
        %parallel_loop3A_513 = arith.addf %parallel_loop3A_510, %parallel_loop3A_512 : vector<16xf32>
        %parallel_loop3A_514 = vector.bitcast %parallel_loop3A_513 : vector<16xf32> to vector<16xi32>
        %parallel_loop3A_515 = arith.constant 1258271744 : i32
        %parallel_loop3A_516 = vector.broadcast %parallel_loop3A_515 : i32 to vector<16xi32>
        %parallel_loop3A_517 = arith.subi %parallel_loop3A_514, %parallel_loop3A_516 : vector<16xi32>
        tpu.vector_store_idx %arg7[%parallel_loop3A_517], %broadcast_in_dim3A_41 {add = true} : memref<38976xi32, #tpu.memory_space<vmem>>[vector<16xi32>], vector<16xi32>,
        %parallel_loop3A_518 = arith.mulf %parallel_loop3A_352, %parallel_loop3A_445 : vector<16xf32>
        %parallel_loop3A_519 = arith.constant 0x4B002400 : f32
        %parallel_loop3A_520 = vector.broadcast %parallel_loop3A_519 : f32 to vector<16xf32>
        %parallel_loop3A_521 = arith.addf %parallel_loop3A_518, %parallel_loop3A_520 : vector<16xf32>
        %parallel_loop3A_522 = vector.bitcast %parallel_loop3A_521 : vector<16xf32> to vector<16xi32>
        %parallel_loop3A_523 = arith.constant 1258271744 : i32
        %parallel_loop3A_524 = vector.broadcast %parallel_loop3A_523 : i32 to vector<16xi32>
        %parallel_loop3A_525 = arith.subi %parallel_loop3A_522, %parallel_loop3A_524 : vector<16xi32>
        tpu.vector_store_idx %arg7[%parallel_loop3A_525], %broadcast_in_dim3A_41 {add = true} : memref<38976xi32, #tpu.memory_space<vmem>>[vector<16xi32>], vector<16xi32>,
        %parallel_loop3A_526 = arith.mulf %parallel_loop3A_360, %parallel_loop3A_445 : vector<16xf32>
        %parallel_loop3A_527 = arith.constant 0x4B002800 : f32
        %parallel_loop3A_528 = vector.broadcast %parallel_loop3A_527 : f32 to vector<16xf32>
        %parallel_loop3A_529 = arith.addf %parallel_loop3A_526, %parallel_loop3A_528 : vector<16xf32>
        %parallel_loop3A_530 = vector.bitcast %parallel_loop3A_529 : vector<16xf32> to vector<16xi32>
        %parallel_loop3A_531 = arith.constant 1258271744 : i32
        %parallel_loop3A_532 = vector.broadcast %parallel_loop3A_531 : i32 to vector<16xi32>
        %parallel_loop3A_533 = arith.subi %parallel_loop3A_530, %parallel_loop3A_532 : vector<16xi32>
        tpu.vector_store_idx %arg7[%parallel_loop3A_533], %broadcast_in_dim3A_41 {add = true} : memref<38976xi32, #tpu.memory_space<vmem>>[vector<16xi32>], vector<16xi32>,
        %parallel_loop3A_534 = arith.mulf %parallel_loop3A_368, %parallel_loop3A_445 : vector<16xf32>
        %parallel_loop3A_535 = arith.constant 0x4B002C00 : f32
        %parallel_loop3A_536 = vector.broadcast %parallel_loop3A_535 : f32 to vector<16xf32>
        %parallel_loop3A_537 = arith.addf %parallel_loop3A_534, %parallel_loop3A_536 : vector<16xf32>
        %parallel_loop3A_538 = vector.bitcast %parallel_loop3A_537 : vector<16xf32> to vector<16xi32>
        %parallel_loop3A_539 = arith.constant 1258271744 : i32
        %parallel_loop3A_540 = vector.broadcast %parallel_loop3A_539 : i32 to vector<16xi32>
        %parallel_loop3A_541 = arith.subi %parallel_loop3A_538, %parallel_loop3A_540 : vector<16xi32>
        tpu.vector_store_idx %arg7[%parallel_loop3A_541], %broadcast_in_dim3A_41 {add = true} : memref<38976xi32, #tpu.memory_space<vmem>>[vector<16xi32>], vector<16xi32>,
        %parallel_loop3A_542 = arith.mulf %parallel_loop3A_376, %parallel_loop3A_445 : vector<16xf32>
        %parallel_loop3A_543 = arith.constant 0x4B003000 : f32
        %parallel_loop3A_544 = vector.broadcast %parallel_loop3A_543 : f32 to vector<16xf32>
        %parallel_loop3A_545 = arith.addf %parallel_loop3A_542, %parallel_loop3A_544 : vector<16xf32>
        %parallel_loop3A_546 = vector.bitcast %parallel_loop3A_545 : vector<16xf32> to vector<16xi32>
        %parallel_loop3A_547 = arith.constant 1258271744 : i32
        %parallel_loop3A_548 = vector.broadcast %parallel_loop3A_547 : i32 to vector<16xi32>
        %parallel_loop3A_549 = arith.subi %parallel_loop3A_546, %parallel_loop3A_548 : vector<16xi32>
        tpu.vector_store_idx %arg7[%parallel_loop3A_549], %broadcast_in_dim3A_41 {add = true} : memref<38976xi32, #tpu.memory_space<vmem>>[vector<16xi32>], vector<16xi32>,
        %parallel_loop3A_550 = arith.mulf %parallel_loop3A_384, %parallel_loop3A_445 : vector<16xf32>
        %parallel_loop3A_551 = arith.constant 8.401920e+06 : f32
        %parallel_loop3A_552 = vector.broadcast %parallel_loop3A_551 : f32 to vector<16xf32>
        %parallel_loop3A_553 = arith.addf %parallel_loop3A_550, %parallel_loop3A_552 : vector<16xf32>
        %parallel_loop3A_554 = vector.bitcast %parallel_loop3A_553 : vector<16xf32> to vector<16xi32>
        %parallel_loop3A_555 = arith.constant 1258271744 : i32
        %parallel_loop3A_556 = vector.broadcast %parallel_loop3A_555 : i32 to vector<16xi32>
        %parallel_loop3A_557 = arith.subi %parallel_loop3A_554, %parallel_loop3A_556 : vector<16xi32>
        tpu.vector_store_idx %arg7[%parallel_loop3A_557], %broadcast_in_dim3A_41 {add = true} : memref<38976xi32, #tpu.memory_space<vmem>>[vector<16xi32>], vector<16xi32>,
        %parallel_loop3A_558 = arith.mulf %parallel_loop3A_392, %parallel_loop3A_445 : vector<16xf32>
        %parallel_loop3A_559 = arith.constant 0x4B003800 : f32
        %parallel_loop3A_560 = vector.broadcast %parallel_loop3A_559 : f32 to vector<16xf32>
        %parallel_loop3A_561 = arith.addf %parallel_loop3A_558, %parallel_loop3A_560 : vector<16xf32>
        %parallel_loop3A_562 = vector.bitcast %parallel_loop3A_561 : vector<16xf32> to vector<16xi32>
        %parallel_loop3A_563 = arith.constant 1258271744 : i32
        %parallel_loop3A_564 = vector.broadcast %parallel_loop3A_563 : i32 to vector<16xi32>
        %parallel_loop3A_565 = arith.subi %parallel_loop3A_562, %parallel_loop3A_564 : vector<16xi32>
        tpu.vector_store_idx %arg7[%parallel_loop3A_565], %broadcast_in_dim3A_41 {add = true} : memref<38976xi32, #tpu.memory_space<vmem>>[vector<16xi32>], vector<16xi32>,
        %parallel_loop3A_566 = arith.mulf %parallel_loop3A_400, %parallel_loop3A_445 : vector<16xf32>
        %parallel_loop3A_567 = arith.constant 0x4B003C00 : f32
        %parallel_loop3A_568 = vector.broadcast %parallel_loop3A_567 : f32 to vector<16xf32>
        %parallel_loop3A_569 = arith.addf %parallel_loop3A_566, %parallel_loop3A_568 : vector<16xf32>
        %parallel_loop3A_570 = vector.bitcast %parallel_loop3A_569 : vector<16xf32> to vector<16xi32>
        %parallel_loop3A_571 = arith.constant 1258271744 : i32
        %parallel_loop3A_572 = vector.broadcast %parallel_loop3A_571 : i32 to vector<16xi32>
        %parallel_loop3A_573 = arith.subi %parallel_loop3A_570, %parallel_loop3A_572 : vector<16xi32>
        tpu.vector_store_idx %arg7[%parallel_loop3A_573], %broadcast_in_dim3A_41 {add = true} : memref<38976xi32, #tpu.memory_space<vmem>>[vector<16xi32>], vector<16xi32>,
        %parallel_loop3A_574 = arith.mulf %parallel_loop3A_408, %parallel_loop3A_445 : vector<16xf32>
        %parallel_loop3A_575 = arith.constant 0x4B004000 : f32
        %parallel_loop3A_576 = vector.broadcast %parallel_loop3A_575 : f32 to vector<16xf32>
        %parallel_loop3A_577 = arith.addf %parallel_loop3A_574, %parallel_loop3A_576 : vector<16xf32>
        %parallel_loop3A_578 = vector.bitcast %parallel_loop3A_577 : vector<16xf32> to vector<16xi32>
        %parallel_loop3A_579 = arith.constant 1258271744 : i32
        %parallel_loop3A_580 = vector.broadcast %parallel_loop3A_579 : i32 to vector<16xi32>
        %parallel_loop3A_581 = arith.subi %parallel_loop3A_578, %parallel_loop3A_580 : vector<16xi32>
        tpu.vector_store_idx %arg7[%parallel_loop3A_581], %broadcast_in_dim3A_41 {add = true} : memref<38976xi32, #tpu.memory_space<vmem>>[vector<16xi32>], vector<16xi32>,
        %parallel_loop3A_582 = arith.mulf %parallel_loop3A_416, %parallel_loop3A_445 : vector<16xf32>
        %parallel_loop3A_583 = arith.constant 0x4B004400 : f32
        %parallel_loop3A_584 = vector.broadcast %parallel_loop3A_583 : f32 to vector<16xf32>
        %parallel_loop3A_585 = arith.addf %parallel_loop3A_582, %parallel_loop3A_584 : vector<16xf32>
        %parallel_loop3A_586 = vector.bitcast %parallel_loop3A_585 : vector<16xf32> to vector<16xi32>
        %parallel_loop3A_587 = arith.constant 1258271744 : i32
        %parallel_loop3A_588 = vector.broadcast %parallel_loop3A_587 : i32 to vector<16xi32>
        %parallel_loop3A_589 = arith.subi %parallel_loop3A_586, %parallel_loop3A_588 : vector<16xi32>
        tpu.vector_store_idx %arg7[%parallel_loop3A_589], %broadcast_in_dim3A_41 {add = true} : memref<38976xi32, #tpu.memory_space<vmem>>[vector<16xi32>], vector<16xi32>,
        %parallel_loop3A_590 = arith.mulf %parallel_loop3A_424, %parallel_loop3A_445 : vector<16xf32>
        %parallel_loop3A_591 = arith.constant 8.407040e+06 : f32
        %parallel_loop3A_592 = vector.broadcast %parallel_loop3A_591 : f32 to vector<16xf32>
        %parallel_loop3A_593 = arith.addf %parallel_loop3A_590, %parallel_loop3A_592 : vector<16xf32>
        %parallel_loop3A_594 = vector.bitcast %parallel_loop3A_593 : vector<16xf32> to vector<16xi32>
        %parallel_loop3A_595 = arith.constant 1258271744 : i32
        %parallel_loop3A_596 = vector.broadcast %parallel_loop3A_595 : i32 to vector<16xi32>
        %parallel_loop3A_597 = arith.subi %parallel_loop3A_594, %parallel_loop3A_596 : vector<16xi32>
        tpu.vector_store_idx %arg7[%parallel_loop3A_597], %broadcast_in_dim3A_41 {add = true} : memref<38976xi32, #tpu.memory_space<vmem>>[vector<16xi32>], vector<16xi32>,
        %parallel_loop3A_598 = vector.broadcast %parallel_loop3A_249 : i32 to vector<16xi32>
        %parallel_loop3A_599 = arith.addi %broadcast_in_dim3A_33, %parallel_loop3A_598 : vector<16xi32>
        %parallel_loop3A_600 = vector.broadcast %parallel_loop3A_267 : i32 to vector<16xi32>
        %parallel_loop3A_601 = arith.addi %iota3A, %parallel_loop3A_600 : vector<16xi32>
        %parallel_loop3A_602 = tpu.vector_load_idx %arg5[%broadcast_in_dim3A_47, %parallel_loop3A_272, %parallel_loop3A_599, %parallel_loop3A_601] : memref<2x19x2x512xf32, #tpu.memory_space<vmem>>[vector<16xi32>, vector<16xi32>, vector<16xi32>, vector<16xi32>], vector<16xf32>,
        %parallel_loop3A_603 = math.exp %parallel_loop3A_602 : vector<16xf32>
        %parallel_loop3A_604 = arith.mulf %parallel_loop3A_603, %parallel_loop3A_445 : vector<16xf32>
        %parallel_loop3A_605 = arith.constant 1.023490e+03 : f32
        %parallel_loop3A_606 = vector.broadcast %parallel_loop3A_605 : f32 to vector<16xf32>
        %parallel_loop3A_607 = arith.minimumf %parallel_loop3A_604, %parallel_loop3A_606 : vector<16xf32>
        %parallel_loop3A_608 = arith.constant 0x4B000000 : f32
        %parallel_loop3A_609 = vector.broadcast %parallel_loop3A_608 : f32 to vector<16xf32>
        %parallel_loop3A_610 = arith.addf %parallel_loop3A_607, %parallel_loop3A_609 : vector<16xf32>
        %parallel_loop3A_611 = vector.bitcast %parallel_loop3A_610 : vector<16xf32> to vector<16xi32>
        %parallel_loop3A_612 = arith.constant 1258291200 : i32
        %parallel_loop3A_613 = vector.broadcast %parallel_loop3A_612 : i32 to vector<16xi32>
        %parallel_loop3A_614 = arith.subi %parallel_loop3A_611, %parallel_loop3A_613 : vector<16xi32>
        %parallel_loop3A_615 = arith.constant 1024 : i32
        %parallel_loop3A_616 = vector.broadcast %parallel_loop3A_615 : i32 to vector<16xi32>
        %parallel_loop3A_617 = arith.muli %parallel_loop3A_272, %parallel_loop3A_616 : vector<16xi32>
        %parallel_loop3A_618 = arith.subi %parallel_loop3A_617, %parallel_loop3A_614 : vector<16xi32>
        %parallel_loop3A_619 = arith.constant 1023 : i32
        %parallel_loop3A_620 = vector.broadcast %parallel_loop3A_619 : i32 to vector<16xi32>
        %parallel_loop3A_621 = arith.addi %parallel_loop3A_618, %parallel_loop3A_620 : vector<16xi32>
        %parallel_loop3A_622 = arith.addi %parallel_loop3A_617, %parallel_loop3A_614 : vector<16xi32>
        %parallel_loop3A_623 = arith.constant 19456 : i32
        %parallel_loop3A_624 = vector.broadcast %parallel_loop3A_623 : i32 to vector<16xi32>
        %parallel_loop3A_625 = arith.addi %parallel_loop3A_622, %parallel_loop3A_624 : vector<16xi32>
        tpu.vector_store_idx %arg7[%parallel_loop3A_625], %broadcast_in_dim3A_43 {add = true} : memref<38976xi32, #tpu.memory_space<vmem>>[vector<16xi32>], vector<16xi32>,
        %parallel_loop3A_626 = arith.constant 19456 : i32
        %parallel_loop3A_627 = vector.broadcast %parallel_loop3A_626 : i32 to vector<16xi32>
        %parallel_loop3A_628 = arith.addi %parallel_loop3A_621, %parallel_loop3A_627 : vector<16xi32>
        tpu.vector_store_idx %arg7[%parallel_loop3A_628], %broadcast_in_dim3A_41 {add = true} : memref<38976xi32, #tpu.memory_space<vmem>>[vector<16xi32>], vector<16xi32>,
        tpu.vector_store_idx %arg7[%parallel_loop3A_621], %broadcast_in_dim3A_41 {add = true} : memref<38976xi32, #tpu.memory_space<vmem>>[vector<16xi32>], vector<16xi32>,
      } {sc.loop_unroll_factor = 2 : i64, sc.parallel_access}
      %scan3A_224 = arith.constant 0 : i32
      scf.yield %scan3A_224 : i32
    }
    %scan3A_90 = arith.constant 16 : i32
    "tpu.region"() ({
      %run_scoped3A = tpu.sem_alloc : memref<!tpu.dma_semaphore, #tpu.memory_space<semaphore_mem>>
      %dma_start3A_91 = arith.constant 0 : i32
      %dma_start3A_92 = tpu.memref_slice %arg7[%dma_start3A_91] : memref<38976xi32, #tpu.memory_space<vmem>> -> memref<38912xi32, #tpu.memory_space<vmem>>
      %dma_start3A_93 = arith.constant 0 : i32
      %dma_start3A_94 = tpu.memref_slice %arg4[%add3A, %dma_start3A_93] : memref<32x38912xi32, #tpu.memory_space<hbm>> -> memref<1x38912xi32, #tpu.memory_space<hbm>>
      %dma_start3A_95 = tpu.memref_squeeze %dma_start3A_94 : memref<1x38912xi32, #tpu.memory_space<hbm>> -> memref<38912xi32, #tpu.memory_space<hbm>>
      %dma_start3A_96 = arith.constant 0 : i32
      %dma_start3A_97 = tpu.memref_slice %arg4[%add3A, %dma_start3A_96] : memref<32x38912xi32, #tpu.memory_space<hbm>> -> memref<1x38912xi32, #tpu.memory_space<hbm>>
      %dma_start3A_98 = tpu.memref_squeeze %dma_start3A_97 : memref<1x38912xi32, #tpu.memory_space<hbm>> -> memref<38912xi32, #tpu.memory_space<hbm>>
      %dma_start3A_99 = arith.constant 0 : i32
      %dma_start3A_100 = tpu.memref_slice %arg7[%dma_start3A_99] : memref<38976xi32, #tpu.memory_space<vmem>> -> memref<38912xi32, #tpu.memory_space<vmem>>
      tpu.enqueue_dma source(%dma_start3A_100 : memref<38912xi32, #tpu.memory_space<vmem>>) target(%dma_start3A_98 : memref<38912xi32, #tpu.memory_space<hbm>>) target_semaphore(%run_scoped3A : memref<!tpu.dma_semaphore, #tpu.memory_space<semaphore_mem>>)
      %dma_wait3A = arith.constant 0 : i32
      %dma_wait3A_101 = tpu.memref_slice %arg7[%dma_wait3A] : memref<38976xi32, #tpu.memory_space<vmem>> -> memref<38912xi32, #tpu.memory_space<vmem>>
      %dma_wait3A_102 = arith.constant 0 : i32
      %dma_wait3A_103 = tpu.memref_slice %arg4[%add3A, %dma_wait3A_102] : memref<32x38912xi32, #tpu.memory_space<hbm>> -> memref<1x38912xi32, #tpu.memory_space<hbm>>
      %dma_wait3A_104 = tpu.memref_squeeze %dma_wait3A_103 : memref<1x38912xi32, #tpu.memory_space<hbm>> -> memref<38912xi32, #tpu.memory_space<hbm>>
      %dma_wait3A_105 = arith.constant 0 : i32
      %dma_wait3A_106 = tpu.memref_slice %arg4[%add3A, %dma_wait3A_105] : memref<32x38912xi32, #tpu.memory_space<hbm>> -> memref<1x38912xi32, #tpu.memory_space<hbm>>
      %dma_wait3A_107 = tpu.memref_squeeze %dma_wait3A_106 : memref<1x38912xi32, #tpu.memory_space<hbm>> -> memref<38912xi32, #tpu.memory_space<hbm>>
      %dma_wait3A_108 = arith.constant 0 : i32
      %dma_wait3A_109 = tpu.memref_slice %arg7[%dma_wait3A_108] : memref<38976xi32, #tpu.memory_space<vmem>> -> memref<38912xi32, #tpu.memory_space<vmem>>
      tpu.wait_dma2 semaphore(%run_scoped3A : memref<!tpu.dma_semaphore, #tpu.memory_space<semaphore_mem>>) src(%dma_wait3A_109 : memref<38912xi32, #tpu.memory_space<vmem>>) dst(%dma_wait3A_107 : memref<38912xi32, #tpu.memory_space<hbm>>)
      tpu.yield
    }) : () -> ()
    return
  }
}

module attributes {stable_mosaic.version = 14 : i64} {
  func.func @body(%arg0: memref<32x38x1024xi32, #tpu.memory_space<vmem>>, %arg1: memref<1x1xf32, #tpu.memory_space<vmem>>) attributes {dimension_semantics = [], scalar_prefetch = 0 : i64, scratch_operands = 0 : i64, tpu.core_type = #tpu.core_type<tc>} {
    %get3A = arith.constant 0 : index
    %get3A_0 = arith.constant 0 : index
    %get3A_1 = arith.constant 0 : index
    %get3A_2 = vector.load %arg0[%get3A, %get3A_0, %get3A_1] : memref<32x38x1024xi32, #tpu.memory_space<vmem>>, vector<32x38x1024xi32>
    %convert_element_type3A = arith.sitofp %get3A_2 : vector<32x38x1024xi32> to vector<32x38x1024xf32>
    %reduce_sum3A = arith.constant dense<0.000000e+00> : vector<38x1024xf32>
    %reduce_sum3A_3 = vector.multi_reduction <add>, %convert_element_type3A, %reduce_sum3A [0] : vector<32x38x1024xf32> to vector<38x1024xf32>
    %slice3A = vector.extract_strided_slice %reduce_sum3A_3 {offsets = [0, 0], sizes = [19, 1024], strides = [1, 1]} : vector<38x1024xf32> to vector<19x1024xf32>
    %slice3A_4 = vector.extract_strided_slice %reduce_sum3A_3 {offsets = [19, 0], sizes = [19, 1024], strides = [1, 1]} : vector<38x1024xf32> to vector<19x1024xf32>
    %iota3A = tpu.iota {dimensions = array<i32: 0>} : vector<1024x1024xi32>
    %iota3A_5 = tpu.iota {dimensions = array<i32: 1>} : vector<1024x1024xi32>
    %gt3A = arith.cmpi sgt, %iota3A, %iota3A_5 : vector<1024x1024xi32>
    %convert_element_type3A_6 = arith.extui %gt3A : vector<1024x1024xi1> to vector<1024x1024xi32>
    %convert_element_type3A_7 = arith.sitofp %convert_element_type3A_6 : vector<1024x1024xi32> to vector<1024x1024xf32>
    %dot_general3A = arith.constant dense<0.000000e+00> : vector<19x1024xf32>
    %dot_general3A_8 = tpu.matmul %slice3A_4, %convert_element_type3A_7, %dot_general3A {dimension_numbers = #tpu.dot_dimension_numbers<[1], [0], [0], [1], [0, 0, 1, 1], [], []>, transpose_lhs_hint = false} : vector<19x1024xf32>, vector<1024x1024xf32>, vector<19x1024xf32> -> vector<19x1024xf32>
    %dot_general3A_9 = arith.constant dense<0.000000e+00> : vector<19x1024xf32>
    %dot_general3A_10 = tpu.matmul %slice3A, %convert_element_type3A_7, %dot_general3A_9 {dimension_numbers = #tpu.dot_dimension_numbers<[1], [0], [0], [1], [0, 0, 1, 1], [], []>, transpose_lhs_hint = false} : vector<19x1024xf32>, vector<1024x1024xf32>, vector<19x1024xf32> -> vector<19x1024xf32>
    %reduce_sum3A_11 = arith.constant dense<0.000000e+00> : vector<19xf32>
    %reduce_sum3A_12 = vector.multi_reduction <add>, %slice3A, %reduce_sum3A_11 [1] : vector<19x1024xf32> to vector<19xf32>
    %broadcast_in_dim3A = vector.shape_cast %reduce_sum3A_12 : vector<19xf32> to vector<19x1xf32>
    %mul3A = arith.constant 5.000000e-01 : f32
    %mul3A_13 = vector.broadcast %mul3A : f32 to vector<19x1024xf32>
    %mul3A_14 = arith.mulf %mul3A_13, %slice3A_4 : vector<19x1024xf32>
    %add3A = arith.addf %dot_general3A_8, %mul3A_14 : vector<19x1024xf32>
    %mul3A_15 = arith.constant 5.000000e-01 : f32
    %mul3A_16 = vector.broadcast %mul3A_15 : f32 to vector<19x1024xf32>
    %mul3A_17 = arith.mulf %mul3A_16, %slice3A : vector<19x1024xf32>
    %add3A_18 = arith.addf %dot_general3A_10, %mul3A_17 : vector<19x1024xf32>
    %add3A_19 = vector.broadcast %broadcast_in_dim3A : vector<19x1xf32> to vector<19x1024xf32>
    %add3A_20 = arith.addf %add3A_19, %add3A : vector<19x1024xf32>
    %sub3A = arith.subf %add3A_20, %add3A_18 : vector<19x1024xf32>
    %gt3A_21 = arith.constant 0.000000e+00 : f32
    %gt3A_22 = vector.broadcast %gt3A_21 : f32 to vector<19x1024xf32>
    %gt3A_23 = arith.cmpf ogt, %add3A, %gt3A_22 : vector<19x1024xf32>
    %max3A = arith.constant 1.000000e-30 : f32
    %max3A_24 = vector.broadcast %max3A : f32 to vector<19x1024xf32>
    %max3A_25 = arith.maximumf %sub3A, %max3A_24 : vector<19x1024xf32>
    %div3A = arith.divf %add3A, %max3A_25 : vector<19x1024xf32>
    %jit3A = arith.constant 0.000000e+00 : f32
    %broadcast_in_dim3A_26 = vector.broadcast %jit3A : f32 to vector<19x1024xf32>
    %select_n3A = arith.select %gt3A_23, %div3A, %broadcast_in_dim3A_26 : vector<19x1024xi1>, vector<19x1024xf32>
    %reduce_sum3A_27 = arith.constant dense<0.000000e+00> : vector<19xf32>
    %reduce_sum3A_28 = vector.multi_reduction <add>, %select_n3A, %reduce_sum3A_27 [1] : vector<19x1024xf32> to vector<19xf32>
    %mul3A_29 = arith.constant 9.765625E-4 : f32
    %mul3A_30 = vector.broadcast %mul3A_29 : f32 to vector<19xf32>
    %mul3A_31 = arith.mulf %reduce_sum3A_28, %mul3A_30 : vector<19xf32>
    %squeeze3A = vector.shape_cast %broadcast_in_dim3A : vector<19x1xf32> to vector<19xf32>
    %gt3A_32 = arith.constant 0.000000e+00 : f32
    %gt3A_33 = vector.broadcast %gt3A_32 : f32 to vector<19xf32>
    %gt3A_34 = arith.cmpf ogt, %squeeze3A, %gt3A_33 : vector<19xf32>
    %convert_element_type3A_35 = arith.extui %gt3A_34 : vector<19xi1> to vector<19xi32>
    %convert_element_type3A_36 = arith.sitofp %convert_element_type3A_35 : vector<19xi32> to vector<19xf32>
    %mul3A_37 = arith.mulf %mul3A_31, %convert_element_type3A_36 : vector<19xf32>
    %reduce_sum3A_38 = vector.shape_cast %mul3A_37 : vector<19xf32> to vector<1x19xf32>
    %reduce_sum3A_39 = arith.constant dense<0.000000e+00> : vector<1xf32>
    %reduce_sum3A_40 = vector.multi_reduction <add>, %reduce_sum3A_38, %reduce_sum3A_39 [1] : vector<1x19xf32> to vector<1xf32>
    %reduce_sum3A_41 = vector.shape_cast %reduce_sum3A_40 : vector<1xf32> to vector<1x1xf32>
    %reduce_sum3A_42 = vector.extract %reduce_sum3A_41[0, 0] : f32 from vector<1x1xf32>
    %reduce_sum3A_43 = vector.shape_cast %convert_element_type3A_36 : vector<19xf32> to vector<1x19xf32>
    %reduce_sum3A_44 = arith.constant dense<0.000000e+00> : vector<1xf32>
    %reduce_sum3A_45 = vector.multi_reduction <add>, %reduce_sum3A_43, %reduce_sum3A_44 [1] : vector<1x19xf32> to vector<1xf32>
    %reduce_sum3A_46 = vector.shape_cast %reduce_sum3A_45 : vector<1xf32> to vector<1x1xf32>
    %reduce_sum3A_47 = vector.extract %reduce_sum3A_46[0, 0] : f32 from vector<1x1xf32>
    %max3A_48 = arith.constant 1.000000e+00 : f32
    %max3A_49 = arith.maximumf %reduce_sum3A_47, %max3A_48 : f32
    %div3A_50 = arith.divf %reduce_sum3A_42, %max3A_49 : f32
    %reshape3A = vector.broadcast %div3A_50 : f32 to vector<1x1xf32>
    %swap3A = arith.constant 0 : index
    %swap3A_51 = arith.constant 0 : index
    %swap3A_52 = vector.load %arg1[%swap3A, %swap3A_51] : memref<1x1xf32, #tpu.memory_space<vmem>>, vector<1x1xf32>
    tpu.vector_store %arg1[%swap3A, %swap3A_51], %reshape3A {strides = array<i32>} : memref<1x1xf32, #tpu.memory_space<vmem>>, vector<1x1xf32>,
    return
  }
}

</mosaic_0001>

<sc_bundles>
// kernel: kernel.4.cloned.1.call-start
scs
__scs_entry_jumppad:
0x0: {  	(pc) =	sbr.rel $0x88, $3  }
0x1: {  	(tag) =	ssettag $0x0;
	lr =	simm.s32 $0x1  }
0x2: {  	[smem:$0x3F9F] =	sst lr;
	_ =	strace $0xD0000000  }
0x3: {  	_ = 	snop  }
0x4: {  	_ = 	snop  }
0x5: {  	_ = 	snop  }
0x6: {  	_ = 	snop  }
0x7: {  	_ = 	snop  }
__scs_overlays_trampoline_lowered:
0x8: {  	[smem:$0x3FAE] =	sst s0  }
0x9: {  	[smem:$0x3FAF] =	sst s1  }
0xa: {  	[smem:$0x3FB0] =	sst s2  }
0xb: {  	[smem:$0x3FB1] =	sst s3  }
0xc: {  	[smem:$0x3FB2] =	sst s4  }
0xd: {  	[smem:$0x3FB3] =	sst s5  }
0xe: {  	[smem:$0x3FB4] =	sst s6  }
0xf: {  	[smem:$0x3FB5] =	sst s7  }
0x10: {  	[smem:$0x3FB6] =	sst s8  }
0x11: {  	[smem:$0x3FB7] =	sst s9;
	s0 =	simm.s32 @!p0 $0x0  }
0x12: {  	s1 =	sld [smem:$0x3F9D];
	s0 =	simm.s32 @p0 $0x1  }
0x13: {  	[smem:$0x3FB8] =	sst s0;
	s0 =	simm.s32 @!p1 $0x0  }
0x14: {  	s2 =	sld [smem:$0x3F9C];
	s0 =	simm.s32 @p1 $0x1  }
0x15: {  	[smem:$0x3FB9] =	sst s0;
	s0 =	simm.s32 @!p2 $0x0  }
0x16: {  	s3 =	sld [smem:$0x3FDB];
	s0 =	simm.s32 @p2 $0x1  }
0x17: {  	s4 =	simm.s32 $0x1BF5;
	[smem:$0x3FBB] =	sst s0  }
0x18: {  	s0 =	sld [smem:$0x3F9E];
	_ =	swait.ge [sflag:s4], $0x0  }
0x19: {  	s7 =	sld [smem:$0x3F9F]  }
0x1a: {  	s8 =	sadd.s32 $0xFFFFE003, lr  }
0x1b: {  	s9 =	sadd.s32 $0xFFFFFEF7, lr;
	s5 =	simm.s32 $0xFFFFFFFF;
	p2 =	slt.u32 s8, $0xFFFFF086  }
0x1c: {  	p1 =	slt.u32 s9, $0xF7A;
	s5 =	simm.s32 @!p2 $0x0  }
0x1d: {  	s5 =	simm.s32 @p1 $0x1;
	p0 =	seq.s32 s7, s2  }
0x1e: {  	s7 =	smul.u32 @!p0 $0xF7A, s2;
	p2 =	seq.s32 @!p0 s5, $0x0  }
0x1f: {  	s9 =	smul.u32 $0xF7A, s1;
	s8 =	simm.s32 @!p0 $0x1BF5;
	p2 =	por !p2, p0  }
0x20: {  	[sflag:s8] =	ssyncset.s32 @!p0 $0xFFFFF086;
	s6 =	sadd.s32 @!p0 s3, s7;
	s7 =	simm.s32 @!p0 $0x108  }
0x21: {  	s3 =	sadd.s32 s3, s9;
	s6 =	sadd.s32 @!p0 $0x88, s6;
	s7 =	simm.s32 @p2 $0x1082  }
0x22: {  	[simem:s7], [sflag:s8] =	dma.local @!p0 [hbm:s6], $0xF7A  }
0x23: {  	s9 =	sor.u32 $0xD0000000, s2;
	s6 =	simm.s32 $0x108;
	_ =	swait.ge @!p0 [sflag:s8], $0x0  }
0x24: {  	s3 =	sadd.s32 $0x88, s3;
	s6 =	simm.s32 @!p1 $0x1082;
	[sflag:s4] =	ssyncset.s32 $0xFFFFF086  }
0x25: {  	[simem:s6], [sflag:s4] =	dma.local [hbm:s3], $0xF7A  }
0x26: {  	[smem:$0x3F9F] =	sst s1;
	(tag) =	ssettag s2;
	_ =	strace s9  }
0x27: {  	s1 =	sld [smem:$0x3FAF]  }
0x28: {  	s2 =	sld [smem:$0x3FB0]  }
0x29: {  	s4 =	sld [smem:$0x3FB2]  }
0x2a: {  	p0 =	seq.s32 s5, $0x0;
	s5 =	sld [smem:$0x3FB3]  }
0x2b: {  	s6 =	sld [smem:$0x3FB4]  }
0x2c: {  	s7 =	sld [smem:$0x3FB5]  }
0x2d: {  	s3 =	simm.s32 $0x108;
	s8 =	sld [smem:$0x3FB6]  }
0x2e: {  	s3 =	simm.s32 @!p0 $0x1082;
	s9 =	sld [smem:$0x3FB7]  }
0x2f: {  	lr =	sadd.s32 s0, s3;
	s0 =	sld [smem:$0x3FAE]  }
0x30: {  	s3 =	sld [smem:$0x3FB1]  }
0x31: {  	[smem:$0x3FBA] =	sst s10  }
0x32: {  	s10 =	sld [smem:$0x3FB8];
	_ =	sdelay $0x3  }
0x33: {  	p0 =	seq.s32 s10, $0x1;
	s10 =	sld [smem:$0x3FBA];
	_ =	sdelay $0x3  }
0x34: {  	[smem:$0x3FBA] =	sst s10  }
0x35: {  	s10 =	sld [smem:$0x3FB9];
	_ =	sdelay $0x3  }
0x36: {  	p1 =	seq.s32 s10, $0x1;
	s10 =	sld [smem:$0x3FBA];
	_ =	sdelay $0x3  }
0x37: {  	[smem:$0x3FBA] =	sst s10  }
0x38: {  	s10 =	sld [smem:$0x3FBB]  }
0x39: {  	_ = 	snop;
	(pc) =	sbr.ind lr, $3  }
0x3a: {  	_ = 	snop  }
0x3b: {  	_ = 	snop  }
0x3c: {  	p2 =	seq.s32 s10, $0x1;
	s10 =	sld [smem:$0x3FBA]  }
0x3d: {  	_ =	shalt  }
0x3e: {  	_ =	shalt  }
0x3f: {  	_ =	shalt  }
0x40: {  	_ =	shalt  }
0x41: {  	_ =	shalt  }
0x42: {  	_ =	shalt  }
0x43: {  	_ =	shalt  }
0x44: {  	_ =	shalt  }
0x45: {  	_ =	shalt  }
0x46: {  	_ =	shalt  }
0x47: {  	_ =	shalt  }
0x48: {  	_ =	shalt  }
0x49: {  	_ =	shalt  }
0x4a: {  	_ =	shalt  }
0x4b: {  	_ =	shalt  }
0x4c: {  	_ =	shalt  }
0x4d: {  	_ =	shalt  }
0x4e: {  	_ =	shalt  }
0x4f: {  	_ =	shalt  }
0x50: {  	_ =	shalt  }
0x51: {  	_ =	shalt  }
0x52: {  	_ =	shalt  }
0x53: {  	_ =	shalt  }
0x54: {  	_ =	shalt  }
0x55: {  	_ =	shalt  }
0x56: {  	_ =	shalt  }
0x57: {  	_ =	shalt  }
0x58: {  	_ =	shalt  }
0x59: {  	_ =	shalt  }
0x5a: {  	_ =	shalt  }
0x5b: {  	_ =	shalt  }
0x5c: {  	_ =	shalt  }
0x5d: {  	_ =	shalt  }
0x5e: {  	_ =	shalt  }
0x5f: {  	_ =	shalt  }
0x60: {  	_ =	shalt  }
0x61: {  	_ =	shalt  }
0x62: {  	_ =	shalt  }
0x63: {  	_ =	shalt  }
0x64: {  	_ =	shalt  }
0x65: {  	_ =	shalt  }
0x66: {  	_ =	shalt  }
0x67: {  	_ =	shalt  }
0x68: {  	_ =	shalt  }
0x69: {  	_ =	shalt  }
0x6a: {  	_ =	shalt  }
0x6b: {  	_ =	shalt  }
0x6c: {  	_ =	shalt  }
0x6d: {  	_ =	shalt  }
0x6e: {  	_ =	shalt  }
0x6f: {  	_ =	shalt  }
0x70: {  	_ =	shalt  }
0x71: {  	_ =	shalt  }
0x72: {  	_ =	shalt  }
0x73: {  	_ =	shalt  }
0x74: {  	_ =	shalt  }
0x75: {  	_ =	shalt  }
0x76: {  	_ =	shalt  }
0x77: {  	_ =	shalt  }
0x78: {  	_ =	shalt  }
0x79: {  	_ =	shalt  }
0x7a: {  	_ =	shalt  }
0x7b: {  	_ =	shalt  }
0x7c: {  	_ =	shalt  }
0x7d: {  	_ =	shalt  }
0x7e: {  	_ =	shalt  }
0x7f: {  	_ =	shalt  }
0x80: {  	_ =	shalt  }
0x81: {  	_ =	shalt  }
0x82: {  	_ =	shalt  }
0x83: {  	_ =	shalt  }
0x84: {  	_ =	shalt  }
0x85: {  	_ =	shalt  }
0x86: {  	_ =	shalt  }
0x87: {  	_ =	shalt  }
.Lfunc_end0:
.L_simem_size_0:
called_computation_lowered:
.L_overlay_start_0:
0x88: {  	s2 =	sld [smem:$0x3FD9]  }
0x89: {  	s3 =	sld [smem:$0x3FFE];
	_ =	sdelay $0x1  }
0x8a: {  	s1 =	srdreg.scid  }
0x8b: {  	s0 =	sand.u32 $0x1, s1  }
0x8c: {  	s17 =	sshll.u32 s0, $0xA;
	s2 =	sadd.s32 s3, s2  }
0x8d: {  	s2 =	sadd.s32 s2, s17  }
0x8e: {  	[smem:$0x3FC6] =	sst s2  }
0x8f: {  	_ = 	snop  }
0x90: {  	s2 =	sld [smem:$0x3FC9]  }
0x91: {  	s18 =	sld [smem:$0x3FC8];
	(tm) =	ssettm $0x1  }
0x92: {  	s4 =	sld [smem:$0x3FFB];
	_ =	sdelay $0x3  }
0x93: {  	_ =	strace s4  }
0x94: {  	s4 =	sld [smem:$0x3FFC];
	_ =	sdelay $0x3  }
0x95: {  	_ =	strace s4  }
0x96: {  	s4 =	sld [smem:$0x3FFD];
	_ =	sdelay $0x3  }
0x97: {  	_ =	strace s4  }
0x98: {  	_ =	strace $0x8FFFFFFF  }
0x99: {  	s19 =	sld [smem:$0x3FDB];
	_ =	sdelay $0x1  }
0x9a: {  	s5 =	simm.s32 $_scs_section_size  }
0x9b: {  	s6 =	simm.s32 $_size__tile_overlayer_lowered;
	s7 =	simm.s32 $_tile_overlayer_lowered  }
0x9c: {  	s22 =	simm.s32 $0x1BFF;
	s21 =	sshll.u32 s7, $0x1;
	s4 =	sadd.s32 s5, s19  }
0x9d: {  	s8 =	simm.s32 $0x0;
	s20 =	sshll.u32 s6, $0x1;
	s6 =	sadd.s32 s21, s4  }
0x9e: {  	[timem:s8], [sflag:s22] =	dma.local [hbm:s6], s20  }
0x9f: {  	_ =	swait.ge [sflag:s22], s20  }
0xa0: {  	s5 =	ssub.s32 $0x0, s20;
	[sflag:s22] =	ssyncset.done $0x0  }
0xa1: {  	[sflag:s22] =	ssyncadd.s32 s5;
	_ =	sdelay $0x1  }
0xa2: {  	s23 =	simm.s32 $0x1B8B  }
0xa3: {  	_ =	swait.ge [sflag:s23], $0x1  }
0xa4: {  	[sflag:s23] =	ssyncset.done $0x0  }
0xa5: {  	s25 =	simm.s32 $0x1B8E;
	s24 =	sld [smem:$0x3FFE];
	[sflag:s23] =	ssyncadd.s32 $0xFFFFFFFF  }
0xa6: {  	s26 =	simm.s32 $execute0_lowered;
	[smem:$0x3FD2] =	sst s25  }
0xa7: {  	s6 =	sshll.u32 s26, $0x1;
	_ =	strace $0x80000046;
	[dreg:$0x1] =	wrdreg $0xFFFFFFFF  }
0xa8: {  	s28 =	simm.s32 $_size_execute0_lowered;
	s4 =	sadd.s32 s4, s6;
	[dreg:$0x0] =	wrdreg $0x0  }
0xa9: {  	s6 =	sshll.u32 s28, $0x1;
	[dreg:$0x2] =	wrdreg s4  }
0xaa: {  	[dreg:$0x3] =	wrdreg s6  }
0xab: {  	[dreg:$0x4] =	wrdreg $0xC0  }
0xac: {  	_ =	task [dreg:s8], $0x5FFFF  }
0xad: {  	[dreg:$0x1] =	wrdreg $0xFFFFFFFF  }
0xae: {  	[dreg:$0x0] =	wrdreg $0x60  }
0xaf: {  	[dreg:$0x2] =	wrdreg s2  }
0xb0: {  	[dreg:$0x3] =	wrdreg s18  }
0xb1: {  	[dreg:$0x4] =	wrdreg s24  }
0xb2: {  	[dreg:$0x5] =	wrdreg $0x9  }
0xb3: {  	_ =	task.clear_ibuf [dreg:s8], $0x6FFFF;
	_ =	strace $0x90000046  }
0xb4: {  	s29 =	simm.s32 $0x9;
	_ =	strace $0x80000048  }
0xb5: {  	_ =	swait.ge [sflag:s29], $0x1  }
0xb6: {  	[sflag:s29] =	ssyncadd.s32 $0xFFFFFFFF  }
0xb7: {  	_ =	strace $0x90000048  }
0xb8: {  	_ =	sfence  }
0xb9: {  	s30 =	sld [smem:$0x0];
	_ =	sdelay $0x2  }
0xba: {  	s31 =	sshll.u32 s1, $0xD;
	s1 =	sshrl.u32 s1, $0x2  }
0xbb: {  	s3 =	sand.u32 $0x4000, s31;
	s1 =	sadd.s32 s1, s30  }
0xbc: {  	s0 =	sor.u32 s3, s0;
	s1 =	sshll.u32 s1, $0x11  }
0xbd: {  	s0 =	sor.u32 s1, s0  }
0xbe: {  	s0 =	sadd.s32 $0x8F2B, s0  }
0xbf: {  	[sflag:s0] =	ssyncadd.remote.s32 $0x1  }
0xc0: {  	_ =	sfence.sel $0xFFFF  }
0xc1: {  	[dreg:$0x0] =	wrdreg $0xFFFFFFFF;
	(pc) =	sbr.abs _section_cstart, $3  }
0xc2: {  	[dreg:$0x1] =	wrdreg $0xFFFFFFFF  }
0xc3: {  	_ =	task.clear_ibuf [dreg:s8], $0x2FFFF;
	_ =	strace $0x9FFFFFFF  }
0xc4: {  	(tm) =	ssettm $0x7FFFFFFF  }
0xc5: {  	_ =	shalt  }
tec
execute0_lowered:
.L_overlay_start_1:
0x0: {  	(tag) =	ssettag $0x1  }
0x1: {  	s7 =	rddreg [dreg:$0x0]  }
0x2: {  	s0 =	srdreg.scid;
	s8 =	rddreg [dreg:$0x1]  }
0x3: {  	s2 =	stileid.u32;
	s3 =	rddreg [dreg:$0x2]  }
0x4: {  	s4 =	simm.s32 $0x0;
	s1 =	sshll.u32 s2, $0x1;
	s2 =	sshrl.u32 s2, $0x2  }
0x5: {  	s13 =	simm.s32 $0x400;
	s0 =	sand.u32 $0x1, s0;
	s5 =	smul.u32 $0x4C000, s2  }
0x6: {  	[smem:$0x7FF] =	sst s4;
	s1 =	sor.u32 s0, s1;
	s25 =	smul.u32 $0x4C0000, s2  }
0x7: {  	_ =	strace $0x80000047;
	s0 =	ssub.s32 $0x2, s0;
	s28 =	sshll.u32 s2, $0x12  }
0x8: {  	s6 =	sshll.u32 s1, $0x7;
	s1 =	sshll.u32 s1, $0xF;
	s29 =	sshrl.u32 s0, $0x1  }
0x9: {  	[dreg:$0x6] =	wrdreg s28;
	s6 =	sand.u32 $0x380, s6;
	s26 =	sand.u32 $0x38000, s1  }
0xa: {  	[dreg:$0x4] =	wrdreg s25;
	s0 =	ssub.s32 s0, s29;
	s5 =	sor.u32 s5, s6  }
0xb: {  	s1 =	sor.u32 s25, s26;
	[dreg:$0x5] =	wrdreg s26;
	s0 =	smax.u32 s0, $0x1  }
0xc: {  	s5 =	sshrl.u32 s5, $0x3;
	s1 =	sshrl.u32 s1, $0x3;
	[dreg:$0xa] =	wrdreg s0  }
0xd: {  	s3 =	sadd.s32 s5, s3;
	s5 =	sor.u32 s28, s26;
	s1 =	sadd.s32 s7, s1  }
0xe: {  	[dreg:$0x7] =	wrdreg s1;
	s30 =	sshrl.u32 s5, $0x3;
	s31 =	sadd.s32 $0x400, s3  }
0xf: {  	s17 =	simm.s32 $0xA000;
	s1 =	sadd.s32 s8, s30;
	[dreg:$0x9] =	wrdreg s31  }
0x10: {  	v0 =	vimm.s32 $0x0;
	v1 =	vimm.s32 $0x1;
	s2 =	simm.s32 $0x0;
	s6 =	simm.s32 $0x100;
	[dreg:$0x8] =	wrdreg s1  }
.LBB2_1:
0x11: {  	[dreg:$0xb] =	wrdreg s2;
	s0 =	simm.s32 $0x0  }
.LBB2_2:
0x12: {  	p0 =	sne.s32 s0, $0x26000  }
.Ltmp0:
0x13: {  	s1 =	sshra.s32 s0, $0x2;
	(pc) =	sbr.rel @p0 .LBB2_2-.Ltmp0, $4  }
0x14: {  	[tilespmem:s1+$0xA000] =	vst v0  }
0x15: {  	[tilespmem:s1+$0xA010] =	vst v0  }
0x16: {  	[tilespmem:s1+$0xA020] =	vst v0  }
0x17: {  	s0 =	sadd.s32 $0x100, s0;
	[tilespmem:s1+$0xA030] =	vst v0  }
0x18: {  	s2 =	rddreg [dreg:$0x7]  }
0x19: {  	s0 =	simm.s32 $0x1000;
	s3 =	simm.s32 $0x0;
	s1 =	sadd.s32 $0x8000, s2  }
.LBB2_4:
0x1a: {  	[tilespmem:s3], [sflag:$0x1] =	stream.strided.gather [hbm4b:s2+s6], $0x400, s13, s6, $0x38;
	[tilespmem:$0x13880] =	vst v63  }
0x1b: {  	s3 =	smov.u32 s0;
	s2 =	smov.u32 s1;
	p0 =	sne.s32 s0, $0x12000  }
.Ltmp1:
0x1c: {  	s0 =	sadd.s32 $0x1000, s0;
	(pc) =	sbr.rel @p0 .LBB2_4-.Ltmp1, $2  }
0x1d: {  	_ =	sdelay $0x2  }
0x1e: {  	s1 =	sadd.s32 $0x8000, s1;
	s3 =	sshra.s32 s3, $0x2  }
0x1f: {  	[tilespmem:s3], [sflag:$0x1] =	stream.strided.gather [hbm4b:s2+s6], $0x400, s13, s6, $0x38;
	[tilespmem:$0x13880] =	vst v63  }
0x20: {  	s0 =	rddreg [dreg:$0x8];
	s1 =	simm.s32 $0x9800  }
0x21: {  	[tilespmem:s1], [sflag:$0x1] =	stream.strided.gather [hbm4b:s0+s6], $0x400, s13, s6, $0x38;
	[tilespmem:$0x13880] =	vst v63  }
0x22: {  	s1 =	simm.s32 $0x0  }
.LBB2_6:
0x23: {  	s0 =	sshll.u32 s1, $0xB;
	[dreg:$0xc] =	wrdreg s1  }
0x24: {  	s29 =	sshll.u32 s1, $0x9;
	s2 =	rddreg [dreg:$0x5];
	s0 =	sand.u32 $0x7000, s0  }
0x25: {  	s30 =	rddreg [dreg:$0x4];
	s1 =	sand.u32 $0x200, s29;
	s0 =	sor.u32 s2, s0  }
0x26: {  	s1 =	sor.u32 $0x100, s1;
	s2 =	sor.u32 s30, s0  }
0x27: {  	s2 =	sor.u32 s1, s2  }
0x28: {  	s3 =	rddreg [dreg:$0x0];
	s2 =	sshrl.u32 s2, $0x3  }
0x29: {  	s31 =	simm.s32 $0x4C00;
	s2 =	sadd.s32 s3, s2;
	s3 =	simm.s32 $0x1000  }
0x2a: {  	[tilespmem:s31], [sflag:$0x1] =	stream.strided.gather [hbm4b:s2+s6], $0x400, s13, s6, $0x38;
	[tilespmem:$0x13880] =	vst v63  }
.LBB2_7:
0x2b: {  	p0 =	sne.s32 s3, $0x12000  }
.Ltmp2:
0x2c: {  	_ = 	snop;
	(pc) =	sbr.rel @p0 .LBB2_7-.Ltmp2, $4  }
0x2d: {  	_ = 	snop  }
0x2e: {  	s5 =	sshra.s32 s3, $0x2;
	s3 =	sadd.s32 $0x1000, s3  }
0x2f: {  	s2 =	sadd.s32 $0x8000, s2;
	s5 =	sadd.s32 $0x4C00, s5  }
0x30: {  	[tilespmem:s5], [sflag:$0x1] =	stream.strided.gather [hbm4b:s2+s6], $0x400, s13, s6, $0x38;
	[tilespmem:$0x13880] =	vst v63  }
0x31: {  	s2 =	rddreg [dreg:$0x6]  }
0x32: {  	s0 =	sor.u32 s2, s0  }
0x33: {  	s0 =	sor.u32 s1, s0  }
0x34: {  	s30 =	rddreg [dreg:$0x1];
	s0 =	sshrl.u32 s0, $0x3  }
0x35: {  	s31 =	simm.s32 $0x9C00;
	s3 =	simm.s32 $0x1;
	s0 =	sadd.s32 s30, s0  }
0x36: {  	[tilespmem:s31], [sflag:$0x1] =	stream.strided.gather [hbm4b:s0+s6], $0x400, s13, s6, $0x38;
	[tilespmem:$0x13880] =	vst v63  }
0x37: {  	_ =	swait.ge [sflag:s3], $0x4C00  }
0x38: {  	s5 =	simm.s32 $0x0;
	[sflag:s3] =	ssyncset.done $0x0  }
0x39: {  	s2 =	simm.s32 $0x10;
	s1 =	simm.s32 $0x0;
	[sflag:s3] =	ssyncadd.s32 $0xFFFFB400  }
0x3a: {  	s25 =	sand.u32 $0x70, s2;
	s0 =	sand.u32 $0x300, s1;
	_ =	swait.ge [sflag:s3], $0x400  }
0x3b: {  	s8 =	sor.u32 s5, s0;
	s24 =	sadd.s32 $0x0, s0;
	[sflag:s3] =	ssyncset.done $0x0  }
0x3c: {  	s28 =	sadd.s32 $0x400, s24;
	s0 =	sor.u32 s25, s8;
	[sflag:s3] =	ssyncadd.s32 $0xFFFFFC00  }
0x3d: {  	s26 =	sadd.s32 $0x800, s24;
	s6 =	sor.u32 s25, s28;
	v0 =	vld [tilespmem:s0+$0x0]  }
0x3e: {  	s21 =	sadd.s32 $0xC00, s24;
	s7 =	sor.u32 s25, s26;
	v2 =	vld [tilespmem:s6+$0x0]  }
0x3f: {  	s23 =	sadd.s32 $0x1000, s24;
	s9 =	sor.u32 s25, s21;
	v3 =	vld [tilespmem:s7+$0x0]  }
0x40: {  	s20 =	sadd.s32 $0x1400, s24;
	s10 =	sor.u32 s25, s23;
	v4 =	vld [tilespmem:s9+$0x0]  }
0x41: {  	s19 =	sadd.s32 $0x1800, s24;
	s11 =	sor.u32 s25, s20;
	v5 =	vld [tilespmem:s10+$0x0]  }
0x42: {  	s12 =	sor.u32 s25, s19;
	s7 =	sadd.s32 $0x1C00, s24;
	v6 =	vld [tilespmem:s11+$0x0];
	v0 =	vmul.f32 $1.442695020e+00, v0  }
0x43: {  	s9 =	sadd.s32 $0x2000, s24;
	v7 =	vld [tilespmem:s12+$0x0];
	s14 =	sor.u32 s25, s7;
	v2 =	vmul.f32 $1.442695020e+00, v2  }
0x44: {  	s15 =	sor.u32 s25, s9;
	v8 =	vld [tilespmem:s14+$0x0];
	s14 =	sadd.s32 $0x2400, s24;
	v3 =	vmul.f32 $1.442695020e+00, v3;
	(erf) = vpow2.f32 v0  }
0x45: {  	s16 =	sor.u32 s25, s14;
	v0 =	vmul.f32 $1.442695020e+00, v4;
	v4 =	vld [tilespmem:s15+$0x0];
	s15 =	sadd.s32 $0x2800, s24;
	(erf) = vpow2.f32 v2  }
0x46: {  	s5 =	sadd.s32 $0x2C00, s24;
	v2 =	vmul.f32 $1.442695020e+00, v5;
	v5 =	vld [tilespmem:s16+$0x0];
	s18 =	sor.u32 s25, s15;
	(erf) = vpow2.f32 v3  }
0x47: {  	s1 =	sadd.s32 $0x3000, s24;
	s22 =	sor.u32 s25, s5;
	v3 =	vmul.f32 $1.442695020e+00, v6;
	v6 =	vld [tilespmem:s18+$0x0];
	(erf) = vpow2.f32 v0  }
0x48: {  	s3 =	sadd.s32 $0x3400, s24;
	s10 =	sor.u32 s25, s1;
	v0 =	vmul.f32 $1.442695020e+00, v7;
	v7 =	vld [tilespmem:s22+$0x0];
	(erf) = vpow2.f32 v2  }
0x49: {  	s6 =	sadd.s32 $0x3800, s24;
	s11 =	sor.u32 s25, s3;
	v2 =	vmul.f32 $1.442695020e+00, v8;
	v8 =	vld [tilespmem:s10+$0x0];
	(erf) = vpow2.f32 v3  }
0x4a: {  	s29 =	sor.u32 s25, s6;
	s10 =	sadd.s32 $0x3C00, s24;
	v3 =	vmul.f32 $1.442695020e+00, v4;
	v4 =	vld [tilespmem:s11+$0x0];
	(erf) = vpow2.f32 v0  }
0x4b: {  	s16 =	sor.u32 s25, s10;
	v0 =	vmul.f32 $1.442695020e+00, v5;
	v5 =	vld [tilespmem:s29+$0x0];
	(erf) = vpow2.f32 v2  }
0x4c: {  	s11 =	sadd.s32 $0x4000, s24;
	v10 =	vld [tilespmem:s16+$0x0];
	v6 =	vmul.f32 $1.442695020e+00, v6;
	(erf) = vpow2.f32 v3  }
0x4d: {  	s30 =	sadd.s32 $0x4400, s24;
	s22 =	simm.s32 $0x0;
	s29 =	sor.u32 s25, s11;
	v7 =	vmul.f32 $1.442695020e+00, v7;
	v2 =	vpop (erf);
	(erf) = vpow2.f32 v0  }
0x4e: {  	s31 =	sor.u32 s25, s30;
	s18 =	sand.u32 $0x60, s22;
	v0 =	vmul.f32 $1.442695020e+00, v8;
	v8 =	vld [tilespmem:s29+$0x0];
	v3 =	vpop (erf);
	(erf) = vpow2.f32 v6  }
0x4f: {  	s28 =	sor.u32 s18, s28;
	v4 =	vmul.f32 $1.442695020e+00, v4;
	v6 =	vld [tilespmem:s31+$0x0];
	v9 =	vpop (erf);
	(erf) = vpow2.f32 v7  }
0x50: {  	s26 =	sor.u32 s18, s26;
	s24 =	sadd.s32 $0x4800, s24;
	v7 =	vld [tilespmem:s28+$0x0];
	v5 =	vmul.f32 $1.442695020e+00, v5;
	v21 =	vpop (erf);
	(erf) = vpow2.f32 v0  }
0x51: {  	s25 =	sor.u32 s25, s24;
	v10 =	vmul.f32 $1.442695020e+00, v10;
	v0 =	vld [tilespmem:s26+$0x0];
	v23 =	vpop (erf);
	(erf) = vpow2.f32 v4  }
0x52: {  	v4 =	vld [tilespmem:s25+$0x0];
	v24 =	vpop (erf);
	(erf) = vpow2.f32 v5  }
0x53: {  	v5 =	vmul.f32 $1.442695020e+00, v8;
	v25 =	vpop (erf);
	(erf) = vpow2.f32 v10  }
0x54: {  	v6 =	vmul.f32 $1.442695020e+00, v6;
	v26 =	vpop (erf)  }
0x55: {  	v7 =	vmul.f32 $1.442695020e+00, v7;
	(erf) = vpow2.f32 v5;
	v22 =	vpop (erf)  }
0x56: {  	v0 =	vmul.f32 $1.442695020e+00, v0;
	(erf) = vpow2.f32 v6;
	v19 =	vpop (erf)  }
0x57: {  	s20 =	sor.u32 s18, s20;
	v4 =	vmul.f32 $1.442695020e+00, v4;
	(erf) = vpow2.f32 v7;
	v20 =	vpop (erf)  }
0x58: {  	s19 =	sor.u32 s18, s19;
	v12 =	vld [tilespmem:s20+$0x0];
	(erf) = vpow2.f32 v0;
	v10 =	vpop (erf)  }
0x59: {  	s21 =	sor.u32 s18, s21;
	v27 =	vld [tilespmem:s19+$0x0];
	v5 =	vadd.f32 v21, v9;
	v11 =	vadd.f32 v26, v25;
	v8 =	vpop (erf);
	(erf) = vpow2.f32 v4  }
0x5a: {  	s23 =	sor.u32 s18, s23;
	v7 =	vadd.f32 v24, v23;
	v0 =	vld [tilespmem:s21+$0x0];
	v4 =	vadd.f32 v3, v2;
	v13 =	vpop (erf)  }
0x5b: {  	v6 =	vld [tilespmem:s23+$0x0];
	v14 =	vadd.f32 v19, v22;
	v18 =	vadd.f32 v10, v20;
	v15 =	vpop (erf)  }
0x5c: {  	s7 =	sor.u32 s18, s7;
	v28 =	vadd.f32 v13, v8;
	v4 =	vadd.f32 v5, v4;
	v16 =	vpop (erf)  }
0x5d: {  	v5 =	vadd.f32 v11, v7;
	v11 =	vld [tilespmem:s7+$0x0];
	v29 =	vadd.f32 v16, v15  }
0x5e: {  	v12 =	vmul.f32 $1.442695020e+00, v12;
	v17 =	vpop (erf)  }
0x5f: {  	s12 =	sor.u32 s18, s14;
	v14 =	vadd.f32 v18, v14;
	v0 =	vmul.f32 $1.442695020e+00, v0;
	v18 =	vpop (erf);
	v28 =	vadd.f32 v29, v28  }
0x60: {  	s9 =	sor.u32 s18, s9;
	v31 =	vld [tilespmem:s12+$0x0];
	v32 =	vmul.f32 $1.442695020e+00, v27;
	v6 =	vmul.f32 $1.442695020e+00, v6;
	v4 =	vadd.f32 v5, v4;
	v7 =	vpop (erf)  }
0x61: {  	s5 =	sor.u32 s18, s5;
	(erf) = vpow2.f32 v0;
	v29 =	vld [tilespmem:s9+$0x0];
	v30 =	vadd.f32 v18, v17;
	v5 =	vpop (erf);
	v14 =	vadd.f32 v28, v14  }
0x62: {  	s14 =	sor.u32 s18, s15;
	v0 =	vld [tilespmem:s5+$0x0];
	(erf) = vpow2.f32 v6;
	v11 =	vmul.f32 $1.442695020e+00, v11;
	v27 =	vpop (erf)  }
0x63: {  	s1 =	sor.u32 s18, s1;
	(erf) = vpow2.f32 v12;
	v28 =	vld [tilespmem:s14+$0x0];
	v6 =	vadd.f32 v27, v30;
	v4 =	vadd.f32 v14, v4  }
0x64: {  	s3 =	sor.u32 s18, s3;
	(erf) = vpow2.f32 v32;
	v14 =	vld [tilespmem:s1+$0x0]  }
0x65: {  	s15 =	sor.u32 s18, s6;
	v12 =	vld [tilespmem:s3+$0x0];
	(erf) = vpow2.f32 v11;
	v4 =	vadd.f32 v6, v4  }
0x66: {  	s19 =	sor.u32 s18, s10;
	v11 =	vmul.f32 $1.442695020e+00, v31;
	v6 =	vmul.f32 $1.442695020e+00, v29;
	v29 =	vld [tilespmem:s15+$0x0]  }
0x67: {  	s20 =	sor.u32 s18, s11;
	v30 =	vld [tilespmem:s19+$0x0];
	v0 =	vmul.f32 $1.442695020e+00, v0;
	(erf) = vrcp.f32 v4  }
0x68: {  	v51 =	vld [tilespmem:s20+$0x0];
	s23 =	sor.u32 s18, s8;
	v4 =	vmul.f32 $1.442695020e+00, v28;
	(erf) = vpow2.f32 v6  }
0x69: {  	s21 =	sor.u32 s18, s30;
	v28 =	vld [tilespmem:s23+$0x0];
	v31 =	vmul.f32 $1.442695020e+00, v14;
	(erf) = vpow2.f32 v11  }
0x6a: {  	s25 =	sor.u32 s18, s24;
	v33 =	vld [tilespmem:s21+$0x0];
	v6 =	vmul.f32 $1.442695020e+00, v12;
	v14 =	vpop (erf);
	(erf) = vpow2.f32 v4  }
0x6b: {  	v34 =	vld [tilespmem:s25+$0x0];
	v12 =	vpop (erf);
	v29 =	vmul.f32 $1.442695020e+00, v29;
	(erf) = vpow2.f32 v0  }
0x6c: {  	s26 =	sand.u32 $0x1F0, s2;
	v4 =	vmul.f32 $1.442695020e+00, v30;
	(erf) = vpow2.f32 v31  }
0x6d: {  	v52 =	vmov s26;
	v11 =	vpop (erf);
	v30 =	vmul.f32 $1.442695020e+00, v51;
	(erf) = vpow2.f32 v6  }
0x6e: {  	v53 =	vshll.u32 v52, $0x1;
	v0 =	vpop (erf);
	v28 =	vmul.f32 $1.442695020e+00, v28;
	(erf) = vpow2.f32 v29  }
0x6f: {  	v37 =	vadd.f32 v14, v5;
	v31 =	vmul.f32 $1.442695020e+00, v33;
	v6 =	vpop (erf);
	(erf) = vpow2.f32 v4  }
0x70: {  	v29 =	vmul.f32 $1.442695020e+00, v34;
	v40 =	vadd.f32 v6, v0;
	v4 =	vpop (erf);
	(erf) = vpow2.f32 v28  }
0x71: {  	v4 =	vmul.f32 $1.024000000e+03, v4;
	(erf) = vpow2.f32 v30;
	v30 =	vlaneseq.u32  }
0x72: {  	s28 =	simm.s32 $0x0;
	v28 =	vadd.f32 v11, v12;
	v30 =	vor.u32 s26, v30;
	(erf) = vpow2.f32 v31  }
0x73: {  	v31 =	vmov s28;
	v2 =	vmul.f32 v4, v2;
	v3 =	vmul.f32 v4, v3  }
0x74: {  	v36 =	vshll.u32 v31, $0x7;
	v9 =	vmul.f32 v4, v9;
	v21 =	vmul.f32 v4, v21  }
0x75: {  	v23 =	vmul.f32 v4, v23;
	v24 =	vmul.f32 v4, v24;
	v2 =	vadd.f32 $8.388608000e+06, v2  }
0x76: {  	v25 =	vmul.f32 v4, v25;
	v26 =	vmul.f32 v4, v26;
	v3 =	vadd.f32 $8.389632000e+06, v3  }
0x77: {  	v22 =	vmul.f32 v4, v22;
	v9 =	vadd.f32 $8.390656000e+06, v9;
	v2 =	vadd.s32 $0xB5004C00, v2  }
0x78: {  	v19 =	vmul.f32 v4, v19;
	v21 =	vadd.f32 $8.391680000e+06, v21;
	v3 =	vadd.s32 $0xB5004C00, v3  }
0x79: {  	v20 =	vmul.f32 v4, v20;
	v23 =	vadd.f32 $8.392704000e+06, v23;
	v9 =	vadd.s32 $0xB5004C00, v9  }
0x7a: {  	v10 =	vmul.f32 v4, v10;
	v24 =	vadd.f32 $8.393728000e+06, v24;
	v21 =	vadd.s32 $0xB5004C00, v21  }
0x7b: {  	v41 =	vld [tilespmem:s0+$0x9800];
	v8 =	vmul.f32 v4, v8;
	v25 =	vadd.f32 $8.394752000e+06, v25;
	v23 =	vadd.s32 $0xB5004C00, v23  }
0x7c: {  	v13 =	vmul.f32 v4, v13;
	[tilespmem:v2+s17+$0x0] =	vst.idx.add.s32.msk $0xffff, v1;
	v2 =	vadd.s32 $0xB5004C00, v24;
	v24 =	vadd.f32 $8.395776000e+06, v26  }
0x7d: {  	v18 =	vmul.f32 v4, v18;
	v22 =	vadd.f32 $8.396800000e+06, v22;
	[tilespmem:v3+s17+$0x0] =	vst.idx.add.s32.msk $0xffff, v1;
	v3 =	vadd.s32 $0xB5004C00, v25  }
0x7e: {  	v19 =	vadd.f32 $8.397824000e+06, v19;
	v20 =	vadd.f32 $8.398848000e+06, v20;
	[tilespmem:v9+s17+$0x0] =	vst.idx.add.s32.msk $0xffff, v1;
	v9 =	vadd.s32 $0xB5004C00, v24  }
0x7f: {  	v8 =	vadd.f32 $8.400896000e+06, v8;
	v18 =	vadd.f32 $8.406016000e+06, v18;
	[tilespmem:v21+s17+$0x0] =	vst.idx.add.s32.msk $0xffff, v1;
	v21 =	vadd.s32 $0xB5004C00, v22  }
0x80: {  	v15 =	vmul.f32 v4, v15;
	v10 =	vadd.f32 $8.399872000e+06, v10;
	v31 =	vpop (erf);
	v19 =	vadd.s32 $0xB5004C00, v19;
	[tilespmem:v23+s17+$0x0] =	vst.idx.add.s32.msk $0xffff, v1  }
0x81: {  	v32 =	vpop (erf);
	v8 =	vadd.s32 $0xB5004C00, v8;
	v18 =	vadd.s32 $0xB5004C00, v18;
	[tilespmem:v2+s17+$0x0] =	vst.idx.add.s32.msk $0xffff, v1;
	v2 =	vadd.s32 $0xB5004C00, v20  }
0x82: {  	v33 =	vpop (erf);
	[tilespmem:v3+s17+$0x0] =	vst.idx.add.s32.msk $0xffff, v1;
	v3 =	vadd.s32 $0xB5004C00, v10;
	v10 =	vadd.f32 $8.401920000e+06, v13;
	v13 =	vmul.f32 v4, v16  }
0x83: {  	v34 =	vpop (erf);
	v16 =	vand.u32 $0x300, v53;
	[tilespmem:v9+s17+$0x0] =	vst.idx.add.s32.msk $0xffff, v1;
	v9 =	vadd.f32 $8.402944000e+06, v15;
	v15 =	vmul.f32 v4, v17  }
0x84: {  	v35 =	vpop (erf);
	[tilespmem:v21+s17+$0x0] =	vst.idx.add.s32.msk $0xffff, v1;
	v10 =	vadd.s32 $0xB5004C00, v10;
	v17 =	vadd.f32 $8.403968000e+06, v13;
	v13 =	vand.u32 $0x80, v36  }
0x85: {  	v36 =	vpop (erf);
	[tilespmem:v19+s17+$0x0] =	vst.idx.add.s32.msk $0xffff, v1;
	v9 =	vadd.s32 $0xB5004C00, v9;
	v19 =	vmul.f32 v4, v27;
	v15 =	vadd.f32 $8.404992000e+06, v15  }
0x86: {  	v38 =	vpop (erf);
	(erf) = vpow2.f32 v29;
	[tilespmem:v2+s17+$0x0] =	vst.idx.add.s32.msk $0xffff, v1;
	v17 =	vadd.s32 $0xB5004C00, v17;
	v2 =	vor.u32 v13, v16  }
0x87: {  	v39 =	vpop (erf);
	[tilespmem:v3+s17+$0x0] =	vst.idx.add.s32.msk $0xffff, v1;
	v3 =	vadd.f32 $8.407040000e+06, v19;
	v15 =	vadd.s32 $0xB5004C00, v15;
	v16 =	vbroadcast v2, $0x0  }
0x88: {  	v19 =	vand.u32 $0x7F, v30;
	v20 =	vadd.f32 v39, v38;
	[tilespmem:v8+s17+$0x0] =	vst.idx.add.s32.msk $0xffff, v1;
	v8 =	vshll.u32 v41, $0xA  }
0x89: {  	v2 =	vpop (erf);
	[tilespmem:v10+s17+$0x0] =	vst.idx.add.s32.msk $0xffff, v1;
	v3 =	vadd.s32 $0xB5004C00, v3;
	v10 =	vor.u32 v19, v16;
	v19 =	vadd.f32 v34, v33  }
0x8a: {  	v16 =	vadd.f32 v7, v2;
	[tilespmem:v9+s17+$0x0] =	vst.idx.add.s32.msk $0xffff, v1;
	v9 =	vor.u32 v8, v10  }
0x8b: {  	v10 =	vadd.f32 v32, v31;
	[tilespmem:v17+s17+$0x0] =	vst.idx.add.s32.msk $0xffff, v1;
	v17 =	vadd.f32 v36, v35  }
0x8c: {  	s29 =	simm.s32 $0x40;
	v21 =	vadd.f32 v40, v28;
	v43 =	vpop (erf);
	[tilespmem:v15+s17+$0x0] =	vst.idx.add.s32.msk $0xffff, v1;
	v15 =	vadd.f32 v37, v16  }
0x8d: {  	s0 =	sand.u32 $0x300, s29;
	s2 =	simm.s32 $0x30;
	s30 =	simm.s32 $0x0;
	v44 =	vpop (erf);
	v10 =	vadd.f32 v19, v10;
	[tilespmem:v18+s17+$0x0] =	vst.idx.add.s32.msk $0xffff, v1;
	v16 =	vadd.f32 v20, v17  }
0x8e: {  	s24 =	sand.u32 $0x70, s2;
	s9 =	sor.u32 s30, s0;
	s26 =	sadd.s32 $0x0, s0;
	v17 =	vadd.f32 v44, v43;
	[tilespmem:v3+s17+$0x0] =	vst.idx.add.s32.msk $0xffff, v1  }
0x8f: {  	s0 =	sor.u32 s24, s9;
	s29 =	sadd.s32 $0x400, s26;
	v3 =	vadd.f32 v21, v15;
	v9 =	vld.idx.msk [tilespmem:v9+s4+$0x0], $0xffff;
	v10 =	vadd.f32 v16, v10  }
0x90: {  	s28 =	sadd.s32 $0x800, s26;
	s31 =	sor.u32 s24, s29;
	v47 =	vpop (erf);
	v15 =	vld [tilespmem:s0+$0x0]  }
0x91: {  	s21 =	sadd.s32 $0xC00, s26;
	s3 =	sor.u32 s24, s28;
	v16 =	vadd.f32 v47, v17;
	v3 =	vadd.f32 v10, v3;
	v10 =	vld [tilespmem:s31+$0x0]  }
0x92: {  	s25 =	sadd.s32 $0x1000, s26;
	s5 =	sor.u32 s24, s21;
	v17 =	vld [tilespmem:s3+$0x0]  }
0x93: {  	s20 =	sadd.s32 $0x1400, s26;
	s6 =	sor.u32 s24, s25;
	v3 =	vadd.f32 v16, v3;
	v16 =	vld [tilespmem:s5+$0x0]  }
0x94: {  	s19 =	sadd.s32 $0x1800, s26;
	s7 =	sor.u32 s24, s20;
	v18 =	vld [tilespmem:s6+$0x0];
	v9 =	vmul.f32 $1.442695020e+00, v9  }
0x95: {  	s14 =	sadd.s32 $0x1C00, s26;
	s8 =	sor.u32 s24, s19;
	v15 =	vmul.f32 $1.442695020e+00, v15;
	(erf) = vrcp.f32 v3;
	v3 =	vld [tilespmem:s7+$0x0]  }
0x96: {  	s15 =	sadd.s32 $0x2000, s26;
	s10 =	sor.u32 s24, s14;
	(erf) = vpow2.f32 v9;
	v9 =	vld [tilespmem:s8+$0x0];
	v10 =	vmul.f32 $1.442695020e+00, v10  }
0x97: {  	s16 =	sadd.s32 $0x2400, s26;
	s11 =	sor.u32 s24, s15;
	v19 =	vld [tilespmem:s10+$0x0];
	v17 =	vmul.f32 $1.442695020e+00, v17;
	(erf) = vpow2.f32 v15  }
0x98: {  	s18 =	sadd.s32 $0x2800, s26;
	s12 =	sor.u32 s24, s16;
	v15 =	vmul.f32 $1.442695020e+00, v16;
	v16 =	vld [tilespmem:s11+$0x0];
	(erf) = vpow2.f32 v10  }
0x99: {  	s30 =	sor.u32 s24, s18;
	v10 =	vmul.f32 $1.442695020e+00, v18;
	v18 =	vld [tilespmem:s12+$0x0];
	s11 =	sadd.s32 $0x2C00, s26;
	(erf) = vpow2.f32 v17  }
0x9a: {  	s8 =	sadd.s32 $0x3000, s26;
	v17 =	vld [tilespmem:s30+$0x0];
	s31 =	sor.u32 s24, s11;
	v3 =	vmul.f32 $1.442695020e+00, v3;
	(erf) = vpow2.f32 v15  }
0x9b: {  	s5 =	sor.u32 s24, s8;
	v15 =	vld [tilespmem:s31+$0x0];
	v9 =	vmul.f32 $1.442695020e+00, v9;
	(erf) = vpow2.f32 v10  }
0x9c: {  	s1 =	sadd.s32 $0x3400, s26;
	v10 =	vmul.f32 $1.442695020e+00, v19;
	v19 =	vld [tilespmem:s5+$0x0];
	(erf) = vpow2.f32 v3  }
0x9d: {  	s10 =	sadd.s32 $0x3800, s26;
	s6 =	sor.u32 s24, s1;
	v3 =	vmul.f32 $1.442695020e+00, v16;
	(erf) = vpow2.f32 v9  }
0x9e: {  	s3 =	sadd.s32 $0x3C00, s26;
	s7 =	sor.u32 s24, s10;
	v16 =	vld [tilespmem:s6+$0x0];
	v9 =	vmul.f32 $1.442695020e+00, v18;
	v25 =	vpop (erf);
	(erf) = vpow2.f32 v10  }
0x9f: {  	v20 =	vld [tilespmem:s7+$0x0];
	s12 =	sor.u32 s24, s3;
	s5 =	sadd.s32 $0x4000, s26;
	v10 =	vmul.f32 $1.442695020e+00, v17;
	v28 =	vpop (erf);
	(erf) = vpow2.f32 v3  }
0xa0: {  	v21 =	vld [tilespmem:s12+$0x0];
	s12 =	simm.s32 $0x20;
	s30 =	sor.u32 s24, s5;
	s6 =	sadd.s32 $0x4400, s26;
	v3 =	vmul.f32 $1.442695020e+00, v15;
	v17 =	vpop (erf);
	(erf) = vpow2.f32 v9  }
0xa1: {  	s31 =	sand.u32 $0x60, s12;
	v9 =	vld [tilespmem:s30+$0x0];
	v15 =	vmul.f32 $1.442695020e+00, v19;
	s30 =	sor.u32 s24, s6;
	v18 =	vpop (erf);
	(erf) = vpow2.f32 v10  }
0xa2: {  	s28 =	sor.u32 s31, s28;
	v10 =	vld [tilespmem:s30+$0x0];
	v22 =	vpop (erf);
	(erf) = vpow2.f32 v3  }
0xa3: {  	s29 =	sor.u32 s31, s29;
	s26 =	sadd.s32 $0x4800, s26;
	v16 =	vmul.f32 $1.442695020e+00, v16;
	v26 =	vpop (erf);
	(erf) = vpow2.f32 v15;
	v15 =	vld [tilespmem:s28+$0x0]  }
0xa4: {  	v19 =	vmul.f32 $1.442695020e+00, v20;
	s24 =	sor.u32 s24, s26;
	v3 =	vld [tilespmem:s29+$0x0]  }
0xa5: {  	v20 =	vmul.f32 $1.442695020e+00, v21;
	v21 =	vld [tilespmem:s24+$0x0];
	v27 =	vpop (erf);
	(erf) = vpow2.f32 v16  }
0xa6: {  	v24 =	vpop (erf);
	(erf) = vpow2.f32 v19;
	v9 =	vmul.f32 $1.442695020e+00, v9  }
0xa7: {  	v23 =	vpop (erf);
	(erf) = vpow2.f32 v20;
	v10 =	vmul.f32 $1.442695020e+00, v10  }
0xa8: {  	v19 =	vpop (erf);
	(erf) = vpow2.f32 v9;
	v9 =	vmul.f32 $1.442695020e+00, v15  }
0xa9: {  	v3 =	vmul.f32 $1.442695020e+00, v3;
	v16 =	vpop (erf)  }
0xaa: {  	(erf) = vpow2.f32 v10;
	v10 =	vmul.f32 $1.442695020e+00, v21;
	v20 =	vpop (erf)  }
0xab: {  	(erf) = vpow2.f32 v3;
	v21 =	vpop (erf)  }
0xac: {  	s21 =	sor.u32 s31, s21;
	(erf) = vpow2.f32 v9;
	v9 =	vpop (erf)  }
0xad: {  	v29 =	vld [tilespmem:s21+$0x0];
	v3 =	vpop (erf);
	(erf) = vpow2.f32 v10  }
0xae: {  	s12 =	sor.u32 s31, s25;
	v30 =	vadd.f32 v18, v17;
	v54 =	vadd.f32 v26, v22;
	v10 =	vpop (erf)  }
0xaf: {  	s20 =	sor.u32 s31, s20;
	v55 =	vld [tilespmem:s12+$0x0];
	v60 =	vadd.f32 v24, v27;
	v42 =	vadd.f32 v19, v23;
	v15 =	vpop (erf)  }
0xb0: {  	s19 =	sor.u32 s31, s19;
	v45 =	vld [tilespmem:s20+$0x0];
	v28 =	vmul.f32 v28, v4;
	v46 =	vadd.f32 v20, v16;
	v48 =	vadd.f32 v9, v21;
	v4 =	vpop (erf)  }
0xb1: {  	v49 =	vld [tilespmem:s19+$0x0];
	v58 =	vmul.f32 $1.024000000e+03, v25;
	v50 =	vadd.f32 v10, v3;
	v51 =	vadd.f32 v4, v15  }
0xb2: {  	s14 =	sor.u32 s31, s14;
	v29 =	vmul.f32 $1.442695020e+00, v29;
	v30 =	vadd.f32 v54, v30;
	v61 =	vadd.f32 v42, v60;
	v25 =	vpop (erf)  }
0xb3: {  	v41 =	vmul.f32 v58, v2;
	v42 =	vld [tilespmem:s14+$0x0];
	v46 =	vadd.f32 v48, v46;
	v2 =	vpop (erf);
	v62 =	vadd.f32 v51, v50  }
0xb4: {  	s15 =	sor.u32 s31, s15;
	v40 =	vmul.f32 $1.442695020e+00, v55;
	v30 =	vadd.f32 v61, v30;
	v54 =	vpop (erf)  }
0xb5: {  	s16 =	sor.u32 s31, s16;
	v45 =	vmul.f32 $1.442695020e+00, v45;
	v50 =	vld [tilespmem:s15+$0x0];
	v57 =	vadd.f32 v2, v25;
	[tilespmem:$0x1FC50] =	vst v54;
	v53 =	vpop (erf);
	v59 =	vadd.f32 v62, v46  }
0xb6: {  	s18 =	sor.u32 s31, s18;
	v60 =	vmul.f32 $1.442695020e+00, v49;
	(erf) = vpow2.f32 v29;
	v52 =	vld [tilespmem:s16+$0x0];
	[tilespmem:$0x1FC60] =	vst v53;
	v29 =	vpop (erf)  }
0xb7: {  	s11 =	sor.u32 s31, s11;
	(erf) = vpow2.f32 v40;
	v46 =	vld [tilespmem:s18+$0x0];
	v61 =	vadd.f32 v29, v57;
	v30 =	vadd.f32 v59, v30  }
0xb8: {  	s8 =	sor.u32 s31, s8;
	v42 =	vmul.f32 $1.442695020e+00, v42;
	(erf) = vpow2.f32 v45;
	v49 =	vld [tilespmem:s11+$0x0]  }
0xb9: {  	s1 =	sor.u32 s31, s1;
	v28 =	vmin.f32 v28, $1.023489990e+03;
	(erf) = vpow2.f32 v60;
	v62 =	vld [tilespmem:s8+$0x0];
	v30 =	vadd.f32 v61, v30  }
0xba: {  	s3 =	sor.u32 s31, s3;
	v28 =	vadd.f32 $8.388608000e+06, v28;
	(erf) = vpow2.f32 v42;
	v45 =	vld [tilespmem:s1+$0x0]  }
0xbb: {  	s19 =	sor.u32 s31, s10;
	v57 =	vmul.f32 $1.442695020e+00, v50;
	v61 =	vld [tilespmem:s3+$0x0];
	(erf) = vrcp.f32 v30  }
0xbc: {  	v37 =	vadd.s32 $0xB5000000, v28;
	v59 =	vld [tilespmem:s19+$0x0];
	v60 =	vmul.f32 $1.442695020e+00, v52;
	v30 =	vmul.f32 $1.442695020e+00, v46  }
0xbd: {  	s21 =	sor.u32 s31, s5;
	v56 =	vadd.s32 v8, v37;
	v49 =	vmul.f32 $1.442695020e+00, v49;
	(erf) = vpow2.f32 v57  }
0xbe: {  	v51 =	vld [tilespmem:s21+$0x0];
	v62 =	vmul.f32 $1.442695020e+00, v62;
	(erf) = vpow2.f32 v60  }
0xbf: {  	v8 =	vsub.s32 v8, v37;
	v55 =	vpop (erf);
	v37 =	vmul.f32 $1.442695020e+00, v45;
	(erf) = vpow2.f32 v30  }
0xc0: {  	v40 =	vand.u32 $0xFFFFFF80, v56;
	v56 =	vpop (erf);
	v61 =	vmul.f32 $1.442695020e+00, v61;
	(erf) = vpow2.f32 v49  }
0xc1: {  	s20 =	sor.u32 s31, s9;
	v42 =	vmul.f32 $1.442695020e+00, v59;
	v49 =	vpop (erf);
	(erf) = vpow2.f32 v62  }
0xc2: {  	s25 =	sor.u32 s31, s26;
	v28 =	vand.u32 $0x7F, v28;
	v46 =	vld [tilespmem:s20+$0x0];
	v52 =	vpop (erf);
	(erf) = vpow2.f32 v37  }
0xc3: {  	s24 =	sor.u32 s31, s6;
	v28 =	vor.u32 v28, v40;
	v57 =	vmul.f32 $1.442695020e+00, v51;
	v60 =	vld [tilespmem:s25+$0x0];
	v51 =	vpop (erf);
	(erf) = vpow2.f32 v42  }
0xc4: {  	v28 =	vadd.s32 $0x4C00, v28;
	v45 =	vld [tilespmem:s24+$0x0];
	[tilespmem:$0x1FC70] =	vst v55;
	(erf) = vpow2.f32 v61;
	v61 =	vpop (erf)  }
0xc5: {  	[tilespmem:$0x1FC80] =	vst v56;
	v30 =	vadd.s32 $0x4FFF, v8;
	v61 =	vmul.f32 $1.024000000e+03, v61  }
0xc6: {  	v8 =	vadd.s32 $0x3FF, v8;
	[tilespmem:$0x1FC90] =	vst v49  }
0xc7: {  	[tilespmem:$0x1FCD0] =	vst v52;
	v17 =	vmul.f32 v61, v17  }
0xc8: {  	[tilespmem:$0x1FCE0] =	vst v51;
	v42 =	vmul.f32 $1.442695020e+00, v60;
	v60 =	vimm.s32 $0xFFFFFFFF  }
0xc9: {  	v7 =	vmul.f32 v58, v7;
	[tilespmem:v28+s17+$0x0] =	vst.idx.add.s32.msk $0xffff, v60;
	v17 =	vadd.f32 $8.388608000e+06, v17  }
0xca: {  	[tilespmem:v30+s17+$0x0] =	vst.idx.add.s32.msk $0xffff, v1;
	v22 =	vmul.f32 v61, v22;
	v26 =	vmul.f32 v61, v26  }
0xcb: {  	v7 =	vadd.f32 $8.389632000e+06, v7;
	v62 =	vadd.f32 $8.388608000e+06, v41;
	[tilespmem:v8+s17+$0x0] =	vst.idx.add.s32.msk $0xffff, v1;
	v8 =	vadd.s32 $0xB5004C00, v17  }
0xcc: {  	v17 =	vadd.f32 $8.390656000e+06, v22;
	v22 =	vadd.f32 $8.391680000e+06, v26;
	v26 =	vld [tilespmem:s20+$0x9800]  }
0xcd: {  	v46 =	vmul.f32 $1.442695020e+00, v46;
	v40 =	vadd.s32 $0xB5004C00, v62;
	v18 =	vmul.f32 v61, v18  }
0xce: {  	v7 =	vadd.s32 $0xB5004C00, v7  }
0xcf: {  	v59 =	vmul.f32 $1.442695020e+00, v45;
	(erf) = vpow2.f32 v46;
	v18 =	vadd.f32 $8.389632000e+06, v18  }
0xd0: {  	(erf) = vpow2.f32 v57;
	v27 =	vmul.f32 v61, v27  }
0xd1: {  	(erf) = vpow2.f32 v59;
	v59 =	vld [tilespmem:s23+$0x9800];
	v18 =	vadd.s32 $0xB5004C00, v18;
	[tilespmem:$0x1FDF0] =	vst v26  }
0xd2: {  	v24 =	vmul.f32 v61, v24;
	v17 =	vadd.s32 $0xB5004C00, v17;
	v26 =	vadd.f32 $8.392704000e+06, v27;
	[tilespmem:v40+s17+$0x0] =	vst.idx.add.s32.msk $0xffff, v1  }
0xd3: {  	v20 =	vmul.f32 v61, v20;
	v22 =	vadd.s32 $0xB5004C00, v22;
	v27 =	vld [tilespmem:s0+$0x9800]  }
0xd4: {  	v23 =	vmul.f32 v61, v23;
	[tilespmem:v7+s17+$0x0] =	vst.idx.add.s32.msk $0xffff, v1;
	v7 =	vadd.f32 $8.393728000e+06, v24;
	v24 =	vadd.s32 $0xB5004C00, v26  }
0xd5: {  	v19 =	vmul.f32 v61, v19;
	v20 =	vadd.f32 $8.397824000e+06, v20;
	[tilespmem:v8+s17+$0x0] =	vst.idx.add.s32.msk $0xffff, v1  }
0xd6: {  	v23 =	vadd.f32 $8.394752000e+06, v23;
	[tilespmem:v18+s17+$0x0] =	vst.idx.add.s32.msk $0xffff, v1;
	v7 =	vadd.s32 $0xB5004C00, v7  }
0xd7: {  	v8 =	vadd.f32 $8.395776000e+06, v19;
	v19 =	vmul.f32 v61, v21;
	[tilespmem:v17+s17+$0x0] =	vst.idx.add.s32.msk $0xffff, v1  }
0xd8: {  	v16 =	vmul.f32 v61, v16;
	v18 =	vadd.s32 $0xB5004C00, v23;
	[tilespmem:v22+s17+$0x0] =	vst.idx.add.s32.msk $0xffff, v1  }
0xd9: {  	v17 =	vadd.f32 $8.398848000e+06, v19;
	v19 =	vadd.s32 $0xB5004C00, v20;
	v20 =	vpop (erf);
	[tilespmem:v24+s17+$0x0] =	vst.idx.add.s32.msk $0xffff, v1  }
0xda: {  	v16 =	vadd.f32 $8.396800000e+06, v16;
	v8 =	vadd.s32 $0xB5004C00, v8;
	[tilespmem:$0x1FCF0] =	vst v20  }
0xdb: {  	v21 =	vpop (erf);
	[tilespmem:v7+s17+$0x0] =	vst.idx.add.s32.msk $0xffff, v1  }
0xdc: {  	v16 =	vadd.s32 $0xB5004C00, v16;
	[tilespmem:$0x1FD00] =	vst v21  }
0xdd: {  	[tilespmem:v18+s17+$0x0] =	vst.idx.add.s32.msk $0xffff, v1;
	v18 =	vpop (erf)  }
0xde: {  	s2 =	sand.u32 $0x1F0, s2;
	s26 =	simm.s32 $0x0;
	v9 =	vmul.f32 v61, v9;
	[tilespmem:$0x1FD10] =	vst v18  }
0xdf: {  	v45 =	vadd.f32 v55, v53;
	v53 =	vmov s26;
	v55 =	vmov s2;
	v22 =	vpop (erf);
	[tilespmem:v8+s17+$0x0] =	vst.idx.add.s32.msk $0xffff, v1  }
0xe0: {  	v3 =	vmul.f32 v61, v3;
	v9 =	vadd.f32 $8.399872000e+06, v9;
	v17 =	vadd.s32 $0xB5004C00, v17;
	[tilespmem:$0x1FD20] =	vst v22  }
0xe1: {  	v63 =	vlaneseq.u32;
	v48 =	vshll.u32 v53, $0x7;
	v37 =	vshll.u32 v55, $0x1;
	v23 =	vpop (erf);
	[tilespmem:v16+s17+$0x0] =	vst.idx.add.s32.msk $0xffff, v1  }
0xe2: {  	v10 =	vmul.f32 v61, v10;
	v3 =	vadd.f32 $8.400896000e+06, v3;
	v9 =	vadd.s32 $0xB5004C00, v9;
	[tilespmem:$0x1FD30] =	vst v23  }
0xe3: {  	v62 =	vor.u32 s2, v63;
	v37 =	vand.u32 $0x300, v37;
	v7 =	vmul.f32 v61, v15;
	[tilespmem:v19+s17+$0x0] =	vst.idx.add.s32.msk $0xffff, v1;
	v19 =	vpop (erf)  }
0xe4: {  	v4 =	vmul.f32 v61, v4;
	v10 =	vadd.f32 $8.401920000e+06, v10;
	v3 =	vadd.s32 $0xB5004C00, v3;
	[tilespmem:$0x1FD40] =	vst v19  }
0xe5: {  	v28 =	vand.u32 $0x80, v48;
	v15 =	vmul.f32 v61, v25;
	v7 =	vadd.f32 $8.402944000e+06, v7;
	v24 =	vpop (erf);
	[tilespmem:v17+s17+$0x0] =	vst.idx.add.s32.msk $0xffff, v1  }
0xe6: {  	v2 =	vmul.f32 v61, v2;
	v4 =	vadd.f32 $8.403968000e+06, v4;
	v8 =	vadd.s32 $0xB5004C00, v10;
	[tilespmem:$0x1FD50] =	vst v24  }
0xe7: {  	v46 =	vadd.f32 v49, v56;
	v10 =	vadd.f32 $8.404992000e+06, v15;
	v7 =	vadd.s32 $0xB5004C00, v7;
	v17 =	vpop (erf);
	[tilespmem:v9+s17+$0x0] =	vst.idx.add.s32.msk $0xffff, v1  }
0xe8: {  	v2 =	vadd.f32 $8.406016000e+06, v2;
	v4 =	vadd.s32 $0xB5004C00, v4;
	v15 =	vmul.f32 v61, v29;
	[tilespmem:$0x1FD60] =	vst v17  }
0xe9: {  	v16 =	vor.u32 v28, v37;
	v10 =	vadd.s32 $0xB5004C00, v10;
	(erf) = vpow2.f32 v42;
	v25 =	vpop (erf);
	[tilespmem:v3+s17+$0x0] =	vst.idx.add.s32.msk $0xffff, v1  }
0xea: {  	v9 =	vadd.f32 $8.407040000e+06, v15;
	v15 =	vbroadcast v16, $0x0;
	v16 =	vadd.f32 v51, v52;
	[tilespmem:$0x1FC40] =	vst v25  }
0xeb: {  	v2 =	vadd.s32 $0xB5004C00, v2;
	v17 =	vadd.f32 v17, v24;
	v3 =	vand.u32 $0x7F, v62;
	[tilespmem:v8+s17+$0x0] =	vst.idx.add.s32.msk $0xffff, v1  }
0xec: {  	v52 =	vshll.u32 v27, $0xA;
	v3 =	vor.u32 v3, v15;
	v15 =	vadd.f32 v22, v18;
	[tilespmem:v7+s17+$0x0] =	vst.idx.add.s32.msk $0xffff, v1  }
0xed: {  	v8 =	vadd.s32 $0xB5004C00, v9;
	v9 =	vadd.f32 v54, v25;
	v3 =	vor.u32 v52, v3;
	[tilespmem:v4+s17+$0x0] =	vst.idx.add.s32.msk $0xffff, v1  }
0xee: {  	v7 =	vadd.f32 v21, v20;
	[tilespmem:v10+s17+$0x0] =	vst.idx.add.s32.msk $0xffff, v1;
	v10 =	vadd.f32 v16, v46;
	v16 =	vpop (erf)  }
0xef: {  	v4 =	vadd.f32 v19, v23;
	v9 =	vadd.f32 v45, v9;
	[tilespmem:$0x1FD70] =	vst v16  }
0xf0: {  	v18 =	vpop (erf);
	[tilespmem:v2+s17+$0x0] =	vst.idx.add.s32.msk $0xffff, v1  }
0xf1: {  	s28 =	simm.s32 $0x80;
	v4 =	vadd.f32 v17, v4;
	v2 =	vadd.f32 v15, v7;
	[tilespmem:$0x1FD80] =	vst v18  }
0xf2: {  	s29 =	simm.s32 $0x0;
	s2 =	simm.s32 $0x50;
	s0 =	sand.u32 $0x300, s28;
	v7 =	vadd.f32 v18, v16;
	[tilespmem:v8+s17+$0x0] =	vst.idx.add.s32.msk $0xffff, v1  }
0xf3: {  	s26 =	sand.u32 $0x70, s2;
	s9 =	sor.u32 s29, s0;
	s25 =	sadd.s32 $0x0, s0;
	v8 =	vadd.f32 v10, v9;
	v2 =	vadd.f32 v4, v2;
	v9 =	vpop (erf);
	v3 =	vld.idx.msk [tilespmem:v3+s4+$0x0], $0xffff  }
0xf4: {  	s28 =	sadd.s32 $0x400, s25;
	s0 =	sor.u32 s26, s9;
	[tilespmem:$0x1FD90] =	vst v9  }
0xf5: {  	s24 =	sadd.s32 $0x800, s25;
	s30 =	sor.u32 s26, s28;
	v7 =	vadd.f32 v9, v7;
	v4 =	vld [tilespmem:s0+$0x0];
	v2 =	vadd.f32 v2, v8  }
0xf6: {  	s21 =	sadd.s32 $0xC00, s25;
	s31 =	sor.u32 s26, s24;
	v8 =	vld [tilespmem:s30+$0x0]  }
0xf7: {  	s23 =	sadd.s32 $0x1000, s25;
	s3 =	sor.u32 s26, s21;
	v9 =	vld [tilespmem:s31+$0x0];
	v2 =	vadd.f32 v7, v2  }
0xf8: {  	s20 =	sadd.s32 $0x1800, s25;
	s5 =	sor.u32 s26, s23;
	v7 =	vld [tilespmem:s3+$0x0];
	v3 =	vmul.f32 $1.442695020e+00, v3  }
0xf9: {  	s19 =	sadd.s32 $0x1400, s25;
	s7 =	sor.u32 s26, s20;
	v10 =	vld [tilespmem:s5+$0x0];
	(erf) = vrcp.f32 v2  }
0xfa: {  	s6 =	sor.u32 s26, s19;
	(erf) = vpow2.f32 v3;
	v3 =	vld [tilespmem:s7+$0x0]  }
0xfb: {  	s15 =	sadd.s32 $0x1C00, s25;
	v2 =	vld [tilespmem:s6+$0x0];
	v4 =	vmul.f32 $1.442695020e+00, v4  }
0xfc: {  	s1 =	sadd.s32 $0x2000, s25;
	s8 =	sor.u32 s26, s15;
	v8 =	vmul.f32 $1.442695020e+00, v8;
	v9 =	vmul.f32 $1.442695020e+00, v9  }
0xfd: {  	s10 =	sor.u32 s26, s1;
	v15 =	vld [tilespmem:s8+$0x0];
	s6 =	sadd.s32 $0x2400, s25;
	(erf) = vpow2.f32 v4;
	v4 =	vmul.f32 $1.442695020e+00, v7  }
0xfe: {  	s8 =	sadd.s32 $0x2800, s25;
	s11 =	sor.u32 s26, s6;
	v7 =	vld [tilespmem:s10+$0x0];
	(erf) = vpow2.f32 v8;
	v8 =	vmul.f32 $1.442695020e+00, v10  }
0xff: {  	s12 =	sor.u32 s26, s8;
	v10 =	vld [tilespmem:s11+$0x0];
	(erf) = vpow2.f32 v9;
	v3 =	vmul.f32 $1.442695020e+00, v3  }
0x100: {  	s7 =	sadd.s32 $0x2C00, s25;
	v2 =	vmul.f32 $1.442695020e+00, v2;
	v9 =	vld [tilespmem:s12+$0x0];
	(erf) = vpow2.f32 v4  }
0x101: {  	s3 =	sadd.s32 $0x3000, s25;
	s14 =	sor.u32 s26, s7;
	(erf) = vpow2.f32 v8  }
0x102: {  	s5 =	sadd.s32 $0x3400, s25;
	s16 =	sor.u32 s26, s3;
	v4 =	vld [tilespmem:s14+$0x0];
	v8 =	vmul.f32 $1.442695020e+00, v15;
	(erf) = vpow2.f32 v2  }
0x103: {  	s18 =	sor.u32 s26, s5;
	s10 =	sadd.s32 $0x3800, s25;
	v15 =	vld [tilespmem:s16+$0x0];
	v2 =	vmul.f32 $1.442695020e+00, v7;
	(erf) = vpow2.f32 v3;
	v3 =	vpop (erf)  }
0x104: {  	s11 =	sadd.s32 $0x3C00, s25;
	s29 =	sor.u32 s26, s10;
	v7 =	vld [tilespmem:s18+$0x0];
	(erf) = vpow2.f32 v8;
	[tilespmem:$0x1FC30] =	vst v3  }
0x105: {  	s30 =	sor.u32 s26, s11;
	s16 =	sadd.s32 $0x4000, s25;
	v3 =	vmul.f32 $1.442695020e+00, v10;
	v10 =	vmul.f32 $1.442695020e+00, v9;
	v16 =	vld [tilespmem:s29+$0x0]  }
0x106: {  	s31 =	simm.s32 $0x40;
	s14 =	sadd.s32 $0x4400, s25;
	(erf) = vpow2.f32 v2;
	v8 =	vpop (erf);
	v17 =	vld [tilespmem:s30+$0x0];
	s29 =	sor.u32 s26, s16  }
0x107: {  	v4 =	vmul.f32 $1.442695020e+00, v4;
	v2 =	vpop (erf);
	s30 =	sand.u32 $0x60, s31;
	s31 =	sor.u32 s26, s14;
	(erf) = vpow2.f32 v3;
	v3 =	vld [tilespmem:s29+$0x0]  }
0x108: {  	v15 =	vmul.f32 $1.442695020e+00, v15;
	v9 =	vpop (erf);
	v18 =	vld [tilespmem:s31+$0x0];
	s28 =	sor.u32 s30, s28;
	(erf) = vpow2.f32 v10  }
0x109: {  	s25 =	sadd.s32 $0x4800, s25;
	v7 =	vmul.f32 $1.442695020e+00, v7;
	s24 =	sor.u32 s30, s24;
	v10 =	vpop (erf);
	(erf) = vpow2.f32 v4;
	v4 =	vld [tilespmem:s28+$0x0]  }
0x10a: {  	s12 =	sor.u32 s26, s25;
	v21 =	vpop (erf);
	(erf) = vpow2.f32 v15;
	v15 =	vld [tilespmem:s24+$0x0];
	v16 =	vmul.f32 $1.442695020e+00, v16  }
0x10b: {  	v17 =	vmul.f32 $1.442695020e+00, v17;
	v25 =	vpop (erf);
	(erf) = vpow2.f32 v7;
	v7 =	vld [tilespmem:s12+$0x0]  }
0x10c: {  	v22 =	vpop (erf);
	v3 =	vmul.f32 $1.442695020e+00, v3;
	(erf) = vpow2.f32 v16  }
0x10d: {  	v23 =	vpop (erf);
	v16 =	vmul.f32 $1.442695020e+00, v18;
	(erf) = vpow2.f32 v17  }
0x10e: {  	v29 =	vpop (erf);
	v4 =	vmul.f32 $1.442695020e+00, v4;
	(erf) = vpow2.f32 v3  }
0x10f: {  	v24 =	vpop (erf);
	v3 =	vmul.f32 $1.442695020e+00, v15;
	(erf) = vpow2.f32 v16  }
0x110: {  	v15 =	vpop (erf);
	v17 =	vmul.f32 $1.442695020e+00, v7;
	(erf) = vpow2.f32 v4  }
0x111: {  	v16 =	vpop (erf);
	(erf) = vpow2.f32 v3  }
0x112: {  	s21 =	sor.u32 s30, s21;
	v7 =	vpop (erf)  }
0x113: {  	v20 =	vld [tilespmem:s21+$0x0];
	v19 =	vadd.f32 v9, v2;
	v27 =	vadd.f32 v21, v10;
	v3 =	vpop (erf);
	(erf) = vpow2.f32 v17  }
0x114: {  	s23 =	sor.u32 s30, s23;
	v62 =	vadd.f32 v22, v25;
	v17 =	vpop (erf)  }
0x115: {  	v30 =	vld [tilespmem:s23+$0x0];
	v27 =	vadd.f32 v27, v19;
	v53 =	vadd.f32 v29, v23;
	v18 =	vpop (erf)  }
0x116: {  	s19 =	sor.u32 s30, s19;
	v54 =	vadd.f32 v15, v24;
	v55 =	vadd.f32 v7, v16;
	v4 =	vpop (erf)  }
0x117: {  	s20 =	sor.u32 s30, s20;
	v45 =	vld [tilespmem:s19+$0x0];
	v56 =	vadd.f32 v17, v3;
	v57 =	vadd.f32 v4, v18;
	v19 =	vpop (erf)  }
0x118: {  	s15 =	sor.u32 s30, s15;
	v60 =	vld [tilespmem:s20+$0x0];
	v37 =	vadd.f32 v53, v62;
	v53 =	vmul.f32 $1.442695020e+00, v20;
	v20 =	vpop (erf)  }
0x119: {  	v41 =	vadd.f32 v55, v54;
	v54 =	vld [tilespmem:s15+$0x0];
	v62 =	vadd.f32 v57, v56;
	v49 =	vpop (erf)  }
0x11a: {  	s1 =	sor.u32 s30, s1;
	v30 =	vmul.f32 $1.442695020e+00, v30;
	v27 =	vadd.f32 v37, v27;
	v50 =	vpop (erf)  }
0x11b: {  	s6 =	sor.u32 s30, s6;
	(erf) = vpow2.f32 v53;
	v55 =	vld [tilespmem:s1+$0x0];
	v56 =	vadd.f32 v20, v19;
	v41 =	vadd.f32 v62, v41;
	[tilespmem:$0x1FDA0] =	vst v50  }
0x11c: {  	(erf) = vpow2.f32 v30;
	s15 =	sor.u32 s30, s8;
	v30 =	vmul.f32 $1.442695020e+00, v45;
	v37 =	vpop (erf);
	v57 =	vld [tilespmem:s6+$0x0]  }
0x11d: {  	s19 =	sor.u32 s30, s7;
	v40 =	vmul.f32 $1.442695020e+00, v60;
	v60 =	vadd.f32 v37, v56;
	v62 =	vld [tilespmem:s15+$0x0];
	v27 =	vadd.f32 v41, v27  }
0x11e: {  	s20 =	sor.u32 s30, s3;
	(erf) = vpow2.f32 v30;
	v30 =	vmul.f32 $1.442695020e+00, v54;
	v53 =	vld [tilespmem:s19+$0x0]  }
0x11f: {  	s21 =	sor.u32 s30, s5;
	(erf) = vpow2.f32 v40;
	v54 =	vld [tilespmem:s20+$0x0];
	v27 =	vadd.f32 v60, v27  }
0x120: {  	s23 =	sor.u32 s30, s10;
	(erf) = vpow2.f32 v30;
	v30 =	vmul.f32 $1.442695020e+00, v55;
	v55 =	vld [tilespmem:s21+$0x0]  }
0x121: {  	v56 =	vld [tilespmem:s23+$0x0];
	(erf) = vrcp.f32 v27;
	v27 =	vmul.f32 $1.442695020e+00, v57  }
0x122: {  	s24 =	sor.u32 s30, s11;
	(erf) = vpow2.f32 v30;
	v30 =	vmul.f32 $1.442695020e+00, v62  }
0x123: {  	v57 =	vld [tilespmem:s24+$0x0];
	(erf) = vpow2.f32 v27;
	v27 =	vmul.f32 $1.442695020e+00, v53  }
0x124: {  	s26 =	sor.u32 s30, s16;
	(erf) = vpow2.f32 v30;
	v30 =	vmul.f32 $1.442695020e+00, v54  }
0x125: {  	s12 =	sor.u32 s30, s9;
	v62 =	vld [tilespmem:s26+$0x0];
	(erf) = vpow2.f32 v27;
	v27 =	vmul.f32 $1.442695020e+00, v55  }
0x126: {  	s28 =	sor.u32 s30, s14;
	v48 =	vpop (erf);
	v60 =	vld [tilespmem:s12+$0x0];
	(erf) = vpow2.f32 v30;
	v30 =	vmul.f32 $1.442695020e+00, v56  }
0x127: {  	s29 =	sor.u32 s30, s25;
	v51 =	vpop (erf);
	v56 =	vld [tilespmem:s28+$0x0];
	[tilespmem:$0x1FDB0] =	vst v48;
	(erf) = vpow2.f32 v27  }
0x128: {  	v27 =	vmul.f32 $1.442695020e+00, v57;
	v57 =	vld [tilespmem:s29+$0x0];
	[tilespmem:$0x1FDC0] =	vst v51;
	(erf) = vpow2.f32 v30  }
0x129: {  	v53 =	vpop (erf)  }
0x12a: {  	(erf) = vpow2.f32 v27;
	v27 =	vmul.f32 $1.442695020e+00, v62  }
0x12b: {  	v30 =	vmul.f32 $1.442695020e+00, v60  }
0x12c: {  	v46 =	vpop (erf)  }
0x12d: {  	(erf) = vpow2.f32 v30;
	v60 =	vpop (erf)  }
0x12e: {  	(erf) = vpow2.f32 v27;
	v27 =	vpop (erf)  }
0x12f: {  	v27 =	vmul.f32 $1.024000000e+03, v27;
	_ =	sdelay $0x1  }
0x130: {  	v2 =	vmul.f32 v27, v2  }
0x131: {  	v9 =	vmul.f32 v27, v9  }
0x132: {  	v10 =	vmul.f32 v27, v10;
	v2 =	vadd.f32 $8.388608000e+06, v2  }
0x133: {  	v21 =	vmul.f32 v27, v21;
	v9 =	vadd.f32 $8.389632000e+06, v9  }
0x134: {  	v25 =	vmul.f32 v27, v25;
	v10 =	vadd.f32 $8.390656000e+06, v10;
	v2 =	vadd.s32 $0xB5004C00, v2  }
0x135: {  	[tilespmem:$0x1FDD0] =	vst v53;
	v22 =	vmul.f32 v27, v22;
	v21 =	vadd.f32 $8.391680000e+06, v21;
	v9 =	vadd.s32 $0xB5004C00, v9  }
0x136: {  	[tilespmem:$0x1FDE0] =	vst v46;
	v25 =	vadd.f32 $8.392704000e+06, v25;
	v10 =	vadd.s32 $0xB5004C00, v10  }
0x137: {  	[tilespmem:$0x1FE00] =	vst v60;
	v23 =	vmul.f32 v27, v23;
	v22 =	vadd.f32 $8.393728000e+06, v22;
	v21 =	vadd.s32 $0xB5004C00, v21  }
0x138: {  	v55 =	vld [tilespmem:s0+$0x9800];
	v25 =	vadd.s32 $0xB5004C00, v25  }
0x139: {  	v29 =	vmul.f32 v27, v29;
	v23 =	vadd.f32 $8.394752000e+06, v23;
	[tilespmem:v2+s17+$0x0] =	vst.idx.add.s32.msk $0xffff, v1;
	v2 =	vadd.s32 $0xB5004C00, v22  }
0x13a: {  	v24 =	vmul.f32 v27, v24;
	[tilespmem:v9+s17+$0x0] =	vst.idx.add.s32.msk $0xffff, v1  }
0x13b: {  	v29 =	vadd.f32 $8.395776000e+06, v29;
	v9 =	vadd.s32 $0xB5004C00, v23;
	[tilespmem:v10+s17+$0x0] =	vst.idx.add.s32.msk $0xffff, v1  }
0x13c: {  	v22 =	vadd.f32 $8.396800000e+06, v24;
	[tilespmem:v21+s17+$0x0] =	vst.idx.add.s32.msk $0xffff, v1  }
0x13d: {  	s31 =	sand.u32 $0x1F0, s2;
	v15 =	vmul.f32 v27, v15;
	v23 =	vadd.s32 $0xB5004C00, v29;
	[tilespmem:v25+s17+$0x0] =	vst.idx.add.s32.msk $0xffff, v1  }
0x13e: {  	v54 =	vmov s31;
	v21 =	vpop (erf);
	[tilespmem:v2+s17+$0x0] =	vst.idx.add.s32.msk $0xffff, v1  }
0x13f: {  	v16 =	vmul.f32 v27, v16;
	v10 =	vadd.f32 $8.397824000e+06, v15;
	v15 =	vadd.s32 $0xB5004C00, v22;
	[tilespmem:$0x1FE10] =	vst v21  }
0x140: {  	v40 =	vshll.u32 v54, $0x1;
	v30 =	vmul.f32 $1.442695020e+00, v56;
	v62 =	vmul.f32 $1.442695020e+00, v57;
	v22 =	vpop (erf);
	[tilespmem:v9+s17+$0x0] =	vst.idx.add.s32.msk $0xffff, v1  }
0x141: {  	v7 =	vmul.f32 v27, v7;
	v16 =	vadd.f32 $8.398848000e+06, v16;
	v10 =	vadd.s32 $0xB5004C00, v10;
	[tilespmem:$0x1FE20] =	vst v22  }
0x142: {  	v40 =	vand.u32 $0x300, v40;
	(erf) = vpow2.f32 v30;
	v17 =	vmul.f32 v27, v17;
	[tilespmem:v23+s17+$0x0] =	vst.idx.add.s32.msk $0xffff, v1;
	v23 =	vpop (erf)  }
0x143: {  	v3 =	vmul.f32 v27, v3;
	v7 =	vadd.f32 $8.399872000e+06, v7;
	v2 =	vadd.s32 $0xB5004C00, v16;
	[tilespmem:$0x1FE30] =	vst v23  }
0x144: {  	v4 =	vmul.f32 v27, v4;
	v16 =	vadd.f32 $8.401920000e+06, v17;
	v17 =	vmul.f32 v27, v19;
	v19 =	vpop (erf);
	[tilespmem:v15+s17+$0x0] =	vst.idx.add.s32.msk $0xffff, v1  }
0x145: {  	s30 =	simm.s32 $0x0;
	v18 =	vmul.f32 v27, v18;
	v3 =	vadd.f32 $8.400896000e+06, v3;
	v7 =	vadd.s32 $0xB5004C00, v7;
	[tilespmem:$0x1FE40] =	vst v19  }
0x146: {  	v30 =	vmov s30;
	(erf) = vpow2.f32 v62;
	v4 =	vadd.f32 $8.403968000e+06, v4;
	v24 =	vpop (erf);
	[tilespmem:v10+s17+$0x0] =	vst.idx.add.s32.msk $0xffff, v1  }
0x147: {  	v30 =	vshll.u32 v30, $0x7;
	v3 =	vadd.s32 $0xB5004C00, v3;
	v9 =	vadd.f32 $8.402944000e+06, v18;
	[tilespmem:$0x1FE50] =	vst v24  }
0x148: {  	v30 =	vand.u32 $0x80, v30;
	v4 =	vadd.s32 $0xB5004C00, v4;
	v16 =	vadd.s32 $0xB5004C00, v16;
	v25 =	vpop (erf);
	[tilespmem:v2+s17+$0x0] =	vst.idx.add.s32.msk $0xffff, v1  }
0x149: {  	v18 =	vor.u32 v30, v40;
	v9 =	vadd.s32 $0xB5004C00, v9;
	v15 =	vmul.f32 v27, v20;
	[tilespmem:$0x1FE60] =	vst v25  }
0x14a: {  	v19 =	vadd.f32 v19, v23;
	v10 =	vadd.f32 $8.404992000e+06, v17;
	v17 =	vmul.f32 v27, v37;
	v56 =	vpop (erf);
	[tilespmem:v7+s17+$0x0] =	vst.idx.add.s32.msk $0xffff, v1  }
0x14b: {  	v2 =	vadd.f32 $8.406016000e+06, v15;
	v15 =	vbroadcast v18, $0x0;
	v18 =	vor.u32 s31, v63;
	[tilespmem:$0x1FE70] =	vst v56  }
0x14c: {  	v57 =	vpop (erf);
	v10 =	vadd.s32 $0xB5004C00, v10;
	v7 =	vadd.f32 $8.407040000e+06, v17;
	v17 =	vand.u32 $0x7F, v18;
	[tilespmem:v3+s17+$0x0] =	vst.idx.add.s32.msk $0xffff, v1  }
0x14d: {  	v20 =	vadd.f32 v57, v56;
	v2 =	vadd.s32 $0xB5004C00, v2;
	v3 =	vor.u32 v17, v15;
	[tilespmem:$0x1FE80] =	vst v57  }
0x14e: {  	v29 =	vshll.u32 v55, $0xA;
	v15 =	vadd.f32 v48, v50;
	v48 =	vpop (erf);
	[tilespmem:v16+s17+$0x0] =	vst.idx.add.s32.msk $0xffff, v1;
	v16 =	vadd.f32 v53, v51  }
0x14f: {  	v18 =	vadd.f32 v22, v21;
	v7 =	vadd.s32 $0xB5004C00, v7;
	v17 =	vadd.f32 v49, v48;
	[tilespmem:v9+s17+$0x0] =	vst.idx.add.s32.msk $0xffff, v1  }
0x150: {  	v3 =	vor.u32 v29, v3;
	v9 =	vadd.f32 v60, v46;
	[tilespmem:v4+s17+$0x0] =	vst.idx.add.s32.msk $0xffff, v1  }
0x151: {  	v4 =	vadd.f32 v25, v24;
	[tilespmem:v10+s17+$0x0] =	vst.idx.add.s32.msk $0xffff, v1;
	v10 =	vadd.f32 v15, v17  }
0x152: {  	v9 =	vadd.f32 v9, v16;
	[tilespmem:v2+s17+$0x0] =	vst.idx.add.s32.msk $0xffff, v1;
	v16 =	vpop (erf)  }
0x153: {  	s2 =	simm.s32 $0xC0;
	v15 =	vadd.f32 v19, v18;
	v2 =	vadd.f32 v20, v4;
	[tilespmem:$0x1FE90] =	vst v16  }
0x154: {  	s3 =	simm.s32 $0x0;
	s0 =	sand.u32 $0x300, s2;
	s2 =	simm.s32 $0x70;
	v4 =	vadd.f32 v9, v10;
	[tilespmem:v7+s17+$0x0] =	vst.idx.add.s32.msk $0xffff, v1;
	v7 =	vpop (erf)  }
0x155: {  	s9 =	sor.u32 s3, s0;
	s1 =	sadd.s32 $0x0, s0;
	s25 =	sand.u32 $0x70, s2;
	v2 =	vadd.f32 v2, v15;
	[tilespmem:$0x1FEB0] =	vst v7;
	v7 =	vadd.f32 v7, v16;
	v10 =	vpop (erf)  }
0x156: {  	s30 =	sadd.s32 $0x400, s1;
	s0 =	sor.u32 s25, s9;
	v3 =	vld.idx.msk [tilespmem:v3+s4+$0x0], $0xffff;
	[tilespmem:$0x1FEC0] =	vst v10  }
0x157: {  	s24 =	sadd.s32 $0x800, s1;
	s5 =	sor.u32 s25, s30;
	v2 =	vadd.f32 v2, v4;
	v9 =	vld [tilespmem:s0+$0x0];
	v4 =	vadd.f32 v10, v7  }
0x158: {  	s23 =	sadd.s32 $0xC00, s1;
	s6 =	sor.u32 s25, s24;
	v7 =	vld [tilespmem:s5+$0x0]  }
0x159: {  	s28 =	sadd.s32 $0x1000, s1;
	s7 =	sor.u32 s25, s23;
	v10 =	vld [tilespmem:s6+$0x0];
	v2 =	vadd.f32 v4, v2  }
0x15a: {  	s20 =	sadd.s32 $0x1400, s1;
	s8 =	sor.u32 s25, s28;
	v4 =	vld [tilespmem:s7+$0x0]  }
0x15b: {  	s21 =	sadd.s32 $0x1800, s1;
	s10 =	sor.u32 s25, s20;
	v15 =	vld [tilespmem:s8+$0x0];
	v3 =	vmul.f32 $1.442695020e+00, v3;
	(erf) = vrcp.f32 v2  }
0x15c: {  	s16 =	sadd.s32 $0x1C00, s1;
	s11 =	sor.u32 s25, s21;
	v2 =	vmul.f32 $1.442695020e+00, v9;
	v9 =	vld [tilespmem:s10+$0x0]  }
0x15d: {  	s3 =	sadd.s32 $0x2000, s1;
	s14 =	sor.u32 s25, s16;
	(erf) = vpow2.f32 v3;
	v3 =	vmul.f32 $1.442695020e+00, v7;
	v7 =	vld [tilespmem:s11+$0x0]  }
0x15e: {  	s15 =	sor.u32 s25, s3;
	s5 =	sadd.s32 $0x2400, s1;
	(erf) = vpow2.f32 v2;
	v2 =	vmul.f32 $1.442695020e+00, v10;
	v10 =	vld [tilespmem:s14+$0x0]  }
0x15f: {  	s18 =	sor.u32 s25, s5;
	(erf) = vpow2.f32 v3;
	v3 =	vmul.f32 $1.442695020e+00, v4;
	v4 =	vld [tilespmem:s15+$0x0]  }
0x160: {  	s11 =	sadd.s32 $0x2800, s1;
	(erf) = vpow2.f32 v2;
	v2 =	vmul.f32 $1.442695020e+00, v15;
	v15 =	vld [tilespmem:s18+$0x0]  }
0x161: {  	s6 =	sadd.s32 $0x2C00, s1;
	s19 =	sor.u32 s25, s11;
	(erf) = vpow2.f32 v3;
	v3 =	vmul.f32 $1.442695020e+00, v9  }
0x162: {  	s26 =	sor.u32 s25, s6;
	s7 =	sadd.s32 $0x3000, s1;
	v9 =	vld [tilespmem:s19+$0x0];
	(erf) = vpow2.f32 v2;
	v2 =	vmul.f32 $1.442695020e+00, v7  }
0x163: {  	v16 =	vld [tilespmem:s26+$0x0];
	s29 =	sor.u32 s25, s7;
	s10 =	sadd.s32 $0x3400, s1;
	(erf) = vpow2.f32 v3;
	v3 =	vmul.f32 $1.442695020e+00, v10  }
0x164: {  	s31 =	sor.u32 s25, s10;
	s14 =	sadd.s32 $0x3800, s1;
	v10 =	vld [tilespmem:s29+$0x0];
	(erf) = vpow2.f32 v2;
	v2 =	vmul.f32 $1.442695020e+00, v4;
	v4 =	vpop (erf)  }
0x165: {  	v17 =	vld [tilespmem:s31+$0x0];
	s18 =	sadd.s32 $0x3C00, s1;
	s19 =	sor.u32 s25, s14;
	(erf) = vpow2.f32 v3;
	v3 =	vmul.f32 $1.442695020e+00, v15;
	[tilespmem:$0x1FCC0] =	vst v4  }
0x166: {  	s26 =	sor.u32 s25, s18;
	v15 =	vld [tilespmem:s19+$0x0]  }
0x167: {  	(erf) = vpow2.f32 v2;
	s19 =	sadd.s32 $0x4000, s1;
	v2 =	vmul.f32 $1.442695020e+00, v9;
	v9 =	vld [tilespmem:s26+$0x0]  }
0x168: {  	v16 =	vmul.f32 $1.442695020e+00, v16;
	s15 =	sadd.s32 $0x4400, s1;
	s29 =	simm.s32 $0x60;
	v45 =	vpop (erf);
	(erf) = vpow2.f32 v3;
	s31 =	sor.u32 s25, s19  }
0x169: {  	s8 =	sand.u32 $0x60, s29;
	s29 =	sor.u32 s25, s15;
	v18 =	vld [tilespmem:s31+$0x0];
	v3 =	vpop (erf);
	(erf) = vpow2.f32 v2;
	v2 =	vmul.f32 $1.442695020e+00, v10  }
0x16a: {  	s31 =	sor.u32 s8, s30;
	v10 =	vld [tilespmem:s29+$0x0];
	v4 =	vpop (erf);
	(erf) = vpow2.f32 v16;
	v16 =	vmul.f32 $1.442695020e+00, v17  }
0x16b: {  	s1 =	sadd.s32 $0x4800, s1;
	v17 =	vld [tilespmem:s31+$0x0];
	v23 =	vpop (erf);
	(erf) = vpow2.f32 v2;
	v2 =	vmul.f32 $1.442695020e+00, v15  }
0x16c: {  	s26 =	sor.u32 s25, s1;
	v9 =	vmul.f32 $1.442695020e+00, v9;
	v25 =	vpop (erf);
	(erf) = vpow2.f32 v16  }
0x16d: {  	s24 =	sor.u32 s8, s24;
	v40 =	vpop (erf);
	(erf) = vpow2.f32 v2;
	v2 =	vld [tilespmem:s26+$0x0]  }
0x16e: {  	v15 =	vld [tilespmem:s24+$0x0];
	v37 =	vpop (erf);
	(erf) = vpow2.f32 v9;
	v9 =	vmul.f32 $1.442695020e+00, v18  }
0x16f: {  	v10 =	vmul.f32 $1.442695020e+00, v10;
	v24 =	vpop (erf)  }
0x170: {  	v21 =	vpop (erf);
	(erf) = vpow2.f32 v9;
	v9 =	vmul.f32 $1.442695020e+00, v17  }
0x171: {  	v22 =	vpop (erf);
	(erf) = vpow2.f32 v10  }
0x172: {  	v18 =	vpop (erf);
	(erf) = vpow2.f32 v9;
	v9 =	vmul.f32 $1.442695020e+00, v2  }
0x173: {  	v10 =	vmul.f32 $1.442695020e+00, v15  }
0x174: {  	v17 =	vpop (erf)  }
0x175: {  	s28 =	sor.u32 s8, s28;
	(erf) = vpow2.f32 v10;
	v2 =	vpop (erf)  }
0x176: {  	s23 =	sor.u32 s8, s23;
	v42 =	vld [tilespmem:s28+$0x0];
	(erf) = vpow2.f32 v9;
	v9 =	vpop (erf)  }
0x177: {  	v20 =	vld [tilespmem:s23+$0x0];
	v19 =	vadd.f32 v4, v3;
	v41 =	vadd.f32 v25, v23;
	v10 =	vpop (erf)  }
0x178: {  	v46 =	vadd.f32 v37, v40;
	v15 =	vpop (erf)  }
0x179: {  	v41 =	vadd.f32 v41, v19;
	v50 =	vadd.f32 v21, v24;
	v16 =	vpop (erf)  }
0x17a: {  	s20 =	sor.u32 s8, s20;
	v60 =	vadd.f32 v10, v9;
	v62 =	vadd.f32 v16, v15  }
0x17b: {  	s21 =	sor.u32 s8, s21;
	v54 =	vld [tilespmem:s20+$0x0];
	v42 =	vmul.f32 $1.442695020e+00, v42;
	v51 =	vadd.f32 v18, v22;
	v53 =	vadd.f32 v2, v17;
	v19 =	vpop (erf)  }
0x17c: {  	s16 =	sor.u32 s8, s16;
	v46 =	vadd.f32 v50, v46;
	v50 =	vld [tilespmem:s21+$0x0];
	v60 =	vadd.f32 v62, v60;
	v62 =	vmul.f32 $1.442695020e+00, v20;
	v20 =	vpop (erf)  }
0x17d: {  	v56 =	vld [tilespmem:s16+$0x0];
	v51 =	vadd.f32 v53, v51;
	v26 =	vpop (erf)  }
0x17e: {  	s3 =	sor.u32 s8, s3;
	v46 =	vadd.f32 v46, v41;
	v41 =	vpop (erf)  }
0x17f: {  	s5 =	sor.u32 s8, s5;
	v53 =	vld [tilespmem:s3+$0x0];
	(erf) = vpow2.f32 v62;
	v51 =	vadd.f32 v60, v51;
	v60 =	vadd.f32 v20, v19;
	[tilespmem:$0x1FEF0] =	vst v41  }
0x180: {  	s29 =	sor.u32 s8, s11;
	v54 =	vmul.f32 $1.442695020e+00, v54;
	(erf) = vpow2.f32 v42;
	v42 =	vpop (erf);
	v57 =	vld [tilespmem:s5+$0x0]  }
0x181: {  	s30 =	sor.u32 s8, s6;
	v50 =	vmul.f32 $1.442695020e+00, v50;
	v46 =	vadd.f32 v51, v46;
	v62 =	vadd.f32 v42, v60;
	v55 =	vld [tilespmem:s29+$0x0]  }
0x182: {  	s31 =	sor.u32 s8, s7;
	(erf) = vpow2.f32 v54;
	v60 =	vmul.f32 $1.442695020e+00, v56;
	v56 =	vld [tilespmem:s30+$0x0]  }
0x183: {  	s6 =	sor.u32 s8, s10;
	(erf) = vpow2.f32 v50;
	v50 =	vld [tilespmem:s31+$0x0];
	v46 =	vadd.f32 v62, v46  }
0x184: {  	s7 =	sor.u32 s8, s14;
	(erf) = vpow2.f32 v60;
	v62 =	vmul.f32 $1.442695020e+00, v53;
	v53 =	vld [tilespmem:s6+$0x0]  }
0x185: {  	v54 =	vld [tilespmem:s7+$0x0];
	(erf) = vrcp.f32 v46;
	v57 =	vmul.f32 $1.442695020e+00, v57  }
0x186: {  	(erf) = vpow2.f32 v62;
	v60 =	vmul.f32 $1.442695020e+00, v55  }
0x187: {  	s10 =	sor.u32 s8, s18;
	v62 =	vmul.f32 $1.442695020e+00, v56;
	(erf) = vpow2.f32 v57  }
0x188: {  	s28 =	sor.u32 s8, s9;
	v55 =	vld [tilespmem:s10+$0x0];
	v50 =	vmul.f32 $1.442695020e+00, v50;
	(erf) = vpow2.f32 v60  }
0x189: {  	s11 =	sor.u32 s8, s19;
	v56 =	vld [tilespmem:s28+$0x0];
	v60 =	vmul.f32 $1.442695020e+00, v53;
	(erf) = vpow2.f32 v62  }
0x18a: {  	s14 =	sand.u32 $0x1E0, s22;
	v51 =	vld [tilespmem:s11+$0x0];
	v62 =	vmul.f32 $1.442695020e+00, v54;
	(erf) = vpow2.f32 v50  }
0x18b: {  	(erf) = vpow2.f32 v60;
	v60 =	vmov s14  }
0x18c: {  	v57 =	vpop (erf);
	(erf) = vpow2.f32 v62;
	v62 =	vshll.u32 v60, $0x1  }
0x18d: {  	v60 =	vand.u32 $0x300, v62  }
0x18e: {  	v46 =	vmul.f32 $1.442695020e+00, v55;
	v53 =	vmul.f32 $1.442695020e+00, v56;
	v13 =	vor.u32 v13, v60  }
0x18f: {  	v62 =	vmul.f32 $1.442695020e+00, v51;
	v51 =	vor.u32 s14, v63;
	v13 =	vbroadcast v13, $0x0  }
0x190: {  	v56 =	vpop (erf);
	v50 =	vmul.f32 v58, v5;
	(erf) = vpow2.f32 v46;
	v46 =	vand.u32 $0x6F, v51  }
0x191: {  	v5 =	vor.u32 v46, v13;
	v13 =	vmul.f32 v58, v14  }
0x192: {  	v12 =	vmul.f32 v58, v12;
	v14 =	vadd.f32 $8.390656000e+06, v50  }
0x193: {  	v11 =	vmul.f32 v58, v11;
	v0 =	vmul.f32 v58, v0;
	s15 =	sor.u32 s8, s15;
	v13 =	vadd.f32 $8.391680000e+06, v13  }
0x194: {  	v6 =	vmul.f32 v58, v6;
	v12 =	vadd.f32 $8.392704000e+06, v12;
	v54 =	vld [tilespmem:s15+$0x0];
	[tilespmem:$0x1FF00] =	vst v57;
	v14 =	vadd.s32 $0xB5004C00, v14  }
0x195: {  	v31 =	vmul.f32 v58, v31;
	v11 =	vadd.f32 $8.393728000e+06, v11;
	[tilespmem:$0x1FF10] =	vst v56;
	v55 =	vpop (erf);
	v13 =	vadd.s32 $0xB5004C00, v13  }
0x196: {  	v32 =	vmul.f32 v58, v32;
	v12 =	vadd.s32 $0xB5004C00, v12;
	[tilespmem:$0x1FF20] =	vst v55;
	(erf) = vpow2.f32 v53;
	v53 =	vpop (erf)  }
0x197: {  	v0 =	vadd.f32 $8.394752000e+06, v0;
	v11 =	vadd.s32 $0xB5004C00, v11;
	[tilespmem:$0x1FF30] =	vst v53;
	(erf) = vpow2.f32 v62;
	v62 =	vpop (erf)  }
0x198: {  	v33 =	vmul.f32 v58, v33;
	v34 =	vmul.f32 v58, v34;
	v6 =	vadd.f32 $8.395776000e+06, v6;
	[tilespmem:$0x1FF40] =	vst v62  }
0x199: {  	v35 =	vmul.f32 v58, v35;
	v31 =	vadd.f32 $8.396800000e+06, v31;
	v0 =	vadd.s32 $0xB5004C00, v0;
	[tilespmem:v14+s17+$0x0] =	vst.idx.add.s32.msk $0xffff, v1  }
0x19a: {  	v36 =	vmul.f32 v58, v36;
	v32 =	vadd.f32 $8.397824000e+06, v32;
	v6 =	vadd.s32 $0xB5004C00, v6;
	[tilespmem:v13+s17+$0x0] =	vst.idx.add.s32.msk $0xffff, v1  }
0x19b: {  	v38 =	vmul.f32 v58, v38;
	v33 =	vadd.f32 $8.398848000e+06, v33;
	v31 =	vadd.s32 $0xB5004C00, v31;
	[tilespmem:v12+s17+$0x0] =	vst.idx.add.s32.msk $0xffff, v1  }
0x19c: {  	v34 =	vadd.f32 $8.399872000e+06, v34;
	v32 =	vadd.s32 $0xB5004C00, v32;
	v14 =	vmul.f32 v58, v39;
	[tilespmem:v11+s17+$0x0] =	vst.idx.add.s32.msk $0xffff, v1  }
0x19d: {  	v35 =	vadd.f32 $8.400896000e+06, v35;
	v33 =	vadd.s32 $0xB5004C00, v33;
	v13 =	vmul.f32 v58, v43;
	[tilespmem:$0x1FBC0] =	vst v58  }
0x19e: {  	v36 =	vadd.f32 $8.401920000e+06, v36;
	v34 =	vadd.s32 $0xB5004C00, v34;
	v14 =	vadd.f32 $8.403968000e+06, v14;
	[tilespmem:v0+s17+$0x0] =	vst.idx.add.s32.msk $0xffff, v1  }
0x19f: {  	v0 =	vadd.f32 $8.402944000e+06, v38;
	[tilespmem:v6+s17+$0x0] =	vst.idx.add.s32.msk $0xffff, v1;
	v6 =	vadd.f32 $8.404992000e+06, v13;
	v13 =	vadd.s32 $0xB5004C00, v35  }
0x1a0: {  	v12 =	vmul.f32 v58, v44;
	v44 =	vpop (erf);
	v11 =	vmul.f32 v58, v47;
	[tilespmem:v31+s17+$0x0] =	vst.idx.add.s32.msk $0xffff, v1;
	v31 =	vadd.s32 $0xB5004C00, v36  }
0x1a1: {  	v0 =	vadd.s32 $0xB5004C00, v0;
	[tilespmem:v32+s17+$0x0] =	vst.idx.add.s32.msk $0xffff, v1;
	v32 =	vmul.f32 $1.024000000e+03, v44  }
0x1a2: {  	s16 =	simm.s32 $0x0;
	v14 =	vadd.s32 $0xB5004C00, v14;
	v12 =	vadd.f32 $8.406016000e+06, v12;
	v11 =	vadd.f32 $8.407040000e+06, v11;
	[tilespmem:v33+s17+$0x0] =	vst.idx.add.s32.msk $0xffff, v1  }
0x1a3: {  	v50 =	vmov s16;
	v6 =	vadd.s32 $0xB5004C00, v6;
	[tilespmem:v34+s17+$0x0] =	vst.idx.add.s32.msk $0xffff, v1;
	v3 =	vmul.f32 v32, v3  }
0x1a4: {  	v12 =	vadd.s32 $0xB5004C00, v12;
	v11 =	vadd.s32 $0xB5004C00, v11;
	v4 =	vmul.f32 v32, v4;
	[tilespmem:v13+s17+$0x0] =	vst.idx.add.s32.msk $0xffff, v1  }
0x1a5: {  	v23 =	vmul.f32 v32, v23;
	v13 =	vshll.u32 v50, $0x7;
	[tilespmem:v31+s17+$0x0] =	vst.idx.add.s32.msk $0xffff, v1;
	v3 =	vadd.f32 $8.388608000e+06, v3  }
0x1a6: {  	v31 =	vand.u32 $0x80, v13;
	[tilespmem:v0+s17+$0x0] =	vst.idx.add.s32.msk $0xffff, v1;
	v0 =	vadd.f32 $8.389632000e+06, v4;
	v4 =	vmul.f32 v32, v25  }
0x1a7: {  	v13 =	vadd.f32 $8.390656000e+06, v23;
	[tilespmem:v14+s17+$0x0] =	vst.idx.add.s32.msk $0xffff, v1;
	v3 =	vadd.s32 $0xB5004C00, v3;
	v14 =	vmul.f32 v32, v40  }
0x1a8: {  	[tilespmem:v6+s17+$0x0] =	vst.idx.add.s32.msk $0xffff, v1;
	v0 =	vadd.s32 $0xB5004C00, v0;
	v4 =	vadd.f32 $8.391680000e+06, v4;
	v6 =	vmul.f32 v32, v37  }
0x1a9: {  	[tilespmem:v12+s17+$0x0] =	vst.idx.add.s32.msk $0xffff, v1;
	v12 =	vadd.s32 $0xB5004C00, v13;
	v13 =	vadd.f32 $8.392704000e+06, v14;
	v14 =	vmul.f32 v32, v24  }
0x1aa: {  	[tilespmem:v11+s17+$0x0] =	vst.idx.add.s32.msk $0xffff, v1;
	v4 =	vadd.s32 $0xB5004C00, v4;
	v6 =	vadd.f32 $8.393728000e+06, v6;
	v11 =	vmul.f32 v32, v21  }
0x1ab: {  	v21 =	vmul.f32 v32, v22;
	v22 =	vld [tilespmem:s0+$0x9800];
	v13 =	vadd.s32 $0xB5004C00, v13;
	v14 =	vadd.f32 $8.394752000e+06, v14  }
0x1ac: {  	[tilespmem:v3+s17+$0x0] =	vst.idx.add.s32.msk $0xffff, v1;
	v3 =	vadd.s32 $0xB5004C00, v6  }
0x1ad: {  	v6 =	vadd.f32 $8.395776000e+06, v11;
	[tilespmem:v0+s17+$0x0] =	vst.idx.add.s32.msk $0xffff, v1;
	v0 =	vadd.s32 $0xB5004C00, v14  }
0x1ae: {  	v14 =	vadd.f32 $8.396800000e+06, v21;
	[tilespmem:v12+s17+$0x0] =	vst.idx.add.s32.msk $0xffff, v1  }
0x1af: {  	v11 =	vmul.f32 v32, v18;
	v6 =	vadd.s32 $0xB5004C00, v6;
	[tilespmem:v4+s17+$0x0] =	vst.idx.add.s32.msk $0xffff, v1  }
0x1b0: {  	v17 =	vmul.f32 v32, v17;
	[tilespmem:v13+s17+$0x0] =	vst.idx.add.s32.msk $0xffff, v1  }
0x1b1: {  	v11 =	vadd.f32 $8.397824000e+06, v11;
	v4 =	vadd.s32 $0xB5004C00, v14;
	[tilespmem:v3+s17+$0x0] =	vst.idx.add.s32.msk $0xffff, v1  }
0x1b2: {  	s1 =	sor.u32 s8, s1;
	v2 =	vmul.f32 v32, v2;
	v12 =	vadd.f32 $8.398848000e+06, v17;
	v14 =	vpop (erf);
	[tilespmem:v0+s17+$0x0] =	vst.idx.add.s32.msk $0xffff, v1  }
0x1b3: {  	v43 =	vld [tilespmem:s1+$0x0];
	v10 =	vmul.f32 v32, v10;
	v11 =	vadd.s32 $0xB5004C00, v11;
	[tilespmem:$0x1FF50] =	vst v14  }
0x1b4: {  	v2 =	vadd.f32 $8.399872000e+06, v2;
	v3 =	vadd.s32 $0xB5004C00, v12;
	v12 =	vmul.f32 v32, v15;
	v15 =	vpop (erf);
	[tilespmem:v6+s17+$0x0] =	vst.idx.add.s32.msk $0xffff, v1  }
0x1b5: {  	v9 =	vmul.f32 v32, v9;
	[tilespmem:$0x1FF60] =	vst v15  }
0x1b6: {  	v0 =	vadd.s32 $0xB5004C00, v2;
	v2 =	vadd.f32 $8.401920000e+06, v10;
	v10 =	vmul.f32 v32, v16;
	v16 =	vpop (erf);
	[tilespmem:v4+s17+$0x0] =	vst.idx.add.s32.msk $0xffff, v1  }
0x1b7: {  	v9 =	vadd.f32 $8.400896000e+06, v9;
	[tilespmem:$0x1FF70] =	vst v16  }
0x1b8: {  	s18 =	sand.u32 $0x1F0, s2;
	v17 =	vpop (erf);
	[tilespmem:v11+s17+$0x0] =	vst.idx.add.s32.msk $0xffff, v1  }
0x1b9: {  	v60 =	vmul.f32 $1.442695020e+00, v54;
	v51 =	vmov s18;
	v6 =	vadd.s32 $0xB5004C00, v9;
	[tilespmem:$0x1FF80] =	vst v17  }
0x1ba: {  	v7 =	vshll.u32 v59, $0xA;
	v54 =	vshll.u32 v51, $0x1;
	v18 =	vpop (erf);
	[tilespmem:v3+s17+$0x0] =	vst.idx.add.s32.msk $0xffff, v1  }
0x1bb: {  	(erf) = vpow2.f32 v60;
	v9 =	vadd.f32 $8.402944000e+06, v12;
	v2 =	vadd.s32 $0xB5004C00, v2;
	[tilespmem:$0x1FF90] =	vst v18  }
0x1bc: {  	v5 =	vor.u32 v7, v5;
	v12 =	vmul.f32 v32, v19;
	v4 =	vadd.f32 $8.403968000e+06, v10;
	v19 =	vpop (erf);
	[tilespmem:v0+s17+$0x0] =	vst.idx.add.s32.msk $0xffff, v1  }
0x1bd: {  	v47 =	vmul.f32 $1.442695020e+00, v43;
	v10 =	vmul.f32 v32, v20;
	v9 =	vadd.s32 $0xB5004C00, v9;
	[tilespmem:$0x1FFA0] =	vst v19  }
0x1be: {  	v34 =	vand.u32 $0x300, v54;
	v20 =	vpop (erf);
	v3 =	vadd.s32 $0xB5004C00, v4;
	v0 =	vadd.f32 $8.404992000e+06, v12;
	[tilespmem:v6+s17+$0x0] =	vst.idx.add.s32.msk $0xffff, v1  }
0x1bf: {  	v13 =	vor.u32 v31, v34;
	v11 =	vmul.f32 v32, v42;
	v10 =	vadd.f32 $8.406016000e+06, v10;
	[tilespmem:$0x1FFB0] =	vst v20  }
0x1c0: {  	(erf) = vpow2.f32 v47;
	v21 =	vpop (erf);
	v4 =	vbroadcast v13, $0x0;
	v0 =	vadd.s32 $0xB5004C00, v0;
	[tilespmem:v2+s17+$0x0] =	vst.idx.add.s32.msk $0xffff, v1  }
0x1c1: {  	v13 =	vor.u32 s18, v63;
	v6 =	vadd.f32 $8.407040000e+06, v11;
	v2 =	vadd.s32 $0xB5004C00, v10;
	[tilespmem:$0x1FFC0] =	vst v21  }
0x1c2: {  	v34 =	vshll.u32 v22, $0xA;
	v12 =	vand.u32 $0x7F, v13;
	v13 =	vadd.f32 v15, v14;
	[tilespmem:v9+s17+$0x0] =	vst.idx.add.s32.msk $0xffff, v1  }
0x1c3: {  	v14 =	vadd.f32 v17, v16;
	v4 =	vor.u32 v12, v4;
	v9 =	vadd.s32 $0xB5004C00, v6;
	[tilespmem:v3+s17+$0x0] =	vst.idx.add.s32.msk $0xffff, v1  }
0x1c4: {  	v11 =	vadd.f32 v55, v56;
	v4 =	vor.u32 v34, v4;
	v10 =	vadd.f32 v57, v41;
	v41 =	vpop (erf);
	[tilespmem:$0x1FBD0] =	vst v7  }
0x1c5: {  	v12 =	vadd.f32 v26, v41;
	v3 =	vadd.f32 v62, v53;
	[tilespmem:v0+s17+$0x0] =	vst.idx.add.s32.msk $0xffff, v1  }
0x1c6: {  	v15 =	vadd.f32 v19, v18;
	v16 =	vadd.f32 v21, v20;
	v6 =	vpop (erf);
	[tilespmem:v2+s17+$0x0] =	vst.idx.add.s32.msk $0xffff, v1  }
0x1c7: {  	v3 =	vadd.f32 v3, v11;
	v0 =	vadd.f32 v10, v12;
	[tilespmem:$0x1FFD0] =	vst v6  }
0x1c8: {  	s22 =	simm.s32 $0x100;
	v7 =	vpop (erf);
	v10 =	vadd.f32 v14, v13;
	v2 =	vadd.f32 v16, v15;
	[tilespmem:v9+s17+$0x0] =	vst.idx.add.s32.msk $0xffff, v1  }
0x1c9: {  	s20 =	simm.s32 $0x0;
	s23 =	simm.s32 $0x90;
	s19 =	sand.u32 $0x300, s22;
	v0 =	vadd.f32 v3, v0;
	[tilespmem:$0x1FFE0] =	vst v7  }
0x1ca: {  	s25 =	sor.u32 s20, s19;
	s1 =	sadd.s32 $0x0, s19;
	s0 =	sand.u32 $0x70, s23;
	v2 =	vadd.f32 v2, v10;
	v3 =	vld.idx.msk [tilespmem:v4+s4+$0x0], $0xffff;
	v4 =	vadd.f32 v7, v6;
	v6 =	vpop (erf)  }
0x1cb: {  	s2 =	sadd.s32 $0x400, s1;
	s30 =	sor.u32 s0, s25;
	v5 =	vld.idx.msk [tilespmem:v5+s4+$0x0], $0xffff;
	[tilespmem:$0x1FFF0] =	vst v6  }
0x1cc: {  	s3 =	sadd.s32 $0x800, s1;
	s21 =	sor.u32 s0, s2;
	v0 =	vadd.f32 v2, v0;
	v2 =	vadd.f32 v6, v4;
	v4 =	vld [tilespmem:s30+$0x0]  }
0x1cd: {  	s31 =	sadd.s32 $0xC00, s1;
	s24 =	sor.u32 s0, s3;
	v9 =	vld [tilespmem:s21+$0x0]  }
0x1ce: {  	s26 =	sor.u32 s0, s31;
	s21 =	sadd.s32 $0x1000, s1;
	v0 =	vadd.f32 v2, v0;
	v2 =	vld [tilespmem:s24+$0x0]  }
0x1cf: {  	v10 =	vld [tilespmem:s26+$0x0];
	s29 =	sor.u32 s0, s21;
	v3 =	vmul.f32 $1.442695020e+00, v3  }
0x1d0: {  	s19 =	sadd.s32 $0x1800, s1;
	(erf) = vrcp.f32 v0;
	v0 =	vmul.f32 $1.442695020e+00, v5;
	v5 =	vld [tilespmem:s29+$0x0]  }
0x1d1: {  	s20 =	sadd.s32 $0x1400, s1;
	s8 =	sor.u32 s0, s19;
	(erf) = vpow2.f32 v3;
	v3 =	vmul.f32 $1.442695020e+00, v4  }
0x1d2: {  	s7 =	sor.u32 s0, s20;
	(erf) = vpow2.f32 v0;
	v0 =	vmul.f32 $1.442695020e+00, v9;
	v9 =	vld [tilespmem:s8+$0x0]  }
0x1d3: {  	s18 =	sadd.s32 $0x1C00, s1;
	v4 =	vld [tilespmem:s7+$0x0];
	(erf) = vpow2.f32 v3;
	v2 =	vmul.f32 $1.442695020e+00, v2  }
0x1d4: {  	s16 =	sadd.s32 $0x2000, s1;
	s9 =	sor.u32 s0, s18;
	(erf) = vpow2.f32 v0;
	v0 =	vmul.f32 $1.442695020e+00, v10  }
0x1d5: {  	s6 =	sadd.s32 $0x2400, s1;
	s10 =	sor.u32 s0, s16;
	v3 =	vld [tilespmem:s9+$0x0];
	(erf) = vpow2.f32 v2;
	v2 =	vmul.f32 $1.442695020e+00, v5  }
0x1d6: {  	s14 =	sadd.s32 $0x2800, s1;
	s11 =	sor.u32 s0, s6;
	v10 =	vld [tilespmem:s10+$0x0];
	(erf) = vpow2.f32 v0  }
0x1d7: {  	s15 =	sadd.s32 $0x2C00, s1;
	s24 =	sor.u32 s0, s14;
	v5 =	vld [tilespmem:s11+$0x0];
	(erf) = vpow2.f32 v2;
	v2 =	vmul.f32 $1.442695020e+00, v9  }
0x1d8: {  	s26 =	sor.u32 s0, s15;
	s7 =	sadd.s32 $0x3000, s1;
	v0 =	vmul.f32 $1.442695020e+00, v4;
	v4 =	vld [tilespmem:s24+$0x0]  }
0x1d9: {  	v8 =	vmul.f32 v8, v61;
	v11 =	vld [tilespmem:s26+$0x0];
	s29 =	sor.u32 s0, s7;
	s10 =	sadd.s32 $0x3400, s1  }
0x1da: {  	s11 =	sadd.s32 $0x3800, s1;
	s9 =	sor.u32 s0, s10;
	(erf) = vpow2.f32 v0;
	v0 =	vmul.f32 $1.442695020e+00, v3;
	v3 =	vld [tilespmem:s29+$0x0];
	v62 =	vpop (erf)  }
0x1db: {  	s5 =	sadd.s32 $0x3C00, s1;
	v12 =	vld [tilespmem:s9+$0x0];
	s24 =	sor.u32 s0, s11;
	(erf) = vpow2.f32 v2;
	v10 =	vmul.f32 $1.442695020e+00, v10;
	v2 =	vpop (erf)  }
0x1dc: {  	s26 =	sor.u32 s0, s5;
	s9 =	sadd.s32 $0x4000, s1;
	v13 =	vld [tilespmem:s24+$0x0];
	(erf) = vpow2.f32 v0;
	v0 =	vmul.f32 $1.442695020e+00, v5;
	v6 =	vpop (erf)  }
0x1dd: {  	s24 =	sadd.s32 $0x4400, s1;
	s29 =	sor.u32 s0, s9;
	v5 =	vld [tilespmem:s26+$0x0];
	s26 =	simm.s32 $0x80;
	(erf) = vpow2.f32 v10;
	v4 =	vmul.f32 $1.442695020e+00, v4;
	[tilespmem:$0x1FBE0] =	vst v6  }
0x1de: {  	v11 =	vmul.f32 $1.442695020e+00, v11;
	s8 =	sand.u32 $0x60, s26;
	(erf) = vpow2.f32 v0;
	v57 =	vpop (erf);
	v10 =	vld [tilespmem:s29+$0x0];
	s29 =	sor.u32 s0, s24  }
0x1df: {  	s2 =	sor.u32 s8, s2;
	(erf) = vpow2.f32 v4;
	v3 =	vmul.f32 $1.442695020e+00, v3;
	v60 =	vpop (erf);
	v14 =	vld [tilespmem:s29+$0x0]  }
0x1e0: {  	v4 =	vld [tilespmem:s2+$0x0];
	(erf) = vpow2.f32 v11;
	v11 =	vmul.f32 $1.442695020e+00, v12;
	v56 =	vpop (erf)  }
0x1e1: {  	s1 =	sadd.s32 $0x4800, s1;
	(erf) = vpow2.f32 v3;
	s29 =	sor.u32 s8, s3;
	v3 =	vmul.f32 $1.442695020e+00, v13;
	s3 =	simm.s32 $0x20;
	v54 =	vpop (erf)  }
0x1e2: {  	s0 =	sor.u32 s0, s1;
	v5 =	vmul.f32 $1.442695020e+00, v5;
	v12 =	vld [tilespmem:s29+$0x0];
	(erf) = vpow2.f32 v11;
	s2 =	sand.u32 $0x1E0, s3;
	v44 =	vpop (erf)  }
0x1e3: {  	v11 =	vld [tilespmem:s0+$0x0];
	(erf) = vpow2.f32 v3;
	v43 =	vpop (erf);
	v3 =	vmul.f32 $1.442695020e+00, v10;
	v10 =	vmov s2  }
0x1e4: {  	(erf) = vpow2.f32 v5;
	v40 =	vpop (erf);
	v5 =	vshll.u32 v10, $0x1;
	v10 =	vmul.f32 $1.442695020e+00, v14  }
0x1e5: {  	v4 =	vmul.f32 $1.442695020e+00, v4;
	v25 =	vpop (erf);
	(erf) = vpow2.f32 v3;
	v3 =	vand.u32 $0x300, v5  }
0x1e6: {  	v24 =	vpop (erf);
	v3 =	vor.u32 v28, v3;
	(erf) = vpow2.f32 v10  }
0x1e7: {  	v37 =	vpop (erf);
	(erf) = vpow2.f32 v4;
	v4 =	vmin.f32 v8, $1.023489990e+03;
	v8 =	vmul.f32 $1.442695020e+00, v12  }
0x1e8: {  	v5 =	vor.u32 s2, v63;
	v11 =	vmul.f32 $1.442695020e+00, v11;
	v3 =	vbroadcast v3, $0x0;
	v47 =	vpop (erf)  }
0x1e9: {  	s29 =	sor.u32 s8, s31;
	v5 =	vand.u32 $0x6F, v5;
	v4 =	vadd.f32 $8.388608000e+06, v4;
	v53 =	vpop (erf);
	(erf) = vpow2.f32 v8  }
0x1ea: {  	v13 =	vadd.f32 v43, v44;
	v59 =	vor.u32 v5, v3;
	v3 =	vld [tilespmem:s29+$0x0];
	v55 =	vpop (erf);
	(erf) = vpow2.f32 v11  }
0x1eb: {  	s31 =	sor.u32 s8, s21;
	v20 =	vadd.f32 v25, v40;
	v12 =	vadd.f32 v54, v56;
	v5 =	vadd.s32 $0xB5000000, v4;
	v51 =	vpop (erf)  }
0x1ec: {  	v16 =	vld [tilespmem:s31+$0x0];
	v28 =	vadd.f32 v37, v24;
	v58 =	vadd.f32 v53, v47;
	v8 =	vadd.s32 v52, v5;
	v46 =	vpop (erf)  }
0x1ed: {  	s2 =	sor.u32 s8, s20;
	v11 =	vadd.f32 v60, v57;
	v4 =	vand.u32 $0x7F, v4;
	v8 =	vand.u32 $0xFFFFFF80, v8;
	v42 =	vpop (erf)  }
0x1ee: {  	v36 =	vor.u32 v4, v8;
	v4 =	vld [tilespmem:s2+$0x0];
	v8 =	vadd.f32 v51, v55;
	v50 =	vadd.f32 v42, v46  }
0x1ef: {  	v20 =	vadd.f32 v20, v13;
	v11 =	vadd.f32 v12, v11;
	v3 =	vmul.f32 $1.442695020e+00, v3;
	v23 =	vpop (erf)  }
0x1f0: {  	s3 =	sor.u32 s8, s19;
	s19 =	simm.s32 $0x40;
	v61 =	vsub.s32 v52, v5;
	v28 =	vadd.f32 v58, v28;
	v8 =	vadd.f32 v50, v8;
	v22 =	vpop (erf)  }
0x1f1: {  	s20 =	sor.u32 s8, s18;
	s2 =	sand.u32 $0x1E0, s19;
	(erf) = vpow2.f32 v3;
	v3 =	vadd.f32 v20, v11;
	v11 =	vmul.f32 $1.442695020e+00, v16;
	v16 =	vld [tilespmem:s3+$0x0];
	v6 =	vpop (erf)  }
0x1f2: {  	v52 =	vmov s2;
	v20 =	vld [tilespmem:s20+$0x0];
	v58 =	vadd.f32 v22, v23;
	v8 =	vadd.f32 v8, v28;
	v5 =	vpop (erf)  }
0x1f3: {  	s21 =	sor.u32 s8, s16;
	(erf) = vpow2.f32 v11;
	v11 =	vshll.u32 v52, $0x1;
	v50 =	vmul.f32 $1.442695020e+00, v4;
	v21 =	vpop (erf)  }
0x1f4: {  	v52 =	vld [tilespmem:s21+$0x0];
	v3 =	vadd.f32 v8, v3;
	v8 =	vand.u32 $0x300, v11;
	v11 =	vadd.f32 v21, v58  }
0x1f5: {  	s29 =	sor.u32 s8, s6;
	v8 =	vor.u32 v30, v8  }
0x1f6: {  	s31 =	sor.u32 s8, s14;
	(erf) = vpow2.f32 v50;
	v3 =	vadd.f32 v11, v3;
	v11 =	vmul.f32 $1.442695020e+00, v16;
	v16 =	vld [tilespmem:s29+$0x0]  }
0x1f7: {  	v39 =	vld [tilespmem:s31+$0x0];
	s6 =	sor.u32 s8, s15;
	v30 =	vor.u32 s2, v63;
	v8 =	vbroadcast v8, $0x0;
	v20 =	vmul.f32 $1.442695020e+00, v20  }
0x1f8: {  	v27 =	vmul.f32 v45, v27;
	s7 =	sor.u32 s8, s7;
	(erf) = vpow2.f32 v11;
	v11 =	vand.u32 $0x6F, v30;
	v30 =	vld [tilespmem:s6+$0x0]  }
0x1f9: {  	s10 =	sor.u32 s8, s10;
	v58 =	vor.u32 v11, v8;
	(erf) = vpow2.f32 v20;
	v8 =	vmul.f32 $1.442695020e+00, v52;
	v11 =	vld [tilespmem:s7+$0x0]  }
0x1fa: {  	v27 =	vmin.f32 v27, $1.023489990e+03;
	(erf) = vrcp.f32 v3;
	v3 =	vld [tilespmem:s10+$0x0]  }
0x1fb: {  	v27 =	vadd.f32 $8.388608000e+06, v27;
	s14 =	sor.u32 s8, s11;
	(erf) = vpow2.f32 v8;
	v8 =	vmul.f32 $1.442695020e+00, v16  }
0x1fc: {  	v35 =	vmul.f32 $1.442695020e+00, v39;
	v16 =	vld [tilespmem:s14+$0x0]  }
0x1fd: {  	s16 =	simm.s32 $0x60;
	v20 =	vadd.s32 $0xB5000000, v27;
	(erf) = vpow2.f32 v8;
	v8 =	vmul.f32 $1.442695020e+00, v30  }
0x1fe: {  	s18 =	sand.u32 $0x1E0, s16;
	v45 =	vadd.s32 v29, v20;
	(erf) = vpow2.f32 v35;
	v11 =	vmul.f32 $1.442695020e+00, v11  }
0x1ff: {  	(erf) = vpow2.f32 v8;
	v3 =	vmul.f32 $1.442695020e+00, v3;
	v8 =	vmov s18  }
0x200: {  	s15 =	sor.u32 s8, s5;
	v63 =	vsub.s32 v29, v20;
	(erf) = vpow2.f32 v11;
	v8 =	vshll.u32 v8, $0x1  }
0x201: {  	s19 =	sor.u32 s8, s25;
	v20 =	vld [tilespmem:s15+$0x0];
	v11 =	vmul.f32 $1.442695020e+00, v16;
	(erf) = vpow2.f32 v3;
	v3 =	vand.u32 $0x300, v8  }
0x202: {  	v2 =	vmul.f32 v2, v32;
	v0 =	vlaneseq.u32;
	v30 =	vld [tilespmem:s19+$0x0];
	v3 =	vor.u32 v31, v3  }
0x203: {  	s20 =	sor.u32 s8, s9;
	v29 =	vpop (erf);
	(erf) = vpow2.f32 v11;
	v11 =	vor.u32 s18, v0;
	v3 =	vbroadcast v3, $0x0  }
0x204: {  	v2 =	vmin.f32 v2, $1.023489990e+03;
	s21 =	sor.u32 s8, s24;
	v8 =	vld [tilespmem:s20+$0x0];
	v11 =	vand.u32 $0x6F, v11  }
0x205: {  	v2 =	vadd.f32 $8.388608000e+06, v2;
	v19 =	vor.u32 v11, v3;
	v3 =	vld [tilespmem:s21+$0x0]  }
0x206: {  	v16 =	vmul.f32 $1.442695020e+00, v20  }
0x207: {  	v50 =	vadd.s32 $0xB5000000, v2;
	v4 =	vpop (erf);
	v20 =	vmul.f32 $1.442695020e+00, v30  }
0x208: {  	v30 =	vmov v6;
	v6 =	vpop (erf);
	(erf) = vpow2.f32 v16;
	v16 =	vadd.s32 v34, v50  }
0x209: {  	v2 =	vand.u32 $0x7F, v2;
	v7 =	vpop (erf);
	v16 =	vand.u32 $0xFFFFFF80, v16;
	v8 =	vmul.f32 $1.442695020e+00, v8  }
0x20a: {  	s24 =	sor.u32 s8, s1;
	(erf) = vpow2.f32 v20;
	v9 =	vpop (erf);
	v15 =	vor.u32 v2, v16;
	v2 =	vld [tilespmem:$0x1FC30];
	v38 =	vmul.f32 $1.442695020e+00, v3  }
0x20b: {  	s29 =	sand.u32 $0x1F0, s23;
	v52 =	vld [tilespmem:s24+$0x0];
	v20 =	vadd.f32 v6, v4;
	v33 =	vadd.f32 v9, v7;
	(erf) = vpow2.f32 v8  }
0x20c: {  	s25 =	simm.s32 $0x0;
	v17 =	vpop (erf);
	(erf) = vpow2.f32 v38;
	v38 =	vor.u32 s29, v0;
	v0 =	vld [tilespmem:$0x1FC50]  }
0x20d: {  	v14 =	vadd.f32 v33, v20;
	v20 =	vmov s29;
	v8 =	vmov s25  }
0x20e: {  	v18 =	vsub.s32 v34, v50;
	v20 =	vshll.u32 v20, $0x1;
	v8 =	vshll.u32 v8, $0x7;
	v3 =	vld [tilespmem:$0x1FC40]  }
0x20f: {  	v50 =	vand.u32 $0x300, v20;
	v28 =	vmul.f32 $1.024000000e+03, v2;
	v20 =	vand.u32 $0x80, v8  }
0x210: {  	[tilespmem:$0x1FBF0] =	vst v4;
	v4 =	vld [tilespmem:$0x1FC90];
	v8 =	vmul.f32 $1.442695020e+00, v52;
	v52 =	vor.u32 v20, v50  }
0x211: {  	v32 =	vand.u32 $0xFFFFFF80, v45;
	v2 =	vpop (erf);
	v39 =	vbroadcast v52, $0x0;
	v52 =	vmul.f32 v28, v0;
	v0 =	vld [tilespmem:$0x1FC60]  }
0x212: {  	v27 =	vand.u32 $0x7F, v27;
	[tilespmem:$0x1FC00] =	vst v6;
	v16 =	vadd.s32 $0x4C00, v36;
	v34 =	vpop (erf);
	v36 =	vmov v2;
	v2 =	vld [tilespmem:$0x1FC70]  }
0x213: {  	v12 =	vadd.s32 $0x3FF, v61;
	v27 =	vor.u32 v27, v32;
	[tilespmem:$0x1FC10] =	vst v7;
	v31 =	vpop (erf);
	v45 =	vmul.f32 v28, v3;
	v3 =	vld [tilespmem:$0x1FC80]  }
0x214: {  	v35 =	vmov v5;
	[tilespmem:$0x1FC20] =	vst v9;
	v9 =	vadd.s32 $0x4FFF, v61;
	v50 =	vand.u32 $0x7F, v38;
	v32 =	vpop (erf)  }
0x215: {  	[tilespmem:$0x1FCA0] =	vst v29;
	v4 =	vmul.f32 v28, v4;
	v50 =	vor.u32 v50, v39;
	v38 =	vpop (erf);
	v39 =	vadd.f32 $8.388608000e+06, v45  }
0x216: {  	[tilespmem:$0x1FCB0] =	vst v35;
	v33 =	vimm.s32 $0xFFFFFFFF;
	v7 =	vadd.f32 $8.389632000e+06, v52;
	v52 =	vpop (erf);
	v0 =	vmul.f32 v28, v0  }
0x217: {  	v13 =	vadd.f32 $8.393728000e+06, v4;
	v2 =	vmul.f32 v28, v2;
	[tilespmem:v16+s17+$0x0] =	vst.idx.add.s32.msk $0xffff, v33;
	v16 =	vadd.f32 v34, v36;
	v45 =	vpop (erf)  }
0x218: {  	v11 =	vadd.s32 $0xB5004C00, v39;
	v3 =	vmul.f32 v28, v3;
	v61 =	vpop (erf);
	v5 =	vadd.f32 $8.390656000e+06, v0  }
0x219: {  	v6 =	vadd.f32 $8.391680000e+06, v2;
	v4 =	vadd.s32 $0xB5004C00, v7;
	v7 =	vadd.f32 v29, v35;
	v39 =	vpop (erf)  }
0x21a: {  	[tilespmem:v9+s17+$0x0] =	vst.idx.add.s32.msk $0xffff, v1;
	v10 =	vadd.f32 $8.392704000e+06, v3;
	v3 =	vadd.f32 v30, v39;
	v5 =	vadd.s32 $0xB5004C00, v5  }
0x21b: {  	v2 =	vadd.f32 v32, v31;
	[tilespmem:v12+s17+$0x0] =	vst.idx.add.s32.msk $0xffff, v1;
	v9 =	vadd.f32 v52, v38  }
0x21c: {  	v6 =	vadd.s32 $0xB5004C00, v6;
	v0 =	vadd.f32 v61, v45;
	v3 =	vadd.f32 v7, v3;
	v7 =	vld [tilespmem:$0x1FCC0]  }
0x21d: {  	v10 =	vadd.s32 $0xB5004C00, v10;
	[tilespmem:v11+s17+$0x0] =	vst.idx.add.s32.msk $0xffff, v1  }
0x21e: {  	v2 =	vadd.f32 v2, v16;
	v0 =	vadd.f32 v0, v9;
	[tilespmem:v4+s17+$0x0] =	vst.idx.add.s32.msk $0xffff, v1  }
0x21f: {  	[tilespmem:v5+s17+$0x0] =	vst.idx.add.s32.msk $0xffff, v1  }
0x220: {  	v0 =	vadd.f32 v0, v2;
	v2 =	vld [tilespmem:$0x1FCD0]  }
0x221: {  	[tilespmem:v6+s17+$0x0] =	vst.idx.add.s32.msk $0xffff, v1  }
0x222: {  	[tilespmem:v10+s17+$0x0] =	vst.idx.add.s32.msk $0xffff, v1  }
0x223: {  	v29 =	vmul.f32 $1.024000000e+03, v7;
	v7 =	vld [tilespmem:$0x1FCE0];
	_ =	sdelay $0x3  }
0x224: {  	v9 =	vadd.s32 $0xB5004C00, v13  }
0x225: {  	v10 =	vmul.f32 v28, v7;
	v7 =	vld [tilespmem:$0x1FCF0];
	_ =	sdelay $0x3  }
0x226: {  	v4 =	vadd.s32 $0x4C00, v27;
	[tilespmem:v9+s17+$0x0] =	vst.idx.add.s32.msk $0xffff, v1  }
0x227: {  	v13 =	vmul.f32 v28, v7;
	v7 =	vld [tilespmem:$0x1FD00];
	_ =	sdelay $0x1  }
0x228: {  	v5 =	vadd.s32 $0x4FFF, v63;
	_ =	sdelay $0x1  }
0x229: {  	v6 =	vadd.s32 $0x3FF, v63;
	[tilespmem:v4+s17+$0x0] =	vst.idx.add.s32.msk $0xffff, v33  }
0x22a: {  	v11 =	vmul.f32 v29, v48;
	v9 =	vmul.f32 v28, v7;
	v7 =	vld [tilespmem:$0x1FD10];
	_ =	sdelay $0x1  }
0x22b: {  	v11 =	vadd.f32 $8.388608000e+06, v11;
	[tilespmem:v5+s17+$0x0] =	vst.idx.add.s32.msk $0xffff, v1  }
0x22c: {  	v2 =	vmul.f32 v28, v2;
	v5 =	vld [tilespmem:$0x1FD20]  }
0x22d: {  	v12 =	vmul.f32 v29, v49;
	v11 =	vadd.s32 $0xB5004C00, v11;
	[tilespmem:v6+s17+$0x0] =	vst.idx.add.s32.msk $0xffff, v1  }
0x22e: {  	v2 =	vadd.f32 $8.394752000e+06, v2;
	v4 =	vadd.f32 $8.395776000e+06, v10;
	v10 =	vmul.f32 v28, v7;
	v7 =	vld [tilespmem:$0x1FD40];
	_ =	sdelay $0x1  }
0x22f: {  	v16 =	vld [tilespmem:s12+$0x9800];
	v12 =	vadd.f32 $8.389632000e+06, v12;
	v2 =	vadd.s32 $0xB5004C00, v2  }
0x230: {  	v6 =	vld [tilespmem:$0x1FD30]  }
0x231: {  	v12 =	vadd.s32 $0xB5004C00, v12;
	[tilespmem:v11+s17+$0x0] =	vst.idx.add.s32.msk $0xffff, v1  }
0x232: {  	v3 =	vadd.f32 v14, v3;
	v14 =	vmul.f32 v28, v7;
	v7 =	vld [tilespmem:$0x1FD50];
	_ =	sdelay $0x1  }
0x233: {  	v13 =	vadd.f32 $8.396800000e+06, v13;
	v4 =	vadd.s32 $0xB5004C00, v4;
	[tilespmem:v2+s17+$0x0] =	vst.idx.add.s32.msk $0xffff, v1  }
0x234: {  	v2 =	vld [tilespmem:$0x1FD60]  }
0x235: {  	v13 =	vadd.s32 $0xB5004C00, v13;
	[tilespmem:v12+s17+$0x0] =	vst.idx.add.s32.msk $0xffff, v1  }
0x236: {  	v11 =	vmul.f32 v28, v7;
	v7 =	vld [tilespmem:$0x1FD70]  }
0x237: {  	v9 =	vadd.f32 $8.397824000e+06, v9  }
0x238: {  	v10 =	vadd.f32 $8.398848000e+06, v10;
	[tilespmem:v4+s17+$0x0] =	vst.idx.add.s32.msk $0xffff, v1  }
0x239: {  	v9 =	vadd.s32 $0xB5004C00, v9;
	v4 =	vld [tilespmem:$0x1FD80]  }
0x23a: {  	v10 =	vadd.s32 $0xB5004C00, v10;
	[tilespmem:v13+s17+$0x0] =	vst.idx.add.s32.msk $0xffff, v1  }
0x23b: {  	v5 =	vmul.f32 v28, v5;
	v12 =	vmul.f32 v28, v7;
	v7 =	vld [tilespmem:$0x1FD90];
	_ =	sdelay $0x1  }
0x23c: {  	v5 =	vadd.f32 $8.399872000e+06, v5  }
0x23d: {  	[tilespmem:v9+s17+$0x0] =	vst.idx.add.s32.msk $0xffff, v1  }
0x23e: {  	v5 =	vadd.s32 $0xB5004C00, v5;
	[tilespmem:v10+s17+$0x0] =	vst.idx.add.s32.msk $0xffff, v1  }
0x23f: {  	v6 =	vmul.f32 v28, v6;
	v13 =	vmul.f32 v28, v7;
	v7 =	vld [tilespmem:$0x1FDA0];
	_ =	sdelay $0x1  }
0x240: {  	v6 =	vadd.f32 $8.400896000e+06, v6;
	_ =	sdelay $0x1  }
0x241: {  	v6 =	vadd.s32 $0xB5004C00, v6;
	[tilespmem:v5+s17+$0x0] =	vst.idx.add.s32.msk $0xffff, v1  }
0x242: {  	v9 =	vadd.f32 $8.404992000e+06, v12;
	v12 =	vmul.f32 v29, v7;
	v7 =	vld [tilespmem:$0x1FDB0];
	_ =	sdelay $0x3  }
0x243: {  	[tilespmem:v6+s17+$0x0] =	vst.idx.add.s32.msk $0xffff, v1  }
0x244: {  	v5 =	vadd.s32 $0xB5004C00, v9;
	v9 =	vmul.f32 v29, v7;
	v7 =	vld [tilespmem:$0x1FDC0];
	_ =	sdelay $0x1  }
0x245: {  	v14 =	vadd.f32 $8.401920000e+06, v14;
	v2 =	vmul.f32 v28, v2  }
0x246: {  	(erf) = vpow2.f32 v8;
	v6 =	vadd.f32 $8.390656000e+06, v12  }
0x247: {  	v14 =	vadd.s32 $0xB5004C00, v14;
	v11 =	vadd.f32 $8.402944000e+06, v11;
	v2 =	vadd.f32 $8.403968000e+06, v2  }
0x248: {  	v4 =	vmul.f32 v28, v4;
	v6 =	vadd.s32 $0xB5004C00, v6;
	v12 =	vmul.f32 v29, v7;
	v7 =	vld [tilespmem:$0x1FDD0]  }
0x249: {  	v11 =	vadd.s32 $0xB5004C00, v11  }
0x24a: {  	v2 =	vadd.s32 $0xB5004C00, v2;
	v4 =	vadd.f32 $8.406016000e+06, v4  }
0x24b: {  	v10 =	vadd.f32 $8.407040000e+06, v13  }
0x24c: {  	v0 =	vadd.f32 v0, v3;
	v4 =	vadd.s32 $0xB5004C00, v4;
	[tilespmem:v14+s17+$0x0] =	vst.idx.add.s32.msk $0xffff, v1  }
0x24d: {  	v48 =	vpop (erf);
	v3 =	vadd.s32 $0xB5004C00, v10;
	v9 =	vadd.f32 $8.391680000e+06, v9;
	[tilespmem:v6+s17+$0x0] =	vst.idx.add.s32.msk $0xffff, v1;
	v13 =	vmul.f32 v29, v7  }
0x24e: {  	v49 =	vpop (erf);
	[tilespmem:v11+s17+$0x0] =	vst.idx.add.s32.msk $0xffff, v1;
	v10 =	vadd.f32 $8.392704000e+06, v12  }
0x24f: {  	s31 =	sand.u32 $0x1E0, s26;
	[tilespmem:v2+s17+$0x0] =	vst.idx.add.s32.msk $0xffff, v1;
	v12 =	vadd.s32 $0xB5004C00, v9;
	v11 =	vadd.f32 $8.393728000e+06, v13;
	v13 =	vadd.f32 v49, v48  }
0x250: {  	v63 =	vpop (erf);
	v2 =	vmov s31;
	[tilespmem:v5+s17+$0x0] =	vst.idx.add.s32.msk $0xffff, v1;
	v5 =	vadd.s32 $0xB5004C00, v10  }
0x251: {  	v2 =	vshll.u32 v2, $0x1;
	[tilespmem:v4+s17+$0x0] =	vst.idx.add.s32.msk $0xffff, v1;
	v10 =	vadd.f32 v63, v13  }
0x252: {  	v2 =	vand.u32 $0x300, v2;
	[tilespmem:v3+s17+$0x0] =	vst.idx.add.s32.msk $0xffff, v1  }
0x253: {  	v13 =	vor.u32 v20, v2;
	v2 =	vadd.f32 v10, v0;
	v0 =	vld [tilespmem:$0x1FDE0]  }
0x254: {  	[tilespmem:v12+s17+$0x0] =	vst.idx.add.s32.msk $0xffff, v1  }
0x255: {  	[tilespmem:v5+s17+$0x0] =	vst.idx.add.s32.msk $0xffff, v1  }
0x256: {  	v5 =	vld [tilespmem:$0x1FDF0]  }
0x257: {  	v4 =	vadd.s32 $0xB5004C00, v11;
	_ =	sdelay $0x1  }
0x258: {  	v3 =	vadd.s32 $0x4C00, v15;
	_ =	sdelay $0x1  }
0x259: {  	v10 =	vadd.s32 $0x4FFF, v18;
	v6 =	vshll.u32 v5, $0xA;
	v5 =	vld [tilespmem:$0x1FE00]  }
0x25a: {  	[tilespmem:v4+s17+$0x0] =	vst.idx.add.s32.msk $0xffff, v1  }
0x25b: {  	v4 =	vld [tilespmem:$0x1FE10]  }
0x25c: {  	[tilespmem:v3+s17+$0x0] =	vst.idx.add.s32.msk $0xffff, v33  }
0x25d: {  	v3 =	vld [tilespmem:$0x1FE20]  }
0x25e: {  	v12 =	vadd.s32 $0x3FF, v18;
	[tilespmem:v10+s17+$0x0] =	vst.idx.add.s32.msk $0xffff, v1  }
0x25f: {  	v7 =	vld [tilespmem:$0x1FE30];
	_ =	sdelay $0x2  }
0x260: {  	v9 =	vmul.f32 $1.024000000e+03, v62  }
0x261: {  	[tilespmem:v12+s17+$0x0] =	vst.idx.add.s32.msk $0xffff, v1  }
0x262: {  	v11 =	vmul.f32 v9, v41;
	v10 =	vmul.f32 v29, v7;
	v7 =	vld [tilespmem:$0x1FE40];
	_ =	sdelay $0x1  }
0x263: {  	v11 =	vadd.f32 $8.388608000e+06, v11  }
0x264: {  	v0 =	vmul.f32 v29, v0  }
0x265: {  	v11 =	vadd.s32 $0xB5004C00, v11  }
0x266: {  	v14 =	vmul.f32 v9, v26;
	v0 =	vadd.f32 $8.394752000e+06, v0;
	v12 =	vmul.f32 v29, v7;
	v7 =	vld [tilespmem:$0x1FE50];
	_ =	sdelay $0x1  }
0x267: {  	v14 =	vadd.f32 $8.389632000e+06, v14;
	v0 =	vadd.s32 $0xB5004C00, v0;
	v5 =	vmul.f32 v29, v5  }
0x268: {  	v18 =	vld [tilespmem:s28+$0x9800]  }
0x269: {  	v14 =	vadd.s32 $0xB5004C00, v14;
	v4 =	vmul.f32 v29, v4;
	v5 =	vadd.f32 $8.395776000e+06, v5;
	[tilespmem:v11+s17+$0x0] =	vst.idx.add.s32.msk $0xffff, v1  }
0x26a: {  	v15 =	vmul.f32 v29, v7;
	v7 =	vld [tilespmem:$0x1FE60]  }
0x26b: {  	v3 =	vmul.f32 v29, v3;
	v4 =	vadd.f32 $8.396800000e+06, v4;
	v5 =	vadd.s32 $0xB5004C00, v5  }
0x26c: {  	[tilespmem:v0+s17+$0x0] =	vst.idx.add.s32.msk $0xffff, v1  }
0x26d: {  	v3 =	vadd.f32 $8.397824000e+06, v3;
	v4 =	vadd.s32 $0xB5004C00, v4;
	v0 =	vld [tilespmem:$0x1FE70]  }
0x26e: {  	[tilespmem:v14+s17+$0x0] =	vst.idx.add.s32.msk $0xffff, v1  }
0x26f: {  	v10 =	vadd.f32 $8.398848000e+06, v10;
	v3 =	vadd.s32 $0xB5004C00, v3;
	v11 =	vmul.f32 v29, v7;
	v7 =	vld [tilespmem:$0x1FE80]  }
0x270: {  	[tilespmem:v5+s17+$0x0] =	vst.idx.add.s32.msk $0xffff, v1  }
0x271: {  	v10 =	vadd.s32 $0xB5004C00, v10;
	v5 =	vld [tilespmem:$0x1FE90]  }
0x272: {  	[tilespmem:v4+s17+$0x0] =	vst.idx.add.s32.msk $0xffff, v1  }
0x273: {  	v0 =	vmul.f32 v29, v0;
	[tilespmem:$0x1FEA0] =	vst v6  }
0x274: {  	v12 =	vadd.f32 $8.399872000e+06, v12;
	v15 =	vadd.f32 $8.400896000e+06, v15;
	[tilespmem:v3+s17+$0x0] =	vst.idx.add.s32.msk $0xffff, v1  }
0x275: {  	v0 =	vadd.f32 $8.402944000e+06, v0;
	v3 =	vld [tilespmem:$0x1FEB0]  }
0x276: {  	v12 =	vadd.s32 $0xB5004C00, v12;
	v15 =	vadd.s32 $0xB5004C00, v15;
	[tilespmem:v10+s17+$0x0] =	vst.idx.add.s32.msk $0xffff, v1  }
0x277: {  	v11 =	vadd.f32 $8.401920000e+06, v11;
	v14 =	vmul.f32 v29, v7;
	v20 =	vadd.s32 $0xB5004C00, v0;
	v0 =	vld [tilespmem:$0x1FEC0];
	_ =	sdelay $0x1  }
0x278: {  	v11 =	vadd.s32 $0xB5004C00, v11;
	v5 =	vmul.f32 v29, v5;
	v14 =	vadd.f32 $8.403968000e+06, v14  }
0x279: {  	v41 =	vmul.f32 $1.024000000e+03, v17  }
0x27a: {  	[tilespmem:v12+s17+$0x0] =	vst.idx.add.s32.msk $0xffff, v1;
	v5 =	vadd.f32 $8.404992000e+06, v5;
	v3 =	vmul.f32 v29, v3;
	v14 =	vadd.s32 $0xB5004C00, v14  }
0x27b: {  	v4 =	vor.u32 v6, v59;
	v6 =	vshll.u32 v16, $0xA;
	[tilespmem:v15+s17+$0x0] =	vst.idx.add.s32.msk $0xffff, v1;
	v0 =	vmul.f32 v29, v0  }
0x27c: {  	[tilespmem:$0x1FED0] =	vst v6;
	v5 =	vadd.s32 $0xB5004C00, v5;
	v3 =	vadd.f32 $8.406016000e+06, v3  }
0x27d: {  	v16 =	vmul.f32 v41, v57;
	[tilespmem:v11+s17+$0x0] =	vst.idx.add.s32.msk $0xffff, v1;
	v15 =	vadd.f32 $8.407040000e+06, v0  }
0x27e: {  	v17 =	vmul.f32 v41, v56;
	v11 =	vmul.f32 v41, v60;
	[tilespmem:v20+s17+$0x0] =	vst.idx.add.s32.msk $0xffff, v1;
	v3 =	vadd.s32 $0xB5004C00, v3  }
0x27f: {  	v16 =	vadd.f32 $8.388608000e+06, v16;
	v0 =	vshll.u32 v18, $0xA;
	v15 =	vadd.s32 $0xB5004C00, v15;
	[tilespmem:v14+s17+$0x0] =	vst.idx.add.s32.msk $0xffff, v1  }
0x280: {  	v11 =	vadd.f32 $8.389632000e+06, v11;
	v56 =	vor.u32 v0, v19;
	v14 =	vmul.f32 v41, v54;
	[tilespmem:$0x1FEE0] =	vst v0  }
0x281: {  	[tilespmem:v5+s17+$0x0] =	vst.idx.add.s32.msk $0xffff, v1;
	v5 =	vadd.s32 $0xB5004C00, v16;
	v16 =	vadd.f32 $8.390656000e+06, v17;
	v17 =	vmul.f32 v41, v44  }
0x282: {  	v11 =	vadd.s32 $0xB5004C00, v11;
	v19 =	vmul.f32 v41, v43;
	v4 =	vld.idx.msk [tilespmem:v4+s4+$0x0], $0xffff;
	v14 =	vadd.f32 $8.391680000e+06, v14  }
0x283: {  	[tilespmem:v3+s17+$0x0] =	vst.idx.add.s32.msk $0xffff, v1;
	v3 =	vadd.s32 $0xB5004C00, v16;
	v16 =	vadd.f32 $8.392704000e+06, v17  }
0x284: {  	v17 =	vmul.f32 v41, v40;
	v14 =	vadd.s32 $0xB5004C00, v14;
	[tilespmem:v15+s17+$0x0] =	vst.idx.add.s32.msk $0xffff, v1;
	v15 =	vadd.f32 $8.393728000e+06, v19  }
0x285: {  	v19 =	vmul.f32 v41, v25;
	v25 =	vld [tilespmem:s30+$0x9800];
	v16 =	vadd.s32 $0xB5004C00, v16  }
0x286: {  	v24 =	vmul.f32 v41, v24;
	v20 =	vadd.f32 $8.394752000e+06, v17;
	[tilespmem:v5+s17+$0x0] =	vst.idx.add.s32.msk $0xffff, v1;
	v5 =	vadd.s32 $0xB5004C00, v15  }
0x287: {  	v15 =	vadd.f32 $8.395776000e+06, v19;
	v19 =	vmul.f32 v41, v37;
	v40 =	vmul.f32 $1.442695020e+00, v4;
	[tilespmem:v11+s17+$0x0] =	vst.idx.add.s32.msk $0xffff, v1  }
0x288: {  	v4 =	vadd.s32 $0xB5004C00, v20;
	v11 =	vadd.f32 $8.396800000e+06, v24;
	[tilespmem:v3+s17+$0x0] =	vst.idx.add.s32.msk $0xffff, v1;
	v3 =	vmul.f32 v41, v47  }
0x289: {  	v15 =	vadd.s32 $0xB5004C00, v15;
	v19 =	vadd.f32 $8.397824000e+06, v19;
	[tilespmem:v14+s17+$0x0] =	vst.idx.add.s32.msk $0xffff, v1  }
0x28a: {  	v11 =	vadd.s32 $0xB5004C00, v11;
	[tilespmem:v16+s17+$0x0] =	vst.idx.add.s32.msk $0xffff, v1;
	v3 =	vadd.f32 $8.398848000e+06, v3  }
0x28b: {  	[tilespmem:v5+s17+$0x0] =	vst.idx.add.s32.msk $0xffff, v1;
	v5 =	vadd.s32 $0xB5004C00, v19  }
0x28c: {  	v3 =	vadd.s32 $0xB5004C00, v3  }
0x28d: {  	v14 =	vmul.f32 v41, v53;
	[tilespmem:v4+s17+$0x0] =	vst.idx.add.s32.msk $0xffff, v1  }
0x28e: {  	[tilespmem:v15+s17+$0x0] =	vst.idx.add.s32.msk $0xffff, v1  }
0x28f: {  	v14 =	vadd.f32 $8.399872000e+06, v14;
	[tilespmem:v11+s17+$0x0] =	vst.idx.add.s32.msk $0xffff, v1  }
0x290: {  	[tilespmem:v5+s17+$0x0] =	vst.idx.add.s32.msk $0xffff, v1  }
0x291: {  	v0 =	vlaneseq.u32;
	v14 =	vadd.s32 $0xB5004C00, v14;
	[tilespmem:v3+s17+$0x0] =	vst.idx.add.s32.msk $0xffff, v1  }
0x292: {  	v20 =	vor.u32 s31, v0;
	v16 =	vmul.f32 v41, v55;
	v0 =	vld [tilespmem:$0x1FEF0];
	_ =	sdelay $0x1  }
0x293: {  	v4 =	vadd.f32 $8.400896000e+06, v16;
	_ =	sdelay $0x1  }
0x294: {  	v19 =	vmul.f32 v41, v51;
	v4 =	vadd.s32 $0xB5004C00, v4;
	[tilespmem:v14+s17+$0x0] =	vst.idx.add.s32.msk $0xffff, v1  }
0x295: {  	v16 =	vmul.f32 v41, v46;
	v3 =	vmul.f32 v9, v0;
	v0 =	vld [tilespmem:$0x1FF00]  }
0x296: {  	v15 =	vadd.f32 $8.401920000e+06, v19  }
0x297: {  	v11 =	vadd.f32 $8.402944000e+06, v16  }
0x298: {  	v15 =	vadd.s32 $0xB5004C00, v15  }
0x299: {  	v5 =	vadd.s32 $0xB5004C00, v11;
	[tilespmem:v4+s17+$0x0] =	vst.idx.add.s32.msk $0xffff, v1  }
0x29a: {  	v19 =	vmul.f32 v41, v42;
	v14 =	vmul.f32 v9, v0;
	v0 =	vld [tilespmem:$0x1FF10];
	_ =	sdelay $0x1  }
0x29b: {  	v19 =	vadd.f32 $8.403968000e+06, v19  }
0x29c: {  	[tilespmem:v15+s17+$0x0] =	vst.idx.add.s32.msk $0xffff, v1  }
0x29d: {  	v19 =	vadd.s32 $0xB5004C00, v19;
	[tilespmem:v5+s17+$0x0] =	vst.idx.add.s32.msk $0xffff, v1  }
0x29e: {  	v4 =	vmul.f32 v9, v0;
	v0 =	vld [tilespmem:$0x1FF20];
	_ =	sdelay $0x3  }
0x29f: {  	v16 =	vmul.f32 v41, v23;
	[tilespmem:v19+s17+$0x0] =	vst.idx.add.s32.msk $0xffff, v1  }
0x2a0: {  	v5 =	vmul.f32 v9, v0;
	v0 =	vld [tilespmem:$0x1FF30]  }
0x2a1: {  	v11 =	vadd.f32 $8.404992000e+06, v16;
	v16 =	vmul.f32 v41, v21;
	_ =	sdelay $0x1  }
0x2a2: {  	v16 =	vadd.f32 $8.407040000e+06, v16  }
0x2a3: {  	v18 =	vand.u32 $0x6F, v20;
	v20 =	vmul.f32 v41, v22;
	v21 =	vadd.s32 $0xB5004C00, v11  }
0x2a4: {  	v15 =	vadd.s32 $0xB5004C00, v16;
	v16 =	vadd.f32 $8.392704000e+06, v4;
	v4 =	vmul.f32 v9, v0;
	v0 =	vld [tilespmem:$0x1FF40];
	_ =	sdelay $0x1  }
0x2a5: {  	v20 =	vadd.f32 $8.406016000e+06, v20;
	_ =	sdelay $0x1  }
0x2a6: {  	v20 =	vadd.s32 $0xB5004C00, v20;
	[tilespmem:v21+s17+$0x0] =	vst.idx.add.s32.msk $0xffff, v1  }
0x2a7: {  	v19 =	vmul.f32 v9, v0;
	v0 =	vld [tilespmem:$0x1FF50];
	_ =	sdelay $0x3  }
0x2a8: {  	[tilespmem:v20+s17+$0x0] =	vst.idx.add.s32.msk $0xffff, v1  }
0x2a9: {  	v24 =	vmul.f32 v9, v0;
	v0 =	vld [tilespmem:$0x1FF60];
	_ =	sdelay $0x3  }
0x2aa: {  	[tilespmem:v15+s17+$0x0] =	vst.idx.add.s32.msk $0xffff, v1  }
0x2ab: {  	v21 =	vshll.u32 v25, $0xA;
	v25 =	vmul.f32 v9, v0;
	v0 =	vld [tilespmem:$0x1FF70];
	_ =	sdelay $0x1  }
0x2ac: {  	v3 =	vadd.f32 $8.390656000e+06, v3;
	_ =	sdelay $0x1  }
0x2ad: {  	v3 =	vadd.s32 $0xB5004C00, v3  }
0x2ae: {  	v62 =	vmul.f32 v9, v0;
	v0 =	vld [tilespmem:$0x1FF80];
	_ =	sdelay $0x3  }
0x2af: {  	[tilespmem:v3+s17+$0x0] =	vst.idx.add.s32.msk $0xffff, v1  }
0x2b0: {  	v60 =	vmul.f32 v9, v0;
	v0 =	vld [tilespmem:$0x1FF90];
	_ =	sdelay $0x1  }
0x2b1: {  	v14 =	vadd.f32 $8.391680000e+06, v14;
	_ =	sdelay $0x1  }
0x2b2: {  	v22 =	vld [tilespmem:s19+$0x9800];
	v14 =	vadd.s32 $0xB5004C00, v14  }
0x2b3: {  	v27 =	vmul.f32 v9, v0;
	v0 =	vld [tilespmem:$0x1FFA0];
	_ =	sdelay $0x3  }
0x2b4: {  	[tilespmem:v14+s17+$0x0] =	vst.idx.add.s32.msk $0xffff, v1  }
0x2b5: {  	v35 =	vshll.u32 v22, $0xA;
	v22 =	vmul.f32 v9, v0;
	v0 =	vld [tilespmem:$0x1FFB0];
	_ =	sdelay $0x4  }
0x2b6: {  	v12 =	vor.u32 v6, v58;
	v58 =	vadd.s32 $0xB5004C00, v16;
	v16 =	vmul.f32 v9, v0;
	v0 =	vld [tilespmem:$0x1FFC0];
	_ =	sdelay $0x4  }
0x2b7: {  	v15 =	vmul.f32 v9, v0;
	v0 =	vld [tilespmem:$0x1FFD0];
	_ =	sdelay $0x3  }
0x2b8: {  	v23 =	vld.idx.msk [tilespmem:v12+s4+$0x0], $0xffff  }
0x2b9: {  	v12 =	vmul.f32 v9, v0;
	v0 =	vld [tilespmem:$0x1FFE0];
	_ =	sdelay $0x2  }
0x2ba: {  	v20 =	vor.u32 v21, v50;
	_ =	sdelay $0x1  }
0x2bb: {  	v14 =	vmul.f32 v9, v0;
	v0 =	vld [tilespmem:$0x1FFF0]  }
0x2bc: {  	v5 =	vadd.f32 $8.393728000e+06, v5;
	_ =	sdelay $0x1  }
0x2bd: {  	v47 =	vadd.s32 $0xB5004C00, v5;
	v43 =	vadd.f32 $8.394752000e+06, v4;
	v20 =	vld.idx.msk [tilespmem:v20+s4+$0x0], $0xffff  }
0x2be: {  	v4 =	vadd.f32 $8.395776000e+06, v19;
	v19 =	vadd.f32 $8.396800000e+06, v24  }
0x2bf: {  	s24 =	simm.s32 $0x8;
	v3 =	vbroadcast v13, $0x0;
	v13 =	vadd.f32 $8.397824000e+06, v25;
	v5 =	vmul.f32 v9, v0  }
.LBB2_9:
0x2c0: {  	_ = 	snop  }
0x2c1: {  	[tilespmem:v58+s17+$0x0] =	vst.idx.add.s32.msk $0xffff, v1  }
0x2c2: {  	s24 =	sadd.s32 $0x2, s24;
	v20 =	vmul.f32 $1.442695020e+00, v20;
	v6 =	vmov v49;
	v50 =	vadd.s32 $0xB5004C00, v4;
	[tilespmem:v47+s17+$0x0] =	vst.idx.add.s32.msk $0xffff, v1  }
0x2c3: {  	s22 =	sadd.s32 $0x40, s22;
	v0 =	vmovc v63;
	s26 =	sshrl.u32 s24, $0x5;
	(erf) = vrcp.f32 v2;
	[tilespmem:$0x1FBA0] =	vst v6;
	v4 =	vadd.f32 $8.407040000e+06, v5;
	v3 =	vor.u32 v18, v3  }
0x2c4: {  	v24 =	vadd.f32 $8.398848000e+06, v62;
	s23 =	sadd.s32 $0x20, s23;
	s1 =	sand.u32 $0x300, s22;
	[tilespmem:$0x1FBB0] =	vst v0;
	s2 =	sshll.u32 s26, $0x7;
	(erf) = vpow2.f32 v20;
	v0 =	vor.u32 v35, v3  }
0x2c5: {  	v6 =	vld [tilespmem:$0x1FBE0];
	s0 =	sor.u32 s2, s1;
	s5 =	sadd.s32 s2, s1;
	s1 =	sand.u32 $0x70, s23;
	[tilespmem:$0x1FAE0] =	vst v0;
	v0 =	vadd.s32 $0xB5004C00, v4  }
0x2c6: {  	v25 =	vadd.f32 $8.399872000e+06, v60;
	s2 =	sadd.s32 $0x400, s5;
	s25 =	sor.u32 s1, s0;
	[tilespmem:$0x1FAD0] =	vst v0;
	v0 =	vld [tilespmem:$0x1FBC0]  }
0x2c7: {  	v16 =	vadd.f32 $8.402944000e+06, v16;
	v2 =	vadd.f32 $8.400896000e+06, v27;
	s3 =	sadd.s32 $0x800, s5;
	v5 =	vld [tilespmem:s25+$0x0];
	s6 =	sor.u32 s1, s2  }
0x2c8: {  	v12 =	vadd.f32 $8.404992000e+06, v12;
	v14 =	vadd.f32 $8.406016000e+06, v14;
	v49 =	vadd.s32 $0xB5004C00, v13;
	s19 =	sadd.s32 $0xC00, s5;
	s20 =	sor.u32 s1, s3;
	v13 =	vld [tilespmem:s6+$0x0]  }
0x2c9: {  	v15 =	vadd.f32 $8.403968000e+06, v15;
	v46 =	vadd.s32 $0xB5004C00, v2;
	s21 =	sadd.s32 $0x1000, s5;
	s28 =	sor.u32 s1, s19;
	v2 =	vld [tilespmem:s20+$0x0]  }
0x2ca: {  	v11 =	vmovc v52;
	v10 =	vmovc v45;
	v52 =	vadd.s32 $0xB5004C00, v43;
	v51 =	vadd.s32 $0xB5004C00, v19;
	v37 =	vadd.s32 $0xB5004C00, v12;
	s7 =	sadd.s32 $0x1400, s5;
	s29 =	sor.u32 s1, s21;
	v12 =	vld [tilespmem:s28+$0x0]  }
0x2cb: {  	v7 =	vmovc v48;
	s11 =	sadd.s32 $0xFFFFFFF0, s23;
	v48 =	vadd.s32 $0xB5004C00, v25;
	v43 =	vadd.s32 $0xB5004C00, v15;
	s8 =	sadd.s32 $0x1800, s5;
	s10 =	sor.u32 s1, s7;
	v3 =	vld [tilespmem:s29+$0x0];
	v15 =	vmul.f32 v6, v0;
	v0 =	vmovc v28  }
0x2cc: {  	s9 =	sand.u32 $0x60, s11;
	v42 =	vadd.s32 $0xB5004C00, v14;
	v25 =	vmul.f32 $1.442695020e+00, v23;
	s16 =	sadd.s32 $0x2000, s5;
	s31 =	sor.u32 s1, s8;
	v4 =	vld [tilespmem:s10+$0x0];
	v14 =	vpop (erf);
	v5 =	vmul.f32 $1.442695020e+00, v5  }
0x2cd: {  	v45 =	vadd.s32 $0xB5004C00, v16;
	(erf) = vpow2.f32 v40;
	s6 =	sor.u32 s9, s7;
	v16 =	vld [tilespmem:s31+$0x0];
	s7 =	sor.u32 s9, s16;
	s16 =	sor.u32 s1, s16;
	v19 =	vpop (erf);
	v13 =	vmul.f32 $1.442695020e+00, v13  }
0x2ce: {  	s30 =	sadd.s32 $0x1C00, s5;
	s12 =	sadd.s32 $0x2400, s5;
	s14 =	sor.u32 s9, s3;
	v23 =	vld [tilespmem:s16+$0x0];
	v19 =	vmul.f32 v19, v41;
	(erf) = vpow2.f32 v5;
	[tilespmem:$0x1FBC0] =	vst v0;
	v0 =	vmov v29  }
0x2cf: {  	v22 =	vadd.f32 $8.401920000e+06, v22;
	v47 =	vadd.s32 $0xB5004C00, v24;
	s15 =	sor.u32 s9, s2;
	s2 =	sor.u32 s9, s19;
	s19 =	sor.u32 s1, s12;
	(erf) = vpow2.f32 v13;
	v13 =	vld [tilespmem:s14+$0x0]  }
0x2d0: {  	s18 =	sor.u32 s1, s30;
	s29 =	sand.u32 $0x1E0, s11;
	s20 =	sadd.s32 $0x2800, s5;
	v20 =	vmul.f32 $1.442695020e+00, v2;
	v12 =	vmul.f32 $1.442695020e+00, v12;
	v5 =	vmin.f32 v19, $1.023489990e+03;
	v19 =	vld [tilespmem:s19+$0x0]  }
0x2d1: {  	s3 =	sor.u32 s9, s21;
	s21 =	sadd.s32 $0x2C00, s5;
	v24 =	vmov s29;
	s28 =	sor.u32 s1, s20;
	v3 =	vmul.f32 $1.442695020e+00, v3;
	[tilespmem:$0x1FB10] =	vst v0;
	v0 =	vmovc v9;
	v9 =	vmul.f32 $1.024000000e+03, v14;
	v14 =	vld [tilespmem:s18+$0x0]  }
0x2d2: {  	v4 =	vmul.f32 $1.442695020e+00, v4;
	s14 =	sor.u32 s1, s21;
	(erf) = vpow2.f32 v20;
	v20 =	vld [tilespmem:s28+$0x0];
	v5 =	vadd.f32 $8.388608000e+06, v5  }
0x2d3: {  	s10 =	sor.u32 s9, s30;
	v16 =	vmul.f32 $1.442695020e+00, v16;
	v23 =	vmul.f32 $1.442695020e+00, v23;
	v15 =	vmin.f32 v15, $1.023489990e+03;
	s19 =	sadd.s32 $0x3000, s5;
	v27 =	vld [tilespmem:s14+$0x0]  }
0x2d4: {  	s11 =	sor.u32 s9, s12;
	s16 =	sor.u32 s9, s21;
	v2 =	vadd.f32 $8.388608000e+06, v15;
	v15 =	vld [tilespmem:s15+$0x0];
	(erf) = vpow2.f32 v12;
	s30 =	sor.u32 s1, s19;
	v12 =	vadd.s32 $0xB5000000, v5  }
0x2d5: {  	v18 =	vmovc v35;
	s21 =	sadd.s32 $0x3800, s5;
	s15 =	sor.u32 s9, s20;
	s20 =	sadd.s32 $0x3400, s5;
	(erf) = vpow2.f32 v3;
	v35 =	vld [tilespmem:s30+$0x0];
	v3 =	vadd.s32 v21, v12;
	v12 =	vsub.s32 v21, v12  }
0x2d6: {  	s28 =	sadd.s32 $0x3C00, s5;
	s12 =	sor.u32 s1, s21;
	s31 =	sor.u32 s1, s20;
	[tilespmem:$0x1FB00] =	vst v0;
	v3 =	vand.u32 $0xFFFFFF80, v3;
	v0 =	vpop (erf);
	(erf) = vpow2.f32 v4;
	v14 =	vmul.f32 $1.442695020e+00, v14  }
0x2d7: {  	s30 =	sadd.s32 $0x4800, s5;
	s18 =	sor.u32 s9, s19;
	s19 =	sor.u32 s9, s20;
	v4 =	vand.u32 $0x7F, v5;
	v5 =	vmul.f32 $1.442695020e+00, v19;
	v19 =	vld [tilespmem:s31+$0x0];
	(erf) = vpow2.f32 v16  }
0x2d8: {  	s20 =	sor.u32 s9, s21;
	s21 =	sor.u32 s9, s28;
	s28 =	sor.u32 s1, s28;
	v27 =	vmul.f32 $1.442695020e+00, v27;
	v3 =	vor.u32 v4, v3;
	v4 =	vld [tilespmem:s12+$0x0];
	(erf) = vpow2.f32 v14  }
0x2d9: {  	s14 =	sor.u32 s9, s30;
	s30 =	sor.u32 s1, s30;
	s31 =	sadd.s32 $0x4000, s5;
	v16 =	vld [tilespmem:s28+$0x0];
	v3 =	vadd.s32 $0x4C00, v3;
	v14 =	vmul.f32 $1.442695020e+00, v20;
	(erf) = vpow2.f32 v23  }
0x2da: {  	v41 =	vld [tilespmem:s30+$0x0];
	v40 =	vmul.f32 $1.442695020e+00, v35;
	s28 =	sor.u32 s9, s31;
	s12 =	sadd.s32 $0x4400, s5;
	s31 =	sor.u32 s1, s31;
	v21 =	vpop (erf);
	v20 =	vadd.s32 $0x4FFF, v12;
	(erf) = vpow2.f32 v5  }
0x2db: {  	[tilespmem:$0x1FB40] =	vst v38;
	v38 =	vld [tilespmem:s31+$0x0];
	s1 =	sor.u32 s1, s12;
	v23 =	vpop (erf);
	v5 =	vadd.s32 $0x3FF, v12;
	v12 =	vshll.u32 v24, $0x1;
	(erf) = vpow2.f32 v14  }
0x2dc: {  	[tilespmem:$0x1FBE0] =	vst v0;
	v59 =	vpop (erf);
	v0 =	vand.u32 $0x300, v12;
	v12 =	vmul.f32 $1.442695020e+00, v19;
	v14 =	vld [tilespmem:s1+$0x0];
	(erf) = vpow2.f32 v27  }
0x2dd: {  	[tilespmem:$0x1FB50] =	vst v11;
	v44 =	vadd.s32 $0xB5004C00, v22;
	v35 =	vld [tilespmem:$0x1FBD0];
	v4 =	vmul.f32 $1.442695020e+00, v4;
	v54 =	vpop (erf);
	(erf) = vpow2.f32 v40  }
0x2de: {  	v22 =	vlaneseq.u32;
	[tilespmem:v3+s17+$0x0] =	vst.idx.add.s32.msk $0xffff, v33;
	v3 =	vmul.f32 $1.442695020e+00, v16;
	v55 =	vpop (erf);
	(erf) = vpow2.f32 v12  }
0x2df: {  	v11 =	vmov v56;
	v13 =	vmul.f32 $1.442695020e+00, v13;
	[tilespmem:v20+s17+$0x0] =	vst.idx.add.s32.msk $0xffff, v1;
	v53 =	vpop (erf);
	(erf) = vpow2.f32 v4  }
0x2e0: {  	v19 =	vor.u32 s29, v22;
	v56 =	vpop (erf);
	[tilespmem:v5+s17+$0x0] =	vst.idx.add.s32.msk $0xffff, v1;
	v5 =	vmul.f32 $1.442695020e+00, v38;
	(erf) = vpow2.f32 v3  }
0x2e1: {  	[tilespmem:$0x1FB60] =	vst v0;
	v0 =	vand.u32 $0x6F, v19;
	v12 =	vmul.f32 $1.442695020e+00, v15;
	v14 =	vmul.f32 $1.442695020e+00, v14;
	v60 =	vpop (erf)  }
0x2e2: {  	v15 =	vadd.s32 $0xB5000000, v2;
	v2 =	vand.u32 $0x7F, v2;
	v57 =	vpop (erf);
	(erf) = vpow2.f32 v5  }
0x2e3: {  	v4 =	vld [tilespmem:s2+$0x0];
	v3 =	vadd.s32 v35, v15;
	v5 =	vmul.f32 v9, v39;
	v58 =	vpop (erf);
	(erf) = vpow2.f32 v14  }
0x2e4: {  	[tilespmem:$0x1FAF0] =	vst v0;
	v0 =	vmul.f32 $1.442695020e+00, v41;
	v3 =	vand.u32 $0xFFFFFF80, v3;
	(erf) = vpow2.f32 v12;
	v62 =	vpop (erf)  }
0x2e5: {  	v33 =	vld [tilespmem:s10+$0x0];
	v14 =	vmul.f32 v9, v30;
	v5 =	vadd.f32 $8.388608000e+06, v5;
	(erf) = vpow2.f32 v13;
	v63 =	vpop (erf)  }
0x2e6: {  	v16 =	vld [tilespmem:s3+$0x0];
	v27 =	vor.u32 v2, v3;
	v2 =	vpop (erf);
	(erf) = vpow2.f32 v0  }
0x2e7: {  	v8 =	vmov v61;
	v12 =	vld [tilespmem:s7+$0x0];
	v61 =	vadd.s32 $0xB5004C00, v5;
	v5 =	vadd.f32 v23, v21;
	v3 =	vpop (erf)  }
0x2e8: {  	v19 =	vld [tilespmem:s6+$0x0];
	v39 =	vmul.f32 $1.442695020e+00, v4;
	v4 =	vpop (erf)  }
0x2e9: {  	[tilespmem:$0x1FB90] =	vst v7;
	v7 =	vadd.f32 v54, v59;
	v41 =	vadd.f32 $8.389632000e+06, v14;
	v14 =	vpop (erf)  }
0x2ea: {  	s0 =	sor.u32 s9, s0;
	v6 =	vmul.f32 $1.442695020e+00, v33;
	v30 =	vadd.f32 v14, v4  }
0x2eb: {  	[tilespmem:$0x1FB30] =	vst v32;
	v32 =	vld [tilespmem:s0+$0x0];
	v33 =	vadd.f32 v58, v57;
	v13 =	vmul.f32 $1.442695020e+00, v16;
	v7 =	vadd.f32 v7, v5;
	v5 =	vpop (erf)  }
0x2ec: {  	[tilespmem:$0x1FB70] =	vst v10;
	v26 =	vld [tilespmem:s16+$0x0];
	v38 =	vadd.f32 v63, v62;
	v17 =	vadd.f32 v3, v2;
	v10 =	vmul.f32 $1.442695020e+00, v12;
	v12 =	vpop (erf)  }
0x2ed: {  	v28 =	vld [tilespmem:s15+$0x0];
	v19 =	vmul.f32 $1.442695020e+00, v19;
	v24 =	vpop (erf);
	(erf) = vpow2.f32 v39  }
0x2ee: {  	v29 =	vld [tilespmem:s19+$0x0];
	v38 =	vadd.f32 v38, v33;
	v33 =	vadd.f32 v30, v17;
	v30 =	vpop (erf);
	(erf) = vpow2.f32 v13  }
0x2ef: {  	[tilespmem:$0x1FB20] =	vst v31;
	v13 =	vpop (erf);
	(erf) = vpow2.f32 v19;
	v19 =	vsub.s32 v35, v15;
	v35 =	vld [tilespmem:$0x1FEA0]  }
0x2f0: {  	[tilespmem:$0x1FB80] =	vst v8;
	s8 =	sor.u32 s9, s8;
	v31 =	vld [tilespmem:s20+$0x0];
	v40 =	vmov v36;
	v8 =	vadd.f32 v53, v55;
	v36 =	vadd.f32 v60, v56  }
0x2f1: {  	v20 =	vld [tilespmem:s8+$0x0]  }
0x2f2: {  	v8 =	vadd.f32 v36, v8;
	v36 =	vld [tilespmem:s21+$0x0]  }
0x2f3: {  	v16 =	vld [tilespmem:s11+$0x0]  }
0x2f4: {  	v15 =	vmov v35;
	v35 =	vld [tilespmem:$0x1FED0]  }
0x2f5: {  	v0 =	vld [tilespmem:s18+$0x0]  }
0x2f6: {  	s5 =	sor.u32 s9, s12;
	v39 =	vld [tilespmem:s28+$0x0]  }
0x2f7: {  	v7 =	vadd.f32 v8, v7;
	v8 =	vadd.f32 v33, v38;
	v38 =	vld [tilespmem:s5+$0x0]  }
0x2f8: {  	v41 =	vadd.s32 $0xB5004C00, v41;
	v33 =	vld [tilespmem:s14+$0x0]  }
0x2f9: {  	v17 =	vadd.f32 v12, v5;
	v7 =	vadd.f32 v8, v7;
	v8 =	vld [tilespmem:s0+$0x9800];
	[tilespmem:$0x1FBD0] =	vst v15;
	v15 =	vmov v35  }
0x2fa: {  	[tilespmem:$0x1FEA0] =	vst v15;
	v15 =	vld [tilespmem:$0x1FEE0]  }
0x2fb: {  	v20 =	vmul.f32 $1.442695020e+00, v20;
	v17 =	vadd.f32 v13, v17;
	[tilespmem:v61+s17+$0x0] =	vst.idx.add.s32.msk $0xffff, v1  }
0x2fc: {  	[tilespmem:v52+s17+$0x0] =	vst.idx.add.s32.msk $0xffff, v1  }
0x2fd: {  	(erf) = vpow2.f32 v20;
	v7 =	vadd.f32 v17, v7;
	[tilespmem:v41+s17+$0x0] =	vst.idx.add.s32.msk $0xffff, v1  }
0x2fe: {  	(erf) = vpow2.f32 v6;
	[tilespmem:v50+s17+$0x0] =	vst.idx.add.s32.msk $0xffff, v1  }
0x2ff: {  	v16 =	vmul.f32 $1.442695020e+00, v16;
	(erf) = vrcp.f32 v7;
	v17 =	vmovc v15;
	v15 =	vmov v18;
	v18 =	vld [tilespmem:$0x1FCA0]  }
0x300: {  	v28 =	vmul.f32 $1.442695020e+00, v28;
	[tilespmem:v51+s17+$0x0] =	vst.idx.add.s32.msk $0xffff, v1;
	(erf) = vpow2.f32 v10  }
0x301: {  	v26 =	vmul.f32 $1.442695020e+00, v26;
	[tilespmem:v49+s17+$0x0] =	vst.idx.add.s32.msk $0xffff, v1;
	v35 =	vshll.u32 v8, $0xA;
	v8 =	vpop (erf);
	(erf) = vpow2.f32 v16  }
0x302: {  	v0 =	vmul.f32 $1.442695020e+00, v0;
	v16 =	vld [tilespmem:$0x1FCB0];
	(erf) = vpow2.f32 v28  }
0x303: {  	[tilespmem:v47+s17+$0x0] =	vst.idx.add.s32.msk $0xffff, v1;
	(erf) = vpow2.f32 v26  }
0x304: {  	v6 =	vadd.s32 $0x4C00, v27;
	v27 =	vmul.f32 v9, v18;
	v18 =	vpop (erf);
	(erf) = vpow2.f32 v0;
	v0 =	vld [tilespmem:$0x1FC00]  }
0x305: {  	v7 =	vadd.s32 $0x3FF, v19;
	v10 =	vadd.s32 $0x4FFF, v19;
	[tilespmem:v48+s17+$0x0] =	vst.idx.add.s32.msk $0xffff, v1;
	v19 =	vpop (erf)  }
0x306: {  	[tilespmem:$0x1FC00] =	vst v19;
	v26 =	vadd.f32 v19, v18;
	v19 =	vld [tilespmem:$0x1FC20]  }
0x307: {  	v20 =	vmov v30;
	[tilespmem:v46+s17+$0x0] =	vst.idx.add.s32.msk $0xffff, v1;
	v16 =	vmul.f32 v9, v16  }
0x308: {  	v32 =	vmul.f32 $1.442695020e+00, v32;
	[tilespmem:$0x1FCB0] =	vst v20;
	v20 =	vld [tilespmem:$0x1FC10]  }
0x309: {  	v29 =	vmul.f32 $1.442695020e+00, v29;
	v51 =	vadd.f32 $8.390656000e+06, v16;
	v16 =	vld [tilespmem:$0x1FBF0];
	[tilespmem:$0x1FBF0] =	vst v18;
	v18 =	vpop (erf);
	v0 =	vmul.f32 v9, v0  }
0x30a: {  	v31 =	vmul.f32 $1.442695020e+00, v31;
	v36 =	vmul.f32 $1.442695020e+00, v36;
	[tilespmem:v44+s17+$0x0] =	vst.idx.add.s32.msk $0xffff, v1;
	v47 =	vadd.f32 $8.391680000e+06, v27;
	v28 =	vpop (erf)  }
0x30b: {  	[tilespmem:$0x1FC10] =	vst v18;
	v27 =	vmul.f32 v9, v19;
	v19 =	vadd.f32 $8.393728000e+06, v0;
	v0 =	vadd.f32 v28, v18;
	v18 =	vld [tilespmem:$0x1FAD0]  }
0x30c: {  	v46 =	vmul.f32 v9, v40;
	v44 =	vmul.f32 v9, v34;
	[tilespmem:v45+s17+$0x0] =	vst.idx.add.s32.msk $0xffff, v1  }
0x30d: {  	v20 =	vmul.f32 v9, v20;
	[tilespmem:$0x1FED0] =	vst v17;
	(erf) = vpow2.f32 v29  }
0x30e: {  	v50 =	vadd.f32 v8, v30;
	v17 =	vmul.f32 $1.442695020e+00, v39;
	[tilespmem:$0x1FEE0] =	vst v15;
	(erf) = vpow2.f32 v31  }
0x30f: {  	v15 =	vmul.f32 $1.442695020e+00, v33;
	v33 =	vimm.s32 $0xFFFFFFFF;
	(erf) = vpow2.f32 v36;
	[tilespmem:$0x1FC20] =	vst v28;
	v28 =	vpop (erf)  }
0x310: {  	[tilespmem:v43+s17+$0x0] =	vst.idx.add.s32.msk $0xffff, v1;
	v43 =	vadd.f32 $8.394752000e+06, v20;
	(erf) = vpow2.f32 v32;
	v41 =	vmul.f32 $1.024000000e+03, v28  }
0x311: {  	s31 =	sand.u32 $0x1F0, s23;
	[tilespmem:v37+s17+$0x0] =	vst.idx.add.s32.msk $0xffff, v1;
	v36 =	vpop (erf);
	(erf) = vpow2.f32 v17;
	v17 =	vmov s26;
	v20 =	vadd.f32 v0, v26  }
0x312: {  	[tilespmem:v42+s17+$0x0] =	vst.idx.add.s32.msk $0xffff, v1;
	v0 =	vor.u32 s31, v22;
	v26 =	vmov s31;
	v21 =	vmul.f32 v41, v21  }
0x313: {  	v17 =	vshll.u32 v17, $0x7;
	v28 =	vmul.f32 v41, v23;
	v22 =	vshll.u32 v26, $0x1;
	[tilespmem:v18+s17+$0x0] =	vst.idx.add.s32.msk $0xffff, v1  }
0x314: {  	v29 =	vmul.f32 v41, v60;
	v18 =	vadd.f32 $8.388608000e+06, v21;
	v21 =	vmul.f32 v41, v59;
	v23 =	vld.idx.msk [tilespmem:v11+s4+$0x0], $0xffff  }
0x315: {  	v59 =	vand.u32 $0x80, v17;
	v17 =	vmul.f32 v41, v54;
	[tilespmem:v6+s17+$0x0] =	vst.idx.add.s32.msk $0xffff, v33;
	v6 =	vadd.f32 $8.389632000e+06, v28  }
0x316: {  	[tilespmem:v10+s17+$0x0] =	vst.idx.add.s32.msk $0xffff, v1;
	v10 =	vadd.s32 $0xB5004C00, v18;
	v18 =	vadd.f32 $8.390656000e+06, v21;
	v21 =	vmul.f32 v41, v55  }
0x317: {  	[tilespmem:v7+s17+$0x0] =	vst.idx.add.s32.msk $0xffff, v1;
	v6 =	vadd.s32 $0xB5004C00, v6;
	v7 =	vadd.f32 $8.391680000e+06, v17;
	v17 =	vmul.f32 v41, v53  }
0x318: {  	v28 =	vadd.s32 $0xB5004C00, v18;
	v18 =	vadd.f32 $8.392704000e+06, v21;
	v21 =	vmul.f32 v41, v56  }
0x319: {  	v60 =	vmul.f32 v41, v57;
	v7 =	vadd.s32 $0xB5004C00, v7;
	v17 =	vadd.f32 $8.393728000e+06, v17  }
0x31a: {  	v30 =	vld [tilespmem:s25+$0x9800];
	v26 =	vand.u32 $0x300, v22;
	v31 =	vadd.s32 $0xB5004C00, v18;
	v21 =	vadd.f32 $8.394752000e+06, v21  }
0x31b: {  	[tilespmem:v10+s17+$0x0] =	vst.idx.add.s32.msk $0xffff, v1;
	v10 =	vadd.s32 $0xB5004C00, v17;
	v17 =	vadd.f32 $8.395776000e+06, v29;
	v29 =	vmul.f32 v41, v58  }
0x31c: {  	v22 =	vmul.f32 v41, v62;
	[tilespmem:v6+s17+$0x0] =	vst.idx.add.s32.msk $0xffff, v1;
	v6 =	vadd.s32 $0xB5004C00, v21;
	v21 =	vadd.f32 $8.396800000e+06, v60  }
0x31d: {  	v18 =	vmovc v8;
	[tilespmem:v28+s17+$0x0] =	vst.idx.add.s32.msk $0xffff, v1;
	v8 =	vadd.s32 $0xB5004C00, v17;
	v17 =	vadd.f32 $8.397824000e+06, v29;
	v28 =	vmul.f32 v41, v63  }
0x31e: {  	v2 =	vmul.f32 v41, v2;
	[tilespmem:v7+s17+$0x0] =	vst.idx.add.s32.msk $0xffff, v1;
	v7 =	vadd.s32 $0xB5004C00, v21;
	v21 =	vadd.f32 $8.398848000e+06, v22  }
0x31f: {  	v3 =	vmul.f32 v41, v3;
	[tilespmem:v31+s17+$0x0] =	vst.idx.add.s32.msk $0xffff, v1;
	v17 =	vadd.s32 $0xB5004C00, v17;
	v22 =	vadd.f32 $8.399872000e+06, v28  }
0x320: {  	v4 =	vmul.f32 v41, v4;
	v2 =	vadd.f32 $8.400896000e+06, v2;
	[tilespmem:v10+s17+$0x0] =	vst.idx.add.s32.msk $0xffff, v1;
	v10 =	vadd.s32 $0xB5004C00, v21  }
0x321: {  	v40 =	vmovc v25;
	v14 =	vmul.f32 v41, v14;
	v3 =	vadd.f32 $8.401920000e+06, v3;
	[tilespmem:v6+s17+$0x0] =	vst.idx.add.s32.msk $0xffff, v1;
	v6 =	vadd.s32 $0xB5004C00, v22  }
0x322: {  	v34 =	vpop (erf);
	v5 =	vmul.f32 v41, v5;
	v4 =	vadd.f32 $8.402944000e+06, v4;
	v2 =	vadd.s32 $0xB5004C00, v2;
	[tilespmem:v8+s17+$0x0] =	vst.idx.add.s32.msk $0xffff, v1  }
0x323: {  	v42 =	vpop (erf);
	v3 =	vadd.s32 $0xB5004C00, v3;
	v8 =	vmul.f32 v41, v12;
	[tilespmem:v7+s17+$0x0] =	vst.idx.add.s32.msk $0xffff, v1;
	v7 =	vadd.f32 $8.403968000e+06, v14  }
0x324: {  	v37 =	vpop (erf);
	v5 =	vadd.f32 $8.404992000e+06, v5;
	v4 =	vadd.s32 $0xB5004C00, v4;
	v12 =	vmul.f32 v41, v13;
	[tilespmem:v17+s17+$0x0] =	vst.idx.add.s32.msk $0xffff, v1  }
0x325: {  	v25 =	vpop (erf);
	v8 =	vadd.f32 $8.406016000e+06, v8;
	[tilespmem:v10+s17+$0x0] =	vst.idx.add.s32.msk $0xffff, v1;
	v7 =	vadd.s32 $0xB5004C00, v7;
	v10 =	vor.u32 v59, v26  }
0x326: {  	v52 =	vpop (erf);
	v5 =	vadd.s32 $0xB5004C00, v5;
	[tilespmem:v6+s17+$0x0] =	vst.idx.add.s32.msk $0xffff, v1;
	v6 =	vadd.f32 $8.407040000e+06, v12;
	v10 =	vbroadcast v10, $0x0  }
0x327: {  	v0 =	vand.u32 $0x7F, v0;
	v45 =	vpop (erf);
	[tilespmem:v2+s17+$0x0] =	vst.idx.add.s32.msk $0xffff, v1;
	v2 =	vadd.s32 $0xB5004C00, v8  }
0x328: {  	v61 =	vpop (erf);
	v21 =	vshll.u32 v30, $0xA;
	[tilespmem:v3+s17+$0x0] =	vst.idx.add.s32.msk $0xffff, v1;
	v3 =	vadd.s32 $0xB5004C00, v6;
	v0 =	vor.u32 v0, v10  }
0x329: {  	v39 =	vpop (erf);
	[tilespmem:v4+s17+$0x0] =	vst.idx.add.s32.msk $0xffff, v1;
	v0 =	vor.u32 v21, v0  }
0x32a: {  	v6 =	vadd.f32 v24, v39;
	[tilespmem:v7+s17+$0x0] =	vst.idx.add.s32.msk $0xffff, v1  }
0x32b: {  	[tilespmem:v5+s17+$0x0] =	vst.idx.add.s32.msk $0xffff, v1  }
0x32c: {  	v5 =	vadd.f32 v50, v6;
	[tilespmem:v2+s17+$0x0] =	vst.idx.add.s32.msk $0xffff, v1  }
0x32d: {  	[tilespmem:v3+s17+$0x0] =	vst.idx.add.s32.msk $0xffff, v1  }
0x32e: {  	v3 =	vadd.f32 v20, v5;
	v20 =	vld.idx.msk [tilespmem:v0+s4+$0x0], $0xffff  }
0x32f: {  	v0 =	vld [tilespmem:$0x1FB20]  }
0x330: {  	v5 =	vld [tilespmem:$0x1FB40]  }
0x331: {  	v38 =	vmul.f32 $1.442695020e+00, v38;
	_ =	sdelay $0x1  }
0x332: {  	(erf) = vpow2.f32 v38;
	v13 =	vadd.f32 v61, v45  }
0x333: {  	v12 =	vadd.f32 v52, v25;
	v8 =	vadd.f32 v34, v36;
	v62 =	vmul.f32 v9, v0;
	v0 =	vld [tilespmem:$0x1FB30]  }
0x334: {  	v10 =	vadd.f32 v37, v42;
	v4 =	vadd.f32 $8.395776000e+06, v27;
	v27 =	vmul.f32 v9, v5;
	v5 =	vld [tilespmem:$0x1FB50];
	_ =	sdelay $0x1  }
0x335: {  	v6 =	vadd.f32 v10, v8;
	v8 =	vadd.f32 v13, v12;
	_ =	sdelay $0x1  }
0x336: {  	v60 =	vmul.f32 v9, v0;
	v0 =	vadd.f32 v8, v6  }
0x337: {  	v22 =	vmul.f32 v9, v5;
	v5 =	vld [tilespmem:$0x1FB60]  }
0x338: {  	v0 =	vadd.f32 v0, v3;
	v3 =	vld [tilespmem:$0x1FB90];
	_ =	sdelay $0x1  }
0x339: {  	v48 =	vpop (erf)  }
0x33a: {  	v49 =	vpop (erf);
	(erf) = vpow2.f32 v15  }
0x33b: {  	v6 =	vor.u32 v59, v5;
	v5 =	vld [tilespmem:$0x1FB70]  }
0x33c: {  	v16 =	vmul.f32 v9, v16;
	v12 =	vmul.f32 v9, v3;
	v3 =	vld [tilespmem:$0x1FBA0];
	_ =	sdelay $0x1  }
0x33d: {  	v16 =	vadd.f32 $8.392704000e+06, v16  }
0x33e: {  	v11 =	vld [tilespmem:$0x1FAE0]  }
0x33f: {  	v58 =	vadd.s32 $0xB5004C00, v16;
	v7 =	vadd.s32 $0xB5004C00, v51;
	v16 =	vmul.f32 v9, v5;
	v5 =	vld [tilespmem:$0x1FB80]  }
0x340: {  	p0 =	slt.u32 s24, $0x3E;
	v17 =	vadd.s32 $0xB5004C00, v47;
	v14 =	vmul.f32 v9, v3;
	v3 =	vld [tilespmem:$0x1FBB0]  }
.Ltmp3:
0x341: {  	[tilespmem:$0x1FCA0] =	vst v18;
	v18 =	vld [tilespmem:$0x1FAF0];
	v2 =	vadd.f32 v49, v48;
	(pc) =	sbr.rel @p0 .LBB2_9-.Ltmp3, $4  }
0x342: {  	v32 =	vmov v37;
	v29 =	vld [tilespmem:$0x1FB00];
	v63 =	vpop (erf)  }
0x343: {  	v38 =	vmovc v25;
	v56 =	vmovc v11;
	v28 =	vld [tilespmem:$0x1FB10];
	v31 =	vmov v42;
	v47 =	vadd.s32 $0xB5004C00, v19;
	v2 =	vadd.f32 v63, v2  }
0x344: {  	v30 =	vmovc v24;
	v19 =	vadd.f32 $8.396800000e+06, v46;
	v13 =	vadd.f32 $8.397824000e+06, v44;
	[tilespmem:v7+s17+$0x0] =	vst.idx.add.s32.msk $0xffff, v1;
	v15 =	vmul.f32 v9, v5  }
0x345: {  	[tilespmem:v17+s17+$0x0] =	vst.idx.add.s32.msk $0xffff, v1;
	v2 =	vadd.f32 v2, v0;
	v5 =	vmul.f32 v9, v3;
	v3 =	vbroadcast v6, $0x0  }
0x346: {  	_ = 	snop  }
0x347: {  	(erf) = vrcp.f32 v2;
	_ =	sdelay $0x8  }
0x348: {  	v0 =	vpop (erf)  }
0x349: {  	v2 =	vmul.f32 $1.024000000e+03, v0;
	_ =	sdelay $0x1  }
0x34a: {  	v0 =	vmul.f32 v2, v39  }
0x34b: {  	v7 =	vadd.s32 $0xB5004C00, v43  }
0x34c: {  	v4 =	vadd.s32 $0xB5004C00, v4;
	v0 =	vadd.f32 $8.388608000e+06, v0  }
0x34d: {  	v10 =	vadd.s32 $0xB5004C00, v19;
	v6 =	vmul.f32 v2, v30  }
0x34e: {  	[tilespmem:v58+s17+$0x0] =	vst.idx.add.s32.msk $0xffff, v1;
	v8 =	vadd.f32 $8.398848000e+06, v62;
	v0 =	vadd.s32 $0xB5004C00, v0  }
0x34f: {  	v13 =	vadd.s32 $0xB5004C00, v13;
	[tilespmem:v47+s17+$0x0] =	vst.idx.add.s32.msk $0xffff, v1;
	v6 =	vadd.f32 $8.389632000e+06, v6  }
0x350: {  	v8 =	vadd.s32 $0xB5004C00, v8;
	[tilespmem:v7+s17+$0x0] =	vst.idx.add.s32.msk $0xffff, v1  }
0x351: {  	v17 =	vadd.f32 $8.399872000e+06, v60;
	[tilespmem:v4+s17+$0x0] =	vst.idx.add.s32.msk $0xffff, v1;
	v6 =	vadd.s32 $0xB5004C00, v6  }
0x352: {  	[tilespmem:v10+s17+$0x0] =	vst.idx.add.s32.msk $0xffff, v1  }
0x353: {  	v17 =	vadd.s32 $0xB5004C00, v17;
	[tilespmem:v0+s17+$0x0] =	vst.idx.add.s32.msk $0xffff, v1;
	v0 =	vadd.f32 $8.400896000e+06, v27  }
0x354: {  	[tilespmem:v13+s17+$0x0] =	vst.idx.add.s32.msk $0xffff, v1  }
0x355: {  	v57 =	vadd.f32 $8.401920000e+06, v22;
	[tilespmem:v8+s17+$0x0] =	vst.idx.add.s32.msk $0xffff, v1;
	v0 =	vadd.s32 $0xB5004C00, v0  }
0x356: {  	[tilespmem:v6+s17+$0x0] =	vst.idx.add.s32.msk $0xffff, v1  }
0x357: {  	v58 =	vadd.f32 $8.402944000e+06, v16;
	v7 =	vadd.s32 $0xB5004C00, v57;
	v19 =	vld [tilespmem:$0x1FCB0]  }
0x358: {  	[tilespmem:v17+s17+$0x0] =	vst.idx.add.s32.msk $0xffff, v1  }
0x359: {  	v59 =	vadd.f32 $8.403968000e+06, v15;
	v6 =	vadd.s32 $0xB5004C00, v58;
	v11 =	vld [tilespmem:$0x1FCA0]  }
0x35a: {  	[tilespmem:v0+s17+$0x0] =	vst.idx.add.s32.msk $0xffff, v1  }
0x35b: {  	v4 =	vadd.s32 $0xB5004C00, v59;
	v26 =	vld [tilespmem:$0x1FBF0]  }
0x35c: {  	[tilespmem:v7+s17+$0x0] =	vst.idx.add.s32.msk $0xffff, v1  }
0x35d: {  	v30 =	vld [tilespmem:$0x1FC00]  }
0x35e: {  	[tilespmem:v6+s17+$0x0] =	vst.idx.add.s32.msk $0xffff, v1  }
0x35f: {  	v60 =	vadd.f32 $8.404992000e+06, v12;
	v39 =	vld [tilespmem:$0x1FC10]  }
0x360: {  	v62 =	vadd.f32 $8.406016000e+06, v14;
	[tilespmem:v4+s17+$0x0] =	vst.idx.add.s32.msk $0xffff, v1  }
0x361: {  	v5 =	vadd.f32 $8.407040000e+06, v5;
	v16 =	vadd.s32 $0xB5004C00, v60;
	v10 =	vmul.f32 v2, v19;
	v43 =	vld [tilespmem:$0x1FC20]  }
0x362: {  	v12 =	vadd.s32 $0xB5004C00, v62;
	v24 =	vmul.f32 v2, v11  }
0x363: {  	v0 =	vadd.s32 $0xB5004C00, v5;
	v25 =	vadd.f32 $8.390656000e+06, v10;
	v10 =	vmul.f32 v2, v26  }
0x364: {  	v22 =	vmul.f32 $1.442695020e+00, v20;
	v27 =	vadd.f32 $8.391680000e+06, v24;
	v13 =	vmul.f32 v2, v30  }
0x365: {  	v42 =	vadd.s32 $0xB5004C00, v25;
	v37 =	vadd.f32 $8.392704000e+06, v10;
	v10 =	vmul.f32 v2, v39  }
0x366: {  	[tilespmem:v16+s17+$0x0] =	vst.idx.add.s32.msk $0xffff, v1;
	v7 =	vadd.s32 $0xB5004C00, v27;
	v5 =	vmul.f32 v2, v43;
	v13 =	vadd.f32 $8.393728000e+06, v13  }
0x367: {  	v44 =	vmul.f32 v2, v36;
	[tilespmem:v12+s17+$0x0] =	vst.idx.add.s32.msk $0xffff, v1;
	v10 =	vadd.f32 $8.394752000e+06, v10;
	v6 =	vadd.s32 $0xB5004C00, v37  }
0x368: {  	v46 =	vmul.f32 v2, v34;
	[tilespmem:v0+s17+$0x0] =	vst.idx.add.s32.msk $0xffff, v1;
	v0 =	vadd.f32 $8.395776000e+06, v5;
	v47 =	vadd.s32 $0xB5004C00, v13  }
0x369: {  	v51 =	vmul.f32 v2, v31;
	v8 =	vadd.f32 $8.396800000e+06, v44;
	v50 =	vld.idx.msk [tilespmem:v56+s4+$0x0], $0xffff;
	v10 =	vadd.s32 $0xB5004C00, v10  }
0x36a: {  	v53 =	vmul.f32 v2, v32;
	v54 =	vadd.f32 $8.397824000e+06, v46;
	[tilespmem:v42+s17+$0x0] =	vst.idx.add.s32.msk $0xffff, v1;
	v0 =	vadd.s32 $0xB5004C00, v0  }
0x36b: {  	v55 =	vmul.f32 v2, v38;
	v8 =	vadd.s32 $0xB5004C00, v8;
	v56 =	vadd.f32 $8.398848000e+06, v51;
	[tilespmem:v7+s17+$0x0] =	vst.idx.add.s32.msk $0xffff, v1  }
0x36c: {  	v57 =	vmul.f32 v2, v52;
	v58 =	vadd.f32 $8.399872000e+06, v53;
	v4 =	vadd.s32 $0xB5004C00, v54;
	[tilespmem:v6+s17+$0x0] =	vst.idx.add.s32.msk $0xffff, v1  }
0x36d: {  	v59 =	vmul.f32 v2, v45;
	v60 =	vadd.f32 $8.400896000e+06, v55;
	v7 =	vadd.s32 $0xB5004C00, v56;
	[tilespmem:v47+s17+$0x0] =	vst.idx.add.s32.msk $0xffff, v1  }
0x36e: {  	v61 =	vmul.f32 v2, v61;
	v14 =	vadd.f32 $8.401920000e+06, v57;
	v6 =	vadd.s32 $0xB5004C00, v58;
	[tilespmem:v10+s17+$0x0] =	vst.idx.add.s32.msk $0xffff, v1  }
0x36f: {  	v62 =	vmul.f32 v2, v48;
	v15 =	vadd.f32 $8.402944000e+06, v59;
	v5 =	vadd.s32 $0xB5004C00, v60;
	[tilespmem:v0+s17+$0x0] =	vst.idx.add.s32.msk $0xffff, v1  }
0x370: {  	v14 =	vadd.s32 $0xB5004C00, v14;
	v12 =	vadd.f32 $8.403968000e+06, v61;
	v0 =	vmul.f32 v2, v49;
	[tilespmem:v8+s17+$0x0] =	vst.idx.add.s32.msk $0xffff, v1  }
0x371: {  	v15 =	vadd.s32 $0xB5004C00, v15;
	v19 =	vmul.f32 v2, v63;
	v10 =	vadd.f32 $8.404992000e+06, v62;
	[tilespmem:v4+s17+$0x0] =	vst.idx.add.s32.msk $0xffff, v1  }
0x372: {  	v20 =	vadd.s32 $0xB5004C00, v12;
	v0 =	vadd.f32 $8.406016000e+06, v0;
	[tilespmem:v7+s17+$0x0] =	vst.idx.add.s32.msk $0xffff, v1  }
0x373: {  	(erf) = vpow2.f32 v22;
	v22 =	vadd.f32 $8.407040000e+06, v19;
	v24 =	vadd.s32 $0xB5004C00, v10;
	[tilespmem:v6+s17+$0x0] =	vst.idx.add.s32.msk $0xffff, v1  }
0x374: {  	v0 =	vadd.s32 $0xB5004C00, v0;
	[tilespmem:v5+s17+$0x0] =	vst.idx.add.s32.msk $0xffff, v1  }
0x375: {  	v25 =	vadd.s32 $0xB5004C00, v22;
	[tilespmem:v14+s17+$0x0] =	vst.idx.add.s32.msk $0xffff, v1  }
0x376: {  	v26 =	vmul.f32 $1.442695020e+00, v23;
	[tilespmem:v15+s17+$0x0] =	vst.idx.add.s32.msk $0xffff, v1  }
0x377: {  	(erf) = vpow2.f32 v40;
	[tilespmem:v20+s17+$0x0] =	vst.idx.add.s32.msk $0xffff, v1  }
0x378: {  	v3 =	vor.u32 v18, v3;
	(erf) = vpow2.f32 v26;
	[tilespmem:v24+s17+$0x0] =	vst.idx.add.s32.msk $0xffff, v1  }
0x379: {  	v3 =	vor.u32 v35, v3;
	[tilespmem:v0+s17+$0x0] =	vst.idx.add.s32.msk $0xffff, v1  }
0x37a: {  	[tilespmem:v25+s17+$0x0] =	vst.idx.add.s32.msk $0xffff, v1  }
0x37b: {  	v30 =	vld [tilespmem:$0x1FBC0]  }
0x37c: {  	v5 =	vld [tilespmem:$0x1FBE0]  }
0x37d: {  	v27 =	vpop (erf)  }
0x37e: {  	v6 =	vmul.f32 v27, v41;
	v3 =	vld.idx.msk [tilespmem:v3+s4+$0x0], $0xffff;
	_ =	sdelay $0x1  }
0x37f: {  	v36 =	vpop (erf);
	v31 =	vmul.f32 $1.442695020e+00, v50;
	v0 =	vmin.f32 v6, $1.023489990e+03  }
0x380: {  	v40 =	vpop (erf);
	v0 =	vadd.f32 $8.388608000e+06, v0;
	v4 =	vmul.f32 v5, v30  }
0x381: {  	(erf) = vpow2.f32 v31;
	v8 =	vmul.f32 v40, v29;
	v38 =	vld [tilespmem:$0x1FBD0]  }
0x382: {  	v32 =	vadd.s32 $0xB5000000, v0;
	v3 =	vmul.f32 $1.442695020e+00, v3;
	v4 =	vmin.f32 v4, $1.023489990e+03  }
0x383: {  	v8 =	vmin.f32 v8, $1.023489990e+03;
	v34 =	vadd.s32 v21, v32;
	v4 =	vadd.f32 $8.388608000e+06, v4  }
0x384: {  	v0 =	vand.u32 $0x7F, v0;
	v7 =	vand.u32 $0xFFFFFF80, v34;
	(erf) = vpow2.f32 v3  }
0x385: {  	v6 =	vsub.s32 v21, v32;
	v0 =	vor.u32 v0, v7;
	v37 =	vadd.s32 $0xB5000000, v4  }
0x386: {  	v5 =	vmul.f32 v36, v28;
	v0 =	vadd.s32 $0x4C00, v0;
	v39 =	vadd.s32 v38, v37  }
0x387: {  	v44 =	vld [tilespmem:$0x1FEA0];
	v41 =	vadd.s32 $0x4FFF, v6;
	v4 =	vand.u32 $0x7F, v4;
	v3 =	vand.u32 $0xFFFFFF80, v39  }
0x388: {  	v6 =	vadd.s32 $0x3FF, v6;
	v5 =	vmin.f32 v5, $1.023489990e+03;
	v3 =	vor.u32 v4, v3  }
0x389: {  	v5 =	vadd.f32 $8.388608000e+06, v5;
	v42 =	vsub.s32 v38, v37;
	v3 =	vadd.s32 $0x4C00, v3  }
0x38a: {  	v8 =	vadd.f32 $8.388608000e+06, v8;
	v47 =	vpop (erf);
	v49 =	vld [tilespmem:$0x1FED0];
	v4 =	vadd.s32 $0x4FFF, v42  }
0x38b: {  	v9 =	vmul.f32 v47, v9;
	v43 =	vadd.s32 $0xB5000000, v5;
	[tilespmem:v0+s17+$0x0] =	vst.idx.add.s32.msk $0xffff, v33  }
0x38c: {  	v48 =	vadd.s32 $0xB5000000, v8;
	v45 =	vadd.s32 v44, v43;
	[tilespmem:v41+s17+$0x0] =	vst.idx.add.s32.msk $0xffff, v1  }
0x38d: {  	v9 =	vmin.f32 v9, $1.023489990e+03;
	v5 =	vand.u32 $0x7F, v5;
	v12 =	vand.u32 $0xFFFFFF80, v45;
	[tilespmem:v6+s17+$0x0] =	vst.idx.add.s32.msk $0xffff, v1;
	v52 =	vpop (erf)  }
0x38e: {  	v9 =	vadd.f32 $8.388608000e+06, v9;
	v5 =	vor.u32 v5, v12;
	v2 =	vmul.f32 v52, v2;
	[tilespmem:v3+s17+$0x0] =	vst.idx.add.s32.msk $0xffff, v33  }
0x38f: {  	v8 =	vand.u32 $0x7F, v8;
	v50 =	vadd.s32 v49, v48;
	v0 =	vadd.s32 $0x4C00, v5;
	[tilespmem:v4+s17+$0x0] =	vst.idx.add.s32.msk $0xffff, v1  }
0x390: {  	v54 =	vadd.s32 $0xB5000000, v9;
	v51 =	vand.u32 $0xFFFFFF80, v50;
	v2 =	vmin.f32 v2, $1.023489990e+03;
	v56 =	vld [tilespmem:$0x1FEE0]  }
0x391: {  	v46 =	vadd.s32 $0x3FF, v42;
	v5 =	vor.u32 v8, v51;
	v2 =	vadd.f32 $8.388608000e+06, v2  }
0x392: {  	v7 =	vsub.s32 v44, v43;
	v55 =	vadd.s32 $0x4C00, v5;
	v3 =	vsub.s32 v49, v48  }
0x393: {  	v53 =	vadd.s32 $0x3FF, v7;
	v58 =	vadd.s32 $0x4FFF, v3;
	v59 =	vadd.s32 $0xB5000000, v2  }
0x394: {  	v7 =	vadd.s32 $0x4FFF, v7;
	[tilespmem:v0+s17+$0x0] =	vst.idx.add.s32.msk $0xffff, v33;
	v0 =	vadd.s32 $0x3FF, v3;
	v61 =	vadd.s32 v35, v59  }
0x395: {  	v2 =	vand.u32 $0x7F, v2;
	v8 =	vand.u32 $0xFFFFFF80, v61;
	v57 =	vadd.s32 v56, v54  }
0x396: {  	v9 =	vand.u32 $0x7F, v9;
	[tilespmem:v46+s17+$0x0] =	vst.idx.add.s32.msk $0xffff, v1;
	v2 =	vor.u32 v2, v8;
	v5 =	vand.u32 $0xFFFFFF80, v57  }
0x397: {  	[tilespmem:v55+s17+$0x0] =	vst.idx.add.s32.msk $0xffff, v33;
	v2 =	vadd.s32 $0x4C00, v2;
	v3 =	vor.u32 v9, v5  }
0x398: {  	[tilespmem:v58+s17+$0x0] =	vst.idx.add.s32.msk $0xffff, v1;
	v5 =	vsub.s32 v35, v59;
	v3 =	vadd.s32 $0x4C00, v3  }
0x399: {  	v60 =	vsub.s32 v56, v54;
	[tilespmem:v0+s17+$0x0] =	vst.idx.add.s32.msk $0xffff, v1;
	v0 =	vadd.s32 $0x4FFF, v5  }
0x39a: {  	[tilespmem:v7+s17+$0x0] =	vst.idx.add.s32.msk $0xffff, v1;
	v62 =	vadd.s32 $0x4FFF, v60  }
0x39b: {  	[tilespmem:v53+s17+$0x0] =	vst.idx.add.s32.msk $0xffff, v1;
	v63 =	vadd.s32 $0x3FF, v60  }
0x39c: {  	[tilespmem:v2+s17+$0x0] =	vst.idx.add.s32.msk $0xffff, v33  }
0x39d: {  	[tilespmem:v3+s17+$0x0] =	vst.idx.add.s32.msk $0xffff, v33  }
0x39e: {  	[tilespmem:v0+s17+$0x0] =	vst.idx.add.s32.msk $0xffff, v1  }
0x39f: {  	[tilespmem:v62+s17+$0x0] =	vst.idx.add.s32.msk $0xffff, v1  }
0x3a0: {  	[tilespmem:v63+s17+$0x0] =	vst.idx.add.s32.msk $0xffff, v1  }
0x3a1: {  	s0 =	rddreg [dreg:$0xc]  }
0x3a2: {  	v3 =	vadd.s32 $0x3FF, v5;
	p0 =	seq.s32 s0, $0xF  }
.Ltmp4:
0x3a3: {  	_ = 	snop;
	(pc) =	sbr.rel @p0 .LBB2_14-.Ltmp4, $2  }
0x3a4: {  	_ =	sdelay $0x2  }
0x3a5: {  	[tilespmem:v3+s17+$0x0] =	vst.idx.add.s32.msk $0xffff, v1  }
0x3a6: {  	s0 =	sshll.u32 s0, $0x1  }
0x3a7: {  	s1 =	sadd.s32 $0x2, s0  }
0x3a8: {  	s2 =	rddreg [dreg:$0x5];
	s0 =	sshll.u32 s1, $0xA  }
0x3a9: {  	s0 =	sadd.s32 s2, s0  }
0x3aa: {  	s31 =	rddreg [dreg:$0x4];
	s1 =	sshll.u32 s1, $0x8;
	s0 =	sand.u32 $0x7F000, s0  }
0x3ab: {  	s1 =	sand.u32 $0x200, s1;
	s2 =	sadd.s32 s31, s0  }
0x3ac: {  	s2 =	sor.u32 s1, s2  }
0x3ad: {  	s3 =	rddreg [dreg:$0x0];
	s2 =	sshrl.u32 s2, $0x3  }
0x3ae: {  	s6 =	simm.s32 $0x0;
	s2 =	sadd.s32 s3, s2  }
0x3af: {  	s7 =	simm.s32 $0x100;
	s3 =	simm.s32 $0x1000;
	s5 =	sadd.s32 $0x8000, s2  }
.LBB2_12:
0x3b0: {  	[tilespmem:s6], [sflag:$0x1] =	stream.strided.gather [hbm4b:s2+s7], $0x400, s13, s7, $0x38;
	[tilespmem:$0x13880] =	vst v63  }
0x3b1: {  	s6 =	smov.u32 s3;
	s2 =	smov.u32 s5;
	p0 =	sne.s32 s3, $0x12000  }
.Ltmp5:
0x3b2: {  	s3 =	sadd.s32 $0x1000, s3;
	(pc) =	sbr.rel @p0 .LBB2_12-.Ltmp5, $2  }
0x3b3: {  	_ =	sdelay $0x2  }
0x3b4: {  	s5 =	sadd.s32 $0x8000, s5;
	s6 =	sshra.s32 s6, $0x2  }
0x3b5: {  	[tilespmem:s6], [sflag:$0x1] =	stream.strided.gather [hbm4b:s2+s7], $0x400, s13, s7, $0x38;
	[tilespmem:$0x13880] =	vst v63  }
0x3b6: {  	s29 =	rddreg [dreg:$0x6]  }
0x3b7: {  	s0 =	sadd.s32 s29, s0  }
0x3b8: {  	s0 =	sor.u32 s1, s0  }
0x3b9: {  	s30 =	rddreg [dreg:$0x1];
	s0 =	sshrl.u32 s0, $0x3  }
0x3ba: {  	s31 =	simm.s32 $0x9800;
	s0 =	sadd.s32 s30, s0  }
0x3bb: {  	[tilespmem:s31], [sflag:$0x1] =	stream.strided.gather [hbm4b:s0+s7], $0x400, s13, s7, $0x38;
	[tilespmem:$0x13880] =	vst v63  }
.LBB2_14:
0x3bc: {  	s1 =	simm.s32 $0x1  }
0x3bd: {  	_ =	swait.ge [sflag:s1], $0x4C00  }
0x3be: {  	s0 =	simm.s32 $0x0;
	[sflag:s1] =	ssyncset.done $0x0  }
0x3bf: {  	s0 =	sand.u32 $0x300, s0;
	[sflag:s1] =	ssyncadd.s32 $0xFFFFB400  }
0x3c0: {  	s9 =	simm.s32 $0x10;
	s2 =	sadd.s32 $0x0, s0;
	_ =	swait.ge [sflag:s1], $0x400  }
0x3c1: {  	s0 =	sand.u32 $0x70, s9;
	s26 =	sadd.s32 $0x4C00, s2;
	[sflag:s1] =	ssyncset.done $0x0  }
0x3c2: {  	s25 =	sadd.s32 $0x5000, s2;
	s5 =	sor.u32 s0, s26;
	[sflag:s1] =	ssyncadd.s32 $0xFFFFFC00  }
0x3c3: {  	s21 =	sadd.s32 $0x5400, s2;
	s6 =	sor.u32 s0, s25;
	v0 =	vld [tilespmem:s5+$0x0]  }
0x3c4: {  	s24 =	sadd.s32 $0x5800, s2;
	s7 =	sor.u32 s0, s21;
	v2 =	vld [tilespmem:s6+$0x0]  }
0x3c5: {  	s20 =	sadd.s32 $0x5C00, s2;
	s8 =	sor.u32 s0, s24;
	v3 =	vld [tilespmem:s7+$0x0]  }
0x3c6: {  	s19 =	sadd.s32 $0x6000, s2;
	s10 =	sor.u32 s0, s20;
	v4 =	vld [tilespmem:s8+$0x0]  }
0x3c7: {  	s15 =	sadd.s32 $0x6400, s2;
	s11 =	sor.u32 s0, s19;
	v5 =	vld [tilespmem:s10+$0x0]  }
0x3c8: {  	s12 =	sor.u32 s0, s15;
	s6 =	sadd.s32 $0x6800, s2;
	v6 =	vld [tilespmem:s11+$0x0];
	v0 =	vmul.f32 $1.442695020e+00, v0  }
0x3c9: {  	v7 =	vld [tilespmem:s12+$0x0];
	s10 =	sadd.s32 $0x6C00, s2;
	s14 =	sor.u32 s0, s6;
	v2 =	vmul.f32 $1.442695020e+00, v2  }
0x3ca: {  	s7 =	sadd.s32 $0x7000, s2;
	s16 =	sor.u32 s0, s10;
	v8 =	vld [tilespmem:s14+$0x0];
	v3 =	vmul.f32 $1.442695020e+00, v3;
	(erf) = vpow2.f32 v0  }
0x3cb: {  	s3 =	sadd.s32 $0x7400, s2;
	s5 =	sor.u32 s0, s7;
	v0 =	vmul.f32 $1.442695020e+00, v4;
	v4 =	vld [tilespmem:s16+$0x0];
	(erf) = vpow2.f32 v2  }
0x3cc: {  	s1 =	sadd.s32 $0x7800, s2;
	s8 =	sor.u32 s0, s3;
	v2 =	vmul.f32 $1.442695020e+00, v5;
	v5 =	vld [tilespmem:s5+$0x0];
	(erf) = vpow2.f32 v3  }
0x3cd: {  	s11 =	sor.u32 s0, s1;
	s5 =	sadd.s32 $0x7C00, s2;
	v3 =	vmul.f32 $1.442695020e+00, v6;
	v6 =	vld [tilespmem:s8+$0x0];
	(erf) = vpow2.f32 v0  }
0x3ce: {  	s8 =	sadd.s32 $0x8000, s2;
	s12 =	sor.u32 s0, s5;
	v0 =	vmul.f32 $1.442695020e+00, v7;
	v7 =	vld [tilespmem:s11+$0x0];
	(erf) = vpow2.f32 v2  }
0x3cf: {  	s11 =	sadd.s32 $0x8400, s2;
	s18 =	sor.u32 s0, s8;
	v2 =	vmul.f32 $1.442695020e+00, v8;
	v8 =	vld [tilespmem:s12+$0x0];
	(erf) = vpow2.f32 v3  }
0x3d0: {  	s14 =	sadd.s32 $0x8800, s2;
	s22 =	sor.u32 s0, s11;
	v3 =	vmul.f32 $1.442695020e+00, v4;
	v4 =	vld [tilespmem:s18+$0x0];
	(erf) = vpow2.f32 v0  }
0x3d1: {  	s23 =	sor.u32 s0, s14;
	v0 =	vmul.f32 $1.442695020e+00, v5;
	v5 =	vld [tilespmem:s22+$0x0];
	(erf) = vpow2.f32 v2  }
0x3d2: {  	v11 =	vld [tilespmem:s23+$0x0];
	s16 =	sadd.s32 $0x8C00, s2;
	v6 =	vmul.f32 $1.442695020e+00, v6;
	(erf) = vpow2.f32 v3  }
0x3d3: {  	s28 =	sor.u32 s0, s16;
	s18 =	sadd.s32 $0x9000, s2;
	s22 =	simm.s32 $0x0;
	v3 =	vmul.f32 $1.442695020e+00, v7;
	v2 =	vpop (erf);
	(erf) = vpow2.f32 v0  }
0x3d4: {  	s29 =	sor.u32 s0, s18;
	s23 =	sand.u32 $0x60, s22;
	v0 =	vld [tilespmem:s28+$0x0];
	v7 =	vmul.f32 $1.442695020e+00, v8;
	v9 =	vpop (erf);
	(erf) = vpow2.f32 v6  }
0x3d5: {  	s26 =	sor.u32 s23, s26;
	v6 =	vld [tilespmem:s29+$0x0];
	v4 =	vmul.f32 $1.442695020e+00, v4;
	v10 =	vpop (erf);
	(erf) = vpow2.f32 v3  }
0x3d6: {  	s30 =	sor.u32 s23, s25;
	s25 =	sadd.s32 $0x9400, s2;
	v3 =	vld [tilespmem:s26+$0x0];
	v5 =	vmul.f32 $1.442695020e+00, v5;
	v20 =	vpop (erf);
	(erf) = vpow2.f32 v7  }
0x3d7: {  	v8 =	vmul.f32 $1.442695020e+00, v11;
	s31 =	sor.u32 s0, s25;
	v7 =	vld [tilespmem:s30+$0x0];
	v21 =	vpop (erf);
	(erf) = vpow2.f32 v4  }
0x3d8: {  	v4 =	vld [tilespmem:s31+$0x0];
	v23 =	vpop (erf);
	(erf) = vpow2.f32 v5  }
0x3d9: {  	v0 =	vmul.f32 $1.442695020e+00, v0;
	v24 =	vpop (erf);
	(erf) = vpow2.f32 v8  }
0x3da: {  	v5 =	vmul.f32 $1.442695020e+00, v6;
	v17 =	vpop (erf)  }
0x3db: {  	v3 =	vmul.f32 $1.442695020e+00, v3;
	(erf) = vpow2.f32 v0;
	v15 =	vpop (erf)  }
0x3dc: {  	v0 =	vmul.f32 $1.442695020e+00, v7;
	(erf) = vpow2.f32 v5;
	v11 =	vpop (erf)  }
0x3dd: {  	v4 =	vmul.f32 $1.442695020e+00, v4;
	(erf) = vpow2.f32 v3;
	v12 =	vpop (erf)  }
0x3de: {  	(erf) = vpow2.f32 v0;
	v16 =	vpop (erf)  }
0x3df: {  	s28 =	sor.u32 s23, s20;
	v13 =	vadd.f32 v23, v21;
	v5 =	vpop (erf);
	(erf) = vpow2.f32 v4  }
0x3e0: {  	s21 =	sor.u32 s23, s21;
	v19 =	vld [tilespmem:s28+$0x0];
	v7 =	vadd.f32 v20, v10;
	v18 =	vadd.f32 v17, v24;
	v3 =	vpop (erf)  }
0x3e1: {  	s26 =	sor.u32 s23, s24;
	v0 =	vld [tilespmem:s21+$0x0];
	v22 =	vadd.f32 v11, v15;
	v4 =	vadd.f32 v9, v2;
	v6 =	vpop (erf)  }
0x3e2: {  	s19 =	sor.u32 s23, s19;
	v8 =	vld [tilespmem:s26+$0x0];
	v25 =	vadd.f32 v16, v12;
	v27 =	vadd.f32 v3, v5;
	v14 =	vpop (erf)  }
0x3e3: {  	v26 =	vld [tilespmem:s19+$0x0];
	v4 =	vadd.f32 v7, v4;
	v28 =	vadd.f32 v14, v6  }
0x3e4: {  	s29 =	sor.u32 s23, s15;
	v7 =	vadd.f32 v18, v13;
	v25 =	vadd.f32 v25, v22;
	v18 =	vpop (erf)  }
0x3e5: {  	v13 =	vld [tilespmem:s29+$0x0];
	v22 =	vpop (erf);
	v27 =	vadd.f32 v28, v27  }
0x3e6: {  	s6 =	sor.u32 s23, s6;
	v31 =	vmul.f32 $1.442695020e+00, v19;
	v4 =	vadd.f32 v7, v4;
	v28 =	vmul.f32 $1.442695020e+00, v0;
	v0 =	vpop (erf)  }
0x3e7: {  	s10 =	sor.u32 s23, s10;
	v30 =	vld [tilespmem:s6+$0x0];
	v8 =	vmul.f32 $1.442695020e+00, v8;
	v29 =	vadd.f32 v22, v18;
	v19 =	vpop (erf);
	v7 =	vadd.f32 v27, v25  }
0x3e8: {  	s30 =	sor.u32 s23, s7;
	v26 =	vmul.f32 $1.442695020e+00, v26;
	v27 =	vld [tilespmem:s10+$0x0];
	(erf) = vpow2.f32 v28;
	v25 =	vpop (erf)  }
0x3e9: {  	s3 =	sor.u32 s23, s3;
	v28 =	vld [tilespmem:s30+$0x0];
	(erf) = vpow2.f32 v8;
	v8 =	vadd.f32 v25, v29;
	v4 =	vadd.f32 v7, v4  }
0x3ea: {  	s1 =	sor.u32 s23, s1;
	v13 =	vmul.f32 $1.442695020e+00, v13;
	v7 =	vld [tilespmem:s3+$0x0];
	(erf) = vpow2.f32 v31  }
0x3eb: {  	v29 =	vld [tilespmem:s1+$0x0];
	(erf) = vpow2.f32 v26;
	v4 =	vadd.f32 v8, v4  }
0x3ec: {  	s31 =	sor.u32 s23, s5;
	(erf) = vpow2.f32 v13  }
0x3ed: {  	s5 =	sor.u32 s23, s8;
	v8 =	vld [tilespmem:s31+$0x0];
	v13 =	vmul.f32 $1.442695020e+00, v30;
	(erf) = vrcp.f32 v4  }
0x3ee: {  	s6 =	sor.u32 s23, s11;
	v26 =	vld [tilespmem:s5+$0x0];
	v4 =	vmul.f32 $1.442695020e+00, v27;
	v27 =	vmul.f32 $1.442695020e+00, v28  }
0x3ef: {  	s7 =	sor.u32 s23, s14;
	v28 =	vld [tilespmem:s6+$0x0];
	v30 =	vmul.f32 $1.442695020e+00, v7;
	(erf) = vpow2.f32 v13  }
0x3f0: {  	s8 =	sor.u32 s23, s16;
	v31 =	vld [tilespmem:s7+$0x0];
	v29 =	vmul.f32 $1.442695020e+00, v29;
	(erf) = vpow2.f32 v4  }
0x3f1: {  	v32 =	vld [tilespmem:s8+$0x0];
	v13 =	vpop (erf);
	(erf) = vpow2.f32 v27  }
0x3f2: {  	s10 =	sor.u32 s23, s18;
	v4 =	vmul.f32 $1.442695020e+00, v8;
	v7 =	vpop (erf);
	(erf) = vpow2.f32 v30  }
0x3f3: {  	s11 =	sor.u32 s23, s25;
	v33 =	vld [tilespmem:s10+$0x0];
	v26 =	vmul.f32 $1.442695020e+00, v26;
	[tilespmem:$0x1F6C0] =	vst v7;
	(erf) = vpow2.f32 v29;
	v8 =	vpop (erf)  }
0x3f4: {  	v30 =	vmul.f32 $1.442695020e+00, v28;
	v27 =	vld [tilespmem:s11+$0x0];
	(erf) = vpow2.f32 v4;
	v29 =	vpop (erf)  }
0x3f5: {  	v31 =	vmul.f32 $1.442695020e+00, v31;
	(erf) = vpow2.f32 v26;
	v28 =	vpop (erf)  }
0x3f6: {  	s12 =	sand.u32 $0x1F0, s9;
	v32 =	vmul.f32 $1.442695020e+00, v32;
	v53 =	vadd.f32 v19, v0;
	(erf) = vpow2.f32 v30;
	v4 =	vpop (erf)  }
0x3f7: {  	v30 =	vmov s12;
	(erf) = vpow2.f32 v31;
	v4 =	vmul.f32 $1.024000000e+03, v4  }
0x3f8: {  	v26 =	vmul.f32 $1.442695020e+00, v33;
	v30 =	vshll.u32 v30, $0x1;
	(erf) = vpow2.f32 v32  }
0x3f9: {  	s14 =	simm.s32 $0x0;
	v31 =	vand.u32 $0x300, v30;
	v27 =	vmul.f32 $1.442695020e+00, v27;
	v2 =	vmul.f32 v4, v2  }
0x3fa: {  	(erf) = vpow2.f32 v26;
	v26 =	vmov s14;
	v9 =	vmul.f32 v4, v9  }
0x3fb: {  	v26 =	vshll.u32 v26, $0x7;
	v10 =	vmul.f32 v4, v10;
	v2 =	vadd.f32 $8.388608000e+06, v2  }
0x3fc: {  	v20 =	vmul.f32 v4, v20;
	v21 =	vmul.f32 v4, v21;
	v9 =	vadd.f32 $8.389632000e+06, v9  }
0x3fd: {  	v23 =	vmul.f32 v4, v23;
	v10 =	vadd.f32 $8.390656000e+06, v10;
	v2 =	vadd.s32 $0xB5004C00, v2  }
0x3fe: {  	v24 =	vmul.f32 v4, v24;
	v20 =	vadd.f32 $8.391680000e+06, v20;
	v9 =	vadd.s32 $0xB5004C00, v9  }
0x3ff: {  	s25 =	sadd.s32 $0x9C00, s2;
	v17 =	vmul.f32 v4, v17;
	v21 =	vadd.f32 $8.392704000e+06, v21;
	v10 =	vadd.s32 $0xB5004C00, v10  }
0x400: {  	s0 =	sor.u32 s0, s25;
	v15 =	vmul.f32 v4, v15;
	v23 =	vadd.f32 $8.393728000e+06, v23;
	v20 =	vadd.s32 $0xB5004C00, v20  }
0x401: {  	v35 =	vld [tilespmem:s0+$0x0];
	v11 =	vmul.f32 v4, v11;
	v24 =	vadd.f32 $8.394752000e+06, v24;
	v21 =	vadd.s32 $0xB5004C00, v21  }
0x402: {  	v12 =	vmul.f32 v4, v12;
	v23 =	vadd.s32 $0xB5004C00, v23;
	[tilespmem:v2+s17+$0x0] =	vst.idx.add.s32.msk $0xffff, v1;
	v2 =	vadd.f32 $8.395776000e+06, v17  }
0x403: {  	v5 =	vmul.f32 v4, v5;
	v17 =	vadd.s32 $0xB5004C00, v24;
	[tilespmem:v9+s17+$0x0] =	vst.idx.add.s32.msk $0xffff, v1;
	v9 =	vadd.f32 $8.396800000e+06, v15  }
0x404: {  	v15 =	vmul.f32 v4, v16;
	[tilespmem:v10+s17+$0x0] =	vst.idx.add.s32.msk $0xffff, v1;
	v2 =	vadd.s32 $0xB5004C00, v2;
	v10 =	vadd.f32 $8.397824000e+06, v11  }
0x405: {  	v3 =	vmul.f32 v4, v3;
	v11 =	vadd.f32 $8.398848000e+06, v12;
	[tilespmem:v20+s17+$0x0] =	vst.idx.add.s32.msk $0xffff, v1;
	v9 =	vadd.s32 $0xB5004C00, v9  }
0x406: {  	v6 =	vmul.f32 v4, v6;
	v12 =	vadd.f32 $8.399872000e+06, v15;
	[tilespmem:v21+s17+$0x0] =	vst.idx.add.s32.msk $0xffff, v1;
	v10 =	vadd.s32 $0xB5004C00, v10  }
0x407: {  	v14 =	vmul.f32 v4, v14;
	v5 =	vadd.f32 $8.400896000e+06, v5;
	v11 =	vadd.s32 $0xB5004C00, v11;
	[tilespmem:v23+s17+$0x0] =	vst.idx.add.s32.msk $0xffff, v1  }
0x408: {  	v30 =	vand.u32 $0x80, v26;
	v3 =	vadd.f32 $8.401920000e+06, v3;
	v12 =	vadd.s32 $0xB5004C00, v12;
	[tilespmem:v17+s17+$0x0] =	vst.idx.add.s32.msk $0xffff, v1  }
0x409: {  	v26 =	vor.u32 v30, v31;
	v31 =	vpop (erf);
	v5 =	vadd.s32 $0xB5004C00, v5;
	[tilespmem:v2+s17+$0x0] =	vst.idx.add.s32.msk $0xffff, v1;
	v2 =	vadd.f32 $8.402944000e+06, v6  }
0x40a: {  	v32 =	vpop (erf);
	v3 =	vadd.s32 $0xB5004C00, v3;
	v6 =	vmul.f32 v4, v18;
	[tilespmem:v9+s17+$0x0] =	vst.idx.add.s32.msk $0xffff, v1;
	v9 =	vadd.f32 $8.403968000e+06, v14  }
0x40b: {  	v34 =	vpop (erf);
	v15 =	vmul.f32 v4, v22;
	v14 =	vmul.f32 v4, v25;
	[tilespmem:v10+s17+$0x0] =	vst.idx.add.s32.msk $0xffff, v1;
	v2 =	vadd.s32 $0xB5004C00, v2  }
0x40c: {  	v36 =	vpop (erf);
	(erf) = vpow2.f32 v27;
	v6 =	vadd.f32 $8.404992000e+06, v6;
	[tilespmem:v11+s17+$0x0] =	vst.idx.add.s32.msk $0xffff, v1;
	v9 =	vadd.s32 $0xB5004C00, v9  }
0x40d: {  	v37 =	vpop (erf);
	v10 =	vadd.f32 $8.406016000e+06, v15;
	v11 =	vor.u32 $0x4C00, v26;
	v14 =	vadd.f32 $8.407040000e+06, v14;
	[tilespmem:v12+s17+$0x0] =	vst.idx.add.s32.msk $0xffff, v1  }
0x40e: {  	v38 =	vpop (erf);
	v6 =	vadd.s32 $0xB5004C00, v6;
	v11 =	vbroadcast v11, $0x0;
	[tilespmem:v5+s17+$0x0] =	vst.idx.add.s32.msk $0xffff, v1;
	v5 =	vlaneseq.u32  }
0x40f: {  	v40 =	vpop (erf);
	v10 =	vadd.s32 $0xB5004C00, v10;
	v12 =	vor.u32 s12, v5;
	v5 =	vshll.u32 v35, $0xA;
	[tilespmem:v3+s17+$0x0] =	vst.idx.add.s32.msk $0xffff, v1  }
0x410: {  	v39 =	vpop (erf);
	v14 =	vadd.s32 $0xB5004C00, v14;
	v3 =	vand.u32 $0x7F, v12;
	v11 =	vadd.s32 v5, v11;
	[tilespmem:v2+s17+$0x0] =	vst.idx.add.s32.msk $0xffff, v1  }
0x411: {  	v16 =	vpop (erf);
	v15 =	vadd.f32 v37, v36;
	v2 =	vor.u32 v3, v11;
	[tilespmem:v9+s17+$0x0] =	vst.idx.add.s32.msk $0xffff, v1  }
0x412: {  	v12 =	vadd.f32 v7, v13;
	v3 =	vadd.f32 v29, v8;
	[tilespmem:$0x1F6D0] =	vst v16  }
0x413: {  	s15 =	simm.s32 $0x40;
	v11 =	vadd.f32 v31, v28;
	v9 =	vadd.f32 v34, v32;
	[tilespmem:v6+s17+$0x0] =	vst.idx.add.s32.msk $0xffff, v1  }
0x414: {  	s0 =	sand.u32 $0x300, s15;
	v16 =	vadd.f32 v16, v39;
	v6 =	vadd.f32 v40, v38;
	[tilespmem:v10+s17+$0x0] =	vst.idx.add.s32.msk $0xffff, v1  }
0x415: {  	s18 =	simm.s32 $0x30;
	s0 =	sadd.s32 $0x0, s0;
	v61 =	vpop (erf);
	v3 =	vadd.f32 v11, v3;
	v9 =	vadd.f32 v15, v9;
	[tilespmem:v14+s17+$0x0] =	vst.idx.add.s32.msk $0xffff, v1  }
0x416: {  	s2 =	sand.u32 $0x70, s18;
	s30 =	sadd.s32 $0x4C00, s0;
	v44 =	vpop (erf);
	v10 =	vadd.f32 v12, v53;
	v6 =	vadd.f32 v16, v6;
	v2 =	vld.idx.msk [tilespmem:v2+s4+$0x0], $0xffff  }
0x417: {  	s29 =	sadd.s32 $0x5000, s0;
	s16 =	sor.u32 s2, s30;
	v11 =	vadd.f32 v44, v61  }
0x418: {  	s19 =	sadd.s32 $0x5400, s0;
	s20 =	sor.u32 s2, s29;
	v3 =	vadd.f32 v3, v10;
	v6 =	vadd.f32 v6, v9;
	v9 =	vld [tilespmem:s16+$0x0]  }
0x419: {  	s26 =	sadd.s32 $0x5800, s0;
	s21 =	sor.u32 s2, s19;
	v46 =	vpop (erf);
	v10 =	vld [tilespmem:s20+$0x0]  }
0x41a: {  	s28 =	sadd.s32 $0x5C00, s0;
	s24 =	sor.u32 s2, s26;
	v3 =	vadd.f32 v6, v3;
	v6 =	vadd.f32 v46, v11;
	v11 =	vld [tilespmem:s21+$0x0]  }
0x41b: {  	s31 =	sor.u32 s2, s28;
	v12 =	vld [tilespmem:s24+$0x0];
	s20 =	sadd.s32 $0x6000, s0;
	v2 =	vmul.f32 $1.442695020e+00, v2  }
0x41c: {  	s10 =	sadd.s32 $0x6400, s0;
	s3 =	sor.u32 s2, s20;
	v3 =	vadd.f32 v6, v3;
	v6 =	vld [tilespmem:s31+$0x0]  }
0x41d: {  	s11 =	sadd.s32 $0x6800, s0;
	s5 =	sor.u32 s2, s10;
	v9 =	vmul.f32 $1.442695020e+00, v9;
	(erf) = vpow2.f32 v2;
	v2 =	vld [tilespmem:s3+$0x0]  }
0x41e: {  	s15 =	sadd.s32 $0x6C00, s0;
	s6 =	sor.u32 s2, s11;
	v10 =	vmul.f32 $1.442695020e+00, v10;
	(erf) = vrcp.f32 v3;
	v3 =	vld [tilespmem:s5+$0x0]  }
0x41f: {  	s7 =	sor.u32 s2, s15;
	s14 =	sadd.s32 $0x7000, s0;
	v14 =	vld [tilespmem:s6+$0x0];
	v11 =	vmul.f32 $1.442695020e+00, v11;
	(erf) = vpow2.f32 v9  }
0x420: {  	s8 =	sor.u32 s2, s14;
	s5 =	sadd.s32 $0x7400, s0;
	v9 =	vmul.f32 $1.442695020e+00, v12;
	v12 =	vld [tilespmem:s7+$0x0];
	(erf) = vpow2.f32 v10  }
0x421: {  	s1 =	sadd.s32 $0x7800, s0;
	s9 =	sor.u32 s2, s5;
	v6 =	vmul.f32 $1.442695020e+00, v6;
	v10 =	vld [tilespmem:s8+$0x0];
	(erf) = vpow2.f32 v11  }
0x422: {  	s12 =	sor.u32 s2, s1;
	s3 =	sadd.s32 $0x7C00, s0;
	v11 =	vld [tilespmem:s9+$0x0];
	v2 =	vmul.f32 $1.442695020e+00, v2;
	(erf) = vpow2.f32 v9  }
0x423: {  	s6 =	sadd.s32 $0x8000, s0;
	s16 =	sor.u32 s2, s3;
	v9 =	vld [tilespmem:s12+$0x0];
	v3 =	vmul.f32 $1.442695020e+00, v3;
	(erf) = vpow2.f32 v6  }
0x424: {  	s21 =	sor.u32 s2, s6;
	s7 =	sadd.s32 $0x8400, s0;
	v6 =	vmul.f32 $1.442695020e+00, v14;
	v14 =	vld [tilespmem:s16+$0x0];
	(erf) = vpow2.f32 v2  }
0x425: {  	s8 =	sadd.s32 $0x8800, s0;
	s24 =	sor.u32 s2, s7;
	v2 =	vmul.f32 $1.442695020e+00, v12;
	v12 =	vld [tilespmem:s21+$0x0];
	(erf) = vpow2.f32 v3  }
0x426: {  	s31 =	sor.u32 s2, s8;
	s16 =	sadd.s32 $0x8C00, s0;
	v3 =	vmul.f32 $1.442695020e+00, v10;
	v10 =	vld [tilespmem:s24+$0x0];
	v26 =	vpop (erf);
	(erf) = vpow2.f32 v6  }
0x427: {  	s21 =	sadd.s32 $0x9000, s0;
	s12 =	sor.u32 s2, s16;
	s24 =	simm.s32 $0x20;
	v6 =	vmul.f32 $1.442695020e+00, v11;
	v11 =	vld [tilespmem:s31+$0x0];
	v27 =	vpop (erf);
	(erf) = vpow2.f32 v2  }
0x428: {  	s9 =	sand.u32 $0x60, s24;
	s31 =	sor.u32 s2, s21;
	v2 =	vmul.f32 $1.442695020e+00, v9;
	v16 =	vpop (erf);
	(erf) = vpow2.f32 v3;
	v3 =	vld [tilespmem:s12+$0x0]  }
0x429: {  	v9 =	vmul.f32 $1.442695020e+00, v14;
	s12 =	sor.u32 s9, s30;
	v20 =	vpop (erf);
	(erf) = vpow2.f32 v6;
	v6 =	vld [tilespmem:s31+$0x0]  }
0x42a: {  	v12 =	vmul.f32 $1.442695020e+00, v12;
	s31 =	sor.u32 s9, s29;
	v21 =	vpop (erf);
	(erf) = vpow2.f32 v2;
	v2 =	vld [tilespmem:s12+$0x0]  }
0x42b: {  	s29 =	sadd.s32 $0x9400, s0;
	v10 =	vmul.f32 $1.442695020e+00, v10;
	v22 =	vpop (erf);
	(erf) = vpow2.f32 v9;
	v9 =	vld [tilespmem:s31+$0x0]  }
0x42c: {  	v11 =	vmul.f32 $1.442695020e+00, v11;
	s31 =	sor.u32 s2, s29;
	v23 =	vpop (erf);
	(erf) = vpow2.f32 v12  }
0x42d: {  	v12 =	vld [tilespmem:s31+$0x0];
	v25 =	vpop (erf);
	(erf) = vpow2.f32 v10  }
0x42e: {  	v3 =	vmul.f32 $1.442695020e+00, v3;
	v24 =	vpop (erf);
	(erf) = vpow2.f32 v11  }
0x42f: {  	v6 =	vmul.f32 $1.442695020e+00, v6;
	v17 =	vpop (erf);
	v2 =	vmul.f32 $1.442695020e+00, v2  }
0x430: {  	(erf) = vpow2.f32 v3;
	v14 =	vpop (erf);
	v3 =	vmul.f32 $1.442695020e+00, v9  }
0x431: {  	(erf) = vpow2.f32 v6;
	v9 =	vpop (erf)  }
0x432: {  	v6 =	vmul.f32 $1.442695020e+00, v12;
	(erf) = vpow2.f32 v2;
	v10 =	vpop (erf)  }
0x433: {  	(erf) = vpow2.f32 v3;
	v15 =	vpop (erf)  }
0x434: {  	v18 =	vadd.f32 v20, v16;
	s31 =	sor.u32 s9, s26;
	v59 =	vadd.f32 v22, v21;
	v3 =	vpop (erf);
	(erf) = vpow2.f32 v6  }
0x435: {  	s30 =	sor.u32 s9, s19;
	v60 =	vld [tilespmem:s31+$0x0];
	v42 =	vadd.f32 v25, v23;
	v2 =	vpop (erf)  }
0x436: {  	s26 =	sor.u32 s9, s28;
	v33 =	vadd.f32 v59, v18;
	v45 =	vadd.f32 v17, v24;
	v12 =	vld [tilespmem:s30+$0x0];
	v6 =	vpop (erf)  }
0x437: {  	s28 =	sor.u32 s9, s20;
	v47 =	vld [tilespmem:s26+$0x0];
	v48 =	vadd.f32 v9, v14;
	v49 =	vadd.f32 v15, v10;
	v11 =	vpop (erf)  }
0x438: {  	v50 =	vld [tilespmem:s28+$0x0];
	v51 =	vadd.f32 v2, v3;
	v52 =	vadd.f32 v11, v6  }
0x439: {  	s10 =	sor.u32 s9, s10;
	v42 =	vadd.f32 v45, v42;
	v45 =	vmul.f32 v26, v4;
	v26 =	vadd.f32 v49, v48;
	v18 =	vpop (erf)  }
0x43a: {  	v53 =	vld [tilespmem:s10+$0x0];
	v4 =	vpop (erf);
	v62 =	vadd.f32 v52, v51  }
0x43b: {  	v35 =	vmul.f32 $1.442695020e+00, v60;
	v33 =	vadd.f32 v42, v33;
	v12 =	vmul.f32 $1.442695020e+00, v12;
	v55 =	vpop (erf)  }
0x43c: {  	s11 =	sor.u32 s9, s11;
	v47 =	vmul.f32 $1.442695020e+00, v47;
	v63 =	vadd.f32 v4, v18;
	v57 =	vpop (erf);
	v60 =	vadd.f32 v62, v26  }
0x43d: {  	s30 =	sor.u32 s9, s15;
	v50 =	vmul.f32 $1.442695020e+00, v50;
	v49 =	vld [tilespmem:s11+$0x0];
	(erf) = vpow2.f32 v12;
	[tilespmem:$0x1F770] =	vst v55;
	v26 =	vpop (erf)  }
0x43e: {  	s31 =	sor.u32 s9, s14;
	(erf) = vpow2.f32 v35;
	v52 =	vld [tilespmem:s30+$0x0];
	[tilespmem:$0x1F780] =	vst v57;
	v62 =	vadd.f32 v26, v63;
	v33 =	vadd.f32 v60, v33  }
0x43f: {  	s1 =	sor.u32 s9, s1;
	(erf) = vpow2.f32 v47;
	v48 =	vld [tilespmem:s31+$0x0];
	v63 =	vmul.f32 $1.442695020e+00, v53  }
0x440: {  	s11 =	sor.u32 s9, s6;
	(erf) = vpow2.f32 v50;
	v51 =	vld [tilespmem:s1+$0x0];
	v33 =	vadd.f32 v62, v33  }
0x441: {  	s5 =	sor.u32 s9, s5;
	v58 =	vld [tilespmem:s11+$0x0];
	(erf) = vpow2.f32 v63  }
0x442: {  	s3 =	sor.u32 s9, s3;
	v54 =	vld [tilespmem:s5+$0x0];
	(erf) = vrcp.f32 v33  }
0x443: {  	s14 =	sor.u32 s9, s8;
	v12 =	vmul.f32 $1.024000000e+03, v27;
	v27 =	vld [tilespmem:s3+$0x0];
	v60 =	vmul.f32 $1.442695020e+00, v52  }
0x444: {  	v35 =	vmul.f32 $1.442695020e+00, v49;
	v50 =	vld [tilespmem:s14+$0x0]  }
0x445: {  	s12 =	sor.u32 s9, s7;
	v63 =	vmul.f32 $1.442695020e+00, v48;
	v51 =	vmul.f32 $1.442695020e+00, v51  }
0x446: {  	s15 =	sor.u32 s9, s16;
	s16 =	sor.u32 s9, s21;
	v62 =	vld [tilespmem:s12+$0x0];
	v47 =	vmul.f32 $1.442695020e+00, v58;
	v58 =	vpop (erf);
	(erf) = vpow2.f32 v35  }
0x447: {  	v53 =	vld [tilespmem:s16+$0x0];
	v48 =	vmul.f32 $1.442695020e+00, v54;
	(erf) = vpow2.f32 v60;
	v60 =	vpop (erf)  }
0x448: {  	v59 =	vmin.f32 v45, $1.023489990e+03;
	v27 =	vmul.f32 $1.442695020e+00, v27;
	(erf) = vpow2.f32 v63;
	v49 =	vpop (erf)  }
0x449: {  	v33 =	vadd.f32 $8.388608000e+06, v59;
	v59 =	vmul.f32 $1.442695020e+00, v50;
	(erf) = vpow2.f32 v48;
	v50 =	vpop (erf)  }
0x44a: {  	(erf) = vpow2.f32 v51;
	v51 =	vpop (erf)  }
0x44b: {  	v45 =	vmul.f32 $1.442695020e+00, v62;
	(erf) = vpow2.f32 v27;
	v62 =	vpop (erf)  }
0x44c: {  	v27 =	vmul.f32 $1.442695020e+00, v53;
	v53 =	vmul.f32 $1.024000000e+03, v62  }
0x44d: {  	v41 =	vimm.s32 $0xFFFFFFFF;
	v35 =	vadd.s32 $0xB5000000, v33  }
0x44e: {  	v33 =	vand.u32 $0x7F, v33;
	v43 =	vadd.s32 v5, v35;
	v16 =	vmul.f32 v53, v16  }
0x44f: {  	s19 =	sor.u32 s9, s29;
	v52 =	vld [tilespmem:s15+$0x0];
	v5 =	vsub.s32 v5, v35;
	v42 =	vand.u32 $0xFFFFFF80, v43;
	v20 =	vmul.f32 v53, v20  }
0x450: {  	v54 =	vld [tilespmem:s19+$0x0];
	[tilespmem:$0x1F790] =	vst v58;
	v33 =	vor.u32 v33, v42;
	v21 =	vmul.f32 v53, v21;
	v16 =	vadd.f32 $8.388608000e+06, v16  }
0x451: {  	[tilespmem:$0x1F7A0] =	vst v60;
	v33 =	vadd.s32 $0x4C00, v33;
	v22 =	vmul.f32 v53, v22;
	v20 =	vadd.f32 $8.389632000e+06, v20  }
0x452: {  	[tilespmem:$0x1F7B0] =	vst v49;
	v23 =	vmul.f32 v53, v23;
	v21 =	vadd.f32 $8.390656000e+06, v21;
	v16 =	vadd.s32 $0xB5004C00, v16  }
0x453: {  	s0 =	sadd.s32 $0x9C00, s0;
	[tilespmem:$0x1F7C0] =	vst v50;
	v25 =	vmul.f32 v53, v25;
	v22 =	vadd.f32 $8.391680000e+06, v22;
	v20 =	vadd.s32 $0xB5004C00, v20  }
0x454: {  	s2 =	sor.u32 s2, s0;
	[tilespmem:$0x1F7D0] =	vst v51;
	v24 =	vmul.f32 v53, v24;
	v23 =	vadd.f32 $8.392704000e+06, v23;
	v21 =	vadd.s32 $0xB5004C00, v21  }
0x455: {  	v62 =	vld [tilespmem:s2+$0x0];
	v17 =	vmul.f32 v53, v17;
	v25 =	vadd.f32 $8.393728000e+06, v25;
	v22 =	vadd.s32 $0xB5004C00, v22  }
0x456: {  	v63 =	vadd.s32 $0x4FFF, v5;
	[tilespmem:v33+s17+$0x0] =	vst.idx.add.s32.msk $0xffff, v41;
	v24 =	vadd.f32 $8.394752000e+06, v24;
	v23 =	vadd.s32 $0xB5004C00, v23  }
0x457: {  	v42 =	vmul.f32 $1.442695020e+00, v52;
	v25 =	vadd.s32 $0xB5004C00, v25;
	[tilespmem:v16+s17+$0x0] =	vst.idx.add.s32.msk $0xffff, v1;
	v16 =	vadd.f32 $8.395776000e+06, v17  }
0x458: {  	(erf) = vpow2.f32 v47;
	v14 =	vmul.f32 v53, v14;
	v17 =	vadd.s32 $0xB5004C00, v24;
	[tilespmem:v20+s17+$0x0] =	vst.idx.add.s32.msk $0xffff, v1  }
0x459: {  	(erf) = vpow2.f32 v45;
	v9 =	vmul.f32 v53, v9;
	[tilespmem:v21+s17+$0x0] =	vst.idx.add.s32.msk $0xffff, v1;
	v16 =	vadd.s32 $0xB5004C00, v16  }
0x45a: {  	s20 =	sand.u32 $0x1F0, s18;
	(erf) = vpow2.f32 v59;
	v59 =	vadd.s32 $0x3FF, v5;
	v14 =	vadd.f32 $8.396800000e+06, v14;
	[tilespmem:v22+s17+$0x0] =	vst.idx.add.s32.msk $0xffff, v1  }
0x45b: {  	v5 =	vmov s20;
	v10 =	vmul.f32 v53, v10;
	v9 =	vadd.f32 $8.397824000e+06, v9;
	[tilespmem:v23+s17+$0x0] =	vst.idx.add.s32.msk $0xffff, v1  }
0x45c: {  	(erf) = vpow2.f32 v42;
	v5 =	vshll.u32 v5, $0x1;
	v14 =	vadd.s32 $0xB5004C00, v14;
	[tilespmem:v25+s17+$0x0] =	vst.idx.add.s32.msk $0xffff, v1  }
0x45d: {  	s21 =	simm.s32 $0x0;
	v15 =	vmul.f32 v53, v15;
	v10 =	vadd.f32 $8.398848000e+06, v10;
	v9 =	vadd.s32 $0xB5004C00, v9;
	[tilespmem:v17+s17+$0x0] =	vst.idx.add.s32.msk $0xffff, v1  }
0x45e: {  	(erf) = vpow2.f32 v27;
	v27 =	vmov s21;
	[tilespmem:v16+s17+$0x0] =	vst.idx.add.s32.msk $0xffff, v1;
	v16 =	vmul.f32 v53, v18  }
0x45f: {  	[tilespmem:v63+s17+$0x0] =	vst.idx.add.s32.msk $0xffff, v1;
	v3 =	vmul.f32 v53, v3;
	v15 =	vadd.f32 $8.399872000e+06, v15;
	v10 =	vadd.s32 $0xB5004C00, v10  }
0x460: {  	v5 =	vand.u32 $0x300, v5;
	v27 =	vshll.u32 v27, $0x7;
	v2 =	vmul.f32 v53, v2;
	[tilespmem:v59+s17+$0x0] =	vst.idx.add.s32.msk $0xffff, v1  }
0x461: {  	v11 =	vmul.f32 v53, v11;
	v3 =	vadd.f32 $8.400896000e+06, v3;
	v15 =	vadd.s32 $0xB5004C00, v15;
	[tilespmem:v14+s17+$0x0] =	vst.idx.add.s32.msk $0xffff, v1  }
0x462: {  	s26 =	sor.u32 s23, s25;
	v6 =	vmul.f32 v53, v6;
	v2 =	vadd.f32 $8.401920000e+06, v2;
	[tilespmem:v9+s17+$0x0] =	vst.idx.add.s32.msk $0xffff, v1;
	v9 =	vadd.f32 $8.404992000e+06, v16;
	v16 =	vpop (erf)  }
0x463: {  	v7 =	vld [tilespmem:s26+$0x0];
	v43 =	vand.u32 $0x80, v27;
	v11 =	vadd.f32 $8.403968000e+06, v11;
	v3 =	vadd.s32 $0xB5004C00, v3;
	[tilespmem:$0x1F7E0] =	vst v16  }
0x464: {  	v27 =	vor.u32 v43, v5;
	v6 =	vadd.f32 $8.402944000e+06, v6;
	v17 =	vpop (erf);
	[tilespmem:v10+s17+$0x0] =	vst.idx.add.s32.msk $0xffff, v1  }
0x465: {  	v2 =	vadd.s32 $0xB5004C00, v2;
	v10 =	vadd.s32 $0xB5004C00, v11;
	v11 =	vor.u32 $0x4C00, v27;
	[tilespmem:$0x1F7F0] =	vst v17  }
0x466: {  	v11 =	vbroadcast v11, $0x0;
	[tilespmem:v15+s17+$0x0] =	vst.idx.add.s32.msk $0xffff, v1;
	v15 =	vpop (erf)  }
0x467: {  	v6 =	vadd.s32 $0xB5004C00, v6;
	[tilespmem:$0x1F800] =	vst v15  }
0x468: {  	v56 =	vlaneseq.u32;
	v18 =	vpop (erf);
	[tilespmem:v3+s17+$0x0] =	vst.idx.add.s32.msk $0xffff, v1  }
0x469: {  	v4 =	vmul.f32 v53, v4;
	v41 =	vshll.u32 v62, $0xA;
	v3 =	vor.u32 s20, v56;
	[tilespmem:$0x1F810] =	vst v18  }
0x46a: {  	[tilespmem:v2+s17+$0x0] =	vst.idx.add.s32.msk $0xffff, v1;
	v2 =	vand.u32 $0x7F, v3;
	v3 =	vadd.s32 v41, v11;
	v11 =	vpop (erf)  }
0x46b: {  	v4 =	vadd.f32 $8.406016000e+06, v4;
	v14 =	vmul.f32 v53, v26;
	v9 =	vadd.s32 $0xB5004C00, v9;
	[tilespmem:$0x1F820] =	vst v11  }
0x46c: {  	v20 =	vpop (erf);
	[tilespmem:v6+s17+$0x0] =	vst.idx.add.s32.msk $0xffff, v1  }
0x46d: {  	v4 =	vadd.s32 $0xB5004C00, v4;
	v14 =	vadd.f32 $8.407040000e+06, v14;
	[tilespmem:$0x1F830] =	vst v20  }
0x46e: {  	v21 =	vpop (erf);
	[tilespmem:v10+s17+$0x0] =	vst.idx.add.s32.msk $0xffff, v1  }
0x46f: {  	v14 =	vadd.s32 $0xB5004C00, v14;
	[tilespmem:$0x1F840] =	vst v21  }
0x470: {  	v2 =	vor.u32 v2, v3;
	v23 =	vpop (erf);
	[tilespmem:v9+s17+$0x0] =	vst.idx.add.s32.msk $0xffff, v1  }
0x471: {  	v0 =	vmul.f32 v12, v0;
	v35 =	vmul.f32 $1.442695020e+00, v54;
	[tilespmem:$0x1F850] =	vst v23  }
0x472: {  	v3 =	vadd.f32 v57, v55;
	v10 =	vadd.f32 v16, v51;
	v16 =	vpop (erf);
	[tilespmem:v4+s17+$0x0] =	vst.idx.add.s32.msk $0xffff, v1  }
0x473: {  	(erf) = vpow2.f32 v35;
	v6 =	vadd.f32 v60, v58;
	v9 =	vadd.f32 v50, v49;
	[tilespmem:$0x1F860] =	vst v16  }
0x474: {  	v4 =	vadd.f32 v15, v17;
	v15 =	vadd.f32 v16, v23;
	v16 =	vpop (erf);
	[tilespmem:v14+s17+$0x0] =	vst.idx.add.s32.msk $0xffff, v1  }
0x475: {  	s0 =	sor.u32 s9, s0;
	v0 =	vadd.f32 $8.388608000e+06, v0;
	v2 =	vld.idx.msk [tilespmem:v2+s4+$0x0], $0xffff;
	[tilespmem:$0x1F870] =	vst v16  }
0x476: {  	v3 =	vadd.f32 v6, v3;
	v6 =	vadd.f32 v10, v9;
	v9 =	vld [tilespmem:s0+$0x0]  }
0x477: {  	v0 =	vadd.s32 $0xB5004C00, v0;
	_ =	sdelay $0x1  }
0x478: {  	s28 =	simm.s32 $0x80;
	v11 =	vadd.f32 v11, v18;
	v10 =	vpop (erf)  }
0x479: {  	s1 =	sand.u32 $0x300, s28;
	v14 =	vadd.f32 v21, v20;
	[tilespmem:$0x1F880] =	vst v10  }
0x47a: {  	s9 =	simm.s32 $0x50;
	v4 =	vadd.f32 v11, v4;
	s0 =	sadd.s32 $0x0, s1;
	[tilespmem:$0x1F6E0] =	vst v9  }
0x47b: {  	s2 =	sand.u32 $0x70, s9;
	s28 =	sadd.s32 $0x4C00, s0;
	v9 =	vadd.f32 v15, v14;
	[tilespmem:v0+s17+$0x0] =	vst.idx.add.s32.msk $0xffff, v1;
	v0 =	vadd.f32 v10, v16;
	v10 =	vpop (erf)  }
0x47c: {  	s26 =	sadd.s32 $0x5000, s0;
	s29 =	sor.u32 s2, s28;
	[tilespmem:$0x1F890] =	vst v10  }
0x47d: {  	v3 =	vadd.f32 v6, v3;
	s21 =	sadd.s32 $0x5400, s0;
	s30 =	sor.u32 s2, s26;
	v4 =	vadd.f32 v9, v4;
	v6 =	vld [tilespmem:s29+$0x0]  }
0x47e: {  	s23 =	sadd.s32 $0x5800, s0;
	s31 =	sor.u32 s2, s21;
	v9 =	vld [tilespmem:s30+$0x0]  }
0x47f: {  	s16 =	sadd.s32 $0x5C00, s0;
	s3 =	sor.u32 s2, s23;
	v0 =	vadd.f32 v10, v0;
	v3 =	vadd.f32 v4, v3;
	v4 =	vld [tilespmem:s31+$0x0]  }
0x480: {  	s18 =	sadd.s32 $0x6000, s0;
	s5 =	sor.u32 s2, s16;
	v2 =	vmul.f32 $1.442695020e+00, v2;
	v10 =	vld [tilespmem:s3+$0x0]  }
0x481: {  	s1 =	sadd.s32 $0x6800, s0;
	s6 =	sor.u32 s2, s18;
	v0 =	vadd.f32 v0, v3;
	v3 =	vld [tilespmem:s5+$0x0]  }
0x482: {  	s15 =	sadd.s32 $0x6400, s0;
	s8 =	sor.u32 s2, s1;
	(erf) = vpow2.f32 v2;
	v2 =	vld [tilespmem:s6+$0x0];
	v6 =	vmul.f32 $1.442695020e+00, v6  }
0x483: {  	s7 =	sor.u32 s2, s15;
	v11 =	vld [tilespmem:s8+$0x0];
	(erf) = vrcp.f32 v0;
	v9 =	vmul.f32 $1.442695020e+00, v9  }
0x484: {  	v0 =	vld [tilespmem:s7+$0x0];
	v4 =	vmul.f32 $1.442695020e+00, v4;
	(erf) = vpow2.f32 v6  }
0x485: {  	s7 =	sadd.s32 $0x6C00, s0;
	v6 =	vmul.f32 $1.442695020e+00, v10;
	(erf) = vpow2.f32 v9  }
0x486: {  	s8 =	sadd.s32 $0x7000, s0;
	s10 =	sor.u32 s2, s7;
	v3 =	vmul.f32 $1.442695020e+00, v3;
	(erf) = vpow2.f32 v4  }
0x487: {  	s6 =	sadd.s32 $0x7400, s0;
	s11 =	sor.u32 s2, s8;
	v2 =	vmul.f32 $1.442695020e+00, v2;
	v10 =	vld [tilespmem:s10+$0x0];
	(erf) = vpow2.f32 v6  }
0x488: {  	s3 =	sadd.s32 $0x7800, s0;
	s12 =	sor.u32 s2, s6;
	v9 =	vld [tilespmem:s11+$0x0];
	(erf) = vpow2.f32 v3;
	v3 =	vmul.f32 $1.442695020e+00, v11  }
0x489: {  	s14 =	sor.u32 s2, s3;
	s5 =	sadd.s32 $0x7C00, s0;
	v4 =	vld [tilespmem:s12+$0x0];
	v0 =	vmul.f32 $1.442695020e+00, v0  }
0x48a: {  	s19 =	sor.u32 s2, s5;
	s10 =	sadd.s32 $0x8000, s0;
	v6 =	vld [tilespmem:s14+$0x0];
	(erf) = vpow2.f32 v2  }
0x48b: {  	v14 =	vld [tilespmem:s19+$0x0];
	s11 =	sadd.s32 $0x8400, s0;
	s20 =	sor.u32 s2, s10;
	v11 =	vpop (erf);
	(erf) = vpow2.f32 v0  }
0x48c: {  	s25 =	sor.u32 s2, s11;
	s14 =	sadd.s32 $0x8800, s0;
	v2 =	vmul.f32 $1.442695020e+00, v10;
	v10 =	vld [tilespmem:s20+$0x0];
	(erf) = vpow2.f32 v3;
	v3 =	vpop (erf)  }
0x48d: {  	s19 =	sadd.s32 $0x8C00, s0;
	s29 =	sor.u32 s2, s14;
	v0 =	vmul.f32 $1.442695020e+00, v9;
	v9 =	vld [tilespmem:s25+$0x0];
	[tilespmem:$0x1F760] =	vst v3  }
0x48e: {  	s30 =	simm.s32 $0x40;
	s31 =	sor.u32 s2, s19;
	s20 =	sadd.s32 $0x9000, s0;
	(erf) = vpow2.f32 v2;
	v3 =	vmul.f32 $1.442695020e+00, v4;
	v15 =	vld [tilespmem:s29+$0x0]  }
0x48f: {  	s25 =	sand.u32 $0x60, s30;
	v2 =	vmul.f32 $1.442695020e+00, v6;
	v4 =	vpop (erf);
	(erf) = vpow2.f32 v0;
	v0 =	vld [tilespmem:s31+$0x0];
	s29 =	sor.u32 s2, s20  }
0x490: {  	v14 =	vmul.f32 $1.442695020e+00, v14;
	s28 =	sor.u32 s25, s28;
	v6 =	vpop (erf);
	(erf) = vpow2.f32 v3;
	v3 =	vld [tilespmem:s29+$0x0]  }
0x491: {  	s30 =	sor.u32 s25, s26;
	v10 =	vmul.f32 $1.442695020e+00, v10;
	v18 =	vpop (erf);
	(erf) = vpow2.f32 v2;
	v2 =	vld [tilespmem:s28+$0x0]  }
0x492: {  	s26 =	sadd.s32 $0x9400, s0;
	v9 =	vmul.f32 $1.442695020e+00, v9;
	v22 =	vpop (erf);
	(erf) = vpow2.f32 v14;
	v14 =	vld [tilespmem:s30+$0x0]  }
0x493: {  	s31 =	sor.u32 s2, s26;
	v25 =	vpop (erf);
	(erf) = vpow2.f32 v10;
	v15 =	vmul.f32 $1.442695020e+00, v15  }
0x494: {  	v10 =	vld [tilespmem:s31+$0x0];
	v26 =	vpop (erf);
	(erf) = vpow2.f32 v9;
	v0 =	vmul.f32 $1.442695020e+00, v0  }
0x495: {  	v24 =	vpop (erf);
	v3 =	vmul.f32 $1.442695020e+00, v3;
	(erf) = vpow2.f32 v15  }
0x496: {  	v23 =	vpop (erf);
	v2 =	vmul.f32 $1.442695020e+00, v2;
	(erf) = vpow2.f32 v0  }
0x497: {  	v21 =	vpop (erf);
	v0 =	vmul.f32 $1.442695020e+00, v14;
	(erf) = vpow2.f32 v3  }
0x498: {  	v15 =	vpop (erf);
	(erf) = vpow2.f32 v2  }
0x499: {  	v3 =	vmul.f32 $1.442695020e+00, v10;
	v16 =	vpop (erf);
	(erf) = vpow2.f32 v0  }
0x49a: {  	s28 =	sor.u32 s25, s23;
	v9 =	vpop (erf)  }
0x49b: {  	s21 =	sor.u32 s25, s21;
	v17 =	vadd.f32 v6, v4;
	v20 =	vadd.f32 v22, v18;
	v27 =	vld [tilespmem:s28+$0x0];
	v2 =	vpop (erf);
	(erf) = vpow2.f32 v3  }
0x49c: {  	v63 =	vadd.f32 v26, v25;
	v0 =	vld [tilespmem:s21+$0x0];
	v10 =	vpop (erf)  }
0x49d: {  	v62 =	vadd.f32 v20, v17;
	v54 =	vadd.f32 v23, v24;
	v14 =	vpop (erf)  }
0x49e: {  	s29 =	sor.u32 s25, s16;
	v55 =	vadd.f32 v15, v21;
	v57 =	vadd.f32 v9, v16;
	v3 =	vpop (erf)  }
0x49f: {  	v58 =	vld [tilespmem:s29+$0x0];
	s30 =	sor.u32 s25, s18;
	v59 =	vadd.f32 v10, v2;
	v60 =	vadd.f32 v3, v14;
	v17 =	vpop (erf)  }
0x4a0: {  	s31 =	sor.u32 s25, s15;
	v27 =	vmul.f32 $1.442695020e+00, v27;
	v33 =	vadd.f32 v54, v63;
	v63 =	vld [tilespmem:s30+$0x0];
	v20 =	vpop (erf)  }
0x4a1: {  	v54 =	vld [tilespmem:s31+$0x0];
	v42 =	vadd.f32 v57, v55;
	v0 =	vmul.f32 $1.442695020e+00, v0;
	v52 =	vadd.f32 v60, v59;
	v45 =	vpop (erf)  }
0x4a2: {  	s1 =	sor.u32 s25, s1;
	v33 =	vadd.f32 v33, v62;
	[tilespmem:$0x1F8B0] =	vst v45;
	v51 =	vpop (erf)  }
0x4a3: {  	s7 =	sor.u32 s25, s7;
	(erf) = vpow2.f32 v0;
	v57 =	vadd.f32 v20, v17;
	v0 =	vadd.f32 v52, v42;
	v55 =	vld [tilespmem:s1+$0x0];
	[tilespmem:$0x1F8C0] =	vst v51  }
0x4a4: {  	s8 =	sor.u32 s25, s8;
	v48 =	vmul.f32 $1.442695020e+00, v58;
	(erf) = vpow2.f32 v27;
	v27 =	vpop (erf);
	v58 =	vld [tilespmem:s7+$0x0]  }
0x4a5: {  	s6 =	sor.u32 s25, s6;
	v59 =	vmul.f32 $1.442695020e+00, v63;
	v60 =	vadd.f32 v27, v57;
	v62 =	vld [tilespmem:s8+$0x0];
	v0 =	vadd.f32 v0, v33  }
0x4a6: {  	v63 =	vmul.f32 $1.442695020e+00, v54;
	(erf) = vpow2.f32 v48;
	v52 =	vld [tilespmem:s6+$0x0]  }
0x4a7: {  	s12 =	sor.u32 s25, s3;
	(erf) = vpow2.f32 v59;
	v0 =	vadd.f32 v60, v0  }
0x4a8: {  	s15 =	sor.u32 s25, s5;
	v54 =	vld [tilespmem:s12+$0x0];
	(erf) = vpow2.f32 v63;
	v55 =	vmul.f32 $1.442695020e+00, v55  }
0x4a9: {  	v57 =	vld [tilespmem:s15+$0x0];
	(erf) = vrcp.f32 v0;
	v0 =	vmul.f32 $1.442695020e+00, v58  }
0x4aa: {  	s18 =	sor.u32 s25, s11;
	v59 =	vmul.f32 $1.442695020e+00, v62;
	(erf) = vpow2.f32 v55  }
0x4ab: {  	s16 =	sor.u32 s25, s10;
	v60 =	vld [tilespmem:s18+$0x0];
	(erf) = vpow2.f32 v0;
	v0 =	vmul.f32 $1.442695020e+00, v52  }
0x4ac: {  	s23 =	sor.u32 s25, s19;
	v58 =	vld [tilespmem:s16+$0x0];
	(erf) = vpow2.f32 v59  }
0x4ad: {  	s21 =	sor.u32 s25, s14;
	v35 =	vld [tilespmem:s23+$0x0];
	v33 =	vmul.f32 $1.442695020e+00, v54;
	(erf) = vpow2.f32 v0  }
0x4ae: {  	v62 =	vld [tilespmem:s21+$0x0];
	v0 =	vmul.f32 $1.442695020e+00, v57;
	v50 =	vpop (erf)  }
0x4af: {  	(erf) = vpow2.f32 v33  }
0x4b0: {  	v48 =	vpop (erf);
	(erf) = vpow2.f32 v0;
	v0 =	vmul.f32 $1.442695020e+00, v60  }
0x4b1: {  	v63 =	vmul.f32 $1.442695020e+00, v58;
	v52 =	vpop (erf)  }
0x4b2: {  	s28 =	sor.u32 s25, s20;
	[tilespmem:$0x1F8D0] =	vst v50;
	v60 =	vpop (erf)  }
0x4b3: {  	s29 =	sor.u32 s25, s26;
	v59 =	vmul.f32 $1.442695020e+00, v62;
	v57 =	vld [tilespmem:s28+$0x0];
	[tilespmem:$0x1F8E0] =	vst v48;
	(erf) = vpow2.f32 v63;
	v62 =	vpop (erf)  }
0x4b4: {  	v58 =	vld [tilespmem:s29+$0x0];
	(erf) = vpow2.f32 v0;
	v0 =	vpop (erf)  }
0x4b5: {  	v0 =	vmul.f32 $1.024000000e+03, v0;
	_ =	sdelay $0x1  }
0x4b6: {  	v4 =	vmul.f32 v0, v4  }
0x4b7: {  	(erf) = vpow2.f32 v59;
	v6 =	vmul.f32 v0, v6  }
0x4b8: {  	s31 =	simm.s32 $0x0;
	v47 =	vmul.f32 $1.442695020e+00, v58;
	v18 =	vmul.f32 v0, v18;
	v4 =	vadd.f32 $8.388608000e+06, v4  }
0x4b9: {  	v58 =	vmov s31;
	v22 =	vmul.f32 v0, v22;
	v6 =	vadd.f32 $8.389632000e+06, v6  }
0x4ba: {  	v25 =	vmul.f32 v0, v25;
	v18 =	vadd.f32 $8.390656000e+06, v18;
	v4 =	vadd.s32 $0xB5004C00, v4  }
0x4bb: {  	[tilespmem:$0x1F8F0] =	vst v52;
	v26 =	vmul.f32 v0, v26;
	v22 =	vadd.f32 $8.391680000e+06, v22;
	v6 =	vadd.s32 $0xB5004C00, v6  }
0x4bc: {  	[tilespmem:$0x1F900] =	vst v60;
	s31 =	sadd.s32 $0x9C00, s0;
	v24 =	vmul.f32 v0, v24;
	v25 =	vadd.f32 $8.392704000e+06, v25;
	v18 =	vadd.s32 $0xB5004C00, v18  }
0x4bd: {  	[tilespmem:$0x1F910] =	vst v62;
	s0 =	sor.u32 s2, s31;
	v23 =	vmul.f32 v0, v23;
	v26 =	vadd.f32 $8.393728000e+06, v26;
	v22 =	vadd.s32 $0xB5004C00, v22  }
0x4be: {  	v21 =	vmul.f32 v0, v21;
	v59 =	vld [tilespmem:s0+$0x0];
	v24 =	vadd.f32 $8.394752000e+06, v24;
	v25 =	vadd.s32 $0xB5004C00, v25  }
0x4bf: {  	v15 =	vmul.f32 v0, v15;
	v23 =	vadd.f32 $8.395776000e+06, v23;
	[tilespmem:v4+s17+$0x0] =	vst.idx.add.s32.msk $0xffff, v1;
	v4 =	vadd.s32 $0xB5004C00, v26  }
0x4c0: {  	v21 =	vadd.f32 $8.396800000e+06, v21;
	[tilespmem:v6+s17+$0x0] =	vst.idx.add.s32.msk $0xffff, v1;
	v6 =	vadd.s32 $0xB5004C00, v24  }
0x4c1: {  	v16 =	vmul.f32 v0, v16;
	v15 =	vadd.f32 $8.397824000e+06, v15;
	[tilespmem:v18+s17+$0x0] =	vst.idx.add.s32.msk $0xffff, v1;
	v18 =	vadd.s32 $0xB5004C00, v23  }
0x4c2: {  	v21 =	vadd.s32 $0xB5004C00, v21;
	[tilespmem:v22+s17+$0x0] =	vst.idx.add.s32.msk $0xffff, v1  }
0x4c3: {  	v9 =	vmul.f32 v0, v9;
	v16 =	vadd.f32 $8.398848000e+06, v16;
	v15 =	vadd.s32 $0xB5004C00, v15;
	[tilespmem:v25+s17+$0x0] =	vst.idx.add.s32.msk $0xffff, v1  }
0x4c4: {  	[tilespmem:v4+s17+$0x0] =	vst.idx.add.s32.msk $0xffff, v1  }
0x4c5: {  	v2 =	vmul.f32 v0, v2;
	v9 =	vadd.f32 $8.399872000e+06, v9;
	v4 =	vadd.s32 $0xB5004C00, v16;
	[tilespmem:v6+s17+$0x0] =	vst.idx.add.s32.msk $0xffff, v1  }
0x4c6: {  	[tilespmem:v18+s17+$0x0] =	vst.idx.add.s32.msk $0xffff, v1  }
0x4c7: {  	v10 =	vmul.f32 v0, v10;
	v2 =	vadd.f32 $8.400896000e+06, v2;
	v9 =	vadd.s32 $0xB5004C00, v9;
	[tilespmem:v21+s17+$0x0] =	vst.idx.add.s32.msk $0xffff, v1  }
0x4c8: {  	v16 =	vmul.f32 v0, v17;
	v17 =	vpop (erf);
	[tilespmem:v15+s17+$0x0] =	vst.idx.add.s32.msk $0xffff, v1  }
0x4c9: {  	v14 =	vmul.f32 v0, v14;
	v10 =	vadd.f32 $8.401920000e+06, v10;
	v2 =	vadd.s32 $0xB5004C00, v2;
	[tilespmem:$0x1F920] =	vst v17  }
0x4ca: {  	s30 =	sand.u32 $0x1F0, s9;
	v18 =	vpop (erf);
	[tilespmem:v4+s17+$0x0] =	vst.idx.add.s32.msk $0xffff, v1  }
0x4cb: {  	v14 =	vadd.f32 $8.402944000e+06, v14;
	v10 =	vadd.s32 $0xB5004C00, v10;
	[tilespmem:$0x1F930] =	vst v18  }
0x4cc: {  	v55 =	vmov s30;
	v3 =	vmul.f32 v0, v3;
	v15 =	vmul.f32 v0, v20;
	v20 =	vpop (erf);
	[tilespmem:v9+s17+$0x0] =	vst.idx.add.s32.msk $0xffff, v1  }
0x4cd: {  	v63 =	vmul.f32 $1.442695020e+00, v35;
	v42 =	vmul.f32 $1.442695020e+00, v57;
	v14 =	vadd.s32 $0xB5004C00, v14;
	[tilespmem:$0x1F940] =	vst v20  }
0x4ce: {  	v57 =	vshll.u32 v55, $0x1;
	v35 =	vshll.u32 v58, $0x7;
	v3 =	vadd.f32 $8.403968000e+06, v3;
	v21 =	vpop (erf);
	[tilespmem:v2+s17+$0x0] =	vst.idx.add.s32.msk $0xffff, v1  }
0x4cf: {  	(erf) = vpow2.f32 v63;
	v26 =	vand.u32 $0x80, v35;
	v6 =	vand.u32 $0x300, v57;
	[tilespmem:$0x1F950] =	vst v21  }
0x4d0: {  	v3 =	vadd.s32 $0xB5004C00, v3;
	v4 =	vor.u32 v26, v6;
	v6 =	vadd.f32 $8.404992000e+06, v16;
	v22 =	vpop (erf);
	[tilespmem:v10+s17+$0x0] =	vst.idx.add.s32.msk $0xffff, v1  }
0x4d1: {  	(erf) = vpow2.f32 v42;
	v16 =	vmul.f32 v0, v27;
	[tilespmem:$0x1F960] =	vst v22  }
0x4d2: {  	v4 =	vor.u32 $0x4C00, v4;
	v23 =	vpop (erf);
	v9 =	vadd.f32 $8.406016000e+06, v15;
	v2 =	vadd.s32 $0xB5004C00, v6;
	[tilespmem:v14+s17+$0x0] =	vst.idx.add.s32.msk $0xffff, v1  }
0x4d3: {  	(erf) = vpow2.f32 v47;
	v15 =	vbroadcast v4, $0x0;
	v25 =	vpop (erf);
	v6 =	vadd.f32 $8.407040000e+06, v16;
	[tilespmem:$0x1F970] =	vst v23  }
0x4d4: {  	v59 =	vshll.u32 v59, $0xA;
	v9 =	vadd.s32 $0xB5004C00, v9;
	v10 =	vor.u32 s30, v56;
	[tilespmem:$0x1F980] =	vst v25  }
0x4d5: {  	v27 =	vpop (erf);
	v6 =	vadd.s32 $0xB5004C00, v6;
	v10 =	vand.u32 $0x7F, v10;
	v14 =	vadd.s32 v59, v15;
	[tilespmem:v3+s17+$0x0] =	vst.idx.add.s32.msk $0xffff, v1  }
0x4d6: {  	v16 =	vadd.f32 v17, v62;
	v17 =	vadd.f32 v22, v21;
	v10 =	vor.u32 v10, v14;
	[tilespmem:$0x1F990] =	vst v27  }
0x4d7: {  	v24 =	vpop (erf);
	v15 =	vadd.f32 v48, v50;
	v14 =	vadd.f32 v51, v45;
	[tilespmem:v2+s17+$0x0] =	vst.idx.add.s32.msk $0xffff, v1  }
0x4d8: {  	v3 =	vadd.f32 v60, v52;
	v2 =	vadd.f32 v20, v18;
	[tilespmem:$0x1F9A0] =	vst v24  }
0x4d9: {  	v18 =	vadd.f32 v24, v27;
	[tilespmem:v9+s17+$0x0] =	vst.idx.add.s32.msk $0xffff, v1;
	v9 =	vadd.f32 v25, v23  }
0x4da: {  	s2 =	simm.s32 $0xC0;
	v14 =	vadd.f32 v15, v14;
	v3 =	vadd.f32 v16, v3;
	[tilespmem:v6+s17+$0x0] =	vst.idx.add.s32.msk $0xffff, v1  }
0x4db: {  	s0 =	sand.u32 $0x300, s2;
	v63 =	vpop (erf);
	v2 =	vadd.f32 v17, v2;
	v6 =	vadd.f32 v18, v9;
	v9 =	vld.idx.msk [tilespmem:v10+s4+$0x0], $0xffff  }
0x4dc: {  	s9 =	simm.s32 $0x70;
	s0 =	sadd.s32 $0x0, s0;
	v4 =	vpop (erf);
	v3 =	vadd.f32 v3, v14  }
0x4dd: {  	s2 =	sand.u32 $0x70, s9;
	s28 =	sadd.s32 $0x4C00, s0;
	v2 =	vadd.f32 v6, v2;
	v6 =	vadd.f32 v4, v63  }
0x4de: {  	s26 =	sadd.s32 $0x5000, s0;
	s3 =	sor.u32 s2, s28;
	v62 =	vpop (erf);
	[tilespmem:$0x1F9B0] =	vst v4  }
0x4df: {  	s19 =	sadd.s32 $0x5400, s0;
	s5 =	sor.u32 s2, s26;
	v10 =	vld [tilespmem:s3+$0x0];
	v2 =	vadd.f32 v2, v3;
	v3 =	vadd.f32 v62, v6  }
0x4e0: {  	s20 =	sadd.s32 $0x5800, s0;
	s6 =	sor.u32 s2, s19;
	v14 =	vld [tilespmem:s5+$0x0];
	v9 =	vmul.f32 $1.442695020e+00, v9  }
0x4e1: {  	s16 =	sadd.s32 $0x5C00, s0;
	s7 =	sor.u32 s2, s20;
	v6 =	vld [tilespmem:s6+$0x0];
	v2 =	vadd.f32 v3, v2  }
0x4e2: {  	s18 =	sadd.s32 $0x6000, s0;
	s8 =	sor.u32 s2, s16;
	v15 =	vld [tilespmem:s7+$0x0];
	(erf) = vpow2.f32 v9  }
0x4e3: {  	s14 =	sadd.s32 $0x6400, s0;
	s10 =	sor.u32 s2, s18;
	v3 =	vld [tilespmem:s8+$0x0];
	(erf) = vrcp.f32 v2  }
0x4e4: {  	s1 =	sadd.s32 $0x6800, s0;
	s11 =	sor.u32 s2, s14;
	v9 =	vmul.f32 $1.442695020e+00, v10;
	v10 =	vld [tilespmem:s10+$0x0]  }
0x4e5: {  	s12 =	sor.u32 s2, s1;
	s3 =	sadd.s32 $0x6C00, s0;
	v2 =	vmul.f32 $1.442695020e+00, v14;
	v14 =	vld [tilespmem:s11+$0x0]  }
0x4e6: {  	s15 =	sor.u32 s2, s3;
	s8 =	sadd.s32 $0x7000, s0;
	(erf) = vpow2.f32 v9;
	v6 =	vmul.f32 $1.442695020e+00, v6;
	v9 =	vld [tilespmem:s12+$0x0]  }
0x4e7: {  	s5 =	sadd.s32 $0x7400, s0;
	s21 =	sor.u32 s2, s8;
	(erf) = vpow2.f32 v2;
	v2 =	vmul.f32 $1.442695020e+00, v15;
	v15 =	vld [tilespmem:s15+$0x0]  }
0x4e8: {  	s23 =	sor.u32 s2, s5;
	s6 =	sadd.s32 $0x7800, s0;
	(erf) = vpow2.f32 v6;
	v3 =	vmul.f32 $1.442695020e+00, v3;
	v6 =	vld [tilespmem:s21+$0x0]  }
0x4e9: {  	s7 =	sadd.s32 $0x7C00, s0;
	s29 =	sor.u32 s2, s6;
	(erf) = vpow2.f32 v2;
	v2 =	vmul.f32 $1.442695020e+00, v10;
	v10 =	vld [tilespmem:s23+$0x0]  }
0x4ea: {  	s30 =	sor.u32 s2, s7;
	s10 =	sadd.s32 $0x8000, s0;
	(erf) = vpow2.f32 v3;
	v3 =	vmul.f32 $1.442695020e+00, v14;
	v14 =	vld [tilespmem:s29+$0x0]  }
0x4eb: {  	s11 =	sadd.s32 $0x8400, s0;
	s21 =	sor.u32 s2, s10;
	(erf) = vpow2.f32 v2;
	v2 =	vmul.f32 $1.442695020e+00, v9;
	v9 =	vld [tilespmem:s30+$0x0];
	v27 =	vpop (erf)  }
0x4ec: {  	s15 =	sadd.s32 $0x8800, s0;
	s23 =	sor.u32 s2, s11;
	(erf) = vpow2.f32 v3;
	v3 =	vmul.f32 $1.442695020e+00, v15;
	v15 =	vld [tilespmem:s21+$0x0];
	v4 =	vpop (erf)  }
0x4ed: {  	s29 =	sor.u32 s2, s15;
	(erf) = vpow2.f32 v2;
	v2 =	vmul.f32 $1.442695020e+00, v6;
	v6 =	vld [tilespmem:s23+$0x0];
	[tilespmem:$0x1F8A0] =	vst v4  }
0x4ee: {  	(erf) = vpow2.f32 v3;
	v3 =	vmul.f32 $1.442695020e+00, v10;
	v10 =	vld [tilespmem:s29+$0x0]  }
0x4ef: {  	s21 =	sadd.s32 $0x8C00, s0;
	(erf) = vpow2.f32 v2;
	v2 =	vmul.f32 $1.442695020e+00, v14  }
0x4f0: {  	s23 =	sadd.s32 $0x9000, s0;
	s30 =	sor.u32 s2, s21;
	s29 =	simm.s32 $0x60;
	(erf) = vpow2.f32 v3;
	v9 =	vmul.f32 $1.442695020e+00, v9  }
0x4f1: {  	v21 =	vpop (erf);
	v14 =	vld [tilespmem:s30+$0x0];
	s30 =	sand.u32 $0x60, s29;
	s29 =	sor.u32 s2, s23;
	(erf) = vpow2.f32 v2;
	v2 =	vmul.f32 $1.442695020e+00, v15  }
0x4f2: {  	v22 =	vpop (erf);
	v16 =	vld [tilespmem:s29+$0x0];
	(erf) = vpow2.f32 v9;
	s29 =	sor.u32 s30, s26  }
0x4f3: {  	s28 =	sor.u32 s30, s28;
	v3 =	vpop (erf);
	v9 =	vld [tilespmem:s29+$0x0];
	(erf) = vpow2.f32 v2;
	v2 =	vmul.f32 $1.442695020e+00, v10  }
0x4f4: {  	v6 =	vmul.f32 $1.442695020e+00, v6;
	v15 =	vld [tilespmem:s28+$0x0];
	v33 =	vpop (erf)  }
0x4f5: {  	s26 =	sadd.s32 $0x9400, s0;
	v35 =	vpop (erf)  }
0x4f6: {  	s28 =	sor.u32 s2, s26;
	(erf) = vpow2.f32 v6;
	v42 =	vpop (erf)  }
0x4f7: {  	v10 =	vld [tilespmem:s28+$0x0];
	v6 =	vmul.f32 $1.442695020e+00, v14;
	(erf) = vpow2.f32 v2;
	v2 =	vpop (erf)  }
0x4f8: {  	v14 =	vmul.f32 $1.442695020e+00, v16;
	v9 =	vmul.f32 $1.442695020e+00, v9;
	v23 =	vpop (erf)  }
0x4f9: {  	(erf) = vpow2.f32 v6;
	v6 =	vmul.f32 $1.442695020e+00, v15;
	v25 =	vpop (erf)  }
0x4fa: {  	(erf) = vpow2.f32 v14;
	v18 =	vpop (erf)  }
0x4fb: {  	(erf) = vpow2.f32 v6;
	v16 =	vpop (erf)  }
0x4fc: {  	s29 =	sor.u32 s30, s19;
	s19 =	sor.u32 s30, s20;
	v6 =	vmul.f32 $1.442695020e+00, v10;
	(erf) = vpow2.f32 v9;
	v10 =	vpop (erf)  }
0x4fd: {  	v17 =	vadd.f32 v22, v21;
	v47 =	vadd.f32 v33, v3;
	v48 =	vld [tilespmem:s19+$0x0];
	v9 =	vpop (erf)  }
0x4fe: {  	v20 =	vld [tilespmem:s29+$0x0];
	v49 =	vadd.f32 v42, v35;
	v50 =	vadd.f32 v23, v2;
	(erf) = vpow2.f32 v6;
	v14 =	vpop (erf)  }
0x4ff: {  	v47 =	vadd.f32 v47, v17;
	v51 =	vadd.f32 v18, v25;
	v15 =	vpop (erf)  }
0x500: {  	v49 =	vadd.f32 v50, v49;
	v55 =	vadd.f32 v14, v9;
	v6 =	vpop (erf)  }
0x501: {  	s20 =	sor.u32 s30, s16;
	v54 =	vadd.f32 v10, v16;
	v60 =	vadd.f32 v6, v15  }
0x502: {  	v56 =	vld [tilespmem:s20+$0x0];
	s28 =	sor.u32 s30, s18;
	v49 =	vadd.f32 v49, v47;
	v47 =	vmul.f32 $1.442695020e+00, v48;
	v17 =	vpop (erf)  }
0x503: {  	s29 =	sor.u32 s30, s14;
	v50 =	vld [tilespmem:s28+$0x0];
	v51 =	vadd.f32 v54, v51;
	v54 =	vadd.f32 v60, v55;
	v60 =	vmul.f32 $1.442695020e+00, v20;
	v20 =	vpop (erf)  }
0x504: {  	v19 =	vmul.f32 v12, v19;
	v13 =	vmul.f32 v12, v13;
	v58 =	vld [tilespmem:s29+$0x0];
	v55 =	vpop (erf)  }
0x505: {  	v29 =	vmul.f32 v12, v29;
	v28 =	vmul.f32 v12, v28;
	s1 =	sor.u32 s30, s1;
	v52 =	vpop (erf)  }
0x506: {  	s3 =	sor.u32 s30, s3;
	(erf) = vpow2.f32 v60;
	v48 =	vadd.f32 v54, v51;
	v51 =	vld [tilespmem:s1+$0x0];
	v60 =	vadd.f32 v20, v17;
	[tilespmem:$0x1FA10] =	vst v52  }
0x507: {  	s8 =	sor.u32 s30, s8;
	v56 =	vmul.f32 $1.442695020e+00, v56;
	(erf) = vpow2.f32 v47;
	v47 =	vpop (erf);
	v57 =	vld [tilespmem:s3+$0x0]  }
0x508: {  	s12 =	sor.u32 s30, s5;
	v48 =	vadd.f32 v48, v49;
	v49 =	vmul.f32 $1.442695020e+00, v50;
	v60 =	vadd.f32 v47, v60;
	v54 =	vld [tilespmem:s8+$0x0]  }
0x509: {  	s14 =	sor.u32 s30, s6;
	v45 =	vmul.f32 $1.442695020e+00, v58;
	(erf) = vpow2.f32 v56;
	v58 =	vld [tilespmem:s12+$0x0]  }
0x50a: {  	v36 =	vmul.f32 v12, v36;
	s16 =	sor.u32 s30, s7;
	v48 =	vadd.f32 v60, v48;
	(erf) = vpow2.f32 v49;
	v49 =	vld [tilespmem:s14+$0x0]  }
0x50b: {  	s18 =	sor.u32 s30, s10;
	(erf) = vpow2.f32 v45;
	v60 =	vmul.f32 $1.442695020e+00, v51;
	v51 =	vld [tilespmem:s16+$0x0]  }
0x50c: {  	s19 =	sor.u32 s30, s11;
	v56 =	vld [tilespmem:s18+$0x0];
	(erf) = vrcp.f32 v48;
	v45 =	vmul.f32 $1.442695020e+00, v57  }
0x50d: {  	s20 =	sor.u32 s30, s15;
	(erf) = vpow2.f32 v60;
	v60 =	vmul.f32 $1.442695020e+00, v54;
	v54 =	vld [tilespmem:s19+$0x0]  }
0x50e: {  	s28 =	sor.u32 s30, s21;
	v57 =	vld [tilespmem:s20+$0x0];
	(erf) = vpow2.f32 v45;
	v45 =	vmul.f32 $1.442695020e+00, v58  }
0x50f: {  	v19 =	vadd.f32 $8.389632000e+06, v19;
	v50 =	vld [tilespmem:s28+$0x0];
	v49 =	vmul.f32 $1.442695020e+00, v49;
	(erf) = vpow2.f32 v60  }
0x510: {  	v24 =	vshll.u32 v7, $0xA;
	v7 =	vld [tilespmem:$0x1F6C0];
	s29 =	sor.u32 s30, s23;
	v60 =	vmul.f32 $1.442695020e+00, v51;
	(erf) = vpow2.f32 v45  }
0x511: {  	v13 =	vadd.f32 $8.390656000e+06, v13;
	s5 =	sor.u32 s30, s26;
	v51 =	vld [tilespmem:s29+$0x0];
	v45 =	vmul.f32 $1.442695020e+00, v56;
	(erf) = vpow2.f32 v49  }
0x512: {  	v29 =	vadd.f32 $8.393728000e+06, v29;
	v56 =	vld [tilespmem:s5+$0x0];
	(erf) = vpow2.f32 v60;
	v60 =	vmul.f32 $1.442695020e+00, v54  }
0x513: {  	v19 =	vadd.s32 $0xB5004C00, v19;
	s6 =	sand.u32 $0x1E0, s22;
	v58 =	vpop (erf);
	(erf) = vpow2.f32 v45;
	v45 =	vmul.f32 $1.442695020e+00, v57  }
0x514: {  	v4 =	vpop (erf);
	v54 =	vmul.f32 $1.442695020e+00, v50;
	(erf) = vpow2.f32 v60;
	v60 =	vmov s6  }
0x515: {  	v13 =	vadd.s32 $0xB5004C00, v13;
	v5 =	vpop (erf);
	(erf) = vpow2.f32 v45;
	v45 =	vshll.u32 v60, $0x1  }
0x516: {  	v57 =	vpop (erf);
	v50 =	vmul.f32 $1.442695020e+00, v51;
	(erf) = vpow2.f32 v54;
	v54 =	vand.u32 $0x300, v45  }
0x517: {  	v7 =	vmul.f32 v12, v7;
	v45 =	vmul.f32 $1.442695020e+00, v56;
	v30 =	vor.u32 v30, v54  }
0x518: {  	v56 =	vmul.f32 v12, v8;
	v60 =	vpop (erf);
	(erf) = vpow2.f32 v50;
	v30 =	vor.u32 $0x4C00, v30  }
0x519: {  	v48 =	vpop (erf);
	(erf) = vpow2.f32 v45;
	v45 =	vlaneseq.u32;
	v30 =	vbroadcast v30, $0x0  }
0x51a: {  	v28 =	vadd.f32 $8.394752000e+06, v28;
	v7 =	vadd.f32 $8.391680000e+06, v7;
	[tilespmem:$0x1FA20] =	vst v58;
	v54 =	vor.u32 s6, v45  }
0x51b: {  	[tilespmem:$0x1FA30] =	vst v4;
	v56 =	vadd.f32 $8.392704000e+06, v56;
	v49 =	vand.u32 $0x6F, v54;
	v30 =	vadd.s32 v24, v30  }
0x51c: {  	v7 =	vadd.s32 $0xB5004C00, v7;
	[tilespmem:$0x1FA40] =	vst v5;
	v8 =	vor.u32 v49, v30;
	v30 =	vmul.f32 v12, v31  }
0x51d: {  	[tilespmem:v19+s17+$0x0] =	vst.idx.add.s32.msk $0xffff, v1;
	v54 =	vmul.f32 v12, v34;
	v34 =	vadd.s32 $0xB5004C00, v56;
	v31 =	vmul.f32 v12, v32  }
0x51e: {  	v37 =	vmul.f32 v12, v37;
	v29 =	vadd.s32 $0xB5004C00, v29;
	[tilespmem:v13+s17+$0x0] =	vst.idx.add.s32.msk $0xffff, v1;
	v30 =	vadd.f32 $8.395776000e+06, v30  }
0x51f: {  	v38 =	vmul.f32 v12, v38;
	v28 =	vadd.s32 $0xB5004C00, v28;
	v13 =	vld [tilespmem:$0x1F6D0];
	v31 =	vadd.f32 $8.396800000e+06, v31  }
0x520: {  	v40 =	vmul.f32 v12, v40;
	v32 =	vadd.f32 $8.397824000e+06, v54;
	v30 =	vadd.s32 $0xB5004C00, v30  }
0x521: {  	v36 =	vadd.f32 $8.398848000e+06, v36;
	v37 =	vadd.f32 $8.399872000e+06, v37;
	[tilespmem:v7+s17+$0x0] =	vst.idx.add.s32.msk $0xffff, v1;
	v31 =	vadd.s32 $0xB5004C00, v31  }
0x522: {  	v38 =	vadd.f32 $8.400896000e+06, v38;
	v19 =	vmul.f32 v12, v39;
	v32 =	vadd.s32 $0xB5004C00, v32;
	[tilespmem:v34+s17+$0x0] =	vst.idx.add.s32.msk $0xffff, v1  }
0x523: {  	v36 =	vadd.s32 $0xB5004C00, v36;
	v37 =	vadd.s32 $0xB5004C00, v37;
	v7 =	vmul.f32 v12, v61;
	[tilespmem:v29+s17+$0x0] =	vst.idx.add.s32.msk $0xffff, v1  }
0x524: {  	v19 =	vadd.f32 $8.402944000e+06, v19;
	v13 =	vmul.f32 v12, v13;
	[tilespmem:v28+s17+$0x0] =	vst.idx.add.s32.msk $0xffff, v1;
	v28 =	vadd.f32 $8.401920000e+06, v40  }
0x525: {  	v50 =	vadd.f32 $8.404992000e+06, v7;
	v7 =	vmul.f32 $1.024000000e+03, v48;
	[tilespmem:v30+s17+$0x0] =	vst.idx.add.s32.msk $0xffff, v1;
	v30 =	vadd.s32 $0xB5004C00, v38  }
0x526: {  	v13 =	vadd.f32 $8.403968000e+06, v13;
	v49 =	vmul.f32 v12, v44;
	v28 =	vadd.s32 $0xB5004C00, v28;
	[tilespmem:v31+s17+$0x0] =	vst.idx.add.s32.msk $0xffff, v1  }
0x527: {  	v19 =	vadd.s32 $0xB5004C00, v19;
	v21 =	vmul.f32 v7, v21;
	v29 =	vmul.f32 v12, v46;
	[tilespmem:v32+s17+$0x0] =	vst.idx.add.s32.msk $0xffff, v1  }
0x528: {  	v22 =	vmul.f32 v7, v22;
	v13 =	vadd.s32 $0xB5004C00, v13;
	v31 =	vadd.f32 $8.406016000e+06, v49;
	[tilespmem:v36+s17+$0x0] =	vst.idx.add.s32.msk $0xffff, v1  }
0x529: {  	s8 =	simm.s32 $0x0;
	v3 =	vmul.f32 v7, v3;
	v51 =	vadd.f32 $8.407040000e+06, v29;
	v29 =	vadd.s32 $0xB5004C00, v50;
	[tilespmem:v37+s17+$0x0] =	vst.idx.add.s32.msk $0xffff, v1  }
0x52a: {  	v21 =	vadd.f32 $8.388608000e+06, v21;
	v31 =	vadd.s32 $0xB5004C00, v31;
	[tilespmem:v30+s17+$0x0] =	vst.idx.add.s32.msk $0xffff, v1;
	v30 =	vmov s8  }
0x52b: {  	v22 =	vadd.f32 $8.389632000e+06, v22;
	[tilespmem:v28+s17+$0x0] =	vst.idx.add.s32.msk $0xffff, v1;
	v28 =	vshll.u32 v30, $0x7;
	v30 =	vmul.f32 v7, v33  }
0x52c: {  	v3 =	vadd.f32 $8.390656000e+06, v3;
	[tilespmem:v19+s17+$0x0] =	vst.idx.add.s32.msk $0xffff, v1;
	v19 =	vadd.s32 $0xB5004C00, v21;
	v21 =	vmul.f32 v7, v35  }
0x52d: {  	[tilespmem:v13+s17+$0x0] =	vst.idx.add.s32.msk $0xffff, v1;
	v13 =	vadd.s32 $0xB5004C00, v22;
	v22 =	vadd.f32 $8.391680000e+06, v30;
	v30 =	vmul.f32 v7, v42  }
0x52e: {  	s29 =	sadd.s32 $0x9C00, s0;
	v2 =	vmul.f32 v7, v2;
	v3 =	vadd.s32 $0xB5004C00, v3;
	[tilespmem:v29+s17+$0x0] =	vst.idx.add.s32.msk $0xffff, v1;
	v21 =	vadd.f32 $8.392704000e+06, v21  }
0x52f: {  	s0 =	sor.u32 s2, s29;
	v23 =	vmul.f32 v7, v23;
	[tilespmem:v31+s17+$0x0] =	vst.idx.add.s32.msk $0xffff, v1;
	v22 =	vadd.s32 $0xB5004C00, v22;
	v29 =	vadd.f32 $8.393728000e+06, v30  }
0x530: {  	v25 =	vmul.f32 v7, v25;
	v2 =	vadd.f32 $8.394752000e+06, v2;
	v30 =	vld [tilespmem:s0+$0x0];
	v21 =	vadd.s32 $0xB5004C00, v21  }
0x531: {  	v18 =	vmul.f32 v7, v18;
	v23 =	vadd.f32 $8.395776000e+06, v23;
	[tilespmem:v19+s17+$0x0] =	vst.idx.add.s32.msk $0xffff, v1;
	v19 =	vadd.s32 $0xB5004C00, v29  }
0x532: {  	v16 =	vmul.f32 v7, v16;
	v2 =	vadd.s32 $0xB5004C00, v2;
	[tilespmem:v13+s17+$0x0] =	vst.idx.add.s32.msk $0xffff, v1;
	v13 =	vadd.f32 $8.396800000e+06, v25  }
0x533: {  	v18 =	vadd.f32 $8.397824000e+06, v18;
	[tilespmem:v3+s17+$0x0] =	vst.idx.add.s32.msk $0xffff, v1;
	v3 =	vadd.s32 $0xB5004C00, v23  }
0x534: {  	v10 =	vmul.f32 v7, v10;
	v16 =	vadd.f32 $8.398848000e+06, v16;
	[tilespmem:v22+s17+$0x0] =	vst.idx.add.s32.msk $0xffff, v1;
	v13 =	vadd.s32 $0xB5004C00, v13  }
0x535: {  	v18 =	vadd.s32 $0xB5004C00, v18;
	[tilespmem:v21+s17+$0x0] =	vst.idx.add.s32.msk $0xffff, v1  }
0x536: {  	v9 =	vmul.f32 v7, v9;
	v10 =	vadd.f32 $8.399872000e+06, v10;
	v16 =	vadd.s32 $0xB5004C00, v16;
	[tilespmem:v19+s17+$0x0] =	vst.idx.add.s32.msk $0xffff, v1  }
0x537: {  	[tilespmem:v2+s17+$0x0] =	vst.idx.add.s32.msk $0xffff, v1  }
0x538: {  	v14 =	vmul.f32 v7, v14;
	v9 =	vadd.f32 $8.400896000e+06, v9;
	v10 =	vadd.s32 $0xB5004C00, v10;
	[tilespmem:v3+s17+$0x0] =	vst.idx.add.s32.msk $0xffff, v1  }
0x539: {  	v15 =	vmul.f32 v7, v15;
	[tilespmem:v13+s17+$0x0] =	vst.idx.add.s32.msk $0xffff, v1  }
0x53a: {  	v14 =	vadd.f32 $8.401920000e+06, v14;
	v54 =	vpop (erf);
	v3 =	vmul.f32 v7, v6;
	v6 =	vadd.s32 $0xB5004C00, v9;
	[tilespmem:v18+s17+$0x0] =	vst.idx.add.s32.msk $0xffff, v1  }
0x53b: {  	s7 =	sand.u32 $0x1F0, s9;
	v13 =	vmul.f32 v7, v17;
	v17 =	vpop (erf);
	[tilespmem:v16+s17+$0x0] =	vst.idx.add.s32.msk $0xffff, v1  }
0x53c: {  	v14 =	vadd.s32 $0xB5004C00, v14;
	v9 =	vadd.f32 $8.402944000e+06, v15;
	[tilespmem:$0x1FA50] =	vst v17  }
0x53d: {  	v56 =	vmov s7;
	v18 =	vpop (erf);
	[tilespmem:v10+s17+$0x0] =	vst.idx.add.s32.msk $0xffff, v1  }
0x53e: {  	v34 =	vshll.u32 v56, $0x1;
	v9 =	vadd.s32 $0xB5004C00, v9;
	[tilespmem:$0x1FA60] =	vst v18  }
0x53f: {  	v29 =	vand.u32 $0x80, v28;
	v15 =	vmul.f32 v7, v20;
	v3 =	vadd.f32 $8.403968000e+06, v3;
	v20 =	vpop (erf);
	[tilespmem:v6+s17+$0x0] =	vst.idx.add.s32.msk $0xffff, v1  }
0x540: {  	v2 =	vand.u32 $0x300, v34;
	v13 =	vadd.f32 $8.404992000e+06, v13;
	v16 =	vmul.f32 v7, v47;
	[tilespmem:$0x1FA70] =	vst v20  }
0x541: {  	v2 =	vor.u32 v29, v2;
	v3 =	vadd.s32 $0xB5004C00, v3;
	v21 =	vpop (erf);
	[tilespmem:v14+s17+$0x0] =	vst.idx.add.s32.msk $0xffff, v1  }
0x542: {  	v2 =	vor.u32 $0x4C00, v2;
	v6 =	vadd.s32 $0xB5004C00, v13;
	v13 =	vadd.f32 $8.407040000e+06, v16;
	[tilespmem:$0x1FA80] =	vst v21  }
0x543: {  	v2 =	vbroadcast v2, $0x0;
	v10 =	vadd.f32 $8.406016000e+06, v15;
	v22 =	vpop (erf);
	v14 =	vor.u32 s7, v45;
	[tilespmem:v9+s17+$0x0] =	vst.idx.add.s32.msk $0xffff, v1  }
0x544: {  	v9 =	vadd.s32 $0xB5004C00, v13;
	v13 =	vand.u32 $0x7F, v14;
	v14 =	vadd.f32 v4, v58;
	v4 =	vpop (erf);
	[tilespmem:$0x1FA90] =	vst v22  }
0x545: {  	v28 =	vshll.u32 v30, $0xA;
	v10 =	vadd.s32 $0xB5004C00, v10;
	[tilespmem:$0x1FAA0] =	vst v4  }
0x546: {  	v2 =	vadd.s32 v28, v2;
	v15 =	vadd.f32 v57, v5;
	v5 =	vpop (erf);
	[tilespmem:v3+s17+$0x0] =	vst.idx.add.s32.msk $0xffff, v1  }
0x547: {  	v2 =	vor.u32 v13, v2;
	[tilespmem:$0x1FAB0] =	vst v5  }
0x548: {  	v16 =	vadd.f32 v54, v60;
	v13 =	vadd.f32 v52, v55;
	v3 =	vadd.s32 $0xB5004C00, v51;
	v23 =	vpop (erf);
	[tilespmem:v6+s17+$0x0] =	vst.idx.add.s32.msk $0xffff, v1  }
0x549: {  	v6 =	vadd.f32 v18, v17;
	v17 =	vadd.f32 v21, v20;
	[tilespmem:$0x1FAC0] =	vst v23  }
0x54a: {  	s22 =	simm.s32 $0x100;
	v18 =	vadd.f32 v23, v5;
	[tilespmem:v10+s17+$0x0] =	vst.idx.add.s32.msk $0xffff, v1;
	v10 =	vadd.f32 v4, v22  }
0x54b: {  	s9 =	sand.u32 $0x300, s22;
	v13 =	vadd.f32 v14, v13;
	v14 =	vadd.f32 v16, v15;
	[tilespmem:v9+s17+$0x0] =	vst.idx.add.s32.msk $0xffff, v1  }
0x54c: {  	s23 =	simm.s32 $0x90;
	s18 =	sadd.s32 $0x0, s9;
	v58 =	vpop (erf);
	v6 =	vadd.f32 v17, v6;
	v9 =	vadd.f32 v18, v10;
	v2 =	vld.idx.msk [tilespmem:v2+s4+$0x0], $0xffff  }
0x54d: {  	s9 =	sand.u32 $0x70, s23;
	s0 =	sadd.s32 $0x4C00, s18;
	v56 =	vpop (erf);
	[tilespmem:v3+s17+$0x0] =	vst.idx.add.s32.msk $0xffff, v1;
	v3 =	vadd.f32 v14, v13  }
0x54e: {  	s28 =	sadd.s32 $0x5000, s18;
	s10 =	sor.u32 s9, s0;
	v8 =	vld.idx.msk [tilespmem:v8+s4+$0x0], $0xffff;
	v6 =	vadd.f32 v9, v6;
	v9 =	vadd.f32 v56, v58  }
0x54f: {  	s1 =	sadd.s32 $0x5400, s18;
	s11 =	sor.u32 s9, s28;
	v52 =	vpop (erf);
	v10 =	vld [tilespmem:s10+$0x0]  }
0x550: {  	s12 =	sor.u32 s9, s1;
	s2 =	sadd.s32 $0x5800, s18;
	v3 =	vadd.f32 v6, v3;
	v6 =	vadd.f32 v52, v9;
	v9 =	vld [tilespmem:s11+$0x0]  }
0x551: {  	s14 =	sor.u32 s9, s2;
	s6 =	sadd.s32 $0x5C00, s18;
	v13 =	vld [tilespmem:s12+$0x0];
	v2 =	vmul.f32 $1.442695020e+00, v2  }
0x552: {  	v11 =	vmul.f32 v11, v53;
	v0 =	vmul.f32 v27, v0;
	s21 =	sadd.s32 $0x6000, s18;
	s15 =	sor.u32 s9, s6;
	v3 =	vadd.f32 v6, v3;
	v6 =	vld [tilespmem:s14+$0x0]  }
0x553: {  	s16 =	sadd.s32 $0x6400, s18;
	s19 =	sor.u32 s9, s21;
	(erf) = vpow2.f32 v2;
	v2 =	vmul.f32 $1.442695020e+00, v8;
	v8 =	vld [tilespmem:s15+$0x0]  }
0x554: {  	s20 =	sor.u32 s9, s16;
	s15 =	sadd.s32 $0x6800, s18;
	(erf) = vrcp.f32 v3;
	v3 =	vmul.f32 $1.442695020e+00, v10;
	v10 =	vld [tilespmem:s19+$0x0]  }
0x555: {  	s5 =	sadd.s32 $0x6C00, s18;
	s26 =	sor.u32 s9, s15;
	(erf) = vpow2.f32 v2;
	v2 =	vmul.f32 $1.442695020e+00, v9;
	v9 =	vld [tilespmem:s20+$0x0]  }
0x556: {  	s3 =	sadd.s32 $0x7000, s18;
	s10 =	sor.u32 s9, s5;
	(erf) = vpow2.f32 v3;
	v3 =	vmul.f32 $1.442695020e+00, v13;
	v13 =	vld [tilespmem:s26+$0x0]  }
0x557: {  	s8 =	sadd.s32 $0x7400, s18;
	s11 =	sor.u32 s9, s3;
	(erf) = vpow2.f32 v2;
	v2 =	vmul.f32 $1.442695020e+00, v6;
	v6 =	vld [tilespmem:s10+$0x0]  }
0x558: {  	s12 =	sor.u32 s9, s8;
	s14 =	sadd.s32 $0x7800, s18;
	(erf) = vpow2.f32 v3;
	v3 =	vmul.f32 $1.442695020e+00, v8;
	v8 =	vld [tilespmem:s11+$0x0]  }
0x559: {  	s19 =	sor.u32 s9, s14;
	s20 =	sadd.s32 $0x7C00, s18;
	(erf) = vpow2.f32 v2;
	v2 =	vmul.f32 $1.442695020e+00, v10;
	v10 =	vld [tilespmem:s12+$0x0]  }
0x55a: {  	s26 =	sor.u32 s9, s20;
	s11 =	sadd.s32 $0x8000, s18;
	(erf) = vpow2.f32 v3;
	v3 =	vmul.f32 $1.442695020e+00, v9;
	v9 =	vld [tilespmem:s19+$0x0]  }
0x55b: {  	s10 =	sor.u32 s9, s11;
	(erf) = vpow2.f32 v2;
	v2 =	vmul.f32 $1.442695020e+00, v13;
	v13 =	vld [tilespmem:s26+$0x0]  }
0x55c: {  	(erf) = vpow2.f32 v3;
	v3 =	vld [tilespmem:s10+$0x0];
	s10 =	sadd.s32 $0x8400, s18;
	v6 =	vmul.f32 $1.442695020e+00, v6  }
0x55d: {  	(erf) = vpow2.f32 v2;
	v2 =	vmul.f32 $1.442695020e+00, v8;
	s12 =	sor.u32 s9, s10  }
0x55e: {  	s19 =	sadd.s32 $0x8800, s18;
	v8 =	vld [tilespmem:s12+$0x0];
	(erf) = vpow2.f32 v6;
	s12 =	sand.u32 $0x1E0, s24;
	v6 =	vmul.f32 $1.442695020e+00, v10  }
0x55f: {  	v1 =	vld [tilespmem:$0x1F6E0];
	v21 =	vpop (erf);
	s24 =	sor.u32 s9, s19;
	(erf) = vpow2.f32 v2;
	v2 =	vmul.f32 $1.442695020e+00, v9;
	v9 =	vmov s12  }
0x560: {  	v51 =	vpop (erf);
	v10 =	vld [tilespmem:s24+$0x0];
	(erf) = vpow2.f32 v6;
	v6 =	vshll.u32 v9, $0x1;
	v9 =	vmul.f32 $1.442695020e+00, v13  }
0x561: {  	v13 =	vpop (erf);
	(erf) = vpow2.f32 v2;
	v3 =	vmul.f32 $1.442695020e+00, v3  }
0x562: {  	v19 =	vlaneseq.u32;
	s7 =	sadd.s32 $0x8C00, s18;
	s24 =	simm.s32 $0x80;
	v2 =	vand.u32 $0x300, v6;
	v46 =	vpop (erf);
	(erf) = vpow2.f32 v9  }
0x563: {  	s26 =	sor.u32 s9, s7;
	s24 =	sand.u32 $0x60, s24;
	v2 =	vor.u32 v43, v2;
	v49 =	vpop (erf);
	(erf) = vpow2.f32 v3;
	v3 =	vmin.f32 v11, $1.023489990e+03  }
0x564: {  	v15 =	vshll.u32 v1, $0xA;
	s0 =	sor.u32 s24, s0;
	v6 =	vmul.f32 $1.442695020e+00, v8;
	v8 =	vld [tilespmem:s26+$0x0];
	v2 =	vor.u32 $0x4C00, v2;
	s26 =	sadd.s32 $0x9000, s18  }
0x565: {  	v14 =	vld [tilespmem:s0+$0x0];
	v48 =	vpop (erf);
	v3 =	vadd.f32 $8.388608000e+06, v3;
	v9 =	vmul.f32 $1.442695020e+00, v10;
	v10 =	vor.u32 s12, v19;
	s12 =	sor.u32 s9, s26  }
0x566: {  	v0 =	vmin.f32 v0, $1.023489990e+03;
	v50 =	vpop (erf);
	v2 =	vbroadcast v2, $0x0;
	(erf) = vpow2.f32 v6;
	v11 =	vld [tilespmem:s12+$0x0];
	[tilespmem:$0x1F6F0] =	vst v15;
	s12 =	sor.u32 s24, s28  }
0x567: {  	v47 =	vpop (erf);
	v6 =	vand.u32 $0x6F, v10;
	(erf) = vpow2.f32 v9;
	v9 =	vadd.s32 $0xB5000000, v3;
	v16 =	vld [tilespmem:s12+$0x0];
	s12 =	simm.s32 $0x40  }
0x568: {  	s28 =	sadd.s32 $0x9400, s18;
	v44 =	vpop (erf);
	v2 =	vadd.s32 v15, v2;
	v3 =	vand.u32 $0x7F, v3;
	v10 =	vadd.s32 v41, v9;
	s0 =	sand.u32 $0x1E0, s12  }
0x569: {  	v43 =	vpop (erf);
	v53 =	vor.u32 v6, v2;
	s12 =	sor.u32 s9, s28;
	v2 =	vand.u32 $0xFFFFFF80, v10;
	v17 =	vmov s0  }
0x56a: {  	v22 =	vadd.f32 v49, v46;
	v19 =	vpop (erf);
	v10 =	vld [tilespmem:s12+$0x0];
	v2 =	vor.u32 v3, v2;
	v3 =	vmul.f32 $1.442695020e+00, v8  }
0x56b: {  	v27 =	vadd.f32 v50, v48;
	v20 =	vsub.s32 v41, v9;
	v23 =	vpop (erf);
	v9 =	vshll.u32 v17, $0x1  }
0x56c: {  	v17 =	vpop (erf);
	(erf) = vpow2.f32 v3;
	v3 =	vand.u32 $0x300, v9;
	v9 =	vmul.f32 $1.442695020e+00, v11  }
0x56d: {  	v0 =	vadd.f32 $8.388608000e+06, v0;
	s1 =	sor.u32 s24, s1;
	v11 =	vmul.f32 $1.442695020e+00, v14;
	v35 =	vpop (erf)  }
0x56e: {  	s31 =	sor.u32 s25, s31;
	v22 =	vadd.f32 v27, v22;
	v27 =	vld [tilespmem:s1+$0x0];
	v45 =	vpop (erf);
	(erf) = vpow2.f32 v9;
	v9 =	vmul.f32 $1.442695020e+00, v16  }
0x56f: {  	v3 =	vor.u32 v26, v3;
	v26 =	vld [tilespmem:s31+$0x0];
	v10 =	vmul.f32 $1.442695020e+00, v10;
	v39 =	vpop (erf);
	(erf) = vpow2.f32 v11  }
0x570: {  	v34 =	vadd.s32 $0xB5000000, v0;
	v33 =	vpop (erf);
	(erf) = vpow2.f32 v9  }
0x571: {  	v21 =	vmul.f32 v21, v7;
	v30 =	vadd.f32 v19, v43;
	(erf) = vpow2.f32 v10  }
0x572: {  	s2 =	sor.u32 s24, s2;
	v31 =	vadd.f32 v17, v23;
	v3 =	vor.u32 $0x4C00, v3;
	v32 =	vadd.f32 v45, v35;
	v25 =	vpop (erf)  }
0x573: {  	s6 =	sor.u32 s24, s6;
	v7 =	vld [tilespmem:s2+$0x0];
	v3 =	vbroadcast v3, $0x0;
	v9 =	vadd.f32 v44, v47;
	v61 =	vadd.f32 v33, v39;
	v42 =	vpop (erf)  }
0x574: {  	v8 =	vshll.u32 v26, $0xA;
	v26 =	vmul.f32 $1.442695020e+00, v27;
	v27 =	vld [tilespmem:s6+$0x0];
	v40 =	vadd.f32 v42, v25  }
0x575: {  	v6 =	vlaneseq.u32;
	s12 =	sor.u32 s24, s21;
	v31 =	vadd.f32 v32, v31;
	v30 =	vadd.f32 v30, v9;
	[tilespmem:$0x1F700] =	vst v8  }
0x576: {  	s21 =	sor.u32 s24, s16;
	v9 =	vor.u32 s0, v6;
	v3 =	vadd.s32 v8, v3;
	v36 =	vld [tilespmem:s12+$0x0];
	v41 =	vadd.f32 v40, v61;
	v16 =	vpop (erf)  }
0x577: {  	(erf) = vpow2.f32 v26;
	v26 =	vld [tilespmem:s21+$0x0];
	v22 =	vadd.f32 v30, v22;
	v61 =	vand.u32 $0x6F, v9;
	v18 =	vpop (erf)  }
0x578: {  	s25 =	sor.u32 s24, s15;
	v61 =	vor.u32 v61, v3;
	v3 =	vmul.f32 $1.442695020e+00, v7;
	v30 =	vadd.f32 v41, v31;
	v7 =	vpop (erf)  }
0x579: {  	v0 =	vand.u32 $0x7F, v0;
	s31 =	sor.u32 s24, s5;
	v37 =	vld [tilespmem:s25+$0x0];
	v27 =	vmul.f32 $1.442695020e+00, v27;
	v38 =	vadd.f32 v18, v16;
	v8 =	vpop (erf)  }
0x57a: {  	s2 =	sor.u32 s24, s3;
	v40 =	vld [tilespmem:s31+$0x0];
	(erf) = vpow2.f32 v3;
	v3 =	vadd.s32 v59, v34;
	v22 =	vadd.f32 v30, v22;
	v14 =	vpop (erf)  }
0x57b: {  	s3 =	sor.u32 s24, s8;
	v41 =	vld [tilespmem:s2+$0x0];
	v30 =	vand.u32 $0xFFFFFF80, v3;
	v36 =	vmul.f32 $1.442695020e+00, v36;
	v38 =	vadd.f32 v14, v38  }
0x57c: {  	s6 =	simm.s32 $0x60;
	(erf) = vpow2.f32 v27;
	v30 =	vor.u32 v0, v30;
	v0 =	vmul.f32 $1.442695020e+00, v26;
	v26 =	vld [tilespmem:s3+$0x0]  }
0x57d: {  	v12 =	vmul.f32 v13, v12;
	s5 =	sor.u32 s30, s29;
	s1 =	sand.u32 $0x1E0, s6;
	(erf) = vpow2.f32 v36;
	v13 =	vadd.f32 v38, v22  }
0x57e: {  	s8 =	sor.u32 s24, s14;
	v27 =	vmov s1;
	(erf) = vpow2.f32 v0;
	v0 =	vmul.f32 $1.442695020e+00, v37;
	v22 =	vld [tilespmem:s5+$0x0]  }
0x57f: {  	v36 =	vld [tilespmem:s8+$0x0];
	(erf) = vrcp.f32 v13;
	v13 =	vshll.u32 v27, $0x1;
	v27 =	vmul.f32 $1.442695020e+00, v40  }
0x580: {  	(erf) = vpow2.f32 v0;
	v0 =	vand.u32 $0x300, v13;
	v13 =	vmul.f32 $1.442695020e+00, v41  }
0x581: {  	v26 =	vmul.f32 $1.442695020e+00, v26;
	v0 =	vor.u32 v29, v0;
	(erf) = vpow2.f32 v27  }
0x582: {  	s14 =	sor.u32 s24, s11;
	(erf) = vpow2.f32 v13;
	v0 =	vor.u32 $0x4C00, v0  }
0x583: {  	s12 =	sor.u32 s24, s20;
	v1 =	vshll.u32 v22, $0xA;
	(erf) = vpow2.f32 v26;
	v0 =	vbroadcast v0, $0x0;
	v26 =	vld [tilespmem:s14+$0x0]  }
0x584: {  	v40 =	vld [tilespmem:s12+$0x0];
	v13 =	vor.u32 s1, v6;
	v22 =	vmul.f32 $1.442695020e+00, v36;
	v36 =	vmov v1  }
0x585: {  	v13 =	vand.u32 $0x6F, v13;
	v0 =	vadd.s32 v36, v0  }
0x586: {  	s15 =	sor.u32 s24, s10;
	v0 =	vor.u32 v13, v0  }
0x587: {  	v27 =	vld [tilespmem:s15+$0x0];
	[tilespmem:$0x1F710] =	vst v0;
	v0 =	vmin.f32 v12, $1.023489990e+03  }
0x588: {  	v41 =	vadd.f32 $8.388608000e+06, v0;
	v0 =	vmul.f32 $1.442695020e+00, v26  }
0x589: {  	v29 =	vmul.f32 $1.442695020e+00, v40  }
0x58a: {  	s16 =	sor.u32 s24, s19;
	(erf) = vpow2.f32 v22  }
0x58b: {  	s19 =	sor.u32 s24, s7;
	v3 =	vpop (erf);
	(erf) = vpow2.f32 v29;
	v13 =	vld [tilespmem:s16+$0x0]  }
0x58c: {  	v29 =	vld [tilespmem:s19+$0x0];
	(erf) = vpow2.f32 v0;
	v0 =	vpop (erf)  }
0x58d: {  	v6 =	vsub.s32 v59, v34;
	[tilespmem:$0x1F750] =	vst v0;
	v59 =	vadd.f32 v0, v3;
	v0 =	vld [tilespmem:$0x1F760];
	_ =	sdelay $0x4  }
0x58e: {  	v21 =	vmin.f32 v21, $1.023489990e+03;
	v26 =	vmul.f32 $1.442695020e+00, v27;
	v27 =	vmul.f32 $1.024000000e+03, v0;
	v0 =	vld [tilespmem:$0x1F770]  }
0x58f: {  	v21 =	vadd.f32 $8.388608000e+06, v21;
	_ =	sdelay $0x1  }
0x590: {  	v22 =	vadd.s32 $0xB5000000, v21  }
0x591: {  	v38 =	vadd.f32 v8, v7;
	v12 =	vadd.s32 v28, v22  }
0x592: {  	v21 =	vand.u32 $0x7F, v21;
	v12 =	vand.u32 $0xFFFFFF80, v12;
	v5 =	vmul.f32 v27, v0;
	v0 =	vld [tilespmem:$0x1F780]  }
0x593: {  	v10 =	vsub.s32 v28, v22;
	v12 =	vor.u32 v21, v12;
	v21 =	vadd.s32 $0xB5000000, v41  }
0x594: {  	v28 =	vand.u32 $0x7F, v41;
	v22 =	vadd.s32 v24, v21;
	v13 =	vmul.f32 $1.442695020e+00, v13  }
0x595: {  	(erf) = vpow2.f32 v26;
	v22 =	vand.u32 $0xFFFFFF80, v22;
	v26 =	vmul.f32 $1.442695020e+00, v29  }
0x596: {  	s20 =	simm.s32 $0x0;
	[tilespmem:$0x1F720] =	vst v7;
	v34 =	vpop (erf);
	v37 =	vor.u32 v28, v22;
	v29 =	vsub.s32 v24, v21;
	(erf) = vpow2.f32 v13  }
0x597: {  	s21 =	sor.u32 s24, s26;
	s25 =	sand.u32 $0x1F0, s23;
	s26 =	sadd.s32 $0x9C00, s18;
	[tilespmem:$0x1F730] =	vst v8;
	v40 =	vadd.f32 v59, v38;
	v13 =	vadd.s32 $0x4C00, v2;
	v38 =	vmul.f32 v27, v0;
	v0 =	vld [tilespmem:$0x1F790]  }
0x598: {  	s29 =	sor.u32 s9, s26;
	[tilespmem:$0x1F740] =	vst v3;
	v28 =	vpop (erf);
	v2 =	vmov s20;
	(erf) = vpow2.f32 v26;
	v26 =	vmov s25  }
0x599: {  	v21 =	vadd.s32 $0x4FFF, v20;
	v59 =	vld [tilespmem:s29+$0x0];
	v2 =	vshll.u32 v2, $0x7;
	v26 =	vshll.u32 v26, $0x1  }
0x59a: {  	v15 =	vand.u32 $0x80, v2;
	v26 =	vand.u32 $0x300, v26  }
0x59b: {  	v26 =	vor.u32 v15, v26;
	v5 =	vadd.f32 $8.388608000e+06, v5  }
0x59c: {  	v31 =	vimm.s32 $0xFFFFFFFF;
	v26 =	vor.u32 $0x4C00, v26;
	v3 =	vmul.f32 v27, v0;
	v0 =	vld [tilespmem:$0x1F7A0]  }
0x59d: {  	v1 =	vimm.s32 $0x1;
	v4 =	vadd.s32 $0xB5004C00, v5;
	v5 =	vbroadcast v26, $0x0;
	[tilespmem:v13+s17+$0x0] =	vst.idx.add.s32.msk $0xffff, v31  }
0x59e: {  	v2 =	vadd.f32 $8.389632000e+06, v38;
	v38 =	vshll.u32 v59, $0xA;
	[tilespmem:v21+s17+$0x0] =	vst.idx.add.s32.msk $0xffff, v1  }
0x59f: {  	v41 =	vadd.s32 v38, v5;
	v5 =	vld [tilespmem:$0x1F7B0];
	_ =	sdelay $0x3  }
0x5a0: {  	v20 =	vadd.s32 $0x3FF, v20  }
0x5a1: {  	v13 =	vmul.f32 v27, v5;
	v5 =	vld [tilespmem:$0x1F7C0];
	_ =	sdelay $0x3  }
0x5a2: {  	[tilespmem:v20+s17+$0x0] =	vst.idx.add.s32.msk $0xffff, v1  }
0x5a3: {  	v21 =	vmul.f32 v27, v5;
	v5 =	vld [tilespmem:$0x1F7D0];
	_ =	sdelay $0x2  }
0x5a4: {  	v2 =	vadd.s32 $0xB5004C00, v2;
	v3 =	vadd.f32 $8.390656000e+06, v3;
	v0 =	vmul.f32 v27, v0  }
0x5a5: {  	v22 =	vld [tilespmem:s21+$0x0]  }
0x5a6: {  	v3 =	vadd.s32 $0xB5004C00, v3;
	v0 =	vadd.f32 $8.391680000e+06, v0;
	v20 =	vmul.f32 v27, v5;
	v5 =	vld [tilespmem:$0x1F7E0]  }
0x5a7: {  	v32 =	vlaneseq.u32;
	[tilespmem:v4+s17+$0x0] =	vst.idx.add.s32.msk $0xffff, v1  }
0x5a8: {  	v26 =	vor.u32 s25, v32;
	v0 =	vadd.s32 $0xB5004C00, v0;
	v4 =	vld [tilespmem:$0x1F7F0]  }
0x5a9: {  	v26 =	vand.u32 $0x7F, v26;
	[tilespmem:v2+s17+$0x0] =	vst.idx.add.s32.msk $0xffff, v1  }
0x5aa: {  	v41 =	vor.u32 v26, v41;
	v26 =	vadd.s32 $0x4C00, v30;
	v2 =	vld [tilespmem:$0x1F800]  }
0x5ab: {  	[tilespmem:v3+s17+$0x0] =	vst.idx.add.s32.msk $0xffff, v1  }
0x5ac: {  	v3 =	vld [tilespmem:$0x1F810]  }
0x5ad: {  	[tilespmem:v0+s17+$0x0] =	vst.idx.add.s32.msk $0xffff, v1  }
0x5ae: {  	v22 =	vmul.f32 $1.442695020e+00, v22;
	v0 =	vld [tilespmem:$0x1F820]  }
0x5af: {  	v30 =	vadd.s32 $0x4FFF, v6;
	[tilespmem:v26+s17+$0x0] =	vst.idx.add.s32.msk $0xffff, v31  }
0x5b0: {  	v11 =	vpop (erf);
	(erf) = vpow2.f32 v22;
	v22 =	vmul.f32 v27, v5;
	v5 =	vld [tilespmem:$0x1F830];
	_ =	sdelay $0x3  }
0x5b1: {  	v6 =	vadd.s32 $0x3FF, v6;
	[tilespmem:v30+s17+$0x0] =	vst.idx.add.s32.msk $0xffff, v1  }
0x5b2: {  	v26 =	vmul.f32 v27, v5;
	v5 =	vld [tilespmem:$0x1F840];
	_ =	sdelay $0x1  }
0x5b3: {  	v13 =	vadd.f32 $8.392704000e+06, v13;
	_ =	sdelay $0x1  }
0x5b4: {  	v13 =	vadd.s32 $0xB5004C00, v13;
	[tilespmem:v6+s17+$0x0] =	vst.idx.add.s32.msk $0xffff, v1  }
0x5b5: {  	v30 =	vmul.f32 v27, v5;
	v5 =	vld [tilespmem:$0x1F850];
	_ =	sdelay $0x1  }
0x5b6: {  	v21 =	vadd.f32 $8.393728000e+06, v21;
	_ =	sdelay $0x1  }
0x5b7: {  	v21 =	vadd.s32 $0xB5004C00, v21;
	[tilespmem:v13+s17+$0x0] =	vst.idx.add.s32.msk $0xffff, v1  }
0x5b8: {  	v6 =	vmul.f32 v27, v5;
	v5 =	vld [tilespmem:$0x1F860];
	_ =	sdelay $0x1  }
0x5b9: {  	v20 =	vadd.f32 $8.394752000e+06, v20;
	_ =	sdelay $0x1  }
0x5ba: {  	v20 =	vadd.s32 $0xB5004C00, v20;
	[tilespmem:v21+s17+$0x0] =	vst.idx.add.s32.msk $0xffff, v1  }
0x5bb: {  	v13 =	vmul.f32 v27, v5;
	v5 =	vld [tilespmem:$0x1F870];
	_ =	sdelay $0x1  }
0x5bc: {  	v22 =	vadd.f32 $8.395776000e+06, v22;
	_ =	sdelay $0x1  }
0x5bd: {  	v22 =	vadd.s32 $0xB5004C00, v22;
	[tilespmem:v20+s17+$0x0] =	vst.idx.add.s32.msk $0xffff, v1  }
0x5be: {  	v4 =	vmul.f32 v27, v4;
	v21 =	vmul.f32 v27, v5;
	v5 =	vld [tilespmem:$0x1F880];
	_ =	sdelay $0x1  }
0x5bf: {  	v2 =	vmul.f32 v27, v2;
	v4 =	vadd.f32 $8.396800000e+06, v4  }
0x5c0: {  	v3 =	vmul.f32 v27, v3  }
0x5c1: {  	v2 =	vadd.f32 $8.397824000e+06, v2;
	v4 =	vadd.s32 $0xB5004C00, v4;
	[tilespmem:v22+s17+$0x0] =	vst.idx.add.s32.msk $0xffff, v1  }
0x5c2: {  	v3 =	vadd.f32 $8.398848000e+06, v3;
	v20 =	vmul.f32 v27, v5;
	v5 =	vld [tilespmem:$0x1F890]  }
0x5c3: {  	v2 =	vadd.s32 $0xB5004C00, v2  }
0x5c4: {  	v3 =	vadd.s32 $0xB5004C00, v3  }
0x5c5: {  	v0 =	vmul.f32 v27, v0  }
0x5c6: {  	[tilespmem:v4+s17+$0x0] =	vst.idx.add.s32.msk $0xffff, v1  }
0x5c7: {  	v0 =	vadd.f32 $8.399872000e+06, v0;
	v22 =	vmul.f32 v27, v5;
	v5 =	vld [tilespmem:$0x1F8A0]  }
0x5c8: {  	[tilespmem:v2+s17+$0x0] =	vst.idx.add.s32.msk $0xffff, v1  }
0x5c9: {  	v0 =	vadd.s32 $0xB5004C00, v0;
	[tilespmem:v3+s17+$0x0] =	vst.idx.add.s32.msk $0xffff, v1  }
0x5ca: {  	v7 =	vld [tilespmem:$0x1F8B0];
	_ =	sdelay $0x1  }
0x5cb: {  	v26 =	vadd.f32 $8.400896000e+06, v26  }
0x5cc: {  	v5 =	vmul.f32 $1.024000000e+03, v5  }
0x5cd: {  	v26 =	vadd.s32 $0xB5004C00, v26;
	[tilespmem:v0+s17+$0x0] =	vst.idx.add.s32.msk $0xffff, v1  }
0x5ce: {  	v2 =	vadd.f32 $8.404992000e+06, v21;
	v21 =	vmul.f32 v5, v7;
	v7 =	vld [tilespmem:$0x1F8C0];
	_ =	sdelay $0x1  }
0x5cf: {  	v30 =	vadd.f32 $8.401920000e+06, v30  }
0x5d0: {  	v20 =	vadd.f32 $8.406016000e+06, v20  }
0x5d1: {  	v4 =	vadd.f32 $8.403968000e+06, v13;
	v13 =	vadd.s32 $0xB5004C00, v30;
	[tilespmem:v26+s17+$0x0] =	vst.idx.add.s32.msk $0xffff, v1  }
0x5d2: {  	v0 =	vadd.s32 $0xB5004C00, v2;
	v2 =	vadd.s32 $0xB5004C00, v20;
	v20 =	vmul.f32 v5, v7;
	v7 =	vld [tilespmem:$0x1F8D0];
	_ =	sdelay $0x3  }
0x5d3: {  	v6 =	vadd.f32 $8.402944000e+06, v6;
	[tilespmem:v13+s17+$0x0] =	vst.idx.add.s32.msk $0xffff, v1  }
0x5d4: {  	v3 =	vadd.f32 $8.407040000e+06, v22;
	v22 =	vmul.f32 v5, v7;
	v7 =	vld [tilespmem:$0x1F8E0]  }
0x5d5: {  	v6 =	vadd.s32 $0xB5004C00, v6;
	_ =	sdelay $0x1  }
0x5d6: {  	v4 =	vadd.s32 $0xB5004C00, v4;
	_ =	sdelay $0x1  }
0x5d7: {  	v13 =	vmul.f32 v5, v7;
	v7 =	vld [tilespmem:$0x1F8F0]  }
0x5d8: {  	[tilespmem:v6+s17+$0x0] =	vst.idx.add.s32.msk $0xffff, v1  }
0x5d9: {  	v6 =	vld [tilespmem:$0x1F900]  }
0x5da: {  	[tilespmem:v4+s17+$0x0] =	vst.idx.add.s32.msk $0xffff, v1  }
0x5db: {  	v4 =	vld [tilespmem:$0x1F910]  }
0x5dc: {  	[tilespmem:v0+s17+$0x0] =	vst.idx.add.s32.msk $0xffff, v1  }
0x5dd: {  	v0 =	vld [tilespmem:$0x1F920];
	_ =	sdelay $0x4  }
0x5de: {  	v9 =	vmul.f32 v5, v0;
	v0 =	vld [tilespmem:$0x1F930];
	_ =	sdelay $0x3  }
0x5df: {  	[tilespmem:v2+s17+$0x0] =	vst.idx.add.s32.msk $0xffff, v1  }
0x5e0: {  	v30 =	vmul.f32 v5, v0;
	v0 =	vld [tilespmem:$0x1F940];
	_ =	sdelay $0x2  }
0x5e1: {  	v13 =	vadd.f32 $8.391680000e+06, v13  }
0x5e2: {  	v3 =	vadd.s32 $0xB5004C00, v3  }
0x5e3: {  	v2 =	vadd.s32 $0xB5004C00, v13;
	v13 =	vmul.f32 v5, v0;
	v0 =	vld [tilespmem:$0x1F950];
	_ =	sdelay $0x3  }
0x5e4: {  	[tilespmem:v3+s17+$0x0] =	vst.idx.add.s32.msk $0xffff, v1  }
0x5e5: {  	v8 =	vmul.f32 v5, v4;
	v4 =	vmul.f32 v5, v0;
	v0 =	vld [tilespmem:$0x1F960];
	_ =	sdelay $0x1  }
0x5e6: {  	v21 =	vadd.f32 $8.388608000e+06, v21;
	_ =	sdelay $0x1  }
0x5e7: {  	v21 =	vadd.s32 $0xB5004C00, v21;
	v20 =	vadd.f32 $8.389632000e+06, v20  }
0x5e8: {  	v3 =	vmul.f32 v5, v0;
	v0 =	vld [tilespmem:$0x1F970]  }
0x5e9: {  	v20 =	vadd.s32 $0xB5004C00, v20;
	v22 =	vadd.f32 $8.390656000e+06, v22;
	_ =	sdelay $0x1  }
0x5ea: {  	v22 =	vadd.s32 $0xB5004C00, v22  }
0x5eb: {  	[tilespmem:v21+s17+$0x0] =	vst.idx.add.s32.msk $0xffff, v1  }
0x5ec: {  	v26 =	vmul.f32 v5, v7;
	v7 =	vmul.f32 v5, v0;
	v0 =	vld [tilespmem:$0x1F980]  }
0x5ed: {  	[tilespmem:v20+s17+$0x0] =	vst.idx.add.s32.msk $0xffff, v1  }
0x5ee: {  	v12 =	vadd.s32 $0x4C00, v12;
	v26 =	vadd.f32 $8.392704000e+06, v26;
	v20 =	vld [tilespmem:$0x1F990]  }
0x5ef: {  	v6 =	vmul.f32 v5, v6;
	[tilespmem:v22+s17+$0x0] =	vst.idx.add.s32.msk $0xffff, v1  }
0x5f0: {  	v26 =	vadd.s32 $0xB5004C00, v26;
	v22 =	vld [tilespmem:$0x1F9A0]  }
0x5f1: {  	v6 =	vadd.f32 $8.393728000e+06, v6;
	[tilespmem:v2+s17+$0x0] =	vst.idx.add.s32.msk $0xffff, v1;
	v21 =	vmul.f32 v5, v0;
	v0 =	vadd.s32 $0x4FFF, v10  }
0x5f2: {  	v8 =	vadd.f32 $8.394752000e+06, v8;
	v2 =	vld [tilespmem:$0x1F9B0];
	v10 =	vadd.s32 $0x3FF, v10  }
0x5f3: {  	v6 =	vadd.s32 $0xB5004C00, v6;
	v9 =	vadd.f32 $8.395776000e+06, v9;
	[tilespmem:v12+s17+$0x0] =	vst.idx.add.s32.msk $0xffff, v31  }
0x5f4: {  	v8 =	vadd.s32 $0xB5004C00, v8;
	[tilespmem:$0x1F9C0] =	vst v5  }
0x5f5: {  	v9 =	vadd.s32 $0xB5004C00, v9;
	v24 =	vadd.f32 $8.396800000e+06, v30;
	[tilespmem:v26+s17+$0x0] =	vst.idx.add.s32.msk $0xffff, v1  }
0x5f6: {  	v4 =	vadd.f32 $8.398848000e+06, v4;
	[tilespmem:v0+s17+$0x0] =	vst.idx.add.s32.msk $0xffff, v1;
	v0 =	vadd.f32 $8.397824000e+06, v13  }
0x5f7: {  	[tilespmem:v10+s17+$0x0] =	vst.idx.add.s32.msk $0xffff, v1;
	v10 =	vadd.f32 $8.401920000e+06, v21;
	v21 =	vadd.s32 $0xB5004C00, v24  }
0x5f8: {  	v4 =	vadd.s32 $0xB5004C00, v4;
	v3 =	vadd.f32 $8.399872000e+06, v3;
	[tilespmem:v6+s17+$0x0] =	vst.idx.add.s32.msk $0xffff, v1;
	v0 =	vadd.s32 $0xB5004C00, v0  }
0x5f9: {  	v7 =	vadd.f32 $8.400896000e+06, v7;
	v20 =	vmul.f32 v5, v20;
	v22 =	vmul.f32 v5, v22;
	[tilespmem:v8+s17+$0x0] =	vst.idx.add.s32.msk $0xffff, v1  }
0x5fa: {  	s30 =	sor.u32 s24, s28;
	v63 =	vmul.f32 v5, v63;
	v3 =	vadd.s32 $0xB5004C00, v3;
	[tilespmem:v9+s17+$0x0] =	vst.idx.add.s32.msk $0xffff, v1  }
0x5fb: {  	v7 =	vadd.s32 $0xB5004C00, v7;
	v6 =	vadd.f32 $8.402944000e+06, v20;
	v20 =	vadd.f32 $8.403968000e+06, v22;
	v22 =	vld [tilespmem:s30+$0x0]  }
0x5fc: {  	v2 =	vmul.f32 v5, v2;
	v8 =	vadd.s32 $0xB5004C00, v10;
	[tilespmem:v21+s17+$0x0] =	vst.idx.add.s32.msk $0xffff, v1  }
0x5fd: {  	v12 =	vmul.f32 v5, v62;
	v13 =	vadd.f32 $8.404992000e+06, v63;
	v6 =	vadd.s32 $0xB5004C00, v6;
	v24 =	vpop (erf);
	[tilespmem:v0+s17+$0x0] =	vst.idx.add.s32.msk $0xffff, v1  }
0x5fe: {  	v2 =	vadd.f32 $8.406016000e+06, v2;
	v9 =	vadd.s32 $0xB5004C00, v20;
	v24 =	vmul.f32 $1.024000000e+03, v24;
	[tilespmem:v4+s17+$0x0] =	vst.idx.add.s32.msk $0xffff, v1  }
0x5ff: {  	v12 =	vadd.f32 $8.407040000e+06, v12;
	v10 =	vadd.s32 $0xB5004C00, v13;
	[tilespmem:v3+s17+$0x0] =	vst.idx.add.s32.msk $0xffff, v1  }
0x600: {  	v2 =	vadd.s32 $0xB5004C00, v2;
	v13 =	vmul.f32 v24, v46;
	[tilespmem:v7+s17+$0x0] =	vst.idx.add.s32.msk $0xffff, v1  }
0x601: {  	v12 =	vadd.s32 $0xB5004C00, v12;
	[tilespmem:v8+s17+$0x0] =	vst.idx.add.s32.msk $0xffff, v1  }
0x602: {  	v13 =	vadd.f32 $8.388608000e+06, v13;
	[tilespmem:v6+s17+$0x0] =	vst.idx.add.s32.msk $0xffff, v1  }
0x603: {  	v20 =	vmul.f32 v24, v49;
	[tilespmem:v9+s17+$0x0] =	vst.idx.add.s32.msk $0xffff, v1  }
0x604: {  	v21 =	vmul.f32 v24, v48;
	v7 =	vadd.s32 $0xB5004C00, v13;
	[tilespmem:v10+s17+$0x0] =	vst.idx.add.s32.msk $0xffff, v1  }
0x605: {  	v20 =	vadd.f32 $8.389632000e+06, v20;
	v4 =	vmul.f32 $1.442695020e+00, v22;
	v22 =	vmul.f32 v24, v50;
	[tilespmem:v2+s17+$0x0] =	vst.idx.add.s32.msk $0xffff, v1  }
0x606: {  	v13 =	vadd.f32 $8.390656000e+06, v21;
	v21 =	vmul.f32 v24, v47;
	[tilespmem:v12+s17+$0x0] =	vst.idx.add.s32.msk $0xffff, v1  }
0x607: {  	v8 =	vadd.s32 $0xB5004C00, v20;
	v20 =	vadd.f32 $8.391680000e+06, v22;
	v22 =	vmul.f32 v24, v44;
	[tilespmem:$0x1F9D0] =	vst v34  }
0x608: {  	v6 =	vadd.s32 $0xB5004C00, v13;
	v13 =	vadd.f32 $8.392704000e+06, v21;
	v21 =	vmul.f32 v24, v43;
	[tilespmem:$0x1F9E0] =	vst v28  }
0x609: {  	v19 =	vmul.f32 v24, v19;
	v9 =	vadd.s32 $0xB5004C00, v20;
	v20 =	vadd.f32 $8.393728000e+06, v22;
	[tilespmem:v7+s17+$0x0] =	vst.idx.add.s32.msk $0xffff, v1  }
0x60a: {  	v0 =	vpop (erf);
	v10 =	vadd.s32 $0xB5004C00, v13;
	v13 =	vadd.f32 $8.394752000e+06, v21;
	[tilespmem:$0x1F9F0] =	vst v11  }
0x60b: {  	v19 =	vadd.f32 $8.395776000e+06, v19;
	v2 =	vmul.f32 v24, v23;
	[tilespmem:$0x1FA00] =	vst v0  }
0x60c: {  	v20 =	vadd.s32 $0xB5004C00, v20;
	v12 =	vmul.f32 v24, v17;
	v13 =	vadd.s32 $0xB5004C00, v13;
	[tilespmem:v8+s17+$0x0] =	vst.idx.add.s32.msk $0xffff, v1  }
0x60d: {  	v2 =	vadd.f32 $8.396800000e+06, v2;
	v7 =	vmul.f32 v24, v35;
	v8 =	vadd.s32 $0xB5004C00, v19;
	v19 =	vld.idx.msk [tilespmem:v53+s4+$0x0], $0xffff  }
0x60e: {  	v17 =	vmul.f32 v24, v45;
	v12 =	vadd.f32 $8.397824000e+06, v12;
	[tilespmem:v6+s17+$0x0] =	vst.idx.add.s32.msk $0xffff, v1  }
0x60f: {  	v30 =	vmul.f32 v24, v39;
	v2 =	vadd.s32 $0xB5004C00, v2;
	v7 =	vadd.f32 $8.398848000e+06, v7;
	[tilespmem:v9+s17+$0x0] =	vst.idx.add.s32.msk $0xffff, v1  }
0x610: {  	v33 =	vmul.f32 v24, v33;
	v59 =	vadd.f32 $8.399872000e+06, v17;
	v12 =	vadd.s32 $0xB5004C00, v12;
	[tilespmem:v10+s17+$0x0] =	vst.idx.add.s32.msk $0xffff, v1  }
0x611: {  	v7 =	vadd.s32 $0xB5004C00, v7;
	v9 =	vadd.f32 $8.400896000e+06, v30;
	[tilespmem:v20+s17+$0x0] =	vst.idx.add.s32.msk $0xffff, v1  }
0x612: {  	v30 =	vadd.f32 $8.401920000e+06, v33;
	v10 =	vadd.s32 $0xB5004C00, v59;
	[tilespmem:v13+s17+$0x0] =	vst.idx.add.s32.msk $0xffff, v1  }
0x613: {  	v9 =	vadd.s32 $0xB5004C00, v9;
	[tilespmem:v8+s17+$0x0] =	vst.idx.add.s32.msk $0xffff, v1  }
0x614: {  	v25 =	vmul.f32 v24, v25;
	v13 =	vadd.s32 $0xB5004C00, v30;
	[tilespmem:v2+s17+$0x0] =	vst.idx.add.s32.msk $0xffff, v1  }
0x615: {  	v22 =	vadd.f32 v28, v34;
	v23 =	vmul.f32 v24, v42;
	v28 =	vpop (erf);
	[tilespmem:v12+s17+$0x0] =	vst.idx.add.s32.msk $0xffff, v1  }
0x616: {  	v43 =	vpop (erf);
	v20 =	vadd.f32 $8.402944000e+06, v25;
	[tilespmem:v7+s17+$0x0] =	vst.idx.add.s32.msk $0xffff, v1  }
0x617: {  	v23 =	vadd.f32 $8.403968000e+06, v23;
	v39 =	vpop (erf);
	[tilespmem:v10+s17+$0x0] =	vst.idx.add.s32.msk $0xffff, v1  }
0x618: {  	v46 =	vmul.f32 $1.024000000e+03, v51;
	v53 =	vpop (erf);
	v2 =	vadd.s32 $0xB5004C00, v20;
	[tilespmem:v9+s17+$0x0] =	vst.idx.add.s32.msk $0xffff, v1  }
0x619: {  	v16 =	vmul.f32 v24, v16;
	v18 =	vmul.f32 v24, v18;
	v45 =	vpop (erf);
	v7 =	vadd.s32 $0xB5004C00, v23;
	[tilespmem:v13+s17+$0x0] =	vst.idx.add.s32.msk $0xffff, v1  }
0x61a: {  	v26 =	vadd.f32 v0, v11;
	(erf) = vpow2.f32 v4;
	v4 =	vadd.f32 v43, v28;
	v62 =	vpop (erf);
	v0 =	vld [tilespmem:$0x1FA10]  }
0x61b: {  	v3 =	vmul.f32 v46, v55;
	v55 =	vpop (erf);
	v8 =	vadd.f32 $8.404992000e+06, v16;
	v20 =	vadd.f32 v53, v39  }
0x61c: {  	v63 =	vpop (erf);
	v12 =	vmul.f32 v24, v14;
	v14 =	vadd.f32 $8.406016000e+06, v18;
	v18 =	vadd.f32 v62, v45  }
0x61d: {  	v4 =	vadd.f32 v20, v4;
	v20 =	vadd.f32 v63, v55;
	[tilespmem:v2+s17+$0x0] =	vst.idx.add.s32.msk $0xffff, v1  }
0x61e: {  	v8 =	vadd.s32 $0xB5004C00, v8;
	[tilespmem:v7+s17+$0x0] =	vst.idx.add.s32.msk $0xffff, v1  }
0x61f: {  	v9 =	vadd.f32 v20, v18;
	v18 =	vmul.f32 v46, v0;
	v0 =	vld [tilespmem:$0x1FA20];
	_ =	sdelay $0x3  }
0x620: {  	[tilespmem:v8+s17+$0x0] =	vst.idx.add.s32.msk $0xffff, v1  }
0x621: {  	v7 =	vmul.f32 v46, v0;
	v0 =	vld [tilespmem:$0x1FA30]  }
0x622: {  	v3 =	vadd.f32 $8.388608000e+06, v3  }
0x623: {  	v12 =	vadd.f32 $8.407040000e+06, v12;
	v14 =	vadd.s32 $0xB5004C00, v14  }
0x624: {  	v3 =	vadd.s32 $0xB5004C00, v3  }
0x625: {  	v12 =	vadd.s32 $0xB5004C00, v12  }
0x626: {  	v8 =	vmul.f32 v46, v0;
	v0 =	vld [tilespmem:$0x1FA40];
	_ =	sdelay $0x1  }
0x627: {  	[tilespmem:v14+s17+$0x0] =	vst.idx.add.s32.msk $0xffff, v1  }
0x628: {  	[tilespmem:v3+s17+$0x0] =	vst.idx.add.s32.msk $0xffff, v1  }
0x629: {  	[tilespmem:v12+s17+$0x0] =	vst.idx.add.s32.msk $0xffff, v1  }
0x62a: {  	v2 =	vadd.f32 v9, v4;
	v9 =	vadd.f32 $8.389632000e+06, v18;
	v18 =	vmul.f32 v46, v0;
	v0 =	vld [tilespmem:$0x1FA50];
	_ =	sdelay $0x4  }
0x62b: {  	v16 =	vadd.f32 v26, v22;
	v22 =	vmul.f32 v46, v0;
	v0 =	vld [tilespmem:$0x1FA60];
	_ =	sdelay $0x4  }
0x62c: {  	v14 =	vmul.f32 v46, v0;
	v0 =	vld [tilespmem:$0x1FA70];
	_ =	sdelay $0x1  }
0x62d: {  	s31 =	simm.s32 $0x80  }
0x62e: {  	s1 =	sand.u32 $0x1E0, s31  }
0x62f: {  	v21 =	vmov s1  }
0x630: {  	v4 =	vshll.u32 v21, $0x1;
	v21 =	vmul.f32 v46, v0;
	v0 =	vld [tilespmem:$0x1FA80];
	_ =	sdelay $0x2  }
0x631: {  	v13 =	vadd.f32 v16, v40;
	_ =	sdelay $0x1  }
0x632: {  	v30 =	vadd.f32 v2, v13;
	v13 =	vmul.f32 v46, v0;
	v0 =	vld [tilespmem:$0x1FA90];
	_ =	sdelay $0x3  }
0x633: {  	v20 =	vadd.s32 $0xB5004C00, v9  }
0x634: {  	v10 =	vor.u32 s1, v32;
	v32 =	vmul.f32 $1.442695020e+00, v19;
	v19 =	vmul.f32 v46, v0;
	v0 =	vld [tilespmem:$0x1FAA0];
	_ =	sdelay $0x3  }
0x635: {  	[tilespmem:v20+s17+$0x0] =	vst.idx.add.s32.msk $0xffff, v1  }
0x636: {  	v12 =	vmul.f32 v46, v0;
	v0 =	vld [tilespmem:$0x1FAB0];
	_ =	sdelay $0x2  }
0x637: {  	v7 =	vadd.f32 $8.390656000e+06, v7  }
0x638: {  	v42 =	vmul.f32 v46, v54;
	v54 =	vpop (erf);
	v26 =	vmul.f32 v46, v57  }
0x639: {  	v57 =	vpop (erf);
	v34 =	vand.u32 $0x6F, v10;
	v11 =	vadd.s32 $0xB5004C00, v7;
	v10 =	vmul.f32 v46, v0;
	v0 =	vld [tilespmem:$0x1FAC0]  }
0x63a: {  	v23 =	vld.idx.msk [tilespmem:v61+s4+$0x0], $0xffff;
	v61 =	vadd.f32 v57, v54;
	v8 =	vadd.f32 $8.391680000e+06, v8  }
0x63b: {  	s0 =	sor.u32 s24, s26;
	v60 =	vmul.f32 v46, v60;
	v26 =	vadd.f32 $8.393728000e+06, v26;
	v4 =	vand.u32 $0x300, v4;
	v3 =	vpop (erf)  }
0x63c: {  	v4 =	vor.u32 v15, v4;
	v2 =	vld [tilespmem:s0+$0x0];
	v35 =	vadd.f32 v3, v61;
	v25 =	vadd.s32 $0xB5004C00, v8  }
0x63d: {  	v33 =	vld.idx.msk [tilespmem:v41+s4+$0x0], $0xffff;
	v8 =	vmul.f32 v46, v56;
	v20 =	vadd.f32 $8.392704000e+06, v18;
	v18 =	vmul.f32 v46, v58  }
0x63e: {  	s24 =	simm.s32 $0x8;
	v7 =	vor.u32 $0x4C00, v4;
	[tilespmem:v11+s17+$0x0] =	vst.idx.add.s32.msk $0xffff, v1;
	v11 =	vmul.f32 v46, v52;
	v4 =	vmul.f32 v46, v0  }
.LBB2_15:
0x63f: {  	v0 =	vmov v39;
	_ =	sdelay $0x2  }
0x640: {  	s24 =	sadd.s32 $0x2, s24;
	[tilespmem:$0x1F620] =	vst v0;
	v0 =	vmov v53  }
0x641: {  	s22 =	sadd.s32 $0x40, s22;
	s29 =	sshrl.u32 s24, $0x5;
	v33 =	vmul.f32 $1.442695020e+00, v33  }
0x642: {  	v40 =	vadd.f32 $8.394752000e+06, v60;
	v41 =	vadd.f32 $8.395776000e+06, v42;
	s0 =	sand.u32 $0x300, s22;
	s1 =	sshll.u32 s29, $0x7  }
0x643: {  	v14 =	vadd.f32 $8.397824000e+06, v14;
	v21 =	vadd.f32 $8.398848000e+06, v21;
	s23 =	sadd.s32 $0x20, s23;
	s25 =	sadd.s32 s1, s0;
	[tilespmem:$0x1F630] =	vst v0;
	(erf) = vpow2.f32 v33;
	v0 =	vmovc v45  }
0x644: {  	[tilespmem:v25+s17+$0x0] =	vst.idx.add.s32.msk $0xffff, v1;
	v7 =	vbroadcast v7, $0x0;
	v13 =	vadd.f32 $8.399872000e+06, v13;
	v25 =	vadd.f32 v35, v30;
	s26 =	sand.u32 $0x70, s23;
	s1 =	sadd.s32 $0x5000, s25  }
0x645: {  	v12 =	vadd.f32 $8.401920000e+06, v12;
	v33 =	vshll.u32 v2, $0xA;
	v2 =	vadd.f32 $8.402944000e+06, v10;
	s18 =	sadd.s32 $0x5400, s25;
	s19 =	sor.u32 s26, s1  }
0x646: {  	v19 =	vadd.f32 $8.400896000e+06, v19;
	v10 =	vadd.f32 $8.407040000e+06, v11;
	s20 =	sadd.s32 $0x5800, s25;
	(erf) = vrcp.f32 v25;
	s21 =	sor.u32 s26, s18;
	v11 =	vld [tilespmem:s19+$0x0];
	[tilespmem:$0x1F640] =	vst v0;
	v0 =	vmovc v62  }
0x647: {  	v6 =	vmovc v54;
	v8 =	vadd.f32 $8.406016000e+06, v8;
	v54 =	vadd.s32 $0xB5004C00, v20;
	s0 =	sadd.s32 $0x4C00, s25;
	s30 =	sor.u32 s26, s20;
	(erf) = vpow2.f32 v32;
	v20 =	vld [tilespmem:s21+$0x0]  }
0x648: {  	v18 =	vadd.f32 $8.404992000e+06, v18;
	v22 =	vadd.f32 $8.396800000e+06, v22;
	s7 =	sadd.s32 $0xFFFFFFF0, s23;
	v48 =	vadd.s32 $0xB5004C00, v14;
	s3 =	sadd.s32 $0x5C00, s25;
	s2 =	sor.u32 s26, s0;
	v14 =	vld [tilespmem:s30+$0x0]  }
0x649: {  	s28 =	sand.u32 $0x60, s7;
	v51 =	vadd.s32 $0xB5004C00, v40;
	v52 =	vadd.s32 $0xB5004C00, v41;
	s6 =	sor.u32 s26, s3;
	[tilespmem:$0x1F650] =	vst v0;
	v0 =	vmovc v3;
	v3 =	vadd.f32 $8.403968000e+06, v4;
	v4 =	vld [tilespmem:s2+$0x0]  }
0x64a: {  	v49 =	vadd.s32 $0xB5004C00, v21;
	v47 =	vadd.s32 $0xB5004C00, v13;
	v39 =	vadd.s32 $0xB5004C00, v12;
	s5 =	sadd.s32 $0x6000, s25;
	s10 =	sadd.s32 $0x6800, s25;
	s9 =	sor.u32 s28, s0;
	v13 =	vld [tilespmem:s6+$0x0]  }
0x64b: {  	[tilespmem:$0x1F610] =	vst v43;
	v43 =	vadd.s32 $0xB5004C00, v18;
	v40 =	vadd.s32 $0xB5004C00, v8;
	v7 =	vadd.s32 v33, v7;
	v12 =	vld [tilespmem:s9+$0x0];
	s2 =	sor.u32 s28, s3;
	s3 =	sor.u32 s28, s10;
	s10 =	sor.u32 s26, s10  }
0x64c: {  	s31 =	sadd.s32 $0x6400, s25;
	s11 =	sor.u32 s26, s5;
	v44 =	vadd.s32 $0xB5004C00, v2;
	[tilespmem:$0x1F6B0] =	vst v0;
	v2 =	vpop (erf);
	v0 =	vadd.s32 $0xB5004C00, v10;
	v10 =	vmul.f32 $1.442695020e+00, v11;
	v11 =	vld [tilespmem:s10+$0x0]  }
0x64d: {  	v9 =	vmovc v63;
	s12 =	sadd.s32 $0x6C00, s25;
	v42 =	vadd.s32 $0xB5004C00, v3;
	v3 =	vld [tilespmem:s11+$0x0];
	s11 =	sor.u32 s26, s31;
	[tilespmem:$0x1F5D0] =	vst v0;
	v0 =	vor.u32 v34, v7;
	v7 =	vmul.f32 v2, v24  }
0x64e: {  	v5 =	vmovc v57;
	[tilespmem:$0x1F670] =	vst v9;
	v41 =	vmul.f32 $1.442695020e+00, v23;
	s14 =	sor.u32 s26, s12;
	v45 =	vadd.s32 $0xB5004C00, v19;
	v8 =	vld [tilespmem:s11+$0x0];
	v9 =	vmul.f32 $1.442695020e+00, v4  }
0x64f: {  	s15 =	sadd.s32 $0x7000, s25;
	s16 =	sadd.s32 $0x7400, s25;
	s8 =	sor.u32 s28, s1;
	v19 =	vld [tilespmem:s14+$0x0];
	v18 =	vmul.f32 $1.442695020e+00, v20;
	v14 =	vmul.f32 $1.442695020e+00, v14;
	v2 =	vpop (erf);
	v7 =	vmin.f32 v7, $1.023489990e+03  }
0x650: {  	s0 =	sor.u32 s28, s18;
	s1 =	sor.u32 s28, s20;
	s20 =	sand.u32 $0x1E0, s7;
	v13 =	vmul.f32 $1.442695020e+00, v13;
	v20 =	vld [tilespmem:s8+$0x0];
	v4 =	vpop (erf);
	v7 =	vadd.f32 $8.388608000e+06, v7;
	(erf) = vpow2.f32 v9  }
0x651: {  	[tilespmem:$0x1F690] =	vst v5;
	v50 =	vadd.s32 $0xB5004C00, v22;
	s7 =	sor.u32 s28, s12;
	s12 =	sadd.s32 $0x7800, s25;
	s10 =	sor.u32 s26, s15;
	v5 =	vld [tilespmem:s3+$0x0];
	v11 =	vmul.f32 $1.442695020e+00, v11;
	(erf) = vpow2.f32 v10  }
0x652: {  	s6 =	sor.u32 s28, s31;
	s9 =	sor.u32 s28, s16;
	s11 =	sor.u32 s26, s16;
	v3 =	vmul.f32 $1.442695020e+00, v3;
	v10 =	vld [tilespmem:s10+$0x0];
	(erf) = vpow2.f32 v18;
	v18 =	vadd.s32 $0xB5000000, v7  }
0x653: {  	s14 =	sadd.s32 $0x7C00, s25;
	v21 =	vld [tilespmem:s11+$0x0];
	v8 =	vmul.f32 $1.442695020e+00, v8;
	s10 =	sor.u32 s28, s12;
	s12 =	sor.u32 s26, s12;
	(erf) = vpow2.f32 v14;
	v14 =	vadd.s32 v38, v18  }
0x654: {  	s18 =	sor.u32 s26, s14;
	s8 =	sor.u32 s28, s15;
	s15 =	sadd.s32 $0x8000, s25;
	v22 =	vld [tilespmem:s12+$0x0];
	v7 =	vand.u32 $0x7F, v7;
	(erf) = vpow2.f32 v13;
	v13 =	vand.u32 $0xFFFFFF80, v14  }
0x655: {  	s19 =	sor.u32 s26, s15;
	s16 =	sadd.s32 $0x8400, s25;
	s11 =	sor.u32 s28, s14;
	v14 =	vmul.f32 $1.442695020e+00, v19;
	v19 =	vld [tilespmem:s18+$0x0];
	(erf) = vpow2.f32 v3;
	v3 =	vor.u32 v7, v13  }
0x656: {  	s14 =	sor.u32 s28, s15;
	s21 =	sor.u32 s26, s16;
	s18 =	sadd.s32 $0x8800, s25;
	v7 =	vld [tilespmem:s19+$0x0];
	(erf) = vpow2.f32 v8;
	v8 =	vsub.s32 v38, v18;
	v13 =	vadd.s32 $0x4C00, v3  }
0x657: {  	s15 =	sor.u32 s28, s16;
	s19 =	sadd.s32 $0x8C00, s25;
	s30 =	sor.u32 s26, s18;
	v10 =	vmul.f32 $1.442695020e+00, v10;
	v18 =	vld [tilespmem:s21+$0x0];
	(erf) = vpow2.f32 v11;
	v11 =	vadd.s32 $0x4FFF, v8  }
0x658: {  	v21 =	vmul.f32 $1.442695020e+00, v21;
	s16 =	sor.u32 s28, s18;
	s21 =	sadd.s32 $0x9000, s25;
	v23 =	vld [tilespmem:s30+$0x0];
	s31 =	sor.u32 s26, s19;
	v8 =	vadd.s32 $0x3FF, v8;
	(erf) = vpow2.f32 v14  }
0x659: {  	s18 =	sor.u32 s28, s19;
	s19 =	sor.u32 s28, s21;
	s21 =	sor.u32 s26, s21;
	v14 =	vmul.f32 $1.442695020e+00, v22;
	v22 =	vld [tilespmem:s31+$0x0];
	v3 =	vpop (erf);
	(erf) = vpow2.f32 v10  }
0x65a: {  	v15 =	vmov v55;
	[tilespmem:$0x1F5F0] =	vst v0;
	v24 =	vld [tilespmem:s21+$0x0];
	v10 =	vmul.f32 $1.442695020e+00, v19;
	v55 =	vpop (erf);
	(erf) = vpow2.f32 v21  }
0x65b: {  	v0 =	vadd.s32 $0x4C00, v37;
	v7 =	vmul.f32 $1.442695020e+00, v7;
	v38 =	vpop (erf);
	(erf) = vpow2.f32 v14;
	[tilespmem:v13+s17+$0x0] =	vst.idx.add.s32.msk $0xffff, v31  }
0x65c: {  	v9 =	vmov s20;
	s30 =	sadd.s32 $0x9400, s25;
	v13 =	vmul.f32 $1.442695020e+00, v18;
	v57 =	vpop (erf);
	(erf) = vpow2.f32 v10;
	[tilespmem:v11+s17+$0x0] =	vst.idx.add.s32.msk $0xffff, v1  }
0x65d: {  	v9 =	vshll.u32 v9, $0x1;
	s12 =	sor.u32 s26, s30;
	v10 =	vmul.f32 $1.442695020e+00, v23;
	v62 =	vpop (erf);
	(erf) = vpow2.f32 v7;
	[tilespmem:v8+s17+$0x0] =	vst.idx.add.s32.msk $0xffff, v1  }
0x65e: {  	[tilespmem:$0x1F5E0] =	vst v0;
	v0 =	vand.u32 $0x300, v9;
	v11 =	vmul.f32 $1.442695020e+00, v12;
	v12 =	vld [tilespmem:s12+$0x0];
	v63 =	vpop (erf);
	(erf) = vpow2.f32 v13  }
0x65f: {  	v37 =	vld [tilespmem:s9+$0x0];
	[tilespmem:$0x1F600] =	vst v0;
	v0 =	vlaneseq.u32;
	v8 =	vpop (erf);
	(erf) = vpow2.f32 v10  }
0x660: {  	v35 =	vmov v28;
	v28 =	vld [tilespmem:s11+$0x0];
	v9 =	vor.u32 s20, v0;
	v14 =	vmul.f32 $1.442695020e+00, v22;
	v7 =	vpop (erf)  }
0x661: {  	v16 =	vld [tilespmem:s14+$0x0];
	v4 =	vmul.f32 v4, v27;
	v0 =	vand.u32 $0x6F, v9;
	v21 =	vmul.f32 $1.442695020e+00, v24;
	v56 =	vpop (erf)  }
0x662: {  	[tilespmem:$0x1F6A0] =	vst v0;
	v0 =	vld [tilespmem:$0x1F9C0];
	(erf) = vpow2.f32 v14;
	v14 =	vmul.f32 $1.024000000e+03, v2;
	v2 =	vpop (erf)  }
0x663: {  	v53 =	vadd.s32 $0xB5004C00, v26;
	(erf) = vpow2.f32 v21;
	v21 =	vld [tilespmem:s6+$0x0];
	v12 =	vmul.f32 $1.442695020e+00, v12;
	v59 =	vpop (erf)  }
0x664: {  	v27 =	vmul.f32 $1.442695020e+00, v5;
	v19 =	vadd.s32 $0x4FFF, v29;
	v22 =	vld [tilespmem:s2+$0x0];
	v10 =	vmul.f32 $1.442695020e+00, v20;
	v61 =	vpop (erf)  }
0x665: {  	v18 =	vadd.s32 $0x3FF, v29;
	v29 =	vadd.f32 v55, v3;
	v13 =	vld [tilespmem:s0+$0x0];
	(erf) = vpow2.f32 v11;
	v58 =	vpop (erf)  }
0x666: {  	v30 =	vadd.f32 v57, v38;
	v1 =	vmov v36;
	v20 =	vld [tilespmem:s1+$0x0];
	(erf) = vpow2.f32 v10;
	v11 =	vpop (erf)  }
0x667: {  	v60 =	vadd.f32 v63, v62;
	v31 =	vadd.f32 v7, v8;
	v10 =	vld [tilespmem:s7+$0x0];
	(erf) = vpow2.f32 v12;
	v12 =	vpop (erf)  }
0x668: {  	v34 =	vld [tilespmem:s10+$0x0];
	v36 =	vadd.f32 v61, v59;
	v32 =	vmul.f32 $1.442695020e+00, v21;
	v21 =	vadd.f32 v2, v56;
	v26 =	vpop (erf)  }
0x669: {  	[tilespmem:$0x1F680] =	vst v6;
	s31 =	sor.u32 s28, s30;
	v24 =	vmul.f32 $1.442695020e+00, v22;
	v22 =	vld [tilespmem:s8+$0x0];
	v5 =	vadd.f32 v11, v58;
	v6 =	vadd.f32 v26, v12  }
0x66a: {  	[tilespmem:$0x1F660] =	vst v15;
	s5 =	sor.u32 s28, s5;
	v15 =	vld [tilespmem:s31+$0x0];
	v29 =	vadd.f32 v30, v29;
	v30 =	vadd.f32 v31, v60  }
0x66b: {  	v25 =	vmovc v0;
	v23 =	vld [tilespmem:s5+$0x0];
	v13 =	vmul.f32 $1.442695020e+00, v13;
	v9 =	vadd.f32 v36, v21;
	v5 =	vadd.f32 v6, v5  }
0x66c: {  	v0 =	vmov v46;
	v60 =	vld [tilespmem:s15+$0x0];
	v20 =	vmul.f32 $1.442695020e+00, v20;
	v17 =	vmul.f32 $1.442695020e+00, v10;
	v10 =	vpop (erf)  }
0x66d: {  	v46 =	vmov v14;
	v29 =	vadd.f32 v30, v29;
	v30 =	vld [tilespmem:s19+$0x0];
	v14 =	vpop (erf);
	v5 =	vadd.f32 v5, v9  }
0x66e: {  	v4 =	vmin.f32 v4, $1.023489990e+03;
	v31 =	vmul.f32 $1.442695020e+00, v22;
	v21 =	vpop (erf);
	(erf) = vpow2.f32 v13;
	v13 =	vld [tilespmem:s18+$0x0]  }
0x66f: {  	v6 =	vmul.f32 $1.442695020e+00, v37;
	v37 =	vadd.f32 v14, v10;
	v22 =	vpop (erf);
	v5 =	vadd.f32 v5, v29;
	v29 =	vld [tilespmem:$0x1F6F0]  }
0x670: {  	v4 =	vadd.f32 $8.388608000e+06, v4;
	[tilespmem:$0x1F9C0] =	vst v0;
	v0 =	vimm.s32 $0x1;
	v36 =	vld [tilespmem:s16+$0x0];
	(erf) = vpow2.f32 v20;
	v20 =	vpop (erf)  }
0x671: {  	v23 =	vmul.f32 $1.442695020e+00, v23;
	[tilespmem:v54+s17+$0x0] =	vst.idx.add.s32.msk $0xffff, v0;
	v37 =	vadd.f32 v20, v37  }
0x672: {  	[tilespmem:v53+s17+$0x0] =	vst.idx.add.s32.msk $0xffff, v0;
	(erf) = vpow2.f32 v24;
	v24 =	vadd.s32 $0xB5000000, v4  }
0x673: {  	[tilespmem:v51+s17+$0x0] =	vst.idx.add.s32.msk $0xffff, v0;
	v51 =	vmul.f32 $1.442695020e+00, v15;
	(erf) = vpow2.f32 v23;
	v5 =	vadd.f32 v37, v5  }
0x674: {  	(erf) = vpow2.f32 v32;
	v23 =	vmul.f32 $1.442695020e+00, v13;
	v13 =	vadd.s32 v29, v24  }
0x675: {  	v15 =	vld [tilespmem:$0x1F720];
	(erf) = vrcp.f32 v5;
	v5 =	vand.u32 $0xFFFFFF80, v13;
	v13 =	vand.u32 $0x7F, v4  }
0x676: {  	(erf) = vpow2.f32 v27;
	v37 =	vor.u32 v13, v5;
	v5 =	vld [tilespmem:$0x1F730]  }
0x677: {  	[tilespmem:v52+s17+$0x0] =	vst.idx.add.s32.msk $0xffff, v0;
	v4 =	vpop (erf);
	(erf) = vpow2.f32 v17  }
0x678: {  	[tilespmem:v50+s17+$0x0] =	vst.idx.add.s32.msk $0xffff, v0;
	(erf) = vpow2.f32 v31  }
0x679: {  	v13 =	vpop (erf);
	(erf) = vpow2.f32 v6;
	v6 =	vld [tilespmem:$0x1F740]  }
0x67a: {  	[tilespmem:v48+s17+$0x0] =	vst.idx.add.s32.msk $0xffff, v0;
	v15 =	vmul.f32 v46, v15  }
0x67b: {  	v9 =	vadd.f32 v22, v21;
	[tilespmem:v49+s17+$0x0] =	vst.idx.add.s32.msk $0xffff, v0;
	v5 =	vmul.f32 v46, v5  }
0x67c: {  	[tilespmem:v47+s17+$0x0] =	vst.idx.add.s32.msk $0xffff, v0;
	v48 =	vadd.f32 $8.388608000e+06, v15;
	v15 =	vadd.f32 v13, v4  }
0x67d: {  	v50 =	vadd.f32 $8.389632000e+06, v5;
	v5 =	vld [tilespmem:$0x1F9D0]  }
0x67e: {  	v49 =	vadd.f32 v15, v9;
	v9 =	vld [tilespmem:$0x1F9E0];
	v6 =	vmul.f32 v46, v6  }
0x67f: {  	[tilespmem:v45+s17+$0x0] =	vst.idx.add.s32.msk $0xffff, v0  }
0x680: {  	v52 =	vadd.f32 $8.390656000e+06, v6;
	v6 =	vld [tilespmem:$0x1FA00]  }
0x681: {  	v34 =	vmul.f32 $1.442695020e+00, v34;
	[tilespmem:v39+s17+$0x0] =	vst.idx.add.s32.msk $0xffff, v0  }
0x682: {  	[tilespmem:v44+s17+$0x0] =	vst.idx.add.s32.msk $0xffff, v0;
	v47 =	vmul.f32 v46, v5;
	v5 =	vpop (erf)  }
0x683: {  	[tilespmem:v42+s17+$0x0] =	vst.idx.add.s32.msk $0xffff, v0;
	(erf) = vpow2.f32 v34;
	v34 =	vmul.f32 v46, v9;
	v9 =	vpop (erf)  }
0x684: {  	[tilespmem:$0x1F9D0] =	vst v5;
	v44 =	vadd.f32 v9, v5;
	v5 =	vld [tilespmem:$0x1F9F0]  }
0x685: {  	v42 =	vmul.f32 v46, v6;
	v6 =	vld [tilespmem:$0x1F5D0]  }
0x686: {  	v28 =	vmul.f32 $1.442695020e+00, v28  }
0x687: {  	v16 =	vmul.f32 $1.442695020e+00, v16;
	v60 =	vmul.f32 $1.442695020e+00, v60;
	v15 =	vld [tilespmem:$0x1F710]  }
0x688: {  	v36 =	vmul.f32 $1.442695020e+00, v36;
	v17 =	vld [tilespmem:$0x1F750];
	(erf) = vpow2.f32 v28  }
0x689: {  	v32 =	vmul.f32 $1.442695020e+00, v30;
	(erf) = vpow2.f32 v16;
	v16 =	vld [tilespmem:$0x1F5E0];
	[tilespmem:$0x1F9E0] =	vst v9;
	v9 =	vpop (erf)  }
0x68a: {  	[tilespmem:v43+s17+$0x0] =	vst.idx.add.s32.msk $0xffff, v0;
	(erf) = vpow2.f32 v60;
	v60 =	vmul.f32 v46, v5;
	v5 =	vpop (erf)  }
0x68b: {  	v29 =	vsub.s32 v29, v24;
	[tilespmem:v40+s17+$0x0] =	vst.idx.add.s32.msk $0xffff, v0;
	(erf) = vpow2.f32 v36;
	v24 =	vmul.f32 $1.024000000e+03, v5  }
0x68c: {  	[tilespmem:$0x1F9F0] =	vst v9;
	v5 =	vpop (erf);
	(erf) = vpow2.f32 v23  }
0x68d: {  	v30 =	vadd.f32 v5, v9;
	[tilespmem:v6+s17+$0x0] =	vst.idx.add.s32.msk $0xffff, v0;
	v6 =	vmov s29;
	v9 =	vmul.f32 v24, v3  }
0x68e: {  	v40 =	vpop (erf);
	(erf) = vpow2.f32 v32;
	v6 =	vshll.u32 v6, $0x7  }
0x68f: {  	v32 =	vmovc v41;
	v23 =	vld.idx.msk [tilespmem:v15+s4+$0x0], $0xffff;
	v15 =	vmul.f32 v24, v55;
	v41 =	vand.u32 $0x80, v6;
	v6 =	vadd.f32 $8.388608000e+06, v9  }
0x690: {  	v31 =	vimm.s32 $0xFFFFFFFF;
	v17 =	vmul.f32 v46, v17  }
0x691: {  	[tilespmem:v16+s17+$0x0] =	vst.idx.add.s32.msk $0xffff, v31;
	v9 =	vmul.f32 v24, v38;
	v15 =	vadd.f32 $8.389632000e+06, v15;
	v6 =	vadd.s32 $0xB5004C00, v6  }
0x692: {  	v43 =	vadd.f32 $8.391680000e+06, v17;
	v17 =	vmul.f32 v24, v62;
	v16 =	vmul.f32 v24, v57;
	[tilespmem:v19+s17+$0x0] =	vst.idx.add.s32.msk $0xffff, v0  }
0x693: {  	s30 =	sadd.s32 $0x9C00, s25;
	[tilespmem:v18+s17+$0x0] =	vst.idx.add.s32.msk $0xffff, v0;
	v18 =	vmul.f32 v24, v63;
	v9 =	vadd.f32 $8.390656000e+06, v9;
	v15 =	vadd.s32 $0xB5004C00, v15  }
0x694: {  	s2 =	sor.u32 s26, s30;
	v27 =	vmov v25;
	v25 =	vld [tilespmem:$0x1F5F0];
	v16 =	vadd.f32 $8.391680000e+06, v16  }
0x695: {  	v17 =	vadd.f32 $8.392704000e+06, v17;
	v19 =	vld [tilespmem:s2+$0x0];
	v18 =	vadd.f32 $8.393728000e+06, v18;
	v9 =	vadd.s32 $0xB5004C00, v9  }
0x696: {  	v16 =	vadd.s32 $0xB5004C00, v16;
	[tilespmem:v6+s17+$0x0] =	vst.idx.add.s32.msk $0xffff, v0  }
0x697: {  	v8 =	vmul.f32 v24, v8;
	v17 =	vadd.s32 $0xB5004C00, v17;
	v6 =	vadd.s32 $0xB5004C00, v18;
	v18 =	vld [tilespmem:$0x1F700]  }
0x698: {  	v7 =	vmul.f32 v24, v7;
	[tilespmem:v15+s17+$0x0] =	vst.idx.add.s32.msk $0xffff, v0;
	v0 =	vmov v1  }
0x699: {  	v8 =	vadd.f32 $8.394752000e+06, v8;
	v1 =	vimm.s32 $0x1;
	[tilespmem:$0x1F700] =	vst v0  }
0x69a: {  	v38 =	vmul.f32 v24, v56;
	v7 =	vadd.f32 $8.395776000e+06, v7;
	[tilespmem:v9+s17+$0x0] =	vst.idx.add.s32.msk $0xffff, v1  }
0x69b: {  	v2 =	vmul.f32 v24, v2;
	v8 =	vadd.s32 $0xB5004C00, v8;
	[tilespmem:v16+s17+$0x0] =	vst.idx.add.s32.msk $0xffff, v1  }
0x69c: {  	v7 =	vadd.s32 $0xB5004C00, v7;
	v15 =	vadd.f32 $8.396800000e+06, v38;
	v0 =	vmov v25;
	[tilespmem:v17+s17+$0x0] =	vst.idx.add.s32.msk $0xffff, v1  }
0x69d: {  	v2 =	vadd.f32 $8.397824000e+06, v2;
	v28 =	vmov v18;
	v18 =	vmul.f32 v24, v59;
	[tilespmem:$0x1F710] =	vst v0  }
0x69e: {  	v9 =	vmul.f32 v24, v61;
	v15 =	vadd.s32 $0xB5004C00, v15;
	[tilespmem:v6+s17+$0x0] =	vst.idx.add.s32.msk $0xffff, v1  }
0x69f: {  	v2 =	vadd.s32 $0xB5004C00, v2;
	[tilespmem:$0x1F6F0] =	vst v28;
	v16 =	vadd.f32 $8.398848000e+06, v18  }
0x6a0: {  	v9 =	vadd.f32 $8.399872000e+06, v9;
	v28 =	vmul.f32 v24, v58;
	[tilespmem:v8+s17+$0x0] =	vst.idx.add.s32.msk $0xffff, v1  }
0x6a1: {  	v11 =	vmul.f32 v24, v11;
	v0 =	vmov v21;
	[tilespmem:v7+s17+$0x0] =	vst.idx.add.s32.msk $0xffff, v1;
	v6 =	vadd.s32 $0xB5004C00, v16  }
0x6a2: {  	v12 =	vmul.f32 v24, v12;
	v8 =	vadd.s32 $0xB5004C00, v9;
	[tilespmem:$0x1F720] =	vst v0;
	v16 =	vadd.f32 $8.400896000e+06, v28  }
0x6a3: {  	v10 =	vmul.f32 v24, v10;
	v9 =	vadd.f32 $8.401920000e+06, v11;
	v11 =	vmul.f32 v24, v26;
	[tilespmem:v15+s17+$0x0] =	vst.idx.add.s32.msk $0xffff, v1  }
0x6a4: {  	v17 =	vmovc v4;
	v7 =	vadd.f32 $8.402944000e+06, v12;
	[tilespmem:v2+s17+$0x0] =	vst.idx.add.s32.msk $0xffff, v1;
	v0 =	vmov v13;
	v4 =	vadd.s32 $0xB5004C00, v16  }
0x6a5: {  	v9 =	vadd.s32 $0xB5004C00, v9;
	v11 =	vadd.f32 $8.403968000e+06, v11;
	[tilespmem:$0x1F750] =	vst v0  }
0x6a6: {  	v2 =	vadd.s32 $0xB5004C00, v7;
	v7 =	vadd.f32 $8.404992000e+06, v10;
	v10 =	vmul.f32 v24, v20;
	[tilespmem:v6+s17+$0x0] =	vst.idx.add.s32.msk $0xffff, v1  }
0x6a7: {  	s21 =	sand.u32 $0x1F0, s23;
	v0 =	vlaneseq.u32;
	v6 =	vadd.s32 $0xB5004C00, v11;
	[tilespmem:v8+s17+$0x0] =	vst.idx.add.s32.msk $0xffff, v1  }
0x6a8: {  	v7 =	vadd.s32 $0xB5004C00, v7;
	v8 =	vadd.f32 $8.407040000e+06, v10;
	v10 =	vor.u32 s21, v0;
	v0 =	vld [tilespmem:$0x1F600]  }
0x6a9: {  	[tilespmem:v4+s17+$0x0] =	vst.idx.add.s32.msk $0xffff, v1  }
0x6aa: {  	[tilespmem:v9+s17+$0x0] =	vst.idx.add.s32.msk $0xffff, v1  }
0x6ab: {  	[tilespmem:v2+s17+$0x0] =	vst.idx.add.s32.msk $0xffff, v1  }
0x6ac: {  	[tilespmem:v6+s17+$0x0] =	vst.idx.add.s32.msk $0xffff, v1  }
0x6ad: {  	[tilespmem:v7+s17+$0x0] =	vst.idx.add.s32.msk $0xffff, v1  }
0x6ae: {  	v7 =	vor.u32 v41, v0;
	v0 =	vld [tilespmem:$0x1F610];
	_ =	sdelay $0x4  }
0x6af: {  	v12 =	vmul.f32 v24, v14;
	v14 =	vmul.f32 v46, v0;
	v0 =	vld [tilespmem:$0x1F620];
	_ =	sdelay $0x4  }
0x6b0: {  	v21 =	vmul.f32 v46, v0;
	v0 =	vld [tilespmem:$0x1F630];
	_ =	sdelay $0x4  }
0x6b1: {  	[tilespmem:$0x1FA00] =	vst v5;
	v5 =	vmov s21;
	v13 =	vmul.f32 v46, v0;
	v0 =	vld [tilespmem:$0x1F640]  }
0x6b2: {  	v5 =	vshll.u32 v5, $0x1;
	v3 =	vpop (erf)  }
0x6b3: {  	v5 =	vand.u32 $0x300, v5;
	v39 =	vpop (erf);
	v11 =	vadd.f32 $8.406016000e+06, v12  }
0x6b4: {  	v53 =	vpop (erf);
	v5 =	vor.u32 v41, v5  }
0x6b5: {  	v45 =	vpop (erf);
	v5 =	vor.u32 $0x4C00, v5;
	v4 =	vadd.s32 $0xB5004C00, v11  }
0x6b6: {  	v62 =	vpop (erf);
	v5 =	vbroadcast v5, $0x0;
	v38 =	vshll.u32 v19, $0xA;
	v19 =	vmul.f32 v46, v0;
	v0 =	vld [tilespmem:$0x1F650]  }
0x6b7: {  	v55 =	vpop (erf)  }
0x6b8: {  	v63 =	vpop (erf);
	v5 =	vadd.s32 v38, v5;
	v12 =	vadd.f32 v30, v44;
	v9 =	vand.u32 $0x7F, v10  }
0x6b9: {  	v11 =	vadd.f32 v63, v55;
	v2 =	vor.u32 v9, v5;
	v9 =	vadd.f32 v62, v45  }
0x6ba: {  	[tilespmem:v4+s17+$0x0] =	vst.idx.add.s32.msk $0xffff, v1  }
0x6bb: {  	v4 =	vadd.f32 v11, v9;
	v9 =	vadd.f32 v12, v49;
	v12 =	vmul.f32 v46, v0;
	v0 =	vld [tilespmem:$0x1F660];
	_ =	sdelay $0x2  }
0x6bc: {  	v10 =	vadd.f32 v3, v40;
	v5 =	vadd.f32 v53, v39;
	_ =	sdelay $0x1  }
0x6bd: {  	v5 =	vadd.f32 v5, v10;
	v10 =	vmul.f32 v46, v0;
	v0 =	vld [tilespmem:$0x1F670];
	_ =	sdelay $0x2  }
0x6be: {  	v4 =	vadd.f32 v4, v5;
	_ =	sdelay $0x1  }
0x6bf: {  	v30 =	vadd.f32 v4, v9;
	v4 =	vmul.f32 v46, v0;
	v0 =	vld [tilespmem:$0x1F680];
	_ =	sdelay $0x3  }
0x6c0: {  	v54 =	vpop (erf);
	v18 =	vmov v22;
	v8 =	vadd.s32 $0xB5004C00, v8  }
0x6c1: {  	v57 =	vpop (erf);
	(erf) = vpow2.f32 v51;
	[tilespmem:$0x1F730] =	vst v18;
	v18 =	vmul.f32 v46, v0;
	v0 =	vld [tilespmem:$0x1F690];
	_ =	sdelay $0x2  }
0x6c2: {  	v26 =	vadd.f32 $8.393728000e+06, v34;
	v34 =	vld [tilespmem:$0x1F6A0];
	v6 =	vadd.s32 $0xB5004C00, v48  }
0x6c3: {  	v15 =	vadd.s32 $0xB5004C00, v50;
	[tilespmem:v8+s17+$0x0] =	vst.idx.add.s32.msk $0xffff, v1  }
0x6c4: {  	p0 =	slt.u32 s24, $0x3E;
	[tilespmem:$0x1F740] =	vst v17;
	v17 =	vadd.s32 $0xB5004C00, v52;
	v8 =	vmul.f32 v46, v0;
	v0 =	vld [tilespmem:$0x1F6B0]  }
.Ltmp6:
0x6c5: {  	s31 =	sor.u32 s28, s30;
	v36 =	vmov v33;
	v33 =	vld.idx.msk [tilespmem:v2+s4+$0x0], $0xffff;
	(pc) =	sbr.rel @p0 .LBB2_15-.Ltmp6, $4  }
0x6c6: {  	v2 =	vld [tilespmem:s31+$0x0]  }
0x6c7: {  	v25 =	vadd.s32 $0xB5004C00, v43;
	v43 =	vmov v3;
	v16 =	vadd.f32 v57, v54;
	[tilespmem:v6+s17+$0x0] =	vst.idx.add.s32.msk $0xffff, v1  }
0x6c8: {  	v22 =	vmul.f32 v46, v35;
	v20 =	vadd.f32 $8.392704000e+06, v47;
	v28 =	vmov v40;
	v3 =	vpop (erf);
	[tilespmem:v15+s17+$0x0] =	vst.idx.add.s32.msk $0xffff, v1  }
0x6c9: {  	v35 =	vadd.f32 v3, v16;
	v7 =	vor.u32 $0x4C00, v7;
	[tilespmem:v17+s17+$0x0] =	vst.idx.add.s32.msk $0xffff, v1;
	v11 =	vmul.f32 v46, v0  }
0x6ca: {  	v5 =	vmul.f32 $1.442695020e+00, v33;
	v49 =	vadd.f32 $8.394752000e+06, v60;
	v50 =	vadd.s32 $0xB5004C00, v20  }
0x6cb: {  	v9 =	vadd.f32 $8.395776000e+06, v42;
	v15 =	vadd.s32 $0xB5004C00, v26  }
0x6cc: {  	v16 =	vadd.f32 $8.396800000e+06, v22;
	(erf) = vpow2.f32 v5;
	v5 =	vadd.s32 $0xB5004C00, v49  }
0x6cd: {  	v14 =	vadd.f32 $8.397824000e+06, v14;
	v6 =	vadd.f32 v35, v30;
	v9 =	vadd.s32 $0xB5004C00, v9  }
0x6ce: {  	[tilespmem:v25+s17+$0x0] =	vst.idx.add.s32.msk $0xffff, v1;
	v17 =	vadd.f32 $8.398848000e+06, v21;
	v16 =	vadd.s32 $0xB5004C00, v16  }
0x6cf: {  	v14 =	vadd.s32 $0xB5004C00, v14;
	(erf) = vrcp.f32 v6;
	[tilespmem:v50+s17+$0x0] =	vst.idx.add.s32.msk $0xffff, v1  }
0x6d0: {  	v17 =	vadd.s32 $0xB5004C00, v17;
	[tilespmem:v15+s17+$0x0] =	vst.idx.add.s32.msk $0xffff, v1  }
0x6d1: {  	[tilespmem:v5+s17+$0x0] =	vst.idx.add.s32.msk $0xffff, v1  }
0x6d2: {  	[tilespmem:v9+s17+$0x0] =	vst.idx.add.s32.msk $0xffff, v1  }
0x6d3: {  	v13 =	vadd.f32 $8.399872000e+06, v13;
	[tilespmem:v16+s17+$0x0] =	vst.idx.add.s32.msk $0xffff, v1  }
0x6d4: {  	[tilespmem:v14+s17+$0x0] =	vst.idx.add.s32.msk $0xffff, v1  }
0x6d5: {  	v13 =	vadd.s32 $0xB5004C00, v13;
	[tilespmem:v17+s17+$0x0] =	vst.idx.add.s32.msk $0xffff, v1  }
0x6d6: {  	v0 =	vld [tilespmem:$0x1F720]  }
0x6d7: {  	v52 =	vadd.f32 $8.402944000e+06, v10;
	v10 =	vpop (erf)  }
0x6d8: {  	v51 =	vadd.f32 $8.400896000e+06, v19;
	v58 =	vpop (erf)  }
0x6d9: {  	v56 =	vadd.f32 $8.403968000e+06, v4;
	v4 =	vmul.f32 $1.024000000e+03, v58  }
0x6da: {  	v6 =	vadd.s32 $0xB5004C00, v51;
	[tilespmem:v13+s17+$0x0] =	vst.idx.add.s32.msk $0xffff, v1  }
0x6db: {  	v61 =	vmul.f32 v4, v0;
	v0 =	vld [tilespmem:$0x1F730];
	_ =	sdelay $0x1  }
0x6dc: {  	v12 =	vadd.f32 $8.401920000e+06, v12;
	_ =	sdelay $0x1  }
0x6dd: {  	v12 =	vadd.s32 $0xB5004C00, v12;
	[tilespmem:v6+s17+$0x0] =	vst.idx.add.s32.msk $0xffff, v1  }
0x6de: {  	v59 =	vadd.f32 $8.404992000e+06, v18;
	v18 =	vmul.f32 v4, v0;
	v0 =	vld [tilespmem:$0x1F740];
	_ =	sdelay $0x3  }
0x6df: {  	v5 =	vadd.s32 $0xB5004C00, v52;
	[tilespmem:v12+s17+$0x0] =	vst.idx.add.s32.msk $0xffff, v1  }
0x6e0: {  	v21 =	vmul.f32 v4, v0;
	v0 =	vld [tilespmem:$0x1F750];
	_ =	sdelay $0x3  }
0x6e1: {  	v9 =	vadd.s32 $0xB5004C00, v56;
	[tilespmem:v5+s17+$0x0] =	vst.idx.add.s32.msk $0xffff, v1  }
0x6e2: {  	v22 =	vmul.f32 v4, v0;
	v0 =	vld [tilespmem:$0x1F9D0];
	_ =	sdelay $0x3  }
0x6e3: {  	v60 =	vadd.s32 $0xB5004C00, v59;
	[tilespmem:v9+s17+$0x0] =	vst.idx.add.s32.msk $0xffff, v1  }
0x6e4: {  	v25 =	vmul.f32 v4, v0;
	v0 =	vld [tilespmem:$0x1F9E0];
	_ =	sdelay $0x1  }
0x6e5: {  	v8 =	vadd.f32 $8.406016000e+06, v8;
	_ =	sdelay $0x1  }
0x6e6: {  	v8 =	vadd.s32 $0xB5004C00, v8;
	[tilespmem:v60+s17+$0x0] =	vst.idx.add.s32.msk $0xffff, v1  }
0x6e7: {  	v30 =	vmul.f32 v4, v0;
	v0 =	vld [tilespmem:$0x1F9F0];
	_ =	sdelay $0x1  }
0x6e8: {  	v11 =	vadd.f32 $8.407040000e+06, v11;
	_ =	sdelay $0x1  }
0x6e9: {  	v19 =	vadd.s32 $0xB5004C00, v11;
	v20 =	vadd.f32 $8.388608000e+06, v61;
	[tilespmem:v8+s17+$0x0] =	vst.idx.add.s32.msk $0xffff, v1  }
0x6ea: {  	v13 =	vadd.f32 $8.389632000e+06, v18;
	v33 =	vmul.f32 v4, v0;
	v0 =	vld [tilespmem:$0x1FA00]  }
0x6eb: {  	v11 =	vadd.s32 $0xB5004C00, v20;
	v26 =	vadd.f32 $8.390656000e+06, v21  }
0x6ec: {  	v13 =	vadd.s32 $0xB5004C00, v13;
	v12 =	vadd.f32 $8.391680000e+06, v22  }
0x6ed: {  	v35 =	vadd.s32 $0xB5004C00, v26;
	v5 =	vadd.f32 $8.392704000e+06, v25  }
0x6ee: {  	v41 =	vadd.s32 $0xB5004C00, v12;
	v42 =	vadd.f32 $8.393728000e+06, v30;
	[tilespmem:v19+s17+$0x0] =	vst.idx.add.s32.msk $0xffff, v1  }
0x6ef: {  	v5 =	vadd.s32 $0xB5004C00, v5;
	v14 =	vadd.f32 $8.394752000e+06, v33;
	v40 =	vmul.f32 v4, v0;
	v0 =	vld [tilespmem:$0x1F710]  }
0x6f0: {  	v47 =	vmul.f32 v4, v28;
	v49 =	vadd.s32 $0xB5004C00, v42;
	[tilespmem:v11+s17+$0x0] =	vst.idx.add.s32.msk $0xffff, v1  }
0x6f1: {  	v48 =	vmul.f32 v4, v43;
	v14 =	vadd.s32 $0xB5004C00, v14;
	[tilespmem:v13+s17+$0x0] =	vst.idx.add.s32.msk $0xffff, v1;
	v9 =	vadd.f32 $8.395776000e+06, v40  }
0x6f2: {  	v50 =	vmul.f32 v4, v39;
	v51 =	vadd.f32 $8.396800000e+06, v47;
	[tilespmem:v35+s17+$0x0] =	vst.idx.add.s32.msk $0xffff, v1  }
0x6f3: {  	v52 =	vmul.f32 v4, v53;
	v53 =	vadd.f32 $8.397824000e+06, v48;
	[tilespmem:v41+s17+$0x0] =	vst.idx.add.s32.msk $0xffff, v1;
	v9 =	vadd.s32 $0xB5004C00, v9  }
0x6f4: {  	v56 =	vmul.f32 v4, v45;
	v58 =	vadd.f32 $8.398848000e+06, v50;
	v59 =	vadd.s32 $0xB5004C00, v51;
	[tilespmem:v5+s17+$0x0] =	vst.idx.add.s32.msk $0xffff, v1  }
0x6f5: {  	v16 =	vadd.f32 $8.399872000e+06, v52;
	v60 =	vmul.f32 v4, v62;
	v8 =	vadd.s32 $0xB5004C00, v53;
	[tilespmem:v49+s17+$0x0] =	vst.idx.add.s32.msk $0xffff, v1  }
0x6f6: {  	v17 =	vadd.f32 $8.400896000e+06, v56;
	v61 =	vmul.f32 v4, v55;
	v6 =	vadd.s32 $0xB5004C00, v58;
	[tilespmem:v14+s17+$0x0] =	vst.idx.add.s32.msk $0xffff, v1  }
0x6f7: {  	v16 =	vadd.s32 $0xB5004C00, v16;
	v62 =	vmul.f32 v4, v63;
	v13 =	vadd.f32 $8.401920000e+06, v60;
	v44 =	vld.idx.msk [tilespmem:v0+s4+$0x0], $0xffff  }
0x6f8: {  	v17 =	vadd.s32 $0xB5004C00, v17;
	v63 =	vmul.f32 v4, v54;
	v5 =	vadd.f32 $8.402944000e+06, v61;
	[tilespmem:v9+s17+$0x0] =	vst.idx.add.s32.msk $0xffff, v1  }
0x6f9: {  	v18 =	vmul.f32 v4, v57;
	v11 =	vadd.f32 $8.403968000e+06, v62;
	v13 =	vadd.s32 $0xB5004C00, v13;
	[tilespmem:v59+s17+$0x0] =	vst.idx.add.s32.msk $0xffff, v1  }
0x6fa: {  	v3 =	vmul.f32 v4, v3;
	v19 =	vadd.f32 $8.404992000e+06, v63;
	v5 =	vadd.s32 $0xB5004C00, v5;
	[tilespmem:v8+s17+$0x0] =	vst.idx.add.s32.msk $0xffff, v1  }
0x6fb: {  	v20 =	vadd.f32 $8.406016000e+06, v18;
	v21 =	vadd.s32 $0xB5004C00, v11;
	[tilespmem:v6+s17+$0x0] =	vst.idx.add.s32.msk $0xffff, v1  }
0x6fc: {  	v3 =	vadd.f32 $8.407040000e+06, v3;
	v22 =	vbroadcast v7, $0x0;
	v25 =	vadd.s32 $0xB5004C00, v19;
	[tilespmem:v16+s17+$0x0] =	vst.idx.add.s32.msk $0xffff, v1  }
0x6fd: {  	v2 =	vshll.u32 v2, $0xA;
	v8 =	vadd.s32 $0xB5004C00, v20;
	[tilespmem:v17+s17+$0x0] =	vst.idx.add.s32.msk $0xffff, v1  }
0x6fe: {  	(erf) = vpow2.f32 v32;
	v3 =	vadd.s32 $0xB5004C00, v3;
	v6 =	vadd.s32 v2, v22;
	[tilespmem:v13+s17+$0x0] =	vst.idx.add.s32.msk $0xffff, v1  }
0x6ff: {  	v6 =	vor.u32 v34, v6;
	[tilespmem:v5+s17+$0x0] =	vst.idx.add.s32.msk $0xffff, v1  }
0x700: {  	v26 =	vmul.f32 $1.442695020e+00, v23;
	[tilespmem:v21+s17+$0x0] =	vst.idx.add.s32.msk $0xffff, v1  }
0x701: {  	v30 =	vmul.f32 $1.442695020e+00, v44;
	[tilespmem:v25+s17+$0x0] =	vst.idx.add.s32.msk $0xffff, v1  }
0x702: {  	(erf) = vpow2.f32 v26;
	[tilespmem:v8+s17+$0x0] =	vst.idx.add.s32.msk $0xffff, v1  }
0x703: {  	(erf) = vpow2.f32 v30;
	[tilespmem:v3+s17+$0x0] =	vst.idx.add.s32.msk $0xffff, v1  }
0x704: {  	v3 =	vld.idx.msk [tilespmem:v6+s4+$0x0], $0xffff  }
0x705: {  	v28 =	vmul.f32 v10, v24;
	_ =	sdelay $0x1  }
0x706: {  	v32 =	vpop (erf);
	v5 =	vmin.f32 v28, $1.023489990e+03  }
0x707: {  	v5 =	vadd.f32 $8.388608000e+06, v5;
	v6 =	vmul.f32 v32, v27;
	v0 =	vld [tilespmem:$0x1F9C0]  }
0x708: {  	v45 =	vadd.s32 $0x3FF, v29;
	v47 =	vadd.s32 $0x4FFF, v29;
	v16 =	vld [tilespmem:$0x1F6F0];
	v3 =	vmul.f32 $1.442695020e+00, v3  }
0x709: {  	v41 =	vadd.s32 $0x4C00, v37;
	v33 =	vadd.s32 $0xB5000000, v5;
	v6 =	vmin.f32 v6, $1.023489990e+03  }
0x70a: {  	v35 =	vpop (erf);
	v7 =	vsub.s32 v38, v33;
	v39 =	vadd.f32 $8.388608000e+06, v6;
	(erf) = vpow2.f32 v3  }
0x70b: {  	v5 =	vand.u32 $0x7F, v5;
	v34 =	vadd.s32 v38, v33;
	v42 =	vadd.s32 $0x4FFF, v7;
	v48 =	vpop (erf)  }
0x70c: {  	v40 =	vmul.f32 v35, v0;
	v43 =	vadd.s32 $0xB5000000, v39;
	v0 =	vmul.f32 v48, v46  }
0x70d: {  	v7 =	vadd.s32 $0x3FF, v7;
	v44 =	vadd.s32 v16, v43;
	v3 =	vand.u32 $0xFFFFFF80, v34  }
0x70e: {  	v50 =	vld [tilespmem:$0x1F700];
	v10 =	vsub.s32 v16, v43;
	v0 =	vmin.f32 v0, $1.023489990e+03;
	v3 =	vor.u32 v5, v3  }
0x70f: {  	v6 =	vmin.f32 v40, $1.023489990e+03;
	v0 =	vadd.f32 $8.388608000e+06, v0;
	v3 =	vadd.s32 $0x4C00, v3  }
0x710: {  	v11 =	vand.u32 $0xFFFFFF80, v44;
	v54 =	vadd.s32 $0x3FF, v10;
	v6 =	vadd.f32 $8.388608000e+06, v6  }
0x711: {  	v55 =	vadd.s32 $0x4FFF, v10;
	v5 =	vand.u32 $0x7F, v39;
	v57 =	vadd.s32 $0xB5000000, v0  }
0x712: {  	v5 =	vor.u32 v5, v11;
	v49 =	vadd.s32 $0xB5000000, v6;
	v58 =	vadd.s32 v36, v57  }
0x713: {  	[tilespmem:v41+s17+$0x0] =	vst.idx.add.s32.msk $0xffff, v31;
	v0 =	vand.u32 $0x7F, v0;
	v51 =	vadd.s32 v50, v49;
	v10 =	vand.u32 $0xFFFFFF80, v58;
	v53 =	vpop (erf)  }
0x714: {  	v0 =	vor.u32 v0, v10;
	[tilespmem:v3+s17+$0x0] =	vst.idx.add.s32.msk $0xffff, v31;
	v3 =	vadd.s32 $0x4C00, v5;
	v4 =	vmul.f32 v53, v4  }
0x715: {  	[tilespmem:v47+s17+$0x0] =	vst.idx.add.s32.msk $0xffff, v1;
	v6 =	vand.u32 $0x7F, v6;
	v52 =	vand.u32 $0xFFFFFF80, v51;
	v0 =	vadd.s32 $0x4C00, v0  }
0x716: {  	[tilespmem:v45+s17+$0x0] =	vst.idx.add.s32.msk $0xffff, v1;
	v5 =	vor.u32 v6, v52;
	v4 =	vmin.f32 v4, $1.023489990e+03  }
0x717: {  	v8 =	vsub.s32 v36, v57;
	[tilespmem:v42+s17+$0x0] =	vst.idx.add.s32.msk $0xffff, v1;
	v5 =	vadd.s32 $0x4C00, v5;
	v4 =	vadd.f32 $8.388608000e+06, v4  }
0x718: {  	v62 =	vadd.s32 $0x4FFF, v8;
	[tilespmem:v7+s17+$0x0] =	vst.idx.add.s32.msk $0xffff, v1  }
0x719: {  	v56 =	vsub.s32 v50, v49;
	[tilespmem:v3+s17+$0x0] =	vst.idx.add.s32.msk $0xffff, v31;
	v60 =	vadd.s32 $0xB5000000, v4  }
0x71a: {  	v59 =	vadd.s32 $0x4FFF, v56;
	[tilespmem:v0+s17+$0x0] =	vst.idx.add.s32.msk $0xffff, v31;
	v61 =	vadd.s32 v2, v60  }
0x71b: {  	v63 =	vadd.s32 $0x3FF, v8;
	[tilespmem:v55+s17+$0x0] =	vst.idx.add.s32.msk $0xffff, v1;
	v4 =	vand.u32 $0x7F, v4;
	v9 =	vand.u32 $0xFFFFFF80, v61  }
0x71c: {  	v3 =	vadd.s32 $0x3FF, v56;
	[tilespmem:v5+s17+$0x0] =	vst.idx.add.s32.msk $0xffff, v31;
	v4 =	vor.u32 v4, v9  }
0x71d: {  	[tilespmem:v62+s17+$0x0] =	vst.idx.add.s32.msk $0xffff, v1;
	v4 =	vadd.s32 $0x4C00, v4  }
0x71e: {  	[tilespmem:v54+s17+$0x0] =	vst.idx.add.s32.msk $0xffff, v1  }
0x71f: {  	[tilespmem:v59+s17+$0x0] =	vst.idx.add.s32.msk $0xffff, v1  }
0x720: {  	[tilespmem:v63+s17+$0x0] =	vst.idx.add.s32.msk $0xffff, v1  }
0x721: {  	[tilespmem:v3+s17+$0x0] =	vst.idx.add.s32.msk $0xffff, v1  }
0x722: {  	[tilespmem:v4+s17+$0x0] =	vst.idx.add.s32.msk $0xffff, v31  }
0x723: {  	v2 =	vsub.s32 v2, v60;
	s1 =	rddreg [dreg:$0xc]  }
0x724: {  	v3 =	vadd.s32 $0x4FFF, v2;
	s1 =	sadd.s32 $0x1, s1  }
0x725: {  	v0 =	vadd.s32 $0x3FF, v2;
	p0 =	sne.s32 s1, $0x10  }
.Ltmp7:
0x726: {  	_ = 	snop;
	(pc) =	sbr.rel @p0 .LBB2_6-.Ltmp7, $3  }
0x727: {  	_ =	sdelay $0x1  }
0x728: {  	[tilespmem:v3+s17+$0x0] =	vst.idx.add.s32.msk $0xffff, v1  }
0x729: {  	s6 =	simm.s32 $0x100;
	[tilespmem:v0+s17+$0x0] =	vst.idx.add.s32.msk $0xffff, v1  }
0x72a: {  	s0 =	rddreg [dreg:$0x9];
	s1 =	simm.s32 $0x80;
	s30 =	simm.s32 $0x2  }
0x72b: {  	[hbm4b:s0+s1] =	stream.strided.scatter [tilespmem:s17], [sflag:$0x2], $0x9800, s13, s1, $0x38;
	[tilespmem:$0x13880] =	vst v63  }
0x72c: {  	_ =	swait.ge [sflag:s30], $0x9800  }
0x72d: {  	s2 =	rddreg [dreg:$0xb]  }
0x72e: {  	s31 =	rddreg [dreg:$0xa];
	s2 =	sadd.s32 $0x1, s2  }
0x72f: {  	p0 =	sne.s32 s2, s31  }
.Ltmp8:
0x730: {  	_ = 	snop;
	(pc) =	sbr.rel @p0 .LBB2_1-.Ltmp8, $3  }
0x731: {  	_ =	sdelay $0x1  }
0x732: {  	[sflag:s30] =	ssyncset.done $0x0  }
0x733: {  	v0 =	vimm.s32 $0x0;
	[sflag:s30] =	ssyncadd.s32 $0xFFFF6800  }
0x734: {  	_ =	sfence.sel $0x180000  }
0x735: {  	[bflag:$0x0] =	sbarrier.arrive $0xFFFF  }
0x736: {  	_ =	strace $0x90000047  }
0x737: {  	s0 =	stileid.u32;
	[bflag:$0x2] =	sbarrier.arrive $0xFFFF  }
0x738: {  	p0 =	sne.s32 s0, $0x0;
	s0 =	rddreg [dreg:$0x3]  }
0x739: {  	s0 =	sadd.s32 @!p0 $0x100000, s0  }
0x73a: {  	[sflag:s0] =	ssyncadd.tile.s32 @!p0 $0x1;
	_ =	shalt  }
.Lfunc_end2:
_tile_overlayer_lowered:
.L_overlay_start_2:
0x73b: {  	(tag) =	ssettag $0x2  }
0x73c: {  	s0 =	rddreg [dreg:$0x0];
	s2 =	stileid.u32  }
0x73d: {  	s1 =	rddreg [dreg:$0x1];
	p0 =	sne.s32 s2, $0x0  }
0x73e: {  	s3 =	rddreg [dreg:$0x2];
	[bflag:$0x3] =	sbarrier.arrive $0xFFFF;
	s2 =	simm.s32 @!p0 $0x1C02  }
0x73f: {  	[timem:s3], [sflag:s2] =	dma.local @!p0 [hbm:s0], s1  }
0x740: {  	s0 =	simm.s32 @!p0 $0x2  }
0x741: {  	_ =	swait.ge @!p0 [sflag:s0], s1  }
0x742: {  	s1 =	ssub.s32 @!p0 $0x0, s1;
	[sflag:s0] =	ssyncset.done @!p0 $0x0  }
0x743: {  	[sflag:s0] =	ssyncadd.s32 @!p0 s1  }
0x744: {  	[bflag:$0x3] =	sbarrier.arrive $0xFFFF  }
0x745: {  	_ =	shalt  }

</sc_bundles>
